<compile_context>
chip_gen: v7x
topology: tpu7x:2x2x1
jax: 0.10.2.dev20260603
libtpu: 0.0.44.dev20260713+nightly
codegen_flags: <defaults>
</compile_context>

<pallas_src>
import functools

import jax
import jax.numpy as jnp
from jax import lax
from jax.experimental import pallas as pl
from jax.experimental.pallas import tpu as pltpu
from jax.experimental.pallas import tpu_sc as plsc

N = 10000
E = 320000
F_IN = 128
HID = 64
C = 10
EPS = 1e-5

NC = 2
NS = 16
NW = NC * NS
CHUNK = 128
CH = 80
E_PAD = NW * CH * CHUNK
N_PAD = 10240
RPT = N_PAD // NS
ZB = RPT // CHUNK
DW = 16

_mesh = plsc.VectorSubcoreMesh(core_axis_name="c", subcore_axis_name="s")
_sc_params = pltpu.CompilerParams(use_tc_tiling_on_sc=False,
                                  needs_layout_passes=False)


@functools.partial(
    pl.kernel,
    out_type=jax.ShapeDtypeStruct((NC, N_PAD // 2, 128), jnp.float32),
    mesh=_mesh,
    compiler_params=_sc_params,
    scratch_types=[
        pltpu.VMEM((CH, CHUNK), jnp.int32),
        pltpu.VMEM((CHUNK, DW), jnp.float32),
        pltpu.VMEM((CHUNK, DW), jnp.float32),
        pltpu.VMEM((CHUNK // 2, 128), jnp.float32),
        pltpu.VMEM_SHARED((N_PAD, DW), jnp.float32),
    ],
)
def _sc_deg(dst_hbm, out_hbm, dst_v, ones_v, zbuf, wide, agg):
    cid = lax.axis_index("c")
    sid = lax.axis_index("s")
    wid = cid * NS + sid

    lane = lax.iota(jnp.int32, 16)
    unit = jnp.where(lane == 0, 1.0, 0.0)
    zero = jnp.zeros((16,), jnp.float32)

    def _fill(i, _):
        ones_v[i, pl.ds(0, 16)] = unit
        zbuf[i, pl.ds(0, 16)] = zero
        return 0

    lax.fori_loop(0, CHUNK, _fill, 0)

    def _fillw(i, _):
        for c0 in range(128 // 16):
            wide[i, pl.ds(c0 * 16, 16)] = zero
        return 0

    lax.fori_loop(0, CHUNK // 2, _fillw, 0)

    for t in range(ZB):
        pltpu.sync_copy(zbuf, agg.at[pl.ds((sid * ZB + t) * CHUNK, CHUNK)])
    plsc.subcore_barrier()

    pltpu.sync_copy(dst_hbm.at[wid], dst_v)

    def _chunk(j, _):
        pltpu.sync_copy(ones_v, agg.at[dst_v.at[j]], add=True)
        return 0

    lax.fori_loop(0, CH, _chunk, 0)
    plsc.subcore_barrier()

    rowpair = lax.shift_right_logical(lane, 1)
    colpair = (lane & 1) * 64
    zero_i = jnp.zeros((16,), jnp.int32)
    for t in range(ZB):
        r0 = (sid * ZB + t) * CHUNK
        pltpu.sync_copy(agg.at[pl.ds(r0, CHUNK)], zbuf)
        for b in range(CHUNK // 16):
            v = plsc.load_gather(zbuf, [lane + b * 16, zero_i])
            plsc.store_scatter(wide, [rowpair + b * 8, colpair], v)
        pltpu.sync_copy(wide, out_hbm.at[cid, pl.ds(r0 // 2, CHUNK // 2)])


@functools.partial(
    pl.kernel,
    out_type=jax.ShapeDtypeStruct((NC, N_PAD, HID), jnp.float32),
    mesh=_mesh,
    compiler_params=_sc_params,
    scratch_types=[
        pltpu.VMEM((CH, CHUNK), jnp.int32),
        pltpu.VMEM((CH, CHUNK), jnp.int32),
        [pltpu.VMEM((CHUNK, HID), jnp.float32) for _ in range(4)],
        pltpu.VMEM((CHUNK, HID), jnp.float32),
        pltpu.VMEM_SHARED((N_PAD, HID), jnp.float32),
        [pltpu.SemaphoreType.DMA for _ in range(4)],
        pltpu.SemaphoreType.DMA,
    ],
)
def _sc_conv(src_hbm, dst_hbm, p_hbm, out_hbm, src_v, dst_v, bufs, zbuf,
             agg, gsems, wsem):
    cid = lax.axis_index("c")
    sid = lax.axis_index("s")
    wid = cid * NS + sid

    zero = jnp.zeros((16,), jnp.float32)

    def _fill(i, _):
        for c0 in range(HID // 16):
            zbuf[i, pl.ds(c0 * 16, 16)] = zero
        return 0

    lax.fori_loop(0, CHUNK, _fill, 0)

    for t in range(ZB):
        pltpu.sync_copy(zbuf, agg.at[pl.ds((sid * ZB + t) * CHUNK, CHUNK)])
    plsc.subcore_barrier()

    pltpu.sync_copy(src_hbm.at[wid], src_v)
    pltpu.sync_copy(dst_hbm.at[wid], dst_v)

    for k in range(4):
        pltpu.async_copy(p_hbm.at[src_v.at[k]], bufs[k], gsems[k])

    def _quad(m, _):
        j0 = 4 * m
        for k in range(4):
            pltpu.make_async_copy(
                p_hbm.at[src_v.at[j0 + k]], bufs[k], gsems[k]).wait()
            pltpu.sync_copy(bufs[k], agg.at[dst_v.at[j0 + k]], add=True)
            pltpu.async_copy(p_hbm.at[src_v.at[j0 + k + 4]], bufs[k],
                             gsems[k])
        return 0

    lax.fori_loop(0, CH // 4 - 1, _quad, 0)
    for k in range(4):
        j = CH - 4 + k
        pltpu.make_async_copy(p_hbm.at[src_v.at[j]], bufs[k],
                              gsems[k]).wait()
        pltpu.sync_copy(bufs[k], agg.at[dst_v.at[j]], add=True)
    plsc.subcore_barrier()

    for t in range(ZB):
        r0 = (sid * ZB + t) * CHUNK
        b = bufs[t % 2]
        if t >= 2:
            pltpu.make_async_copy(b, out_hbm.at[cid, pl.ds(0, CHUNK)],
                                  wsem).wait()
        pltpu.sync_copy(agg.at[pl.ds(r0, CHUNK)], b)
        pltpu.async_copy(b, out_hbm.at[cid, pl.ds(r0, CHUNK)], wsem)
    for t in range(2):
        pltpu.make_async_copy(bufs[t], out_hbm.at[cid, pl.ds(0, CHUNK)],
                              wsem).wait()


HP = N_PAD // 2
MASKR = N - HP


def _mask(a):
    ri = lax.broadcasted_iota(jnp.int32, (HP, 128), 0)
    ci = lax.broadcasted_iota(jnp.int32, (HP, 128), 1)
    return jnp.where((ri >= MASKR) & (ci >= HID), 0.0, a)


def _fold(row128):
    return (row128[:, :HID] + row128[:, HID:]) * (1.0 / N)


def _dup(row64):
    return jnp.concatenate([row64, row64], axis=1)


def _tca1(x_ref, gw, gb, gms, w1, g_ref):
    x = x_ref[...]
    mean = jnp.sum(x, axis=0, keepdims=True) * (1.0 / N)
    xc = x - gms[...] * mean
    var = jnp.sum(xc * xc, axis=0, keepdims=True) * (1.0 / N)
    xn = gw[...] * xc * lax.rsqrt(var + EPS) + gb[...]
    g_ref[...] = jnp.dot(xn, w1[...], preferred_element_type=jnp.float32)


def _tca2(g_ref, degr, p_ref, dv_ref):
    g = g_ref[...]
    d = degr[0] + degr[1]
    dv_lo = lax.rsqrt(d[:, 0:1] + 1.0) * jnp.ones((1, HID), jnp.float32)
    dv_hi = lax.rsqrt(d[:, 64:65] + 1.0) * jnp.ones((1, HID), jnp.float32)
    dv = jnp.concatenate([dv_lo, dv_hi], axis=1)
    dv_ref[...] = dv
    pp = jnp.concatenate(
        [g[:HP],
         jnp.concatenate([g[HP:], jnp.zeros((N_PAD - N, HID), jnp.float32)],
                         axis=0)], axis=1)
    p_ref[...] = pp * dv


def _tcmid(s_ref, p_ref, b2, gw2, gb2, gms2, wbd, dv_ref, out_ref):
    dv = dv_ref[...]
    s = s_ref[0] + s_ref[1]
    c = dv * (s + p_ref[...]) + b2[...]
    a = _mask(jnp.maximum(c, 0.0))
    m = _dup(_fold(jnp.sum(a, axis=0, keepdims=True)))
    ac = _mask(a - gms2[...] * m)
    v = _dup(_fold(jnp.sum(ac * ac, axis=0, keepdims=True)))
    h = gw2[...] * ac * lax.rsqrt(v + EPS) + gb2[...]
    g = jnp.dot(h, wbd[...], preferred_element_type=jnp.float32)
    out_ref[...] = g * dv


def _tcd(s_ref, p_ref, b2, dv_ref, wd_r, bd_r, wo_r, bo_r, out_ref):
    dv = dv_ref[...]
    s = s_ref[0] + s_ref[1]
    c = dv * (s + p_ref[...]) + b2[...]
    a = _mask(jnp.maximum(c, 0.0))
    pooled = _fold(jnp.sum(a, axis=0, keepdims=True))
    d = jnp.maximum(
        jnp.dot(pooled, wd_r[...], preferred_element_type=jnp.float32)
        + bd_r[...], 0.0)
    logits = (jnp.dot(d, wo_r[...], preferred_element_type=jnp.float32)
              + bo_r[...])
    m = jnp.max(logits, axis=1, keepdims=True)
    e = jnp.exp(logits - m)
    out_ref[...] = e / jnp.sum(e, axis=1, keepdims=True)


def _tc(body, out_shape, *args):
    return pl.pallas_call(
        body,
        out_shape=jax.tree.map(
            lambda s: jax.ShapeDtypeStruct(s, jnp.float32), out_shape,
            is_leaf=lambda s: isinstance(s, tuple) and all(
                isinstance(x, int) for x in s)))(*args)


def kernel(x, edge_index, batch, gn0_weight, gn0_bias, gn0_mean_scale,
           W1, b1, gn1_weight, gn1_bias, gn1_mean_scale, W2, b2,
           gn2_weight, gn2_bias, gn2_mean_scale, W3, b3, Wd, bd, Wo, bo):
    src = edge_index[0].astype(jnp.int32)
    dst = edge_index[1].astype(jnp.int32)
    ppw = (E_PAD - E) // NW
    pad_src = (jnp.arange(NW * ppw, dtype=jnp.int32) % N).reshape(NW, ppw)
    pad_dst = N + jnp.tile(jnp.arange(ppw, dtype=jnp.int32), NW).reshape(
        NW, ppw)
    cat_src = jnp.concatenate([src.reshape(NW, E // NW), pad_src], axis=1)
    cat_dst = jnp.concatenate([dst.reshape(NW, E // NW), pad_dst], axis=1)
    pk = lambda u: 2 * (u % HP) + u // HP
    src_p = pk(cat_src).reshape(NW, CH, CHUNK)
    dst_p = pk(cat_dst).reshape(NW, CH, CHUNK)

    row = lambda v: v.reshape(1, -1)
    dup = lambda v: jnp.concatenate([v, v]).reshape(1, -1)
    bd2 = lambda w: jnp.concatenate(
        [jnp.concatenate([w, jnp.zeros((HID, HID), jnp.float32)], axis=1),
         jnp.concatenate([jnp.zeros((HID, HID), jnp.float32), w], axis=1)],
        axis=0)

    deg = _sc_deg(dst_p)

    g1 = _tc(_tca1, (N, HID), x, row(gn0_weight), row(gn0_bias),
             row(gn0_mean_scale), W1)
    p1, dv = _tc(_tca2, ((HP, 128), (HP, 128)), g1, deg)
    s1 = _sc_conv(src_p, dst_p, p1.reshape(N_PAD, HID))
    p2 = _tc(_tcmid, (HP, 128), s1.reshape(NC, HP, 128), p1, dup(b1),
             dup(gn1_weight), dup(gn1_bias), dup(gn1_mean_scale), bd2(W2), dv)
    s2 = _sc_conv(src_p, dst_p, p2.reshape(N_PAD, HID))
    p3 = _tc(_tcmid, (HP, 128), s2.reshape(NC, HP, 128), p2, dup(b2),
             dup(gn2_weight), dup(gn2_bias), dup(gn2_mean_scale), bd2(W3), dv)
    s3 = _sc_conv(src_p, dst_p, p3.reshape(N_PAD, HID))
    out = _tc(_tcd, (1, C), s3.reshape(NC, HP, 128), p3, dup(b3), dv,
              Wd, row(bd), Wo, row(bo))
    return out

# --- scband reference (transcript-rebuilt; emitter-appended) ---
"""Pipeline reference for scband-gcn-31903017075238 (READ-ONLY COPY).

The authoritative reference and input builder live on the scoring server;
editing this copy changes nothing except your own understanding.
"""

import jax, jax.numpy as jnp
import numpy as np

N = 10000
E = 320000
F_IN = 128
H = 64
C = 10
EPS = 1e-5


def setup_inputs(seed: int = 0):
    key = jax.random.key(seed)
    ks = jax.random.split(key, 12)

    def lin(k, fi, fo):
        return (jax.random.normal(k, (fi, fo), dtype=jnp.float32) / np.sqrt(fi)).astype(jnp.float32)

    inp = {}
    inp['x'] = jax.random.normal(ks[0], (N, F_IN), dtype=jnp.float32)
    inp['edge_index'] = jax.random.randint(ks[1], (2, E), 0, N)
    inp['batch'] = jnp.zeros((N,), dtype=jnp.int32)
    # GraphNorm params (weight=1, bias=0, mean_scale=1 as in PyG init)
    inp['gn0_weight'] = jnp.ones((F_IN,), jnp.float32)
    inp['gn0_bias'] = jnp.zeros((F_IN,), jnp.float32)
    inp['gn0_mean_scale'] = jnp.ones((F_IN,), jnp.float32)
    inp['W1'] = lin(ks[2], F_IN, H)
    inp['b1'] = jnp.zeros((H,), jnp.float32)
    inp['gn1_weight'] = jnp.ones((H,), jnp.float32)
    inp['gn1_bias'] = jnp.zeros((H,), jnp.float32)
    inp['gn1_mean_scale'] = jnp.ones((H,), jnp.float32)
    inp['W2'] = lin(ks[3], H, H)
    inp['b2'] = jnp.zeros((H,), jnp.float32)
    inp['gn2_weight'] = jnp.ones((H,), jnp.float32)
    inp['gn2_bias'] = jnp.zeros((H,), jnp.float32)
    inp['gn2_mean_scale'] = jnp.ones((H,), jnp.float32)
    inp['W3'] = lin(ks[4], H, H)
    inp['b3'] = jnp.zeros((H,), jnp.float32)
    inp['Wd'] = lin(ks[5], H, H)
    inp['bd'] = jnp.zeros((H,), jnp.float32)
    inp['Wo'] = lin(ks[6], H, C)
    inp['bo'] = jnp.zeros((C,), jnp.float32)
    return inp


def graph_norm(x, batch, weight, bias, mean_scale, num_graphs):
    ones = jnp.ones((x.shape[0], 1), x.dtype)
    cnt = jnp.maximum(jax.ops.segment_sum(ones, batch, num_segments=num_graphs), 1.0)
    mean = jax.ops.segment_sum(x, batch, num_segments=num_graphs) / cnt
    out = x - mean_scale[None, :] * mean[batch]
    var = jax.ops.segment_sum(out * out, batch, num_segments=num_graphs) / cnt
    std = jnp.sqrt(var + EPS)
    return weight[None, :] * out / std[batch] + bias[None, :]


def gcn_conv(x, edge_index, W, b, num_nodes):
    # PyG GCNConv: linear transform, add self-loops, symmetric normalization, scatter-add, add bias
    h = x @ W
    loop = jnp.arange(num_nodes, dtype=edge_index.dtype)
    src = jnp.concatenate([edge_index[0], loop])
    dst = jnp.concatenate([edge_index[1], loop])
    deg = jax.ops.segment_sum(jnp.ones_like(src, dtype=h.dtype), dst, num_segments=num_nodes)
    dinv = jnp.where(deg > 0, 1.0 / jnp.sqrt(deg), 0.0)
    norm = dinv[src] * dinv[dst]
    msg = h[src] * norm[:, None]
    out = jax.ops.segment_sum(msg, dst, num_segments=num_nodes)
    return out + b[None, :]


def reference(x, edge_index, batch, gn0_weight, gn0_bias, gn0_mean_scale, W1, b1,
              gn1_weight, gn1_bias, gn1_mean_scale, W2, b2,
              gn2_weight, gn2_bias, gn2_mean_scale, W3, b3, Wd, bd, Wo, bo):
    num_nodes = x.shape[0]
    h = graph_norm(x, batch, gn0_weight, gn0_bias, gn0_mean_scale, 1)
    h = jax.nn.relu(gcn_conv(h, edge_index, W1, b1, num_nodes))
    h = graph_norm(h, batch, gn1_weight, gn1_bias, gn1_mean_scale, 1)
    h = jax.nn.relu(gcn_conv(h, edge_index, W2, b2, num_nodes))
    h = graph_norm(h, batch, gn2_weight, gn2_bias, gn2_mean_scale, 1)
    h = jax.nn.relu(gcn_conv(h, edge_index, W3, b3, num_nodes))
    # global mean pool over batch (single graph)
    cnt = jnp.maximum(jax.ops.segment_sum(jnp.ones((num_nodes, 1), h.dtype), batch, num_segments=1), 1.0)
    pooled = jax.ops.segment_sum(h, batch, num_segments=1) / cnt
    # dropout is identity in eval mode
    d = jax.nn.relu(pooled @ Wd + bd[None, :])
    logits = d @ Wo + bo[None, :]
    return jax.nn.softmax(logits, axis=1)

if __name__ == "__main__":
    import jax
    _d = setup_inputs()
    print(jax.jit(kernel)(*tuple(_d.values())))

</pallas_src>

<mosaic_0001>
#map = affine_map<(d0, d1) -> (0, 0, 0)>
module attributes {stable_mosaic.version = 14 : i64} {
  func.func @_sc_deg(%arg0: i32, %arg1: i32, %arg2: memref<32x80x128xi32, #tpu.memory_space<hbm>>, %arg3: memref<2x5120x128xf32, #tpu.memory_space<hbm>>, %arg4: memref<80x128xi32, #tpu.memory_space<vmem>>, %arg5: memref<128x16xf32, #tpu.memory_space<vmem>>, %arg6: memref<128x16xf32, #tpu.memory_space<vmem>>, %arg7: memref<64x128xf32, #tpu.memory_space<vmem>>, %arg8: memref<10240x16xf32, #tpu.memory_space<vmem_shared>>) attributes {dimension_semantics = [#tpu.dimension_semantics<core_parallel>, #tpu.dimension_semantics<subcore_parallel>], iteration_bounds = array<i64: 2, 16>, scalar_prefetch = 0 : i64, scratch_operands = 5 : i64, tpu.core_type = #tpu.core_type<sc_vector_subcore>, window_params = [{transform_indices = #map}, {transform_indices = #map}]} {
    %mul3A = arith.constant 16 : i32
    %mul3A_0 = arith.muli %arg0, %mul3A : i32
    %add3A = arith.addi %mul3A_0, %arg1 : i32
    %iota3A = tpu.iota {dimensions = array<i32: 0>} : vector<16xi32>
    %eq3A = arith.constant 0 : i32
    %eq3A_1 = vector.broadcast %eq3A : i32 to vector<16xi32>
    %eq3A_2 = arith.cmpi eq, %iota3A, %eq3A_1 : vector<16xi32>
    %jit3A = arith.constant 1.000000e+00 : f32
    %jit3A_3 = arith.constant 0.000000e+00 : f32
    %broadcast_in_dim3A = vector.broadcast %jit3A : f32 to vector<16xf32>
    %broadcast_in_dim3A_4 = vector.broadcast %jit3A_3 : f32 to vector<16xf32>
    %select_n3A = arith.select %eq3A_2, %broadcast_in_dim3A, %broadcast_in_dim3A_4 : vector<16xi1>, vector<16xf32>
    %broadcast_in_dim3A_5 = arith.constant 0.000000e+00 : f32
    %broadcast_in_dim3A_6 = vector.broadcast %broadcast_in_dim3A_5 : f32 to vector<16xf32>
    %scan3A = arith.constant 0 : i32
    %scan3A_7 = arith.constant 0 : i32
    %scan3A_8 = arith.constant 128 : i32
    %scan3A_9 = arith.addi %scan3A_7, %scan3A_8 : i32
    %scan3A_10 = arith.constant 1 : i32
    %scan3A_11 = scf.for %scan3A_491 = %scan3A_7 to %scan3A_9 step %scan3A_10 iter_args(%scan3A_492 = %scan3A) -> (i32)  : i32 {
      %swap3A = arith.index_cast %scan3A_491 : i32 to index
      %swap3A_493 = arith.constant 0 : index
      %swap3A_494 = tpu.vector_load %arg5[%swap3A, %swap3A_493] {strides = array<i32>} : memref<128x16xf32, #tpu.memory_space<vmem>>, vector<16xf32>,
      tpu.vector_store %arg5[%swap3A, %swap3A_493], %select_n3A {strides = array<i32>} : memref<128x16xf32, #tpu.memory_space<vmem>>, vector<16xf32>,
      %swap3A_495 = arith.index_cast %scan3A_491 : i32 to index
      %swap3A_496 = arith.constant 0 : index
      %swap3A_497 = tpu.vector_load %arg6[%swap3A_495, %swap3A_496] {strides = array<i32>} : memref<128x16xf32, #tpu.memory_space<vmem>>, vector<16xf32>,
      tpu.vector_store %arg6[%swap3A_495, %swap3A_496], %broadcast_in_dim3A_6 {strides = array<i32>} : memref<128x16xf32, #tpu.memory_space<vmem>>, vector<16xf32>,
      %scan3A_498 = arith.constant 0 : i32
      scf.yield %scan3A_498 : i32
    }
    %scan3A_12 = arith.constant 128 : i32
    %scan3A_13 = arith.constant 0 : i32
    %scan3A_14 = arith.constant 0 : i32
    %scan3A_15 = arith.constant 64 : i32
    %scan3A_16 = arith.addi %scan3A_14, %scan3A_15 : i32
    %scan3A_17 = arith.constant 1 : i32
    %scan3A_18 = scf.for %scan3A_491 = %scan3A_14 to %scan3A_16 step %scan3A_17 iter_args(%scan3A_492 = %scan3A_13) -> (i32)  : i32 {
      %swap3A = arith.index_cast %scan3A_491 : i32 to index
      %swap3A_493 = arith.constant 0 : index
      %swap3A_494 = tpu.vector_load %arg7[%swap3A, %swap3A_493] {strides = array<i32>} : memref<64x128xf32, #tpu.memory_space<vmem>>, vector<16xf32>,
      tpu.vector_store %arg7[%swap3A, %swap3A_493], %broadcast_in_dim3A_6 {strides = array<i32>} : memref<64x128xf32, #tpu.memory_space<vmem>>, vector<16xf32>,
      %swap3A_495 = arith.index_cast %scan3A_491 : i32 to index
      %swap3A_496 = arith.constant 16 : index
      %swap3A_497 = tpu.vector_load %arg7[%swap3A_495, %swap3A_496] {strides = array<i32>} : memref<64x128xf32, #tpu.memory_space<vmem>>, vector<16xf32>,
      tpu.vector_store %arg7[%swap3A_495, %swap3A_496], %broadcast_in_dim3A_6 {strides = array<i32>} : memref<64x128xf32, #tpu.memory_space<vmem>>, vector<16xf32>,
      %swap3A_498 = arith.index_cast %scan3A_491 : i32 to index
      %swap3A_499 = arith.constant 32 : index
      %swap3A_500 = tpu.vector_load %arg7[%swap3A_498, %swap3A_499] {strides = array<i32>} : memref<64x128xf32, #tpu.memory_space<vmem>>, vector<16xf32>,
      tpu.vector_store %arg7[%swap3A_498, %swap3A_499], %broadcast_in_dim3A_6 {strides = array<i32>} : memref<64x128xf32, #tpu.memory_space<vmem>>, vector<16xf32>,
      %swap3A_501 = arith.index_cast %scan3A_491 : i32 to index
      %swap3A_502 = arith.constant 48 : index
      %swap3A_503 = tpu.vector_load %arg7[%swap3A_501, %swap3A_502] {strides = array<i32>} : memref<64x128xf32, #tpu.memory_space<vmem>>, vector<16xf32>,
      tpu.vector_store %arg7[%swap3A_501, %swap3A_502], %broadcast_in_dim3A_6 {strides = array<i32>} : memref<64x128xf32, #tpu.memory_space<vmem>>, vector<16xf32>,
      %swap3A_504 = arith.index_cast %scan3A_491 : i32 to index
      %swap3A_505 = arith.constant 64 : index
      %swap3A_506 = tpu.vector_load %arg7[%swap3A_504, %swap3A_505] {strides = array<i32>} : memref<64x128xf32, #tpu.memory_space<vmem>>, vector<16xf32>,
      tpu.vector_store %arg7[%swap3A_504, %swap3A_505], %broadcast_in_dim3A_6 {strides = array<i32>} : memref<64x128xf32, #tpu.memory_space<vmem>>, vector<16xf32>,
      %swap3A_507 = arith.index_cast %scan3A_491 : i32 to index
      %swap3A_508 = arith.constant 80 : index
      %swap3A_509 = tpu.vector_load %arg7[%swap3A_507, %swap3A_508] {strides = array<i32>} : memref<64x128xf32, #tpu.memory_space<vmem>>, vector<16xf32>,
      tpu.vector_store %arg7[%swap3A_507, %swap3A_508], %broadcast_in_dim3A_6 {strides = array<i32>} : memref<64x128xf32, #tpu.memory_space<vmem>>, vector<16xf32>,
      %swap3A_510 = arith.index_cast %scan3A_491 : i32 to index
      %swap3A_511 = arith.constant 96 : index
      %swap3A_512 = tpu.vector_load %arg7[%swap3A_510, %swap3A_511] {strides = array<i32>} : memref<64x128xf32, #tpu.memory_space<vmem>>, vector<16xf32>,
      tpu.vector_store %arg7[%swap3A_510, %swap3A_511], %broadcast_in_dim3A_6 {strides = array<i32>} : memref<64x128xf32, #tpu.memory_space<vmem>>, vector<16xf32>,
      %swap3A_513 = arith.index_cast %scan3A_491 : i32 to index
      %swap3A_514 = arith.constant 112 : index
      %swap3A_515 = tpu.vector_load %arg7[%swap3A_513, %swap3A_514] {strides = array<i32>} : memref<64x128xf32, #tpu.memory_space<vmem>>, vector<16xf32>,
      tpu.vector_store %arg7[%swap3A_513, %swap3A_514], %broadcast_in_dim3A_6 {strides = array<i32>} : memref<64x128xf32, #tpu.memory_space<vmem>>, vector<16xf32>,
      %scan3A_516 = arith.constant 0 : i32
      scf.yield %scan3A_516 : i32
    }
    %scan3A_19 = arith.constant 64 : i32
    %mul3A_20 = arith.constant 5 : i32
    %mul3A_21 = arith.muli %arg1, %mul3A_20 : i32
    %add3A_22 = arith.constant 0 : i32
    %add3A_23 = arith.addi %mul3A_21, %add3A_22 : i32
    %mul3A_24 = arith.constant 128 : i32
    %mul3A_25 = arith.muli %add3A_23, %mul3A_24 : i32
    "tpu.region"() ({
      %run_scoped3A = tpu.sem_alloc : memref<!tpu.dma_semaphore, #tpu.memory_space<semaphore_mem>>
      %dma_start3A = arith.constant 0 : i32
      %dma_start3A_491 = tpu.memref_slice %arg8[%mul3A_25, %dma_start3A] : memref<10240x16xf32, #tpu.memory_space<vmem_shared>> -> memref<128x16xf32, #tpu.memory_space<vmem_shared>>
      %dma_start3A_492 = arith.constant 0 : i32
      %dma_start3A_493 = tpu.memref_slice %arg8[%mul3A_25, %dma_start3A_492] : memref<10240x16xf32, #tpu.memory_space<vmem_shared>> -> memref<128x16xf32, #tpu.memory_space<vmem_shared>>
      tpu.enqueue_dma source(%arg6 : memref<128x16xf32, #tpu.memory_space<vmem>>) target(%dma_start3A_493 : memref<128x16xf32, #tpu.memory_space<vmem_shared>>) target_semaphore(%run_scoped3A : memref<!tpu.dma_semaphore, #tpu.memory_space<semaphore_mem>>)
      %dma_wait3A = arith.constant 0 : i32
      %dma_wait3A_494 = tpu.memref_slice %arg8[%mul3A_25, %dma_wait3A] : memref<10240x16xf32, #tpu.memory_space<vmem_shared>> -> memref<128x16xf32, #tpu.memory_space<vmem_shared>>
      %dma_wait3A_495 = arith.constant 0 : i32
      %dma_wait3A_496 = tpu.memref_slice %arg8[%mul3A_25, %dma_wait3A_495] : memref<10240x16xf32, #tpu.memory_space<vmem_shared>> -> memref<128x16xf32, #tpu.memory_space<vmem_shared>>
      tpu.wait_dma2 semaphore(%run_scoped3A : memref<!tpu.dma_semaphore, #tpu.memory_space<semaphore_mem>>) src(%arg6 : memref<128x16xf32, #tpu.memory_space<vmem>>) dst(%dma_wait3A_496 : memref<128x16xf32, #tpu.memory_space<vmem_shared>>)
      tpu.yield
    }) : () -> ()
    %mul3A_26 = arith.constant 5 : i32
    %mul3A_27 = arith.muli %arg1, %mul3A_26 : i32
    %add3A_28 = arith.constant 1 : i32
    %add3A_29 = arith.addi %mul3A_27, %add3A_28 : i32
    %mul3A_30 = arith.constant 128 : i32
    %mul3A_31 = arith.muli %add3A_29, %mul3A_30 : i32
    "tpu.region"() ({
      %run_scoped3A = tpu.sem_alloc : memref<!tpu.dma_semaphore, #tpu.memory_space<semaphore_mem>>
      %dma_start3A = arith.constant 0 : i32
      %dma_start3A_491 = tpu.memref_slice %arg8[%mul3A_31, %dma_start3A] : memref<10240x16xf32, #tpu.memory_space<vmem_shared>> -> memref<128x16xf32, #tpu.memory_space<vmem_shared>>
      %dma_start3A_492 = arith.constant 0 : i32
      %dma_start3A_493 = tpu.memref_slice %arg8[%mul3A_31, %dma_start3A_492] : memref<10240x16xf32, #tpu.memory_space<vmem_shared>> -> memref<128x16xf32, #tpu.memory_space<vmem_shared>>
      tpu.enqueue_dma source(%arg6 : memref<128x16xf32, #tpu.memory_space<vmem>>) target(%dma_start3A_493 : memref<128x16xf32, #tpu.memory_space<vmem_shared>>) target_semaphore(%run_scoped3A : memref<!tpu.dma_semaphore, #tpu.memory_space<semaphore_mem>>)
      %dma_wait3A = arith.constant 0 : i32
      %dma_wait3A_494 = tpu.memref_slice %arg8[%mul3A_31, %dma_wait3A] : memref<10240x16xf32, #tpu.memory_space<vmem_shared>> -> memref<128x16xf32, #tpu.memory_space<vmem_shared>>
      %dma_wait3A_495 = arith.constant 0 : i32
      %dma_wait3A_496 = tpu.memref_slice %arg8[%mul3A_31, %dma_wait3A_495] : memref<10240x16xf32, #tpu.memory_space<vmem_shared>> -> memref<128x16xf32, #tpu.memory_space<vmem_shared>>
      tpu.wait_dma2 semaphore(%run_scoped3A : memref<!tpu.dma_semaphore, #tpu.memory_space<semaphore_mem>>) src(%arg6 : memref<128x16xf32, #tpu.memory_space<vmem>>) dst(%dma_wait3A_496 : memref<128x16xf32, #tpu.memory_space<vmem_shared>>)
      tpu.yield
    }) : () -> ()
    %mul3A_32 = arith.constant 5 : i32
    %mul3A_33 = arith.muli %arg1, %mul3A_32 : i32
    %add3A_34 = arith.constant 2 : i32
    %add3A_35 = arith.addi %mul3A_33, %add3A_34 : i32
    %mul3A_36 = arith.constant 128 : i32
    %mul3A_37 = arith.muli %add3A_35, %mul3A_36 : i32
    "tpu.region"() ({
      %run_scoped3A = tpu.sem_alloc : memref<!tpu.dma_semaphore, #tpu.memory_space<semaphore_mem>>
      %dma_start3A = arith.constant 0 : i32
      %dma_start3A_491 = tpu.memref_slice %arg8[%mul3A_37, %dma_start3A] : memref<10240x16xf32, #tpu.memory_space<vmem_shared>> -> memref<128x16xf32, #tpu.memory_space<vmem_shared>>
      %dma_start3A_492 = arith.constant 0 : i32
      %dma_start3A_493 = tpu.memref_slice %arg8[%mul3A_37, %dma_start3A_492] : memref<10240x16xf32, #tpu.memory_space<vmem_shared>> -> memref<128x16xf32, #tpu.memory_space<vmem_shared>>
      tpu.enqueue_dma source(%arg6 : memref<128x16xf32, #tpu.memory_space<vmem>>) target(%dma_start3A_493 : memref<128x16xf32, #tpu.memory_space<vmem_shared>>) target_semaphore(%run_scoped3A : memref<!tpu.dma_semaphore, #tpu.memory_space<semaphore_mem>>)
      %dma_wait3A = arith.constant 0 : i32
      %dma_wait3A_494 = tpu.memref_slice %arg8[%mul3A_37, %dma_wait3A] : memref<10240x16xf32, #tpu.memory_space<vmem_shared>> -> memref<128x16xf32, #tpu.memory_space<vmem_shared>>
      %dma_wait3A_495 = arith.constant 0 : i32
      %dma_wait3A_496 = tpu.memref_slice %arg8[%mul3A_37, %dma_wait3A_495] : memref<10240x16xf32, #tpu.memory_space<vmem_shared>> -> memref<128x16xf32, #tpu.memory_space<vmem_shared>>
      tpu.wait_dma2 semaphore(%run_scoped3A : memref<!tpu.dma_semaphore, #tpu.memory_space<semaphore_mem>>) src(%arg6 : memref<128x16xf32, #tpu.memory_space<vmem>>) dst(%dma_wait3A_496 : memref<128x16xf32, #tpu.memory_space<vmem_shared>>)
      tpu.yield
    }) : () -> ()
    %mul3A_38 = arith.constant 5 : i32
    %mul3A_39 = arith.muli %arg1, %mul3A_38 : i32
    %add3A_40 = arith.constant 3 : i32
    %add3A_41 = arith.addi %mul3A_39, %add3A_40 : i32
    %mul3A_42 = arith.constant 128 : i32
    %mul3A_43 = arith.muli %add3A_41, %mul3A_42 : i32
    "tpu.region"() ({
      %run_scoped3A = tpu.sem_alloc : memref<!tpu.dma_semaphore, #tpu.memory_space<semaphore_mem>>
      %dma_start3A = arith.constant 0 : i32
      %dma_start3A_491 = tpu.memref_slice %arg8[%mul3A_43, %dma_start3A] : memref<10240x16xf32, #tpu.memory_space<vmem_shared>> -> memref<128x16xf32, #tpu.memory_space<vmem_shared>>
      %dma_start3A_492 = arith.constant 0 : i32
      %dma_start3A_493 = tpu.memref_slice %arg8[%mul3A_43, %dma_start3A_492] : memref<10240x16xf32, #tpu.memory_space<vmem_shared>> -> memref<128x16xf32, #tpu.memory_space<vmem_shared>>
      tpu.enqueue_dma source(%arg6 : memref<128x16xf32, #tpu.memory_space<vmem>>) target(%dma_start3A_493 : memref<128x16xf32, #tpu.memory_space<vmem_shared>>) target_semaphore(%run_scoped3A : memref<!tpu.dma_semaphore, #tpu.memory_space<semaphore_mem>>)
      %dma_wait3A = arith.constant 0 : i32
      %dma_wait3A_494 = tpu.memref_slice %arg8[%mul3A_43, %dma_wait3A] : memref<10240x16xf32, #tpu.memory_space<vmem_shared>> -> memref<128x16xf32, #tpu.memory_space<vmem_shared>>
      %dma_wait3A_495 = arith.constant 0 : i32
      %dma_wait3A_496 = tpu.memref_slice %arg8[%mul3A_43, %dma_wait3A_495] : memref<10240x16xf32, #tpu.memory_space<vmem_shared>> -> memref<128x16xf32, #tpu.memory_space<vmem_shared>>
      tpu.wait_dma2 semaphore(%run_scoped3A : memref<!tpu.dma_semaphore, #tpu.memory_space<semaphore_mem>>) src(%arg6 : memref<128x16xf32, #tpu.memory_space<vmem>>) dst(%dma_wait3A_496 : memref<128x16xf32, #tpu.memory_space<vmem_shared>>)
      tpu.yield
    }) : () -> ()
    %mul3A_44 = arith.constant 5 : i32
    %mul3A_45 = arith.muli %arg1, %mul3A_44 : i32
    %add3A_46 = arith.constant 4 : i32
    %add3A_47 = arith.addi %mul3A_45, %add3A_46 : i32
    %mul3A_48 = arith.constant 128 : i32
    %mul3A_49 = arith.muli %add3A_47, %mul3A_48 : i32
    "tpu.region"() ({
      %run_scoped3A = tpu.sem_alloc : memref<!tpu.dma_semaphore, #tpu.memory_space<semaphore_mem>>
      %dma_start3A = arith.constant 0 : i32
      %dma_start3A_491 = tpu.memref_slice %arg8[%mul3A_49, %dma_start3A] : memref<10240x16xf32, #tpu.memory_space<vmem_shared>> -> memref<128x16xf32, #tpu.memory_space<vmem_shared>>
      %dma_start3A_492 = arith.constant 0 : i32
      %dma_start3A_493 = tpu.memref_slice %arg8[%mul3A_49, %dma_start3A_492] : memref<10240x16xf32, #tpu.memory_space<vmem_shared>> -> memref<128x16xf32, #tpu.memory_space<vmem_shared>>
      tpu.enqueue_dma source(%arg6 : memref<128x16xf32, #tpu.memory_space<vmem>>) target(%dma_start3A_493 : memref<128x16xf32, #tpu.memory_space<vmem_shared>>) target_semaphore(%run_scoped3A : memref<!tpu.dma_semaphore, #tpu.memory_space<semaphore_mem>>)
      %dma_wait3A = arith.constant 0 : i32
      %dma_wait3A_494 = tpu.memref_slice %arg8[%mul3A_49, %dma_wait3A] : memref<10240x16xf32, #tpu.memory_space<vmem_shared>> -> memref<128x16xf32, #tpu.memory_space<vmem_shared>>
      %dma_wait3A_495 = arith.constant 0 : i32
      %dma_wait3A_496 = tpu.memref_slice %arg8[%mul3A_49, %dma_wait3A_495] : memref<10240x16xf32, #tpu.memory_space<vmem_shared>> -> memref<128x16xf32, #tpu.memory_space<vmem_shared>>
      tpu.wait_dma2 semaphore(%run_scoped3A : memref<!tpu.dma_semaphore, #tpu.memory_space<semaphore_mem>>) src(%arg6 : memref<128x16xf32, #tpu.memory_space<vmem>>) dst(%dma_wait3A_496 : memref<128x16xf32, #tpu.memory_space<vmem_shared>>)
      tpu.yield
    }) : () -> ()
    %barrier3A = arith.constant 0 : index
    tpu.barrier barrier_id(%barrier3A)
    "tpu.region"() ({
      %run_scoped3A = tpu.sem_alloc : memref<!tpu.dma_semaphore, #tpu.memory_space<semaphore_mem>>
      %dma_start3A = arith.constant 0 : i32
      %dma_start3A_491 = arith.constant 0 : i32
      %dma_start3A_492 = tpu.memref_slice %arg2[%add3A, %dma_start3A, %dma_start3A_491] : memref<32x80x128xi32, #tpu.memory_space<hbm>> -> memref<1x80x128xi32, #tpu.memory_space<hbm>>
      %dma_start3A_493 = tpu.memref_squeeze %dma_start3A_492 : memref<1x80x128xi32, #tpu.memory_space<hbm>> -> memref<80x128xi32, #tpu.memory_space<hbm>>
      %dma_start3A_494 = arith.constant 0 : i32
      %dma_start3A_495 = arith.constant 0 : i32
      %dma_start3A_496 = tpu.memref_slice %arg2[%add3A, %dma_start3A_494, %dma_start3A_495] : memref<32x80x128xi32, #tpu.memory_space<hbm>> -> memref<1x80x128xi32, #tpu.memory_space<hbm>>
      %dma_start3A_497 = tpu.memref_squeeze %dma_start3A_496 : memref<1x80x128xi32, #tpu.memory_space<hbm>> -> memref<80x128xi32, #tpu.memory_space<hbm>>
      tpu.enqueue_dma source(%dma_start3A_497 : memref<80x128xi32, #tpu.memory_space<hbm>>) target(%arg4 : memref<80x128xi32, #tpu.memory_space<vmem>>) target_semaphore(%run_scoped3A : memref<!tpu.dma_semaphore, #tpu.memory_space<semaphore_mem>>)
      %dma_wait3A = arith.constant 0 : i32
      %dma_wait3A_498 = arith.constant 0 : i32
      %dma_wait3A_499 = tpu.memref_slice %arg2[%add3A, %dma_wait3A, %dma_wait3A_498] : memref<32x80x128xi32, #tpu.memory_space<hbm>> -> memref<1x80x128xi32, #tpu.memory_space<hbm>>
      %dma_wait3A_500 = tpu.memref_squeeze %dma_wait3A_499 : memref<1x80x128xi32, #tpu.memory_space<hbm>> -> memref<80x128xi32, #tpu.memory_space<hbm>>
      %dma_wait3A_501 = arith.constant 0 : i32
      %dma_wait3A_502 = arith.constant 0 : i32
      %dma_wait3A_503 = tpu.memref_slice %arg2[%add3A, %dma_wait3A_501, %dma_wait3A_502] : memref<32x80x128xi32, #tpu.memory_space<hbm>> -> memref<1x80x128xi32, #tpu.memory_space<hbm>>
      %dma_wait3A_504 = tpu.memref_squeeze %dma_wait3A_503 : memref<1x80x128xi32, #tpu.memory_space<hbm>> -> memref<80x128xi32, #tpu.memory_space<hbm>>
      tpu.wait_dma2 semaphore(%run_scoped3A : memref<!tpu.dma_semaphore, #tpu.memory_space<semaphore_mem>>) src(%dma_wait3A_504 : memref<80x128xi32, #tpu.memory_space<hbm>>) dst(%arg4 : memref<80x128xi32, #tpu.memory_space<vmem>>)
      tpu.yield
    }) : () -> ()
    %scan3A_50 = arith.constant 0 : i32
    %scan3A_51 = arith.constant 0 : i32
    %scan3A_52 = arith.constant 80 : i32
    %scan3A_53 = arith.addi %scan3A_51, %scan3A_52 : i32
    %scan3A_54 = arith.constant 1 : i32
    %scan3A_55 = scf.for %scan3A_491 = %scan3A_51 to %scan3A_53 step %scan3A_54 iter_args(%scan3A_492 = %scan3A_50) -> (i32)  : i32 {
      "tpu.region"() ({
        %run_scoped3A = tpu.sem_alloc : memref<!tpu.dma_semaphore, #tpu.memory_space<semaphore_mem>>
        %dma_start3A = arith.constant 0 : i32
        %dma_start3A_494 = tpu.memref_slice %arg4[%scan3A_491, %dma_start3A] : memref<80x128xi32, #tpu.memory_space<vmem>> -> memref<1x128xi32, #tpu.memory_space<vmem>>
        %dma_start3A_495 = tpu.memref_squeeze %dma_start3A_494 : memref<1x128xi32, #tpu.memory_space<vmem>> -> memref<128xi32, #tpu.memory_space<vmem>>
        %dma_start3A_496 = arith.constant 0 : i32
        %dma_start3A_497 = arith.constant 0 : i32
        %dma_start3A_498 = tpu.memref_slice %arg8[%dma_start3A_496, %dma_start3A_497] : memref<10240x16xf32, #tpu.memory_space<vmem_shared>> -> memref<10240x16xf32, #tpu.memory_space<vmem_shared>>
        tpu.enqueue_indirect_dma source(%arg5 : memref<128x16xf32, #tpu.memory_space<vmem>>) target(%dma_start3A_498 : memref<10240x16xf32, #tpu.memory_space<vmem_shared>>) offsets(%dma_start3A_495 : memref<128xi32, #tpu.memory_space<vmem>>) semaphore(%run_scoped3A : memref<!tpu.dma_semaphore, #tpu.memory_space<semaphore_mem>>) {add = true}
        %dma_wait3A = arith.constant 0 : i32
        %dma_wait3A_499 = tpu.memref_slice %arg4[%scan3A_491, %dma_wait3A] : memref<80x128xi32, #tpu.memory_space<vmem>> -> memref<1x128xi32, #tpu.memory_space<vmem>>
        %dma_wait3A_500 = tpu.memref_squeeze %dma_wait3A_499 : memref<1x128xi32, #tpu.memory_space<vmem>> -> memref<128xi32, #tpu.memory_space<vmem>>
        %dma_wait3A_501 = arith.constant 0 : i32
        %dma_wait3A_502 = arith.constant 0 : i32
        %dma_wait3A_503 = tpu.memref_slice %arg8[%dma_wait3A_501, %dma_wait3A_502] : memref<10240x16xf32, #tpu.memory_space<vmem_shared>> -> memref<10240x16xf32, #tpu.memory_space<vmem_shared>>
        tpu.wait_indirect_dma semaphore(%run_scoped3A : memref<!tpu.dma_semaphore, #tpu.memory_space<semaphore_mem>>) src(%arg5 : memref<128x16xf32, #tpu.memory_space<vmem>>) dst(%dma_wait3A_503 : memref<10240x16xf32, #tpu.memory_space<vmem_shared>>)
        tpu.yield
      }) : () -> ()
      %scan3A_493 = arith.constant 0 : i32
      scf.yield %scan3A_493 : i32
    }
    %scan3A_56 = arith.constant 80 : i32
    %barrier3A_57 = arith.constant 0 : index
    tpu.barrier barrier_id(%barrier3A_57)
    %shift_right_logical3A = arith.constant 1 : i32
    %shift_right_logical3A_58 = vector.broadcast %shift_right_logical3A : i32 to vector<16xi32>
    %shift_right_logical3A_59 = arith.shrui %iota3A, %shift_right_logical3A_58 : vector<16xi32>
    %and3A = arith.constant 1 : i32
    %and3A_60 = vector.broadcast %and3A : i32 to vector<16xi32>
    %and3A_61 = arith.andi %iota3A, %and3A_60 : vector<16xi32>
    %mul3A_62 = arith.constant 64 : i32
    %mul3A_63 = vector.broadcast %mul3A_62 : i32 to vector<16xi32>
    %mul3A_64 = arith.muli %and3A_61, %mul3A_63 : vector<16xi32>
    %broadcast_in_dim3A_65 = arith.constant 0 : i32
    %broadcast_in_dim3A_66 = vector.broadcast %broadcast_in_dim3A_65 : i32 to vector<16xi32>
    %mul3A_67 = arith.constant 5 : i32
    %mul3A_68 = arith.muli %arg1, %mul3A_67 : i32
    %add3A_69 = arith.constant 0 : i32
    %add3A_70 = arith.addi %mul3A_68, %add3A_69 : i32
    %mul3A_71 = arith.constant 128 : i32
    %mul3A_72 = arith.muli %add3A_70, %mul3A_71 : i32
    "tpu.region"() ({
      %run_scoped3A = tpu.sem_alloc : memref<!tpu.dma_semaphore, #tpu.memory_space<semaphore_mem>>
      %dma_start3A = arith.constant 0 : i32
      %dma_start3A_491 = tpu.memref_slice %arg8[%mul3A_72, %dma_start3A] : memref<10240x16xf32, #tpu.memory_space<vmem_shared>> -> memref<128x16xf32, #tpu.memory_space<vmem_shared>>
      %dma_start3A_492 = arith.constant 0 : i32
      %dma_start3A_493 = tpu.memref_slice %arg8[%mul3A_72, %dma_start3A_492] : memref<10240x16xf32, #tpu.memory_space<vmem_shared>> -> memref<128x16xf32, #tpu.memory_space<vmem_shared>>
      tpu.enqueue_dma source(%dma_start3A_493 : memref<128x16xf32, #tpu.memory_space<vmem_shared>>) target(%arg6 : memref<128x16xf32, #tpu.memory_space<vmem>>) target_semaphore(%run_scoped3A : memref<!tpu.dma_semaphore, #tpu.memory_space<semaphore_mem>>)
      %dma_wait3A = arith.constant 0 : i32
      %dma_wait3A_494 = tpu.memref_slice %arg8[%mul3A_72, %dma_wait3A] : memref<10240x16xf32, #tpu.memory_space<vmem_shared>> -> memref<128x16xf32, #tpu.memory_space<vmem_shared>>
      %dma_wait3A_495 = arith.constant 0 : i32
      %dma_wait3A_496 = tpu.memref_slice %arg8[%mul3A_72, %dma_wait3A_495] : memref<10240x16xf32, #tpu.memory_space<vmem_shared>> -> memref<128x16xf32, #tpu.memory_space<vmem_shared>>
      tpu.wait_dma2 semaphore(%run_scoped3A : memref<!tpu.dma_semaphore, #tpu.memory_space<semaphore_mem>>) src(%dma_wait3A_496 : memref<128x16xf32, #tpu.memory_space<vmem_shared>>) dst(%arg6 : memref<128x16xf32, #tpu.memory_space<vmem>>)
      tpu.yield
    }) : () -> ()
    %add3A_73 = arith.constant 0 : i32
    %add3A_74 = vector.broadcast %add3A_73 : i32 to vector<16xi32>
    %add3A_75 = arith.addi %iota3A, %add3A_74 : vector<16xi32>
    %gather3A = tpu.vector_load_idx %arg6[%add3A_75, %broadcast_in_dim3A_66] : memref<128x16xf32, #tpu.memory_space<vmem>>[vector<16xi32>, vector<16xi32>], vector<16xf32>,
    %add3A_76 = arith.constant 0 : i32
    %add3A_77 = vector.broadcast %add3A_76 : i32 to vector<16xi32>
    %add3A_78 = arith.addi %shift_right_logical3A_59, %add3A_77 : vector<16xi32>
    tpu.vector_store_idx %arg7[%add3A_78, %mul3A_64], %gather3A : memref<64x128xf32, #tpu.memory_space<vmem>>[vector<16xi32>, vector<16xi32>], vector<16xf32>,
    %add3A_79 = arith.constant 16 : i32
    %add3A_80 = vector.broadcast %add3A_79 : i32 to vector<16xi32>
    %add3A_81 = arith.addi %iota3A, %add3A_80 : vector<16xi32>
    %gather3A_82 = tpu.vector_load_idx %arg6[%add3A_81, %broadcast_in_dim3A_66] : memref<128x16xf32, #tpu.memory_space<vmem>>[vector<16xi32>, vector<16xi32>], vector<16xf32>,
    %add3A_83 = arith.constant 8 : i32
    %add3A_84 = vector.broadcast %add3A_83 : i32 to vector<16xi32>
    %add3A_85 = arith.addi %shift_right_logical3A_59, %add3A_84 : vector<16xi32>
    tpu.vector_store_idx %arg7[%add3A_85, %mul3A_64], %gather3A_82 : memref<64x128xf32, #tpu.memory_space<vmem>>[vector<16xi32>, vector<16xi32>], vector<16xf32>,
    %add3A_86 = arith.constant 32 : i32
    %add3A_87 = vector.broadcast %add3A_86 : i32 to vector<16xi32>
    %add3A_88 = arith.addi %iota3A, %add3A_87 : vector<16xi32>
    %gather3A_89 = tpu.vector_load_idx %arg6[%add3A_88, %broadcast_in_dim3A_66] : memref<128x16xf32, #tpu.memory_space<vmem>>[vector<16xi32>, vector<16xi32>], vector<16xf32>,
    %add3A_90 = arith.constant 16 : i32
    %add3A_91 = vector.broadcast %add3A_90 : i32 to vector<16xi32>
    %add3A_92 = arith.addi %shift_right_logical3A_59, %add3A_91 : vector<16xi32>
    tpu.vector_store_idx %arg7[%add3A_92, %mul3A_64], %gather3A_89 : memref<64x128xf32, #tpu.memory_space<vmem>>[vector<16xi32>, vector<16xi32>], vector<16xf32>,
    %add3A_93 = arith.constant 48 : i32
    %add3A_94 = vector.broadcast %add3A_93 : i32 to vector<16xi32>
    %add3A_95 = arith.addi %iota3A, %add3A_94 : vector<16xi32>
    %gather3A_96 = tpu.vector_load_idx %arg6[%add3A_95, %broadcast_in_dim3A_66] : memref<128x16xf32, #tpu.memory_space<vmem>>[vector<16xi32>, vector<16xi32>], vector<16xf32>,
    %add3A_97 = arith.constant 24 : i32
    %add3A_98 = vector.broadcast %add3A_97 : i32 to vector<16xi32>
    %add3A_99 = arith.addi %shift_right_logical3A_59, %add3A_98 : vector<16xi32>
    tpu.vector_store_idx %arg7[%add3A_99, %mul3A_64], %gather3A_96 : memref<64x128xf32, #tpu.memory_space<vmem>>[vector<16xi32>, vector<16xi32>], vector<16xf32>,
    %add3A_100 = arith.constant 64 : i32
    %add3A_101 = vector.broadcast %add3A_100 : i32 to vector<16xi32>
    %add3A_102 = arith.addi %iota3A, %add3A_101 : vector<16xi32>
    %gather3A_103 = tpu.vector_load_idx %arg6[%add3A_102, %broadcast_in_dim3A_66] : memref<128x16xf32, #tpu.memory_space<vmem>>[vector<16xi32>, vector<16xi32>], vector<16xf32>,
    %add3A_104 = arith.constant 32 : i32
    %add3A_105 = vector.broadcast %add3A_104 : i32 to vector<16xi32>
    %add3A_106 = arith.addi %shift_right_logical3A_59, %add3A_105 : vector<16xi32>
    tpu.vector_store_idx %arg7[%add3A_106, %mul3A_64], %gather3A_103 : memref<64x128xf32, #tpu.memory_space<vmem>>[vector<16xi32>, vector<16xi32>], vector<16xf32>,
    %add3A_107 = arith.constant 80 : i32
    %add3A_108 = vector.broadcast %add3A_107 : i32 to vector<16xi32>
    %add3A_109 = arith.addi %iota3A, %add3A_108 : vector<16xi32>
    %gather3A_110 = tpu.vector_load_idx %arg6[%add3A_109, %broadcast_in_dim3A_66] : memref<128x16xf32, #tpu.memory_space<vmem>>[vector<16xi32>, vector<16xi32>], vector<16xf32>,
    %add3A_111 = arith.constant 40 : i32
    %add3A_112 = vector.broadcast %add3A_111 : i32 to vector<16xi32>
    %add3A_113 = arith.addi %shift_right_logical3A_59, %add3A_112 : vector<16xi32>
    tpu.vector_store_idx %arg7[%add3A_113, %mul3A_64], %gather3A_110 : memref<64x128xf32, #tpu.memory_space<vmem>>[vector<16xi32>, vector<16xi32>], vector<16xf32>,
    %add3A_114 = arith.constant 96 : i32
    %add3A_115 = vector.broadcast %add3A_114 : i32 to vector<16xi32>
    %add3A_116 = arith.addi %iota3A, %add3A_115 : vector<16xi32>
    %gather3A_117 = tpu.vector_load_idx %arg6[%add3A_116, %broadcast_in_dim3A_66] : memref<128x16xf32, #tpu.memory_space<vmem>>[vector<16xi32>, vector<16xi32>], vector<16xf32>,
    %add3A_118 = arith.constant 48 : i32
    %add3A_119 = vector.broadcast %add3A_118 : i32 to vector<16xi32>
    %add3A_120 = arith.addi %shift_right_logical3A_59, %add3A_119 : vector<16xi32>
    tpu.vector_store_idx %arg7[%add3A_120, %mul3A_64], %gather3A_117 : memref<64x128xf32, #tpu.memory_space<vmem>>[vector<16xi32>, vector<16xi32>], vector<16xf32>,
    %add3A_121 = arith.constant 112 : i32
    %add3A_122 = vector.broadcast %add3A_121 : i32 to vector<16xi32>
    %add3A_123 = arith.addi %iota3A, %add3A_122 : vector<16xi32>
    %gather3A_124 = tpu.vector_load_idx %arg6[%add3A_123, %broadcast_in_dim3A_66] : memref<128x16xf32, #tpu.memory_space<vmem>>[vector<16xi32>, vector<16xi32>], vector<16xf32>,
    %add3A_125 = arith.constant 56 : i32
    %add3A_126 = vector.broadcast %add3A_125 : i32 to vector<16xi32>
    %add3A_127 = arith.addi %shift_right_logical3A_59, %add3A_126 : vector<16xi32>
    tpu.vector_store_idx %arg7[%add3A_127, %mul3A_64], %gather3A_124 : memref<64x128xf32, #tpu.memory_space<vmem>>[vector<16xi32>, vector<16xi32>], vector<16xf32>,
    %jit3A_128 = arith.constant 2 : i32
    %div3A = arith.divsi %mul3A_72, %jit3A_128 : i32
    %sign3A = arith.constant 0 : i32
    %sign3A_129 = arith.cmpi sgt, %mul3A_72, %sign3A : i32
    %sign3A_130 = arith.extui %sign3A_129 : i1 to i32
    %sign3A_131 = arith.constant 0 : i32
    %sign3A_132 = arith.cmpi slt, %mul3A_72, %sign3A_131 : i32
    %sign3A_133 = arith.extui %sign3A_132 : i1 to i32
    %sign3A_134 = arith.subi %sign3A_130, %sign3A_133 : i32
    %sign3A_135 = arith.constant 0 : i32
    %sign3A_136 = arith.cmpi sgt, %jit3A_128, %sign3A_135 : i32
    %sign3A_137 = arith.extui %sign3A_136 : i1 to i32
    %sign3A_138 = arith.constant 0 : i32
    %sign3A_139 = arith.cmpi slt, %jit3A_128, %sign3A_138 : i32
    %sign3A_140 = arith.extui %sign3A_139 : i1 to i32
    %sign3A_141 = arith.subi %sign3A_137, %sign3A_140 : i32
    %ne3A = arith.cmpi ne, %sign3A_134, %sign3A_141 : i32
    %rem3A = arith.remsi %mul3A_72, %jit3A_128 : i32
    %ne3A_142 = arith.constant 0 : i32
    %ne3A_143 = arith.cmpi ne, %rem3A, %ne3A_142 : i32
    %and3A_144 = arith.andi %ne3A, %ne3A_143 : i1
    %sub3A = arith.constant 1 : i32
    %sub3A_145 = arith.subi %div3A, %sub3A : i32
    %select_n3A_146 = arith.select %and3A_144, %sub3A_145, %div3A : i32
    "tpu.region"() ({
      %run_scoped3A = tpu.sem_alloc : memref<!tpu.dma_semaphore, #tpu.memory_space<semaphore_mem>>
      %dma_start3A = arith.constant 0 : i32
      %dma_start3A_491 = tpu.memref_slice %arg3[%arg0, %select_n3A_146, %dma_start3A] : memref<2x5120x128xf32, #tpu.memory_space<hbm>> -> memref<1x64x128xf32, #tpu.memory_space<hbm>>
      %dma_start3A_492 = tpu.memref_squeeze %dma_start3A_491 : memref<1x64x128xf32, #tpu.memory_space<hbm>> -> memref<64x128xf32, #tpu.memory_space<hbm>>
      %dma_start3A_493 = arith.constant 0 : i32
      %dma_start3A_494 = tpu.memref_slice %arg3[%arg0, %select_n3A_146, %dma_start3A_493] : memref<2x5120x128xf32, #tpu.memory_space<hbm>> -> memref<1x64x128xf32, #tpu.memory_space<hbm>>
      %dma_start3A_495 = tpu.memref_squeeze %dma_start3A_494 : memref<1x64x128xf32, #tpu.memory_space<hbm>> -> memref<64x128xf32, #tpu.memory_space<hbm>>
      tpu.enqueue_dma source(%arg7 : memref<64x128xf32, #tpu.memory_space<vmem>>) target(%dma_start3A_495 : memref<64x128xf32, #tpu.memory_space<hbm>>) target_semaphore(%run_scoped3A : memref<!tpu.dma_semaphore, #tpu.memory_space<semaphore_mem>>)
      %dma_wait3A = arith.constant 0 : i32
      %dma_wait3A_496 = tpu.memref_slice %arg3[%arg0, %select_n3A_146, %dma_wait3A] : memref<2x5120x128xf32, #tpu.memory_space<hbm>> -> memref<1x64x128xf32, #tpu.memory_space<hbm>>
      %dma_wait3A_497 = tpu.memref_squeeze %dma_wait3A_496 : memref<1x64x128xf32, #tpu.memory_space<hbm>> -> memref<64x128xf32, #tpu.memory_space<hbm>>
      %dma_wait3A_498 = arith.constant 0 : i32
      %dma_wait3A_499 = tpu.memref_slice %arg3[%arg0, %select_n3A_146, %dma_wait3A_498] : memref<2x5120x128xf32, #tpu.memory_space<hbm>> -> memref<1x64x128xf32, #tpu.memory_space<hbm>>
      %dma_wait3A_500 = tpu.memref_squeeze %dma_wait3A_499 : memref<1x64x128xf32, #tpu.memory_space<hbm>> -> memref<64x128xf32, #tpu.memory_space<hbm>>
      tpu.wait_dma2 semaphore(%run_scoped3A : memref<!tpu.dma_semaphore, #tpu.memory_space<semaphore_mem>>) src(%arg7 : memref<64x128xf32, #tpu.memory_space<vmem>>) dst(%dma_wait3A_500 : memref<64x128xf32, #tpu.memory_space<hbm>>)
      tpu.yield
    }) : () -> ()
    %mul3A_147 = arith.constant 5 : i32
    %mul3A_148 = arith.muli %arg1, %mul3A_147 : i32
    %add3A_149 = arith.constant 1 : i32
    %add3A_150 = arith.addi %mul3A_148, %add3A_149 : i32
    %mul3A_151 = arith.constant 128 : i32
    %mul3A_152 = arith.muli %add3A_150, %mul3A_151 : i32
    "tpu.region"() ({
      %run_scoped3A = tpu.sem_alloc : memref<!tpu.dma_semaphore, #tpu.memory_space<semaphore_mem>>
      %dma_start3A = arith.constant 0 : i32
      %dma_start3A_491 = tpu.memref_slice %arg8[%mul3A_152, %dma_start3A] : memref<10240x16xf32, #tpu.memory_space<vmem_shared>> -> memref<128x16xf32, #tpu.memory_space<vmem_shared>>
      %dma_start3A_492 = arith.constant 0 : i32
      %dma_start3A_493 = tpu.memref_slice %arg8[%mul3A_152, %dma_start3A_492] : memref<10240x16xf32, #tpu.memory_space<vmem_shared>> -> memref<128x16xf32, #tpu.memory_space<vmem_shared>>
      tpu.enqueue_dma source(%dma_start3A_493 : memref<128x16xf32, #tpu.memory_space<vmem_shared>>) target(%arg6 : memref<128x16xf32, #tpu.memory_space<vmem>>) target_semaphore(%run_scoped3A : memref<!tpu.dma_semaphore, #tpu.memory_space<semaphore_mem>>)
      %dma_wait3A = arith.constant 0 : i32
      %dma_wait3A_494 = tpu.memref_slice %arg8[%mul3A_152, %dma_wait3A] : memref<10240x16xf32, #tpu.memory_space<vmem_shared>> -> memref<128x16xf32, #tpu.memory_space<vmem_shared>>
      %dma_wait3A_495 = arith.constant 0 : i32
      %dma_wait3A_496 = tpu.memref_slice %arg8[%mul3A_152, %dma_wait3A_495] : memref<10240x16xf32, #tpu.memory_space<vmem_shared>> -> memref<128x16xf32, #tpu.memory_space<vmem_shared>>
      tpu.wait_dma2 semaphore(%run_scoped3A : memref<!tpu.dma_semaphore, #tpu.memory_space<semaphore_mem>>) src(%dma_wait3A_496 : memref<128x16xf32, #tpu.memory_space<vmem_shared>>) dst(%arg6 : memref<128x16xf32, #tpu.memory_space<vmem>>)
      tpu.yield
    }) : () -> ()
    %add3A_153 = arith.constant 0 : i32
    %add3A_154 = vector.broadcast %add3A_153 : i32 to vector<16xi32>
    %add3A_155 = arith.addi %iota3A, %add3A_154 : vector<16xi32>
    %gather3A_156 = tpu.vector_load_idx %arg6[%add3A_155, %broadcast_in_dim3A_66] : memref<128x16xf32, #tpu.memory_space<vmem>>[vector<16xi32>, vector<16xi32>], vector<16xf32>,
    %add3A_157 = arith.constant 0 : i32
    %add3A_158 = vector.broadcast %add3A_157 : i32 to vector<16xi32>
    %add3A_159 = arith.addi %shift_right_logical3A_59, %add3A_158 : vector<16xi32>
    tpu.vector_store_idx %arg7[%add3A_159, %mul3A_64], %gather3A_156 : memref<64x128xf32, #tpu.memory_space<vmem>>[vector<16xi32>, vector<16xi32>], vector<16xf32>,
    %add3A_160 = arith.constant 16 : i32
    %add3A_161 = vector.broadcast %add3A_160 : i32 to vector<16xi32>
    %add3A_162 = arith.addi %iota3A, %add3A_161 : vector<16xi32>
    %gather3A_163 = tpu.vector_load_idx %arg6[%add3A_162, %broadcast_in_dim3A_66] : memref<128x16xf32, #tpu.memory_space<vmem>>[vector<16xi32>, vector<16xi32>], vector<16xf32>,
    %add3A_164 = arith.constant 8 : i32
    %add3A_165 = vector.broadcast %add3A_164 : i32 to vector<16xi32>
    %add3A_166 = arith.addi %shift_right_logical3A_59, %add3A_165 : vector<16xi32>
    tpu.vector_store_idx %arg7[%add3A_166, %mul3A_64], %gather3A_163 : memref<64x128xf32, #tpu.memory_space<vmem>>[vector<16xi32>, vector<16xi32>], vector<16xf32>,
    %add3A_167 = arith.constant 32 : i32
    %add3A_168 = vector.broadcast %add3A_167 : i32 to vector<16xi32>
    %add3A_169 = arith.addi %iota3A, %add3A_168 : vector<16xi32>
    %gather3A_170 = tpu.vector_load_idx %arg6[%add3A_169, %broadcast_in_dim3A_66] : memref<128x16xf32, #tpu.memory_space<vmem>>[vector<16xi32>, vector<16xi32>], vector<16xf32>,
    %add3A_171 = arith.constant 16 : i32
    %add3A_172 = vector.broadcast %add3A_171 : i32 to vector<16xi32>
    %add3A_173 = arith.addi %shift_right_logical3A_59, %add3A_172 : vector<16xi32>
    tpu.vector_store_idx %arg7[%add3A_173, %mul3A_64], %gather3A_170 : memref<64x128xf32, #tpu.memory_space<vmem>>[vector<16xi32>, vector<16xi32>], vector<16xf32>,
    %add3A_174 = arith.constant 48 : i32
    %add3A_175 = vector.broadcast %add3A_174 : i32 to vector<16xi32>
    %add3A_176 = arith.addi %iota3A, %add3A_175 : vector<16xi32>
    %gather3A_177 = tpu.vector_load_idx %arg6[%add3A_176, %broadcast_in_dim3A_66] : memref<128x16xf32, #tpu.memory_space<vmem>>[vector<16xi32>, vector<16xi32>], vector<16xf32>,
    %add3A_178 = arith.constant 24 : i32
    %add3A_179 = vector.broadcast %add3A_178 : i32 to vector<16xi32>
    %add3A_180 = arith.addi %shift_right_logical3A_59, %add3A_179 : vector<16xi32>
    tpu.vector_store_idx %arg7[%add3A_180, %mul3A_64], %gather3A_177 : memref<64x128xf32, #tpu.memory_space<vmem>>[vector<16xi32>, vector<16xi32>], vector<16xf32>,
    %add3A_181 = arith.constant 64 : i32
    %add3A_182 = vector.broadcast %add3A_181 : i32 to vector<16xi32>
    %add3A_183 = arith.addi %iota3A, %add3A_182 : vector<16xi32>
    %gather3A_184 = tpu.vector_load_idx %arg6[%add3A_183, %broadcast_in_dim3A_66] : memref<128x16xf32, #tpu.memory_space<vmem>>[vector<16xi32>, vector<16xi32>], vector<16xf32>,
    %add3A_185 = arith.constant 32 : i32
    %add3A_186 = vector.broadcast %add3A_185 : i32 to vector<16xi32>
    %add3A_187 = arith.addi %shift_right_logical3A_59, %add3A_186 : vector<16xi32>
    tpu.vector_store_idx %arg7[%add3A_187, %mul3A_64], %gather3A_184 : memref<64x128xf32, #tpu.memory_space<vmem>>[vector<16xi32>, vector<16xi32>], vector<16xf32>,
    %add3A_188 = arith.constant 80 : i32
    %add3A_189 = vector.broadcast %add3A_188 : i32 to vector<16xi32>
    %add3A_190 = arith.addi %iota3A, %add3A_189 : vector<16xi32>
    %gather3A_191 = tpu.vector_load_idx %arg6[%add3A_190, %broadcast_in_dim3A_66] : memref<128x16xf32, #tpu.memory_space<vmem>>[vector<16xi32>, vector<16xi32>], vector<16xf32>,
    %add3A_192 = arith.constant 40 : i32
    %add3A_193 = vector.broadcast %add3A_192 : i32 to vector<16xi32>
    %add3A_194 = arith.addi %shift_right_logical3A_59, %add3A_193 : vector<16xi32>
    tpu.vector_store_idx %arg7[%add3A_194, %mul3A_64], %gather3A_191 : memref<64x128xf32, #tpu.memory_space<vmem>>[vector<16xi32>, vector<16xi32>], vector<16xf32>,
    %add3A_195 = arith.constant 96 : i32
    %add3A_196 = vector.broadcast %add3A_195 : i32 to vector<16xi32>
    %add3A_197 = arith.addi %iota3A, %add3A_196 : vector<16xi32>
    %gather3A_198 = tpu.vector_load_idx %arg6[%add3A_197, %broadcast_in_dim3A_66] : memref<128x16xf32, #tpu.memory_space<vmem>>[vector<16xi32>, vector<16xi32>], vector<16xf32>,
    %add3A_199 = arith.constant 48 : i32
    %add3A_200 = vector.broadcast %add3A_199 : i32 to vector<16xi32>
    %add3A_201 = arith.addi %shift_right_logical3A_59, %add3A_200 : vector<16xi32>
    tpu.vector_store_idx %arg7[%add3A_201, %mul3A_64], %gather3A_198 : memref<64x128xf32, #tpu.memory_space<vmem>>[vector<16xi32>, vector<16xi32>], vector<16xf32>,
    %add3A_202 = arith.constant 112 : i32
    %add3A_203 = vector.broadcast %add3A_202 : i32 to vector<16xi32>
    %add3A_204 = arith.addi %iota3A, %add3A_203 : vector<16xi32>
    %gather3A_205 = tpu.vector_load_idx %arg6[%add3A_204, %broadcast_in_dim3A_66] : memref<128x16xf32, #tpu.memory_space<vmem>>[vector<16xi32>, vector<16xi32>], vector<16xf32>,
    %add3A_206 = arith.constant 56 : i32
    %add3A_207 = vector.broadcast %add3A_206 : i32 to vector<16xi32>
    %add3A_208 = arith.addi %shift_right_logical3A_59, %add3A_207 : vector<16xi32>
    tpu.vector_store_idx %arg7[%add3A_208, %mul3A_64], %gather3A_205 : memref<64x128xf32, #tpu.memory_space<vmem>>[vector<16xi32>, vector<16xi32>], vector<16xf32>,
    %jit3A_209 = arith.constant 2 : i32
    %div3A_210 = arith.divsi %mul3A_152, %jit3A_209 : i32
    %sign3A_211 = arith.constant 0 : i32
    %sign3A_212 = arith.cmpi sgt, %mul3A_152, %sign3A_211 : i32
    %sign3A_213 = arith.extui %sign3A_212 : i1 to i32
    %sign3A_214 = arith.constant 0 : i32
    %sign3A_215 = arith.cmpi slt, %mul3A_152, %sign3A_214 : i32
    %sign3A_216 = arith.extui %sign3A_215 : i1 to i32
    %sign3A_217 = arith.subi %sign3A_213, %sign3A_216 : i32
    %sign3A_218 = arith.constant 0 : i32
    %sign3A_219 = arith.cmpi sgt, %jit3A_209, %sign3A_218 : i32
    %sign3A_220 = arith.extui %sign3A_219 : i1 to i32
    %sign3A_221 = arith.constant 0 : i32
    %sign3A_222 = arith.cmpi slt, %jit3A_209, %sign3A_221 : i32
    %sign3A_223 = arith.extui %sign3A_222 : i1 to i32
    %sign3A_224 = arith.subi %sign3A_220, %sign3A_223 : i32
    %ne3A_225 = arith.cmpi ne, %sign3A_217, %sign3A_224 : i32
    %rem3A_226 = arith.remsi %mul3A_152, %jit3A_209 : i32
    %ne3A_227 = arith.constant 0 : i32
    %ne3A_228 = arith.cmpi ne, %rem3A_226, %ne3A_227 : i32
    %and3A_229 = arith.andi %ne3A_225, %ne3A_228 : i1
    %sub3A_230 = arith.constant 1 : i32
    %sub3A_231 = arith.subi %div3A_210, %sub3A_230 : i32
    %select_n3A_232 = arith.select %and3A_229, %sub3A_231, %div3A_210 : i32
    "tpu.region"() ({
      %run_scoped3A = tpu.sem_alloc : memref<!tpu.dma_semaphore, #tpu.memory_space<semaphore_mem>>
      %dma_start3A = arith.constant 0 : i32
      %dma_start3A_491 = tpu.memref_slice %arg3[%arg0, %select_n3A_232, %dma_start3A] : memref<2x5120x128xf32, #tpu.memory_space<hbm>> -> memref<1x64x128xf32, #tpu.memory_space<hbm>>
      %dma_start3A_492 = tpu.memref_squeeze %dma_start3A_491 : memref<1x64x128xf32, #tpu.memory_space<hbm>> -> memref<64x128xf32, #tpu.memory_space<hbm>>
      %dma_start3A_493 = arith.constant 0 : i32
      %dma_start3A_494 = tpu.memref_slice %arg3[%arg0, %select_n3A_232, %dma_start3A_493] : memref<2x5120x128xf32, #tpu.memory_space<hbm>> -> memref<1x64x128xf32, #tpu.memory_space<hbm>>
      %dma_start3A_495 = tpu.memref_squeeze %dma_start3A_494 : memref<1x64x128xf32, #tpu.memory_space<hbm>> -> memref<64x128xf32, #tpu.memory_space<hbm>>
      tpu.enqueue_dma source(%arg7 : memref<64x128xf32, #tpu.memory_space<vmem>>) target(%dma_start3A_495 : memref<64x128xf32, #tpu.memory_space<hbm>>) target_semaphore(%run_scoped3A : memref<!tpu.dma_semaphore, #tpu.memory_space<semaphore_mem>>)
      %dma_wait3A = arith.constant 0 : i32
      %dma_wait3A_496 = tpu.memref_slice %arg3[%arg0, %select_n3A_232, %dma_wait3A] : memref<2x5120x128xf32, #tpu.memory_space<hbm>> -> memref<1x64x128xf32, #tpu.memory_space<hbm>>
      %dma_wait3A_497 = tpu.memref_squeeze %dma_wait3A_496 : memref<1x64x128xf32, #tpu.memory_space<hbm>> -> memref<64x128xf32, #tpu.memory_space<hbm>>
      %dma_wait3A_498 = arith.constant 0 : i32
      %dma_wait3A_499 = tpu.memref_slice %arg3[%arg0, %select_n3A_232, %dma_wait3A_498] : memref<2x5120x128xf32, #tpu.memory_space<hbm>> -> memref<1x64x128xf32, #tpu.memory_space<hbm>>
      %dma_wait3A_500 = tpu.memref_squeeze %dma_wait3A_499 : memref<1x64x128xf32, #tpu.memory_space<hbm>> -> memref<64x128xf32, #tpu.memory_space<hbm>>
      tpu.wait_dma2 semaphore(%run_scoped3A : memref<!tpu.dma_semaphore, #tpu.memory_space<semaphore_mem>>) src(%arg7 : memref<64x128xf32, #tpu.memory_space<vmem>>) dst(%dma_wait3A_500 : memref<64x128xf32, #tpu.memory_space<hbm>>)
      tpu.yield
    }) : () -> ()
    %mul3A_233 = arith.constant 5 : i32
    %mul3A_234 = arith.muli %arg1, %mul3A_233 : i32
    %add3A_235 = arith.constant 2 : i32
    %add3A_236 = arith.addi %mul3A_234, %add3A_235 : i32
    %mul3A_237 = arith.constant 128 : i32
    %mul3A_238 = arith.muli %add3A_236, %mul3A_237 : i32
    "tpu.region"() ({
      %run_scoped3A = tpu.sem_alloc : memref<!tpu.dma_semaphore, #tpu.memory_space<semaphore_mem>>
      %dma_start3A = arith.constant 0 : i32
      %dma_start3A_491 = tpu.memref_slice %arg8[%mul3A_238, %dma_start3A] : memref<10240x16xf32, #tpu.memory_space<vmem_shared>> -> memref<128x16xf32, #tpu.memory_space<vmem_shared>>
      %dma_start3A_492 = arith.constant 0 : i32
      %dma_start3A_493 = tpu.memref_slice %arg8[%mul3A_238, %dma_start3A_492] : memref<10240x16xf32, #tpu.memory_space<vmem_shared>> -> memref<128x16xf32, #tpu.memory_space<vmem_shared>>
      tpu.enqueue_dma source(%dma_start3A_493 : memref<128x16xf32, #tpu.memory_space<vmem_shared>>) target(%arg6 : memref<128x16xf32, #tpu.memory_space<vmem>>) target_semaphore(%run_scoped3A : memref<!tpu.dma_semaphore, #tpu.memory_space<semaphore_mem>>)
      %dma_wait3A = arith.constant 0 : i32
      %dma_wait3A_494 = tpu.memref_slice %arg8[%mul3A_238, %dma_wait3A] : memref<10240x16xf32, #tpu.memory_space<vmem_shared>> -> memref<128x16xf32, #tpu.memory_space<vmem_shared>>
      %dma_wait3A_495 = arith.constant 0 : i32
      %dma_wait3A_496 = tpu.memref_slice %arg8[%mul3A_238, %dma_wait3A_495] : memref<10240x16xf32, #tpu.memory_space<vmem_shared>> -> memref<128x16xf32, #tpu.memory_space<vmem_shared>>
      tpu.wait_dma2 semaphore(%run_scoped3A : memref<!tpu.dma_semaphore, #tpu.memory_space<semaphore_mem>>) src(%dma_wait3A_496 : memref<128x16xf32, #tpu.memory_space<vmem_shared>>) dst(%arg6 : memref<128x16xf32, #tpu.memory_space<vmem>>)
      tpu.yield
    }) : () -> ()
    %add3A_239 = arith.constant 0 : i32
    %add3A_240 = vector.broadcast %add3A_239 : i32 to vector<16xi32>
    %add3A_241 = arith.addi %iota3A, %add3A_240 : vector<16xi32>
    %gather3A_242 = tpu.vector_load_idx %arg6[%add3A_241, %broadcast_in_dim3A_66] : memref<128x16xf32, #tpu.memory_space<vmem>>[vector<16xi32>, vector<16xi32>], vector<16xf32>,
    %add3A_243 = arith.constant 0 : i32
    %add3A_244 = vector.broadcast %add3A_243 : i32 to vector<16xi32>
    %add3A_245 = arith.addi %shift_right_logical3A_59, %add3A_244 : vector<16xi32>
    tpu.vector_store_idx %arg7[%add3A_245, %mul3A_64], %gather3A_242 : memref<64x128xf32, #tpu.memory_space<vmem>>[vector<16xi32>, vector<16xi32>], vector<16xf32>,
    %add3A_246 = arith.constant 16 : i32
    %add3A_247 = vector.broadcast %add3A_246 : i32 to vector<16xi32>
    %add3A_248 = arith.addi %iota3A, %add3A_247 : vector<16xi32>
    %gather3A_249 = tpu.vector_load_idx %arg6[%add3A_248, %broadcast_in_dim3A_66] : memref<128x16xf32, #tpu.memory_space<vmem>>[vector<16xi32>, vector<16xi32>], vector<16xf32>,
    %add3A_250 = arith.constant 8 : i32
    %add3A_251 = vector.broadcast %add3A_250 : i32 to vector<16xi32>
    %add3A_252 = arith.addi %shift_right_logical3A_59, %add3A_251 : vector<16xi32>
    tpu.vector_store_idx %arg7[%add3A_252, %mul3A_64], %gather3A_249 : memref<64x128xf32, #tpu.memory_space<vmem>>[vector<16xi32>, vector<16xi32>], vector<16xf32>,
    %add3A_253 = arith.constant 32 : i32
    %add3A_254 = vector.broadcast %add3A_253 : i32 to vector<16xi32>
    %add3A_255 = arith.addi %iota3A, %add3A_254 : vector<16xi32>
    %gather3A_256 = tpu.vector_load_idx %arg6[%add3A_255, %broadcast_in_dim3A_66] : memref<128x16xf32, #tpu.memory_space<vmem>>[vector<16xi32>, vector<16xi32>], vector<16xf32>,
    %add3A_257 = arith.constant 16 : i32
    %add3A_258 = vector.broadcast %add3A_257 : i32 to vector<16xi32>
    %add3A_259 = arith.addi %shift_right_logical3A_59, %add3A_258 : vector<16xi32>
    tpu.vector_store_idx %arg7[%add3A_259, %mul3A_64], %gather3A_256 : memref<64x128xf32, #tpu.memory_space<vmem>>[vector<16xi32>, vector<16xi32>], vector<16xf32>,
    %add3A_260 = arith.constant 48 : i32
    %add3A_261 = vector.broadcast %add3A_260 : i32 to vector<16xi32>
    %add3A_262 = arith.addi %iota3A, %add3A_261 : vector<16xi32>
    %gather3A_263 = tpu.vector_load_idx %arg6[%add3A_262, %broadcast_in_dim3A_66] : memref<128x16xf32, #tpu.memory_space<vmem>>[vector<16xi32>, vector<16xi32>], vector<16xf32>,
    %add3A_264 = arith.constant 24 : i32
    %add3A_265 = vector.broadcast %add3A_264 : i32 to vector<16xi32>
    %add3A_266 = arith.addi %shift_right_logical3A_59, %add3A_265 : vector<16xi32>
    tpu.vector_store_idx %arg7[%add3A_266, %mul3A_64], %gather3A_263 : memref<64x128xf32, #tpu.memory_space<vmem>>[vector<16xi32>, vector<16xi32>], vector<16xf32>,
    %add3A_267 = arith.constant 64 : i32
    %add3A_268 = vector.broadcast %add3A_267 : i32 to vector<16xi32>
    %add3A_269 = arith.addi %iota3A, %add3A_268 : vector<16xi32>
    %gather3A_270 = tpu.vector_load_idx %arg6[%add3A_269, %broadcast_in_dim3A_66] : memref<128x16xf32, #tpu.memory_space<vmem>>[vector<16xi32>, vector<16xi32>], vector<16xf32>,
    %add3A_271 = arith.constant 32 : i32
    %add3A_272 = vector.broadcast %add3A_271 : i32 to vector<16xi32>
    %add3A_273 = arith.addi %shift_right_logical3A_59, %add3A_272 : vector<16xi32>
    tpu.vector_store_idx %arg7[%add3A_273, %mul3A_64], %gather3A_270 : memref<64x128xf32, #tpu.memory_space<vmem>>[vector<16xi32>, vector<16xi32>], vector<16xf32>,
    %add3A_274 = arith.constant 80 : i32
    %add3A_275 = vector.broadcast %add3A_274 : i32 to vector<16xi32>
    %add3A_276 = arith.addi %iota3A, %add3A_275 : vector<16xi32>
    %gather3A_277 = tpu.vector_load_idx %arg6[%add3A_276, %broadcast_in_dim3A_66] : memref<128x16xf32, #tpu.memory_space<vmem>>[vector<16xi32>, vector<16xi32>], vector<16xf32>,
    %add3A_278 = arith.constant 40 : i32
    %add3A_279 = vector.broadcast %add3A_278 : i32 to vector<16xi32>
    %add3A_280 = arith.addi %shift_right_logical3A_59, %add3A_279 : vector<16xi32>
    tpu.vector_store_idx %arg7[%add3A_280, %mul3A_64], %gather3A_277 : memref<64x128xf32, #tpu.memory_space<vmem>>[vector<16xi32>, vector<16xi32>], vector<16xf32>,
    %add3A_281 = arith.constant 96 : i32
    %add3A_282 = vector.broadcast %add3A_281 : i32 to vector<16xi32>
    %add3A_283 = arith.addi %iota3A, %add3A_282 : vector<16xi32>
    %gather3A_284 = tpu.vector_load_idx %arg6[%add3A_283, %broadcast_in_dim3A_66] : memref<128x16xf32, #tpu.memory_space<vmem>>[vector<16xi32>, vector<16xi32>], vector<16xf32>,
    %add3A_285 = arith.constant 48 : i32
    %add3A_286 = vector.broadcast %add3A_285 : i32 to vector<16xi32>
    %add3A_287 = arith.addi %shift_right_logical3A_59, %add3A_286 : vector<16xi32>
    tpu.vector_store_idx %arg7[%add3A_287, %mul3A_64], %gather3A_284 : memref<64x128xf32, #tpu.memory_space<vmem>>[vector<16xi32>, vector<16xi32>], vector<16xf32>,
    %add3A_288 = arith.constant 112 : i32
    %add3A_289 = vector.broadcast %add3A_288 : i32 to vector<16xi32>
    %add3A_290 = arith.addi %iota3A, %add3A_289 : vector<16xi32>
    %gather3A_291 = tpu.vector_load_idx %arg6[%add3A_290, %broadcast_in_dim3A_66] : memref<128x16xf32, #tpu.memory_space<vmem>>[vector<16xi32>, vector<16xi32>], vector<16xf32>,
    %add3A_292 = arith.constant 56 : i32
    %add3A_293 = vector.broadcast %add3A_292 : i32 to vector<16xi32>
    %add3A_294 = arith.addi %shift_right_logical3A_59, %add3A_293 : vector<16xi32>
    tpu.vector_store_idx %arg7[%add3A_294, %mul3A_64], %gather3A_291 : memref<64x128xf32, #tpu.memory_space<vmem>>[vector<16xi32>, vector<16xi32>], vector<16xf32>,
    %jit3A_295 = arith.constant 2 : i32
    %div3A_296 = arith.divsi %mul3A_238, %jit3A_295 : i32
    %sign3A_297 = arith.constant 0 : i32
    %sign3A_298 = arith.cmpi sgt, %mul3A_238, %sign3A_297 : i32
    %sign3A_299 = arith.extui %sign3A_298 : i1 to i32
    %sign3A_300 = arith.constant 0 : i32
    %sign3A_301 = arith.cmpi slt, %mul3A_238, %sign3A_300 : i32
    %sign3A_302 = arith.extui %sign3A_301 : i1 to i32
    %sign3A_303 = arith.subi %sign3A_299, %sign3A_302 : i32
    %sign3A_304 = arith.constant 0 : i32
    %sign3A_305 = arith.cmpi sgt, %jit3A_295, %sign3A_304 : i32
    %sign3A_306 = arith.extui %sign3A_305 : i1 to i32
    %sign3A_307 = arith.constant 0 : i32
    %sign3A_308 = arith.cmpi slt, %jit3A_295, %sign3A_307 : i32
    %sign3A_309 = arith.extui %sign3A_308 : i1 to i32
    %sign3A_310 = arith.subi %sign3A_306, %sign3A_309 : i32
    %ne3A_311 = arith.cmpi ne, %sign3A_303, %sign3A_310 : i32
    %rem3A_312 = arith.remsi %mul3A_238, %jit3A_295 : i32
    %ne3A_313 = arith.constant 0 : i32
    %ne3A_314 = arith.cmpi ne, %rem3A_312, %ne3A_313 : i32
    %and3A_315 = arith.andi %ne3A_311, %ne3A_314 : i1
    %sub3A_316 = arith.constant 1 : i32
    %sub3A_317 = arith.subi %div3A_296, %sub3A_316 : i32
    %select_n3A_318 = arith.select %and3A_315, %sub3A_317, %div3A_296 : i32
    "tpu.region"() ({
      %run_scoped3A = tpu.sem_alloc : memref<!tpu.dma_semaphore, #tpu.memory_space<semaphore_mem>>
      %dma_start3A = arith.constant 0 : i32
      %dma_start3A_491 = tpu.memref_slice %arg3[%arg0, %select_n3A_318, %dma_start3A] : memref<2x5120x128xf32, #tpu.memory_space<hbm>> -> memref<1x64x128xf32, #tpu.memory_space<hbm>>
      %dma_start3A_492 = tpu.memref_squeeze %dma_start3A_491 : memref<1x64x128xf32, #tpu.memory_space<hbm>> -> memref<64x128xf32, #tpu.memory_space<hbm>>
      %dma_start3A_493 = arith.constant 0 : i32
      %dma_start3A_494 = tpu.memref_slice %arg3[%arg0, %select_n3A_318, %dma_start3A_493] : memref<2x5120x128xf32, #tpu.memory_space<hbm>> -> memref<1x64x128xf32, #tpu.memory_space<hbm>>
      %dma_start3A_495 = tpu.memref_squeeze %dma_start3A_494 : memref<1x64x128xf32, #tpu.memory_space<hbm>> -> memref<64x128xf32, #tpu.memory_space<hbm>>
      tpu.enqueue_dma source(%arg7 : memref<64x128xf32, #tpu.memory_space<vmem>>) target(%dma_start3A_495 : memref<64x128xf32, #tpu.memory_space<hbm>>) target_semaphore(%run_scoped3A : memref<!tpu.dma_semaphore, #tpu.memory_space<semaphore_mem>>)
      %dma_wait3A = arith.constant 0 : i32
      %dma_wait3A_496 = tpu.memref_slice %arg3[%arg0, %select_n3A_318, %dma_wait3A] : memref<2x5120x128xf32, #tpu.memory_space<hbm>> -> memref<1x64x128xf32, #tpu.memory_space<hbm>>
      %dma_wait3A_497 = tpu.memref_squeeze %dma_wait3A_496 : memref<1x64x128xf32, #tpu.memory_space<hbm>> -> memref<64x128xf32, #tpu.memory_space<hbm>>
      %dma_wait3A_498 = arith.constant 0 : i32
      %dma_wait3A_499 = tpu.memref_slice %arg3[%arg0, %select_n3A_318, %dma_wait3A_498] : memref<2x5120x128xf32, #tpu.memory_space<hbm>> -> memref<1x64x128xf32, #tpu.memory_space<hbm>>
      %dma_wait3A_500 = tpu.memref_squeeze %dma_wait3A_499 : memref<1x64x128xf32, #tpu.memory_space<hbm>> -> memref<64x128xf32, #tpu.memory_space<hbm>>
      tpu.wait_dma2 semaphore(%run_scoped3A : memref<!tpu.dma_semaphore, #tpu.memory_space<semaphore_mem>>) src(%arg7 : memref<64x128xf32, #tpu.memory_space<vmem>>) dst(%dma_wait3A_500 : memref<64x128xf32, #tpu.memory_space<hbm>>)
      tpu.yield
    }) : () -> ()
    %mul3A_319 = arith.constant 5 : i32
    %mul3A_320 = arith.muli %arg1, %mul3A_319 : i32
    %add3A_321 = arith.constant 3 : i32
    %add3A_322 = arith.addi %mul3A_320, %add3A_321 : i32
    %mul3A_323 = arith.constant 128 : i32
    %mul3A_324 = arith.muli %add3A_322, %mul3A_323 : i32
    "tpu.region"() ({
      %run_scoped3A = tpu.sem_alloc : memref<!tpu.dma_semaphore, #tpu.memory_space<semaphore_mem>>
      %dma_start3A = arith.constant 0 : i32
      %dma_start3A_491 = tpu.memref_slice %arg8[%mul3A_324, %dma_start3A] : memref<10240x16xf32, #tpu.memory_space<vmem_shared>> -> memref<128x16xf32, #tpu.memory_space<vmem_shared>>
      %dma_start3A_492 = arith.constant 0 : i32
      %dma_start3A_493 = tpu.memref_slice %arg8[%mul3A_324, %dma_start3A_492] : memref<10240x16xf32, #tpu.memory_space<vmem_shared>> -> memref<128x16xf32, #tpu.memory_space<vmem_shared>>
      tpu.enqueue_dma source(%dma_start3A_493 : memref<128x16xf32, #tpu.memory_space<vmem_shared>>) target(%arg6 : memref<128x16xf32, #tpu.memory_space<vmem>>) target_semaphore(%run_scoped3A : memref<!tpu.dma_semaphore, #tpu.memory_space<semaphore_mem>>)
      %dma_wait3A = arith.constant 0 : i32
      %dma_wait3A_494 = tpu.memref_slice %arg8[%mul3A_324, %dma_wait3A] : memref<10240x16xf32, #tpu.memory_space<vmem_shared>> -> memref<128x16xf32, #tpu.memory_space<vmem_shared>>
      %dma_wait3A_495 = arith.constant 0 : i32
      %dma_wait3A_496 = tpu.memref_slice %arg8[%mul3A_324, %dma_wait3A_495] : memref<10240x16xf32, #tpu.memory_space<vmem_shared>> -> memref<128x16xf32, #tpu.memory_space<vmem_shared>>
      tpu.wait_dma2 semaphore(%run_scoped3A : memref<!tpu.dma_semaphore, #tpu.memory_space<semaphore_mem>>) src(%dma_wait3A_496 : memref<128x16xf32, #tpu.memory_space<vmem_shared>>) dst(%arg6 : memref<128x16xf32, #tpu.memory_space<vmem>>)
      tpu.yield
    }) : () -> ()
    %add3A_325 = arith.constant 0 : i32
    %add3A_326 = vector.broadcast %add3A_325 : i32 to vector<16xi32>
    %add3A_327 = arith.addi %iota3A, %add3A_326 : vector<16xi32>
    %gather3A_328 = tpu.vector_load_idx %arg6[%add3A_327, %broadcast_in_dim3A_66] : memref<128x16xf32, #tpu.memory_space<vmem>>[vector<16xi32>, vector<16xi32>], vector<16xf32>,
    %add3A_329 = arith.constant 0 : i32
    %add3A_330 = vector.broadcast %add3A_329 : i32 to vector<16xi32>
    %add3A_331 = arith.addi %shift_right_logical3A_59, %add3A_330 : vector<16xi32>
    tpu.vector_store_idx %arg7[%add3A_331, %mul3A_64], %gather3A_328 : memref<64x128xf32, #tpu.memory_space<vmem>>[vector<16xi32>, vector<16xi32>], vector<16xf32>,
    %add3A_332 = arith.constant 16 : i32
    %add3A_333 = vector.broadcast %add3A_332 : i32 to vector<16xi32>
    %add3A_334 = arith.addi %iota3A, %add3A_333 : vector<16xi32>
    %gather3A_335 = tpu.vector_load_idx %arg6[%add3A_334, %broadcast_in_dim3A_66] : memref<128x16xf32, #tpu.memory_space<vmem>>[vector<16xi32>, vector<16xi32>], vector<16xf32>,
    %add3A_336 = arith.constant 8 : i32
    %add3A_337 = vector.broadcast %add3A_336 : i32 to vector<16xi32>
    %add3A_338 = arith.addi %shift_right_logical3A_59, %add3A_337 : vector<16xi32>
    tpu.vector_store_idx %arg7[%add3A_338, %mul3A_64], %gather3A_335 : memref<64x128xf32, #tpu.memory_space<vmem>>[vector<16xi32>, vector<16xi32>], vector<16xf32>,
    %add3A_339 = arith.constant 32 : i32
    %add3A_340 = vector.broadcast %add3A_339 : i32 to vector<16xi32>
    %add3A_341 = arith.addi %iota3A, %add3A_340 : vector<16xi32>
    %gather3A_342 = tpu.vector_load_idx %arg6[%add3A_341, %broadcast_in_dim3A_66] : memref<128x16xf32, #tpu.memory_space<vmem>>[vector<16xi32>, vector<16xi32>], vector<16xf32>,
    %add3A_343 = arith.constant 16 : i32
    %add3A_344 = vector.broadcast %add3A_343 : i32 to vector<16xi32>
    %add3A_345 = arith.addi %shift_right_logical3A_59, %add3A_344 : vector<16xi32>
    tpu.vector_store_idx %arg7[%add3A_345, %mul3A_64], %gather3A_342 : memref<64x128xf32, #tpu.memory_space<vmem>>[vector<16xi32>, vector<16xi32>], vector<16xf32>,
    %add3A_346 = arith.constant 48 : i32
    %add3A_347 = vector.broadcast %add3A_346 : i32 to vector<16xi32>
    %add3A_348 = arith.addi %iota3A, %add3A_347 : vector<16xi32>
    %gather3A_349 = tpu.vector_load_idx %arg6[%add3A_348, %broadcast_in_dim3A_66] : memref<128x16xf32, #tpu.memory_space<vmem>>[vector<16xi32>, vector<16xi32>], vector<16xf32>,
    %add3A_350 = arith.constant 24 : i32
    %add3A_351 = vector.broadcast %add3A_350 : i32 to vector<16xi32>
    %add3A_352 = arith.addi %shift_right_logical3A_59, %add3A_351 : vector<16xi32>
    tpu.vector_store_idx %arg7[%add3A_352, %mul3A_64], %gather3A_349 : memref<64x128xf32, #tpu.memory_space<vmem>>[vector<16xi32>, vector<16xi32>], vector<16xf32>,
    %add3A_353 = arith.constant 64 : i32
    %add3A_354 = vector.broadcast %add3A_353 : i32 to vector<16xi32>
    %add3A_355 = arith.addi %iota3A, %add3A_354 : vector<16xi32>
    %gather3A_356 = tpu.vector_load_idx %arg6[%add3A_355, %broadcast_in_dim3A_66] : memref<128x16xf32, #tpu.memory_space<vmem>>[vector<16xi32>, vector<16xi32>], vector<16xf32>,
    %add3A_357 = arith.constant 32 : i32
    %add3A_358 = vector.broadcast %add3A_357 : i32 to vector<16xi32>
    %add3A_359 = arith.addi %shift_right_logical3A_59, %add3A_358 : vector<16xi32>
    tpu.vector_store_idx %arg7[%add3A_359, %mul3A_64], %gather3A_356 : memref<64x128xf32, #tpu.memory_space<vmem>>[vector<16xi32>, vector<16xi32>], vector<16xf32>,
    %add3A_360 = arith.constant 80 : i32
    %add3A_361 = vector.broadcast %add3A_360 : i32 to vector<16xi32>
    %add3A_362 = arith.addi %iota3A, %add3A_361 : vector<16xi32>
    %gather3A_363 = tpu.vector_load_idx %arg6[%add3A_362, %broadcast_in_dim3A_66] : memref<128x16xf32, #tpu.memory_space<vmem>>[vector<16xi32>, vector<16xi32>], vector<16xf32>,
    %add3A_364 = arith.constant 40 : i32
    %add3A_365 = vector.broadcast %add3A_364 : i32 to vector<16xi32>
    %add3A_366 = arith.addi %shift_right_logical3A_59, %add3A_365 : vector<16xi32>
    tpu.vector_store_idx %arg7[%add3A_366, %mul3A_64], %gather3A_363 : memref<64x128xf32, #tpu.memory_space<vmem>>[vector<16xi32>, vector<16xi32>], vector<16xf32>,
    %add3A_367 = arith.constant 96 : i32
    %add3A_368 = vector.broadcast %add3A_367 : i32 to vector<16xi32>
    %add3A_369 = arith.addi %iota3A, %add3A_368 : vector<16xi32>
    %gather3A_370 = tpu.vector_load_idx %arg6[%add3A_369, %broadcast_in_dim3A_66] : memref<128x16xf32, #tpu.memory_space<vmem>>[vector<16xi32>, vector<16xi32>], vector<16xf32>,
    %add3A_371 = arith.constant 48 : i32
    %add3A_372 = vector.broadcast %add3A_371 : i32 to vector<16xi32>
    %add3A_373 = arith.addi %shift_right_logical3A_59, %add3A_372 : vector<16xi32>
    tpu.vector_store_idx %arg7[%add3A_373, %mul3A_64], %gather3A_370 : memref<64x128xf32, #tpu.memory_space<vmem>>[vector<16xi32>, vector<16xi32>], vector<16xf32>,
    %add3A_374 = arith.constant 112 : i32
    %add3A_375 = vector.broadcast %add3A_374 : i32 to vector<16xi32>
    %add3A_376 = arith.addi %iota3A, %add3A_375 : vector<16xi32>
    %gather3A_377 = tpu.vector_load_idx %arg6[%add3A_376, %broadcast_in_dim3A_66] : memref<128x16xf32, #tpu.memory_space<vmem>>[vector<16xi32>, vector<16xi32>], vector<16xf32>,
    %add3A_378 = arith.constant 56 : i32
    %add3A_379 = vector.broadcast %add3A_378 : i32 to vector<16xi32>
    %add3A_380 = arith.addi %shift_right_logical3A_59, %add3A_379 : vector<16xi32>
    tpu.vector_store_idx %arg7[%add3A_380, %mul3A_64], %gather3A_377 : memref<64x128xf32, #tpu.memory_space<vmem>>[vector<16xi32>, vector<16xi32>], vector<16xf32>,
    %jit3A_381 = arith.constant 2 : i32
    %div3A_382 = arith.divsi %mul3A_324, %jit3A_381 : i32
    %sign3A_383 = arith.constant 0 : i32
    %sign3A_384 = arith.cmpi sgt, %mul3A_324, %sign3A_383 : i32
    %sign3A_385 = arith.extui %sign3A_384 : i1 to i32
    %sign3A_386 = arith.constant 0 : i32
    %sign3A_387 = arith.cmpi slt, %mul3A_324, %sign3A_386 : i32
    %sign3A_388 = arith.extui %sign3A_387 : i1 to i32
    %sign3A_389 = arith.subi %sign3A_385, %sign3A_388 : i32
    %sign3A_390 = arith.constant 0 : i32
    %sign3A_391 = arith.cmpi sgt, %jit3A_381, %sign3A_390 : i32
    %sign3A_392 = arith.extui %sign3A_391 : i1 to i32
    %sign3A_393 = arith.constant 0 : i32
    %sign3A_394 = arith.cmpi slt, %jit3A_381, %sign3A_393 : i32
    %sign3A_395 = arith.extui %sign3A_394 : i1 to i32
    %sign3A_396 = arith.subi %sign3A_392, %sign3A_395 : i32
    %ne3A_397 = arith.cmpi ne, %sign3A_389, %sign3A_396 : i32
    %rem3A_398 = arith.remsi %mul3A_324, %jit3A_381 : i32
    %ne3A_399 = arith.constant 0 : i32
    %ne3A_400 = arith.cmpi ne, %rem3A_398, %ne3A_399 : i32
    %and3A_401 = arith.andi %ne3A_397, %ne3A_400 : i1
    %sub3A_402 = arith.constant 1 : i32
    %sub3A_403 = arith.subi %div3A_382, %sub3A_402 : i32
    %select_n3A_404 = arith.select %and3A_401, %sub3A_403, %div3A_382 : i32
    "tpu.region"() ({
      %run_scoped3A = tpu.sem_alloc : memref<!tpu.dma_semaphore, #tpu.memory_space<semaphore_mem>>
      %dma_start3A = arith.constant 0 : i32
      %dma_start3A_491 = tpu.memref_slice %arg3[%arg0, %select_n3A_404, %dma_start3A] : memref<2x5120x128xf32, #tpu.memory_space<hbm>> -> memref<1x64x128xf32, #tpu.memory_space<hbm>>
      %dma_start3A_492 = tpu.memref_squeeze %dma_start3A_491 : memref<1x64x128xf32, #tpu.memory_space<hbm>> -> memref<64x128xf32, #tpu.memory_space<hbm>>
      %dma_start3A_493 = arith.constant 0 : i32
      %dma_start3A_494 = tpu.memref_slice %arg3[%arg0, %select_n3A_404, %dma_start3A_493] : memref<2x5120x128xf32, #tpu.memory_space<hbm>> -> memref<1x64x128xf32, #tpu.memory_space<hbm>>
      %dma_start3A_495 = tpu.memref_squeeze %dma_start3A_494 : memref<1x64x128xf32, #tpu.memory_space<hbm>> -> memref<64x128xf32, #tpu.memory_space<hbm>>
      tpu.enqueue_dma source(%arg7 : memref<64x128xf32, #tpu.memory_space<vmem>>) target(%dma_start3A_495 : memref<64x128xf32, #tpu.memory_space<hbm>>) target_semaphore(%run_scoped3A : memref<!tpu.dma_semaphore, #tpu.memory_space<semaphore_mem>>)
      %dma_wait3A = arith.constant 0 : i32
      %dma_wait3A_496 = tpu.memref_slice %arg3[%arg0, %select_n3A_404, %dma_wait3A] : memref<2x5120x128xf32, #tpu.memory_space<hbm>> -> memref<1x64x128xf32, #tpu.memory_space<hbm>>
      %dma_wait3A_497 = tpu.memref_squeeze %dma_wait3A_496 : memref<1x64x128xf32, #tpu.memory_space<hbm>> -> memref<64x128xf32, #tpu.memory_space<hbm>>
      %dma_wait3A_498 = arith.constant 0 : i32
      %dma_wait3A_499 = tpu.memref_slice %arg3[%arg0, %select_n3A_404, %dma_wait3A_498] : memref<2x5120x128xf32, #tpu.memory_space<hbm>> -> memref<1x64x128xf32, #tpu.memory_space<hbm>>
      %dma_wait3A_500 = tpu.memref_squeeze %dma_wait3A_499 : memref<1x64x128xf32, #tpu.memory_space<hbm>> -> memref<64x128xf32, #tpu.memory_space<hbm>>
      tpu.wait_dma2 semaphore(%run_scoped3A : memref<!tpu.dma_semaphore, #tpu.memory_space<semaphore_mem>>) src(%arg7 : memref<64x128xf32, #tpu.memory_space<vmem>>) dst(%dma_wait3A_500 : memref<64x128xf32, #tpu.memory_space<hbm>>)
      tpu.yield
    }) : () -> ()
    %mul3A_405 = arith.constant 5 : i32
    %mul3A_406 = arith.muli %arg1, %mul3A_405 : i32
    %add3A_407 = arith.constant 4 : i32
    %add3A_408 = arith.addi %mul3A_406, %add3A_407 : i32
    %mul3A_409 = arith.constant 128 : i32
    %mul3A_410 = arith.muli %add3A_408, %mul3A_409 : i32
    "tpu.region"() ({
      %run_scoped3A = tpu.sem_alloc : memref<!tpu.dma_semaphore, #tpu.memory_space<semaphore_mem>>
      %dma_start3A = arith.constant 0 : i32
      %dma_start3A_491 = tpu.memref_slice %arg8[%mul3A_410, %dma_start3A] : memref<10240x16xf32, #tpu.memory_space<vmem_shared>> -> memref<128x16xf32, #tpu.memory_space<vmem_shared>>
      %dma_start3A_492 = arith.constant 0 : i32
      %dma_start3A_493 = tpu.memref_slice %arg8[%mul3A_410, %dma_start3A_492] : memref<10240x16xf32, #tpu.memory_space<vmem_shared>> -> memref<128x16xf32, #tpu.memory_space<vmem_shared>>
      tpu.enqueue_dma source(%dma_start3A_493 : memref<128x16xf32, #tpu.memory_space<vmem_shared>>) target(%arg6 : memref<128x16xf32, #tpu.memory_space<vmem>>) target_semaphore(%run_scoped3A : memref<!tpu.dma_semaphore, #tpu.memory_space<semaphore_mem>>)
      %dma_wait3A = arith.constant 0 : i32
      %dma_wait3A_494 = tpu.memref_slice %arg8[%mul3A_410, %dma_wait3A] : memref<10240x16xf32, #tpu.memory_space<vmem_shared>> -> memref<128x16xf32, #tpu.memory_space<vmem_shared>>
      %dma_wait3A_495 = arith.constant 0 : i32
      %dma_wait3A_496 = tpu.memref_slice %arg8[%mul3A_410, %dma_wait3A_495] : memref<10240x16xf32, #tpu.memory_space<vmem_shared>> -> memref<128x16xf32, #tpu.memory_space<vmem_shared>>
      tpu.wait_dma2 semaphore(%run_scoped3A : memref<!tpu.dma_semaphore, #tpu.memory_space<semaphore_mem>>) src(%dma_wait3A_496 : memref<128x16xf32, #tpu.memory_space<vmem_shared>>) dst(%arg6 : memref<128x16xf32, #tpu.memory_space<vmem>>)
      tpu.yield
    }) : () -> ()
    %add3A_411 = arith.constant 0 : i32
    %add3A_412 = vector.broadcast %add3A_411 : i32 to vector<16xi32>
    %add3A_413 = arith.addi %iota3A, %add3A_412 : vector<16xi32>
    %gather3A_414 = tpu.vector_load_idx %arg6[%add3A_413, %broadcast_in_dim3A_66] : memref<128x16xf32, #tpu.memory_space<vmem>>[vector<16xi32>, vector<16xi32>], vector<16xf32>,
    %add3A_415 = arith.constant 0 : i32
    %add3A_416 = vector.broadcast %add3A_415 : i32 to vector<16xi32>
    %add3A_417 = arith.addi %shift_right_logical3A_59, %add3A_416 : vector<16xi32>
    tpu.vector_store_idx %arg7[%add3A_417, %mul3A_64], %gather3A_414 : memref<64x128xf32, #tpu.memory_space<vmem>>[vector<16xi32>, vector<16xi32>], vector<16xf32>,
    %add3A_418 = arith.constant 16 : i32
    %add3A_419 = vector.broadcast %add3A_418 : i32 to vector<16xi32>
    %add3A_420 = arith.addi %iota3A, %add3A_419 : vector<16xi32>
    %gather3A_421 = tpu.vector_load_idx %arg6[%add3A_420, %broadcast_in_dim3A_66] : memref<128x16xf32, #tpu.memory_space<vmem>>[vector<16xi32>, vector<16xi32>], vector<16xf32>,
    %add3A_422 = arith.constant 8 : i32
    %add3A_423 = vector.broadcast %add3A_422 : i32 to vector<16xi32>
    %add3A_424 = arith.addi %shift_right_logical3A_59, %add3A_423 : vector<16xi32>
    tpu.vector_store_idx %arg7[%add3A_424, %mul3A_64], %gather3A_421 : memref<64x128xf32, #tpu.memory_space<vmem>>[vector<16xi32>, vector<16xi32>], vector<16xf32>,
    %add3A_425 = arith.constant 32 : i32
    %add3A_426 = vector.broadcast %add3A_425 : i32 to vector<16xi32>
    %add3A_427 = arith.addi %iota3A, %add3A_426 : vector<16xi32>
    %gather3A_428 = tpu.vector_load_idx %arg6[%add3A_427, %broadcast_in_dim3A_66] : memref<128x16xf32, #tpu.memory_space<vmem>>[vector<16xi32>, vector<16xi32>], vector<16xf32>,
    %add3A_429 = arith.constant 16 : i32
    %add3A_430 = vector.broadcast %add3A_429 : i32 to vector<16xi32>
    %add3A_431 = arith.addi %shift_right_logical3A_59, %add3A_430 : vector<16xi32>
    tpu.vector_store_idx %arg7[%add3A_431, %mul3A_64], %gather3A_428 : memref<64x128xf32, #tpu.memory_space<vmem>>[vector<16xi32>, vector<16xi32>], vector<16xf32>,
    %add3A_432 = arith.constant 48 : i32
    %add3A_433 = vector.broadcast %add3A_432 : i32 to vector<16xi32>
    %add3A_434 = arith.addi %iota3A, %add3A_433 : vector<16xi32>
    %gather3A_435 = tpu.vector_load_idx %arg6[%add3A_434, %broadcast_in_dim3A_66] : memref<128x16xf32, #tpu.memory_space<vmem>>[vector<16xi32>, vector<16xi32>], vector<16xf32>,
    %add3A_436 = arith.constant 24 : i32
    %add3A_437 = vector.broadcast %add3A_436 : i32 to vector<16xi32>
    %add3A_438 = arith.addi %shift_right_logical3A_59, %add3A_437 : vector<16xi32>
    tpu.vector_store_idx %arg7[%add3A_438, %mul3A_64], %gather3A_435 : memref<64x128xf32, #tpu.memory_space<vmem>>[vector<16xi32>, vector<16xi32>], vector<16xf32>,
    %add3A_439 = arith.constant 64 : i32
    %add3A_440 = vector.broadcast %add3A_439 : i32 to vector<16xi32>
    %add3A_441 = arith.addi %iota3A, %add3A_440 : vector<16xi32>
    %gather3A_442 = tpu.vector_load_idx %arg6[%add3A_441, %broadcast_in_dim3A_66] : memref<128x16xf32, #tpu.memory_space<vmem>>[vector<16xi32>, vector<16xi32>], vector<16xf32>,
    %add3A_443 = arith.constant 32 : i32
    %add3A_444 = vector.broadcast %add3A_443 : i32 to vector<16xi32>
    %add3A_445 = arith.addi %shift_right_logical3A_59, %add3A_444 : vector<16xi32>
    tpu.vector_store_idx %arg7[%add3A_445, %mul3A_64], %gather3A_442 : memref<64x128xf32, #tpu.memory_space<vmem>>[vector<16xi32>, vector<16xi32>], vector<16xf32>,
    %add3A_446 = arith.constant 80 : i32
    %add3A_447 = vector.broadcast %add3A_446 : i32 to vector<16xi32>
    %add3A_448 = arith.addi %iota3A, %add3A_447 : vector<16xi32>
    %gather3A_449 = tpu.vector_load_idx %arg6[%add3A_448, %broadcast_in_dim3A_66] : memref<128x16xf32, #tpu.memory_space<vmem>>[vector<16xi32>, vector<16xi32>], vector<16xf32>,
    %add3A_450 = arith.constant 40 : i32
    %add3A_451 = vector.broadcast %add3A_450 : i32 to vector<16xi32>
    %add3A_452 = arith.addi %shift_right_logical3A_59, %add3A_451 : vector<16xi32>
    tpu.vector_store_idx %arg7[%add3A_452, %mul3A_64], %gather3A_449 : memref<64x128xf32, #tpu.memory_space<vmem>>[vector<16xi32>, vector<16xi32>], vector<16xf32>,
    %add3A_453 = arith.constant 96 : i32
    %add3A_454 = vector.broadcast %add3A_453 : i32 to vector<16xi32>
    %add3A_455 = arith.addi %iota3A, %add3A_454 : vector<16xi32>
    %gather3A_456 = tpu.vector_load_idx %arg6[%add3A_455, %broadcast_in_dim3A_66] : memref<128x16xf32, #tpu.memory_space<vmem>>[vector<16xi32>, vector<16xi32>], vector<16xf32>,
    %add3A_457 = arith.constant 48 : i32
    %add3A_458 = vector.broadcast %add3A_457 : i32 to vector<16xi32>
    %add3A_459 = arith.addi %shift_right_logical3A_59, %add3A_458 : vector<16xi32>
    tpu.vector_store_idx %arg7[%add3A_459, %mul3A_64], %gather3A_456 : memref<64x128xf32, #tpu.memory_space<vmem>>[vector<16xi32>, vector<16xi32>], vector<16xf32>,
    %add3A_460 = arith.constant 112 : i32
    %add3A_461 = vector.broadcast %add3A_460 : i32 to vector<16xi32>
    %add3A_462 = arith.addi %iota3A, %add3A_461 : vector<16xi32>
    %gather3A_463 = tpu.vector_load_idx %arg6[%add3A_462, %broadcast_in_dim3A_66] : memref<128x16xf32, #tpu.memory_space<vmem>>[vector<16xi32>, vector<16xi32>], vector<16xf32>,
    %add3A_464 = arith.constant 56 : i32
    %add3A_465 = vector.broadcast %add3A_464 : i32 to vector<16xi32>
    %add3A_466 = arith.addi %shift_right_logical3A_59, %add3A_465 : vector<16xi32>
    tpu.vector_store_idx %arg7[%add3A_466, %mul3A_64], %gather3A_463 : memref<64x128xf32, #tpu.memory_space<vmem>>[vector<16xi32>, vector<16xi32>], vector<16xf32>,
    %jit3A_467 = arith.constant 2 : i32
    %div3A_468 = arith.divsi %mul3A_410, %jit3A_467 : i32
    %sign3A_469 = arith.constant 0 : i32
    %sign3A_470 = arith.cmpi sgt, %mul3A_410, %sign3A_469 : i32
    %sign3A_471 = arith.extui %sign3A_470 : i1 to i32
    %sign3A_472 = arith.constant 0 : i32
    %sign3A_473 = arith.cmpi slt, %mul3A_410, %sign3A_472 : i32
    %sign3A_474 = arith.extui %sign3A_473 : i1 to i32
    %sign3A_475 = arith.subi %sign3A_471, %sign3A_474 : i32
    %sign3A_476 = arith.constant 0 : i32
    %sign3A_477 = arith.cmpi sgt, %jit3A_467, %sign3A_476 : i32
    %sign3A_478 = arith.extui %sign3A_477 : i1 to i32
    %sign3A_479 = arith.constant 0 : i32
    %sign3A_480 = arith.cmpi slt, %jit3A_467, %sign3A_479 : i32
    %sign3A_481 = arith.extui %sign3A_480 : i1 to i32
    %sign3A_482 = arith.subi %sign3A_478, %sign3A_481 : i32
    %ne3A_483 = arith.cmpi ne, %sign3A_475, %sign3A_482 : i32
    %rem3A_484 = arith.remsi %mul3A_410, %jit3A_467 : i32
    %ne3A_485 = arith.constant 0 : i32
    %ne3A_486 = arith.cmpi ne, %rem3A_484, %ne3A_485 : i32
    %and3A_487 = arith.andi %ne3A_483, %ne3A_486 : i1
    %sub3A_488 = arith.constant 1 : i32
    %sub3A_489 = arith.subi %div3A_468, %sub3A_488 : i32
    %select_n3A_490 = arith.select %and3A_487, %sub3A_489, %div3A_468 : i32
    "tpu.region"() ({
      %run_scoped3A = tpu.sem_alloc : memref<!tpu.dma_semaphore, #tpu.memory_space<semaphore_mem>>
      %dma_start3A = arith.constant 0 : i32
      %dma_start3A_491 = tpu.memref_slice %arg3[%arg0, %select_n3A_490, %dma_start3A] : memref<2x5120x128xf32, #tpu.memory_space<hbm>> -> memref<1x64x128xf32, #tpu.memory_space<hbm>>
      %dma_start3A_492 = tpu.memref_squeeze %dma_start3A_491 : memref<1x64x128xf32, #tpu.memory_space<hbm>> -> memref<64x128xf32, #tpu.memory_space<hbm>>
      %dma_start3A_493 = arith.constant 0 : i32
      %dma_start3A_494 = tpu.memref_slice %arg3[%arg0, %select_n3A_490, %dma_start3A_493] : memref<2x5120x128xf32, #tpu.memory_space<hbm>> -> memref<1x64x128xf32, #tpu.memory_space<hbm>>
      %dma_start3A_495 = tpu.memref_squeeze %dma_start3A_494 : memref<1x64x128xf32, #tpu.memory_space<hbm>> -> memref<64x128xf32, #tpu.memory_space<hbm>>
      tpu.enqueue_dma source(%arg7 : memref<64x128xf32, #tpu.memory_space<vmem>>) target(%dma_start3A_495 : memref<64x128xf32, #tpu.memory_space<hbm>>) target_semaphore(%run_scoped3A : memref<!tpu.dma_semaphore, #tpu.memory_space<semaphore_mem>>)
      %dma_wait3A = arith.constant 0 : i32
      %dma_wait3A_496 = tpu.memref_slice %arg3[%arg0, %select_n3A_490, %dma_wait3A] : memref<2x5120x128xf32, #tpu.memory_space<hbm>> -> memref<1x64x128xf32, #tpu.memory_space<hbm>>
      %dma_wait3A_497 = tpu.memref_squeeze %dma_wait3A_496 : memref<1x64x128xf32, #tpu.memory_space<hbm>> -> memref<64x128xf32, #tpu.memory_space<hbm>>
      %dma_wait3A_498 = arith.constant 0 : i32
      %dma_wait3A_499 = tpu.memref_slice %arg3[%arg0, %select_n3A_490, %dma_wait3A_498] : memref<2x5120x128xf32, #tpu.memory_space<hbm>> -> memref<1x64x128xf32, #tpu.memory_space<hbm>>
      %dma_wait3A_500 = tpu.memref_squeeze %dma_wait3A_499 : memref<1x64x128xf32, #tpu.memory_space<hbm>> -> memref<64x128xf32, #tpu.memory_space<hbm>>
      tpu.wait_dma2 semaphore(%run_scoped3A : memref<!tpu.dma_semaphore, #tpu.memory_space<semaphore_mem>>) src(%arg7 : memref<64x128xf32, #tpu.memory_space<vmem>>) dst(%dma_wait3A_500 : memref<64x128xf32, #tpu.memory_space<hbm>>)
      tpu.yield
    }) : () -> ()
    return
  }
}

#map = affine_map<(d0, d1) -> (0, 0, 0)>
#map1 = affine_map<(d0, d1) -> (0, 0)>
module attributes {stable_mosaic.version = 14 : i64} {
  func.func @_sc_conv(%arg0: i32, %arg1: i32, %arg2: memref<32x80x128xi32, #tpu.memory_space<hbm>>, %arg3: memref<32x80x128xi32, #tpu.memory_space<hbm>>, %arg4: memref<10240x64xf32, #tpu.memory_space<hbm>>, %arg5: memref<2x10240x64xf32, #tpu.memory_space<hbm>>, %arg6: memref<80x128xi32, #tpu.memory_space<vmem>>, %arg7: memref<80x128xi32, #tpu.memory_space<vmem>>, %arg8: memref<128x64xf32, #tpu.memory_space<vmem>>, %arg9: memref<128x64xf32, #tpu.memory_space<vmem>>, %arg10: memref<128x64xf32, #tpu.memory_space<vmem>>, %arg11: memref<128x64xf32, #tpu.memory_space<vmem>>, %arg12: memref<128x64xf32, #tpu.memory_space<vmem>>, %arg13: memref<10240x64xf32, #tpu.memory_space<vmem_shared>>, %arg14: memref<!tpu.dma_semaphore, #tpu.memory_space<semaphore_mem>>, %arg15: memref<!tpu.dma_semaphore, #tpu.memory_space<semaphore_mem>>, %arg16: memref<!tpu.dma_semaphore, #tpu.memory_space<semaphore_mem>>, %arg17: memref<!tpu.dma_semaphore, #tpu.memory_space<semaphore_mem>>, %arg18: memref<!tpu.dma_semaphore, #tpu.memory_space<semaphore_mem>>) attributes {dimension_semantics = [#tpu.dimension_semantics<core_parallel>, #tpu.dimension_semantics<subcore_parallel>], iteration_bounds = array<i64: 2, 16>, scalar_prefetch = 0 : i64, scratch_operands = 13 : i64, tpu.core_type = #tpu.core_type<sc_vector_subcore>, window_params = [{transform_indices = #map}, {transform_indices = #map}, {transform_indices = #map1}, {transform_indices = #map}]} {
    %mul3A = arith.constant 16 : i32
    %mul3A_0 = arith.muli %arg0, %mul3A : i32
    %add3A = arith.addi %mul3A_0, %arg1 : i32
    %broadcast_in_dim3A = arith.constant 0.000000e+00 : f32
    %broadcast_in_dim3A_1 = vector.broadcast %broadcast_in_dim3A : f32 to vector<16xf32>
    %scan3A = arith.constant 0 : i32
    %scan3A_2 = arith.constant 0 : i32
    %scan3A_3 = arith.constant 128 : i32
    %scan3A_4 = arith.addi %scan3A_2, %scan3A_3 : i32
    %scan3A_5 = arith.constant 1 : i32
    %scan3A_6 = scf.for %scan3A_203 = %scan3A_2 to %scan3A_4 step %scan3A_5 iter_args(%scan3A_204 = %scan3A) -> (i32)  : i32 {
      %swap3A = arith.index_cast %scan3A_203 : i32 to index
      %swap3A_205 = arith.constant 0 : index
      %swap3A_206 = tpu.vector_load %arg12[%swap3A, %swap3A_205] {strides = array<i32>} : memref<128x64xf32, #tpu.memory_space<vmem>>, vector<16xf32>,
      tpu.vector_store %arg12[%swap3A, %swap3A_205], %broadcast_in_dim3A_1 {strides = array<i32>} : memref<128x64xf32, #tpu.memory_space<vmem>>, vector<16xf32>,
      %swap3A_207 = arith.index_cast %scan3A_203 : i32 to index
      %swap3A_208 = arith.constant 16 : index
      %swap3A_209 = tpu.vector_load %arg12[%swap3A_207, %swap3A_208] {strides = array<i32>} : memref<128x64xf32, #tpu.memory_space<vmem>>, vector<16xf32>,
      tpu.vector_store %arg12[%swap3A_207, %swap3A_208], %broadcast_in_dim3A_1 {strides = array<i32>} : memref<128x64xf32, #tpu.memory_space<vmem>>, vector<16xf32>,
      %swap3A_210 = arith.index_cast %scan3A_203 : i32 to index
      %swap3A_211 = arith.constant 32 : index
      %swap3A_212 = tpu.vector_load %arg12[%swap3A_210, %swap3A_211] {strides = array<i32>} : memref<128x64xf32, #tpu.memory_space<vmem>>, vector<16xf32>,
      tpu.vector_store %arg12[%swap3A_210, %swap3A_211], %broadcast_in_dim3A_1 {strides = array<i32>} : memref<128x64xf32, #tpu.memory_space<vmem>>, vector<16xf32>,
      %swap3A_213 = arith.index_cast %scan3A_203 : i32 to index
      %swap3A_214 = arith.constant 48 : index
      %swap3A_215 = tpu.vector_load %arg12[%swap3A_213, %swap3A_214] {strides = array<i32>} : memref<128x64xf32, #tpu.memory_space<vmem>>, vector<16xf32>,
      tpu.vector_store %arg12[%swap3A_213, %swap3A_214], %broadcast_in_dim3A_1 {strides = array<i32>} : memref<128x64xf32, #tpu.memory_space<vmem>>, vector<16xf32>,
      %scan3A_216 = arith.constant 0 : i32
      scf.yield %scan3A_216 : i32
    }
    %scan3A_7 = arith.constant 128 : i32
    %mul3A_8 = arith.constant 5 : i32
    %mul3A_9 = arith.muli %arg1, %mul3A_8 : i32
    %add3A_10 = arith.constant 0 : i32
    %add3A_11 = arith.addi %mul3A_9, %add3A_10 : i32
    %mul3A_12 = arith.constant 128 : i32
    %mul3A_13 = arith.muli %add3A_11, %mul3A_12 : i32
    "tpu.region"() ({
      %run_scoped3A_203 = tpu.sem_alloc : memref<!tpu.dma_semaphore, #tpu.memory_space<semaphore_mem>>
      %dma_start3A_204 = arith.constant 0 : i32
      %dma_start3A_205 = tpu.memref_slice %arg13[%mul3A_13, %dma_start3A_204] : memref<10240x64xf32, #tpu.memory_space<vmem_shared>> -> memref<128x64xf32, #tpu.memory_space<vmem_shared>>
      %dma_start3A_206 = arith.constant 0 : i32
      %dma_start3A_207 = tpu.memref_slice %arg13[%mul3A_13, %dma_start3A_206] : memref<10240x64xf32, #tpu.memory_space<vmem_shared>> -> memref<128x64xf32, #tpu.memory_space<vmem_shared>>
      tpu.enqueue_dma source(%arg12 : memref<128x64xf32, #tpu.memory_space<vmem>>) target(%dma_start3A_207 : memref<128x64xf32, #tpu.memory_space<vmem_shared>>) target_semaphore(%run_scoped3A_203 : memref<!tpu.dma_semaphore, #tpu.memory_space<semaphore_mem>>)
      %dma_wait3A_208 = arith.constant 0 : i32
      %dma_wait3A_209 = tpu.memref_slice %arg13[%mul3A_13, %dma_wait3A_208] : memref<10240x64xf32, #tpu.memory_space<vmem_shared>> -> memref<128x64xf32, #tpu.memory_space<vmem_shared>>
      %dma_wait3A_210 = arith.constant 0 : i32
      %dma_wait3A_211 = tpu.memref_slice %arg13[%mul3A_13, %dma_wait3A_210] : memref<10240x64xf32, #tpu.memory_space<vmem_shared>> -> memref<128x64xf32, #tpu.memory_space<vmem_shared>>
      tpu.wait_dma2 semaphore(%run_scoped3A_203 : memref<!tpu.dma_semaphore, #tpu.memory_space<semaphore_mem>>) src(%arg12 : memref<128x64xf32, #tpu.memory_space<vmem>>) dst(%dma_wait3A_211 : memref<128x64xf32, #tpu.memory_space<vmem_shared>>)
      tpu.yield
    }) : () -> ()
    %mul3A_14 = arith.constant 5 : i32
    %mul3A_15 = arith.muli %arg1, %mul3A_14 : i32
    %add3A_16 = arith.constant 1 : i32
    %add3A_17 = arith.addi %mul3A_15, %add3A_16 : i32
    %mul3A_18 = arith.constant 128 : i32
    %mul3A_19 = arith.muli %add3A_17, %mul3A_18 : i32
    "tpu.region"() ({
      %run_scoped3A_203 = tpu.sem_alloc : memref<!tpu.dma_semaphore, #tpu.memory_space<semaphore_mem>>
      %dma_start3A_204 = arith.constant 0 : i32
      %dma_start3A_205 = tpu.memref_slice %arg13[%mul3A_19, %dma_start3A_204] : memref<10240x64xf32, #tpu.memory_space<vmem_shared>> -> memref<128x64xf32, #tpu.memory_space<vmem_shared>>
      %dma_start3A_206 = arith.constant 0 : i32
      %dma_start3A_207 = tpu.memref_slice %arg13[%mul3A_19, %dma_start3A_206] : memref<10240x64xf32, #tpu.memory_space<vmem_shared>> -> memref<128x64xf32, #tpu.memory_space<vmem_shared>>
      tpu.enqueue_dma source(%arg12 : memref<128x64xf32, #tpu.memory_space<vmem>>) target(%dma_start3A_207 : memref<128x64xf32, #tpu.memory_space<vmem_shared>>) target_semaphore(%run_scoped3A_203 : memref<!tpu.dma_semaphore, #tpu.memory_space<semaphore_mem>>)
      %dma_wait3A_208 = arith.constant 0 : i32
      %dma_wait3A_209 = tpu.memref_slice %arg13[%mul3A_19, %dma_wait3A_208] : memref<10240x64xf32, #tpu.memory_space<vmem_shared>> -> memref<128x64xf32, #tpu.memory_space<vmem_shared>>
      %dma_wait3A_210 = arith.constant 0 : i32
      %dma_wait3A_211 = tpu.memref_slice %arg13[%mul3A_19, %dma_wait3A_210] : memref<10240x64xf32, #tpu.memory_space<vmem_shared>> -> memref<128x64xf32, #tpu.memory_space<vmem_shared>>
      tpu.wait_dma2 semaphore(%run_scoped3A_203 : memref<!tpu.dma_semaphore, #tpu.memory_space<semaphore_mem>>) src(%arg12 : memref<128x64xf32, #tpu.memory_space<vmem>>) dst(%dma_wait3A_211 : memref<128x64xf32, #tpu.memory_space<vmem_shared>>)
      tpu.yield
    }) : () -> ()
    %mul3A_20 = arith.constant 5 : i32
    %mul3A_21 = arith.muli %arg1, %mul3A_20 : i32
    %add3A_22 = arith.constant 2 : i32
    %add3A_23 = arith.addi %mul3A_21, %add3A_22 : i32
    %mul3A_24 = arith.constant 128 : i32
    %mul3A_25 = arith.muli %add3A_23, %mul3A_24 : i32
    "tpu.region"() ({
      %run_scoped3A_203 = tpu.sem_alloc : memref<!tpu.dma_semaphore, #tpu.memory_space<semaphore_mem>>
      %dma_start3A_204 = arith.constant 0 : i32
      %dma_start3A_205 = tpu.memref_slice %arg13[%mul3A_25, %dma_start3A_204] : memref<10240x64xf32, #tpu.memory_space<vmem_shared>> -> memref<128x64xf32, #tpu.memory_space<vmem_shared>>
      %dma_start3A_206 = arith.constant 0 : i32
      %dma_start3A_207 = tpu.memref_slice %arg13[%mul3A_25, %dma_start3A_206] : memref<10240x64xf32, #tpu.memory_space<vmem_shared>> -> memref<128x64xf32, #tpu.memory_space<vmem_shared>>
      tpu.enqueue_dma source(%arg12 : memref<128x64xf32, #tpu.memory_space<vmem>>) target(%dma_start3A_207 : memref<128x64xf32, #tpu.memory_space<vmem_shared>>) target_semaphore(%run_scoped3A_203 : memref<!tpu.dma_semaphore, #tpu.memory_space<semaphore_mem>>)
      %dma_wait3A_208 = arith.constant 0 : i32
      %dma_wait3A_209 = tpu.memref_slice %arg13[%mul3A_25, %dma_wait3A_208] : memref<10240x64xf32, #tpu.memory_space<vmem_shared>> -> memref<128x64xf32, #tpu.memory_space<vmem_shared>>
      %dma_wait3A_210 = arith.constant 0 : i32
      %dma_wait3A_211 = tpu.memref_slice %arg13[%mul3A_25, %dma_wait3A_210] : memref<10240x64xf32, #tpu.memory_space<vmem_shared>> -> memref<128x64xf32, #tpu.memory_space<vmem_shared>>
      tpu.wait_dma2 semaphore(%run_scoped3A_203 : memref<!tpu.dma_semaphore, #tpu.memory_space<semaphore_mem>>) src(%arg12 : memref<128x64xf32, #tpu.memory_space<vmem>>) dst(%dma_wait3A_211 : memref<128x64xf32, #tpu.memory_space<vmem_shared>>)
      tpu.yield
    }) : () -> ()
    %mul3A_26 = arith.constant 5 : i32
    %mul3A_27 = arith.muli %arg1, %mul3A_26 : i32
    %add3A_28 = arith.constant 3 : i32
    %add3A_29 = arith.addi %mul3A_27, %add3A_28 : i32
    %mul3A_30 = arith.constant 128 : i32
    %mul3A_31 = arith.muli %add3A_29, %mul3A_30 : i32
    "tpu.region"() ({
      %run_scoped3A_203 = tpu.sem_alloc : memref<!tpu.dma_semaphore, #tpu.memory_space<semaphore_mem>>
      %dma_start3A_204 = arith.constant 0 : i32
      %dma_start3A_205 = tpu.memref_slice %arg13[%mul3A_31, %dma_start3A_204] : memref<10240x64xf32, #tpu.memory_space<vmem_shared>> -> memref<128x64xf32, #tpu.memory_space<vmem_shared>>
      %dma_start3A_206 = arith.constant 0 : i32
      %dma_start3A_207 = tpu.memref_slice %arg13[%mul3A_31, %dma_start3A_206] : memref<10240x64xf32, #tpu.memory_space<vmem_shared>> -> memref<128x64xf32, #tpu.memory_space<vmem_shared>>
      tpu.enqueue_dma source(%arg12 : memref<128x64xf32, #tpu.memory_space<vmem>>) target(%dma_start3A_207 : memref<128x64xf32, #tpu.memory_space<vmem_shared>>) target_semaphore(%run_scoped3A_203 : memref<!tpu.dma_semaphore, #tpu.memory_space<semaphore_mem>>)
      %dma_wait3A_208 = arith.constant 0 : i32
      %dma_wait3A_209 = tpu.memref_slice %arg13[%mul3A_31, %dma_wait3A_208] : memref<10240x64xf32, #tpu.memory_space<vmem_shared>> -> memref<128x64xf32, #tpu.memory_space<vmem_shared>>
      %dma_wait3A_210 = arith.constant 0 : i32
      %dma_wait3A_211 = tpu.memref_slice %arg13[%mul3A_31, %dma_wait3A_210] : memref<10240x64xf32, #tpu.memory_space<vmem_shared>> -> memref<128x64xf32, #tpu.memory_space<vmem_shared>>
      tpu.wait_dma2 semaphore(%run_scoped3A_203 : memref<!tpu.dma_semaphore, #tpu.memory_space<semaphore_mem>>) src(%arg12 : memref<128x64xf32, #tpu.memory_space<vmem>>) dst(%dma_wait3A_211 : memref<128x64xf32, #tpu.memory_space<vmem_shared>>)
      tpu.yield
    }) : () -> ()
    %mul3A_32 = arith.constant 5 : i32
    %mul3A_33 = arith.muli %arg1, %mul3A_32 : i32
    %add3A_34 = arith.constant 4 : i32
    %add3A_35 = arith.addi %mul3A_33, %add3A_34 : i32
    %mul3A_36 = arith.constant 128 : i32
    %mul3A_37 = arith.muli %add3A_35, %mul3A_36 : i32
    "tpu.region"() ({
      %run_scoped3A_203 = tpu.sem_alloc : memref<!tpu.dma_semaphore, #tpu.memory_space<semaphore_mem>>
      %dma_start3A_204 = arith.constant 0 : i32
      %dma_start3A_205 = tpu.memref_slice %arg13[%mul3A_37, %dma_start3A_204] : memref<10240x64xf32, #tpu.memory_space<vmem_shared>> -> memref<128x64xf32, #tpu.memory_space<vmem_shared>>
      %dma_start3A_206 = arith.constant 0 : i32
      %dma_start3A_207 = tpu.memref_slice %arg13[%mul3A_37, %dma_start3A_206] : memref<10240x64xf32, #tpu.memory_space<vmem_shared>> -> memref<128x64xf32, #tpu.memory_space<vmem_shared>>
      tpu.enqueue_dma source(%arg12 : memref<128x64xf32, #tpu.memory_space<vmem>>) target(%dma_start3A_207 : memref<128x64xf32, #tpu.memory_space<vmem_shared>>) target_semaphore(%run_scoped3A_203 : memref<!tpu.dma_semaphore, #tpu.memory_space<semaphore_mem>>)
      %dma_wait3A_208 = arith.constant 0 : i32
      %dma_wait3A_209 = tpu.memref_slice %arg13[%mul3A_37, %dma_wait3A_208] : memref<10240x64xf32, #tpu.memory_space<vmem_shared>> -> memref<128x64xf32, #tpu.memory_space<vmem_shared>>
      %dma_wait3A_210 = arith.constant 0 : i32
      %dma_wait3A_211 = tpu.memref_slice %arg13[%mul3A_37, %dma_wait3A_210] : memref<10240x64xf32, #tpu.memory_space<vmem_shared>> -> memref<128x64xf32, #tpu.memory_space<vmem_shared>>
      tpu.wait_dma2 semaphore(%run_scoped3A_203 : memref<!tpu.dma_semaphore, #tpu.memory_space<semaphore_mem>>) src(%arg12 : memref<128x64xf32, #tpu.memory_space<vmem>>) dst(%dma_wait3A_211 : memref<128x64xf32, #tpu.memory_space<vmem_shared>>)
      tpu.yield
    }) : () -> ()
    %barrier3A = arith.constant 0 : index
    tpu.barrier barrier_id(%barrier3A)
    "tpu.region"() ({
      %run_scoped3A_203 = tpu.sem_alloc : memref<!tpu.dma_semaphore, #tpu.memory_space<semaphore_mem>>
      %dma_start3A_204 = arith.constant 0 : i32
      %dma_start3A_205 = arith.constant 0 : i32
      %dma_start3A_206 = tpu.memref_slice %arg2[%add3A, %dma_start3A_204, %dma_start3A_205] : memref<32x80x128xi32, #tpu.memory_space<hbm>> -> memref<1x80x128xi32, #tpu.memory_space<hbm>>
      %dma_start3A_207 = tpu.memref_squeeze %dma_start3A_206 : memref<1x80x128xi32, #tpu.memory_space<hbm>> -> memref<80x128xi32, #tpu.memory_space<hbm>>
      %dma_start3A_208 = arith.constant 0 : i32
      %dma_start3A_209 = arith.constant 0 : i32
      %dma_start3A_210 = tpu.memref_slice %arg2[%add3A, %dma_start3A_208, %dma_start3A_209] : memref<32x80x128xi32, #tpu.memory_space<hbm>> -> memref<1x80x128xi32, #tpu.memory_space<hbm>>
      %dma_start3A_211 = tpu.memref_squeeze %dma_start3A_210 : memref<1x80x128xi32, #tpu.memory_space<hbm>> -> memref<80x128xi32, #tpu.memory_space<hbm>>
      tpu.enqueue_dma source(%dma_start3A_211 : memref<80x128xi32, #tpu.memory_space<hbm>>) target(%arg6 : memref<80x128xi32, #tpu.memory_space<vmem>>) target_semaphore(%run_scoped3A_203 : memref<!tpu.dma_semaphore, #tpu.memory_space<semaphore_mem>>)
      %dma_wait3A_212 = arith.constant 0 : i32
      %dma_wait3A_213 = arith.constant 0 : i32
      %dma_wait3A_214 = tpu.memref_slice %arg2[%add3A, %dma_wait3A_212, %dma_wait3A_213] : memref<32x80x128xi32, #tpu.memory_space<hbm>> -> memref<1x80x128xi32, #tpu.memory_space<hbm>>
      %dma_wait3A_215 = tpu.memref_squeeze %dma_wait3A_214 : memref<1x80x128xi32, #tpu.memory_space<hbm>> -> memref<80x128xi32, #tpu.memory_space<hbm>>
      %dma_wait3A_216 = arith.constant 0 : i32
      %dma_wait3A_217 = arith.constant 0 : i32
      %dma_wait3A_218 = tpu.memref_slice %arg2[%add3A, %dma_wait3A_216, %dma_wait3A_217] : memref<32x80x128xi32, #tpu.memory_space<hbm>> -> memref<1x80x128xi32, #tpu.memory_space<hbm>>
      %dma_wait3A_219 = tpu.memref_squeeze %dma_wait3A_218 : memref<1x80x128xi32, #tpu.memory_space<hbm>> -> memref<80x128xi32, #tpu.memory_space<hbm>>
      tpu.wait_dma2 semaphore(%run_scoped3A_203 : memref<!tpu.dma_semaphore, #tpu.memory_space<semaphore_mem>>) src(%dma_wait3A_219 : memref<80x128xi32, #tpu.memory_space<hbm>>) dst(%arg6 : memref<80x128xi32, #tpu.memory_space<vmem>>)
      tpu.yield
    }) : () -> ()
    "tpu.region"() ({
      %run_scoped3A_203 = tpu.sem_alloc : memref<!tpu.dma_semaphore, #tpu.memory_space<semaphore_mem>>
      %dma_start3A_204 = arith.constant 0 : i32
      %dma_start3A_205 = arith.constant 0 : i32
      %dma_start3A_206 = tpu.memref_slice %arg3[%add3A, %dma_start3A_204, %dma_start3A_205] : memref<32x80x128xi32, #tpu.memory_space<hbm>> -> memref<1x80x128xi32, #tpu.memory_space<hbm>>
      %dma_start3A_207 = tpu.memref_squeeze %dma_start3A_206 : memref<1x80x128xi32, #tpu.memory_space<hbm>> -> memref<80x128xi32, #tpu.memory_space<hbm>>
      %dma_start3A_208 = arith.constant 0 : i32
      %dma_start3A_209 = arith.constant 0 : i32
      %dma_start3A_210 = tpu.memref_slice %arg3[%add3A, %dma_start3A_208, %dma_start3A_209] : memref<32x80x128xi32, #tpu.memory_space<hbm>> -> memref<1x80x128xi32, #tpu.memory_space<hbm>>
      %dma_start3A_211 = tpu.memref_squeeze %dma_start3A_210 : memref<1x80x128xi32, #tpu.memory_space<hbm>> -> memref<80x128xi32, #tpu.memory_space<hbm>>
      tpu.enqueue_dma source(%dma_start3A_211 : memref<80x128xi32, #tpu.memory_space<hbm>>) target(%arg7 : memref<80x128xi32, #tpu.memory_space<vmem>>) target_semaphore(%run_scoped3A_203 : memref<!tpu.dma_semaphore, #tpu.memory_space<semaphore_mem>>)
      %dma_wait3A_212 = arith.constant 0 : i32
      %dma_wait3A_213 = arith.constant 0 : i32
      %dma_wait3A_214 = tpu.memref_slice %arg3[%add3A, %dma_wait3A_212, %dma_wait3A_213] : memref<32x80x128xi32, #tpu.memory_space<hbm>> -> memref<1x80x128xi32, #tpu.memory_space<hbm>>
      %dma_wait3A_215 = tpu.memref_squeeze %dma_wait3A_214 : memref<1x80x128xi32, #tpu.memory_space<hbm>> -> memref<80x128xi32, #tpu.memory_space<hbm>>
      %dma_wait3A_216 = arith.constant 0 : i32
      %dma_wait3A_217 = arith.constant 0 : i32
      %dma_wait3A_218 = tpu.memref_slice %arg3[%add3A, %dma_wait3A_216, %dma_wait3A_217] : memref<32x80x128xi32, #tpu.memory_space<hbm>> -> memref<1x80x128xi32, #tpu.memory_space<hbm>>
      %dma_wait3A_219 = tpu.memref_squeeze %dma_wait3A_218 : memref<1x80x128xi32, #tpu.memory_space<hbm>> -> memref<80x128xi32, #tpu.memory_space<hbm>>
      tpu.wait_dma2 semaphore(%run_scoped3A_203 : memref<!tpu.dma_semaphore, #tpu.memory_space<semaphore_mem>>) src(%dma_wait3A_219 : memref<80x128xi32, #tpu.memory_space<hbm>>) dst(%arg7 : memref<80x128xi32, #tpu.memory_space<vmem>>)
      tpu.yield
    }) : () -> ()
    %dma_start3A = arith.constant 0 : i32
    %dma_start3A_38 = arith.constant 0 : i32
    %dma_start3A_39 = tpu.memref_slice %arg6[%dma_start3A, %dma_start3A_38] : memref<80x128xi32, #tpu.memory_space<vmem>> -> memref<1x128xi32, #tpu.memory_space<vmem>>
    %dma_start3A_40 = tpu.memref_squeeze %dma_start3A_39 : memref<1x128xi32, #tpu.memory_space<vmem>> -> memref<128xi32, #tpu.memory_space<vmem>>
    %dma_start3A_41 = arith.constant 0 : i32
    %dma_start3A_42 = arith.constant 0 : i32
    %dma_start3A_43 = tpu.memref_slice %arg4[%dma_start3A_41, %dma_start3A_42] : memref<10240x64xf32, #tpu.memory_space<hbm>> -> memref<10240x64xf32, #tpu.memory_space<hbm>>
    tpu.enqueue_indirect_dma source(%dma_start3A_43 : memref<10240x64xf32, #tpu.memory_space<hbm>>) target(%arg8 : memref<128x64xf32, #tpu.memory_space<vmem>>) offsets(%dma_start3A_40 : memref<128xi32, #tpu.memory_space<vmem>>) semaphore(%arg14 : memref<!tpu.dma_semaphore, #tpu.memory_space<semaphore_mem>>)
    %dma_start3A_44 = arith.constant 1 : i32
    %dma_start3A_45 = arith.constant 0 : i32
    %dma_start3A_46 = tpu.memref_slice %arg6[%dma_start3A_44, %dma_start3A_45] : memref<80x128xi32, #tpu.memory_space<vmem>> -> memref<1x128xi32, #tpu.memory_space<vmem>>
    %dma_start3A_47 = tpu.memref_squeeze %dma_start3A_46 : memref<1x128xi32, #tpu.memory_space<vmem>> -> memref<128xi32, #tpu.memory_space<vmem>>
    %dma_start3A_48 = arith.constant 0 : i32
    %dma_start3A_49 = arith.constant 0 : i32
    %dma_start3A_50 = tpu.memref_slice %arg4[%dma_start3A_48, %dma_start3A_49] : memref<10240x64xf32, #tpu.memory_space<hbm>> -> memref<10240x64xf32, #tpu.memory_space<hbm>>
    tpu.enqueue_indirect_dma source(%dma_start3A_50 : memref<10240x64xf32, #tpu.memory_space<hbm>>) target(%arg9 : memref<128x64xf32, #tpu.memory_space<vmem>>) offsets(%dma_start3A_47 : memref<128xi32, #tpu.memory_space<vmem>>) semaphore(%arg15 : memref<!tpu.dma_semaphore, #tpu.memory_space<semaphore_mem>>)
    %dma_start3A_51 = arith.constant 2 : i32
    %dma_start3A_52 = arith.constant 0 : i32
    %dma_start3A_53 = tpu.memref_slice %arg6[%dma_start3A_51, %dma_start3A_52] : memref<80x128xi32, #tpu.memory_space<vmem>> -> memref<1x128xi32, #tpu.memory_space<vmem>>
    %dma_start3A_54 = tpu.memref_squeeze %dma_start3A_53 : memref<1x128xi32, #tpu.memory_space<vmem>> -> memref<128xi32, #tpu.memory_space<vmem>>
    %dma_start3A_55 = arith.constant 0 : i32
    %dma_start3A_56 = arith.constant 0 : i32
    %dma_start3A_57 = tpu.memref_slice %arg4[%dma_start3A_55, %dma_start3A_56] : memref<10240x64xf32, #tpu.memory_space<hbm>> -> memref<10240x64xf32, #tpu.memory_space<hbm>>
    tpu.enqueue_indirect_dma source(%dma_start3A_57 : memref<10240x64xf32, #tpu.memory_space<hbm>>) target(%arg10 : memref<128x64xf32, #tpu.memory_space<vmem>>) offsets(%dma_start3A_54 : memref<128xi32, #tpu.memory_space<vmem>>) semaphore(%arg16 : memref<!tpu.dma_semaphore, #tpu.memory_space<semaphore_mem>>)
    %dma_start3A_58 = arith.constant 3 : i32
    %dma_start3A_59 = arith.constant 0 : i32
    %dma_start3A_60 = tpu.memref_slice %arg6[%dma_start3A_58, %dma_start3A_59] : memref<80x128xi32, #tpu.memory_space<vmem>> -> memref<1x128xi32, #tpu.memory_space<vmem>>
    %dma_start3A_61 = tpu.memref_squeeze %dma_start3A_60 : memref<1x128xi32, #tpu.memory_space<vmem>> -> memref<128xi32, #tpu.memory_space<vmem>>
    %dma_start3A_62 = arith.constant 0 : i32
    %dma_start3A_63 = arith.constant 0 : i32
    %dma_start3A_64 = tpu.memref_slice %arg4[%dma_start3A_62, %dma_start3A_63] : memref<10240x64xf32, #tpu.memory_space<hbm>> -> memref<10240x64xf32, #tpu.memory_space<hbm>>
    tpu.enqueue_indirect_dma source(%dma_start3A_64 : memref<10240x64xf32, #tpu.memory_space<hbm>>) target(%arg11 : memref<128x64xf32, #tpu.memory_space<vmem>>) offsets(%dma_start3A_61 : memref<128xi32, #tpu.memory_space<vmem>>) semaphore(%arg17 : memref<!tpu.dma_semaphore, #tpu.memory_space<semaphore_mem>>)
    %scan3A_65 = arith.constant 0 : i32
    %scan3A_66 = arith.constant 0 : i32
    %scan3A_67 = arith.constant 19 : i32
    %scan3A_68 = arith.addi %scan3A_66, %scan3A_67 : i32
    %scan3A_69 = arith.constant 1 : i32
    %scan3A_70 = scf.for %scan3A_203 = %scan3A_66 to %scan3A_68 step %scan3A_69 iter_args(%scan3A_204 = %scan3A_65) -> (i32)  : i32 {
      %mul3A_205 = arith.constant 4 : i32
      %mul3A_206 = arith.muli %mul3A_205, %scan3A_203 : i32
      %add3A_207 = arith.constant 0 : i32
      %add3A_208 = arith.addi %mul3A_206, %add3A_207 : i32
      %dma_wait3A_209 = arith.constant 0 : i32
      %dma_wait3A_210 = tpu.memref_slice %arg6[%add3A_208, %dma_wait3A_209] : memref<80x128xi32, #tpu.memory_space<vmem>> -> memref<1x128xi32, #tpu.memory_space<vmem>>
      %dma_wait3A_211 = tpu.memref_squeeze %dma_wait3A_210 : memref<1x128xi32, #tpu.memory_space<vmem>> -> memref<128xi32, #tpu.memory_space<vmem>>
      %dma_wait3A_212 = arith.constant 0 : i32
      %dma_wait3A_213 = arith.constant 0 : i32
      %dma_wait3A_214 = tpu.memref_slice %arg4[%dma_wait3A_212, %dma_wait3A_213] : memref<10240x64xf32, #tpu.memory_space<hbm>> -> memref<10240x64xf32, #tpu.memory_space<hbm>>
      tpu.wait_indirect_dma semaphore(%arg14 : memref<!tpu.dma_semaphore, #tpu.memory_space<semaphore_mem>>) src(%dma_wait3A_214 : memref<10240x64xf32, #tpu.memory_space<hbm>>) dst(%arg8 : memref<128x64xf32, #tpu.memory_space<vmem>>)
      %add3A_215 = arith.constant 0 : i32
      %add3A_216 = arith.addi %mul3A_206, %add3A_215 : i32
      "tpu.region"() ({
        %run_scoped3A_288 = tpu.sem_alloc : memref<!tpu.dma_semaphore, #tpu.memory_space<semaphore_mem>>
        %dma_start3A_289 = arith.constant 0 : i32
        %dma_start3A_290 = tpu.memref_slice %arg7[%add3A_216, %dma_start3A_289] : memref<80x128xi32, #tpu.memory_space<vmem>> -> memref<1x128xi32, #tpu.memory_space<vmem>>
        %dma_start3A_291 = tpu.memref_squeeze %dma_start3A_290 : memref<1x128xi32, #tpu.memory_space<vmem>> -> memref<128xi32, #tpu.memory_space<vmem>>
        %dma_start3A_292 = arith.constant 0 : i32
        %dma_start3A_293 = arith.constant 0 : i32
        %dma_start3A_294 = tpu.memref_slice %arg13[%dma_start3A_292, %dma_start3A_293] : memref<10240x64xf32, #tpu.memory_space<vmem_shared>> -> memref<10240x64xf32, #tpu.memory_space<vmem_shared>>
        tpu.enqueue_indirect_dma source(%arg8 : memref<128x64xf32, #tpu.memory_space<vmem>>) target(%dma_start3A_294 : memref<10240x64xf32, #tpu.memory_space<vmem_shared>>) offsets(%dma_start3A_291 : memref<128xi32, #tpu.memory_space<vmem>>) semaphore(%run_scoped3A_288 : memref<!tpu.dma_semaphore, #tpu.memory_space<semaphore_mem>>) {add = true}
        %dma_wait3A_295 = arith.constant 0 : i32
        %dma_wait3A_296 = tpu.memref_slice %arg7[%add3A_216, %dma_wait3A_295] : memref<80x128xi32, #tpu.memory_space<vmem>> -> memref<1x128xi32, #tpu.memory_space<vmem>>
        %dma_wait3A_297 = tpu.memref_squeeze %dma_wait3A_296 : memref<1x128xi32, #tpu.memory_space<vmem>> -> memref<128xi32, #tpu.memory_space<vmem>>
        %dma_wait3A_298 = arith.constant 0 : i32
        %dma_wait3A_299 = arith.constant 0 : i32
        %dma_wait3A_300 = tpu.memref_slice %arg13[%dma_wait3A_298, %dma_wait3A_299] : memref<10240x64xf32, #tpu.memory_space<vmem_shared>> -> memref<10240x64xf32, #tpu.memory_space<vmem_shared>>
        tpu.wait_indirect_dma semaphore(%run_scoped3A_288 : memref<!tpu.dma_semaphore, #tpu.memory_space<semaphore_mem>>) src(%arg8 : memref<128x64xf32, #tpu.memory_space<vmem>>) dst(%dma_wait3A_300 : memref<10240x64xf32, #tpu.memory_space<vmem_shared>>)
        tpu.yield
      }) : () -> ()
      %add3A_217 = arith.constant 0 : i32
      %add3A_218 = arith.addi %mul3A_206, %add3A_217 : i32
      %add3A_219 = arith.constant 4 : i32
      %add3A_220 = arith.addi %add3A_218, %add3A_219 : i32
      %dma_start3A_221 = arith.constant 0 : i32
      %dma_start3A_222 = tpu.memref_slice %arg6[%add3A_220, %dma_start3A_221] : memref<80x128xi32, #tpu.memory_space<vmem>> -> memref<1x128xi32, #tpu.memory_space<vmem>>
      %dma_start3A_223 = tpu.memref_squeeze %dma_start3A_222 : memref<1x128xi32, #tpu.memory_space<vmem>> -> memref<128xi32, #tpu.memory_space<vmem>>
      %dma_start3A_224 = arith.constant 0 : i32
      %dma_start3A_225 = arith.constant 0 : i32
      %dma_start3A_226 = tpu.memref_slice %arg4[%dma_start3A_224, %dma_start3A_225] : memref<10240x64xf32, #tpu.memory_space<hbm>> -> memref<10240x64xf32, #tpu.memory_space<hbm>>
      tpu.enqueue_indirect_dma source(%dma_start3A_226 : memref<10240x64xf32, #tpu.memory_space<hbm>>) target(%arg8 : memref<128x64xf32, #tpu.memory_space<vmem>>) offsets(%dma_start3A_223 : memref<128xi32, #tpu.memory_space<vmem>>) semaphore(%arg14 : memref<!tpu.dma_semaphore, #tpu.memory_space<semaphore_mem>>)
      %add3A_227 = arith.constant 1 : i32
      %add3A_228 = arith.addi %mul3A_206, %add3A_227 : i32
      %dma_wait3A_229 = arith.constant 0 : i32
      %dma_wait3A_230 = tpu.memref_slice %arg6[%add3A_228, %dma_wait3A_229] : memref<80x128xi32, #tpu.memory_space<vmem>> -> memref<1x128xi32, #tpu.memory_space<vmem>>
      %dma_wait3A_231 = tpu.memref_squeeze %dma_wait3A_230 : memref<1x128xi32, #tpu.memory_space<vmem>> -> memref<128xi32, #tpu.memory_space<vmem>>
      %dma_wait3A_232 = arith.constant 0 : i32
      %dma_wait3A_233 = arith.constant 0 : i32
      %dma_wait3A_234 = tpu.memref_slice %arg4[%dma_wait3A_232, %dma_wait3A_233] : memref<10240x64xf32, #tpu.memory_space<hbm>> -> memref<10240x64xf32, #tpu.memory_space<hbm>>
      tpu.wait_indirect_dma semaphore(%arg15 : memref<!tpu.dma_semaphore, #tpu.memory_space<semaphore_mem>>) src(%dma_wait3A_234 : memref<10240x64xf32, #tpu.memory_space<hbm>>) dst(%arg9 : memref<128x64xf32, #tpu.memory_space<vmem>>)
      %add3A_235 = arith.constant 1 : i32
      %add3A_236 = arith.addi %mul3A_206, %add3A_235 : i32
      "tpu.region"() ({
        %run_scoped3A_288 = tpu.sem_alloc : memref<!tpu.dma_semaphore, #tpu.memory_space<semaphore_mem>>
        %dma_start3A_289 = arith.constant 0 : i32
        %dma_start3A_290 = tpu.memref_slice %arg7[%add3A_236, %dma_start3A_289] : memref<80x128xi32, #tpu.memory_space<vmem>> -> memref<1x128xi32, #tpu.memory_space<vmem>>
        %dma_start3A_291 = tpu.memref_squeeze %dma_start3A_290 : memref<1x128xi32, #tpu.memory_space<vmem>> -> memref<128xi32, #tpu.memory_space<vmem>>
        %dma_start3A_292 = arith.constant 0 : i32
        %dma_start3A_293 = arith.constant 0 : i32
        %dma_start3A_294 = tpu.memref_slice %arg13[%dma_start3A_292, %dma_start3A_293] : memref<10240x64xf32, #tpu.memory_space<vmem_shared>> -> memref<10240x64xf32, #tpu.memory_space<vmem_shared>>
        tpu.enqueue_indirect_dma source(%arg9 : memref<128x64xf32, #tpu.memory_space<vmem>>) target(%dma_start3A_294 : memref<10240x64xf32, #tpu.memory_space<vmem_shared>>) offsets(%dma_start3A_291 : memref<128xi32, #tpu.memory_space<vmem>>) semaphore(%run_scoped3A_288 : memref<!tpu.dma_semaphore, #tpu.memory_space<semaphore_mem>>) {add = true}
        %dma_wait3A_295 = arith.constant 0 : i32
        %dma_wait3A_296 = tpu.memref_slice %arg7[%add3A_236, %dma_wait3A_295] : memref<80x128xi32, #tpu.memory_space<vmem>> -> memref<1x128xi32, #tpu.memory_space<vmem>>
        %dma_wait3A_297 = tpu.memref_squeeze %dma_wait3A_296 : memref<1x128xi32, #tpu.memory_space<vmem>> -> memref<128xi32, #tpu.memory_space<vmem>>
        %dma_wait3A_298 = arith.constant 0 : i32
        %dma_wait3A_299 = arith.constant 0 : i32
        %dma_wait3A_300 = tpu.memref_slice %arg13[%dma_wait3A_298, %dma_wait3A_299] : memref<10240x64xf32, #tpu.memory_space<vmem_shared>> -> memref<10240x64xf32, #tpu.memory_space<vmem_shared>>
        tpu.wait_indirect_dma semaphore(%run_scoped3A_288 : memref<!tpu.dma_semaphore, #tpu.memory_space<semaphore_mem>>) src(%arg9 : memref<128x64xf32, #tpu.memory_space<vmem>>) dst(%dma_wait3A_300 : memref<10240x64xf32, #tpu.memory_space<vmem_shared>>)
        tpu.yield
      }) : () -> ()
      %add3A_237 = arith.constant 1 : i32
      %add3A_238 = arith.addi %mul3A_206, %add3A_237 : i32
      %add3A_239 = arith.constant 4 : i32
      %add3A_240 = arith.addi %add3A_238, %add3A_239 : i32
      %dma_start3A_241 = arith.constant 0 : i32
      %dma_start3A_242 = tpu.memref_slice %arg6[%add3A_240, %dma_start3A_241] : memref<80x128xi32, #tpu.memory_space<vmem>> -> memref<1x128xi32, #tpu.memory_space<vmem>>
      %dma_start3A_243 = tpu.memref_squeeze %dma_start3A_242 : memref<1x128xi32, #tpu.memory_space<vmem>> -> memref<128xi32, #tpu.memory_space<vmem>>
      %dma_start3A_244 = arith.constant 0 : i32
      %dma_start3A_245 = arith.constant 0 : i32
      %dma_start3A_246 = tpu.memref_slice %arg4[%dma_start3A_244, %dma_start3A_245] : memref<10240x64xf32, #tpu.memory_space<hbm>> -> memref<10240x64xf32, #tpu.memory_space<hbm>>
      tpu.enqueue_indirect_dma source(%dma_start3A_246 : memref<10240x64xf32, #tpu.memory_space<hbm>>) target(%arg9 : memref<128x64xf32, #tpu.memory_space<vmem>>) offsets(%dma_start3A_243 : memref<128xi32, #tpu.memory_space<vmem>>) semaphore(%arg15 : memref<!tpu.dma_semaphore, #tpu.memory_space<semaphore_mem>>)
      %add3A_247 = arith.constant 2 : i32
      %add3A_248 = arith.addi %mul3A_206, %add3A_247 : i32
      %dma_wait3A_249 = arith.constant 0 : i32
      %dma_wait3A_250 = tpu.memref_slice %arg6[%add3A_248, %dma_wait3A_249] : memref<80x128xi32, #tpu.memory_space<vmem>> -> memref<1x128xi32, #tpu.memory_space<vmem>>
      %dma_wait3A_251 = tpu.memref_squeeze %dma_wait3A_250 : memref<1x128xi32, #tpu.memory_space<vmem>> -> memref<128xi32, #tpu.memory_space<vmem>>
      %dma_wait3A_252 = arith.constant 0 : i32
      %dma_wait3A_253 = arith.constant 0 : i32
      %dma_wait3A_254 = tpu.memref_slice %arg4[%dma_wait3A_252, %dma_wait3A_253] : memref<10240x64xf32, #tpu.memory_space<hbm>> -> memref<10240x64xf32, #tpu.memory_space<hbm>>
      tpu.wait_indirect_dma semaphore(%arg16 : memref<!tpu.dma_semaphore, #tpu.memory_space<semaphore_mem>>) src(%dma_wait3A_254 : memref<10240x64xf32, #tpu.memory_space<hbm>>) dst(%arg10 : memref<128x64xf32, #tpu.memory_space<vmem>>)
      %add3A_255 = arith.constant 2 : i32
      %add3A_256 = arith.addi %mul3A_206, %add3A_255 : i32
      "tpu.region"() ({
        %run_scoped3A_288 = tpu.sem_alloc : memref<!tpu.dma_semaphore, #tpu.memory_space<semaphore_mem>>
        %dma_start3A_289 = arith.constant 0 : i32
        %dma_start3A_290 = tpu.memref_slice %arg7[%add3A_256, %dma_start3A_289] : memref<80x128xi32, #tpu.memory_space<vmem>> -> memref<1x128xi32, #tpu.memory_space<vmem>>
        %dma_start3A_291 = tpu.memref_squeeze %dma_start3A_290 : memref<1x128xi32, #tpu.memory_space<vmem>> -> memref<128xi32, #tpu.memory_space<vmem>>
        %dma_start3A_292 = arith.constant 0 : i32
        %dma_start3A_293 = arith.constant 0 : i32
        %dma_start3A_294 = tpu.memref_slice %arg13[%dma_start3A_292, %dma_start3A_293] : memref<10240x64xf32, #tpu.memory_space<vmem_shared>> -> memref<10240x64xf32, #tpu.memory_space<vmem_shared>>
        tpu.enqueue_indirect_dma source(%arg10 : memref<128x64xf32, #tpu.memory_space<vmem>>) target(%dma_start3A_294 : memref<10240x64xf32, #tpu.memory_space<vmem_shared>>) offsets(%dma_start3A_291 : memref<128xi32, #tpu.memory_space<vmem>>) semaphore(%run_scoped3A_288 : memref<!tpu.dma_semaphore, #tpu.memory_space<semaphore_mem>>) {add = true}
        %dma_wait3A_295 = arith.constant 0 : i32
        %dma_wait3A_296 = tpu.memref_slice %arg7[%add3A_256, %dma_wait3A_295] : memref<80x128xi32, #tpu.memory_space<vmem>> -> memref<1x128xi32, #tpu.memory_space<vmem>>
        %dma_wait3A_297 = tpu.memref_squeeze %dma_wait3A_296 : memref<1x128xi32, #tpu.memory_space<vmem>> -> memref<128xi32, #tpu.memory_space<vmem>>
        %dma_wait3A_298 = arith.constant 0 : i32
        %dma_wait3A_299 = arith.constant 0 : i32
        %dma_wait3A_300 = tpu.memref_slice %arg13[%dma_wait3A_298, %dma_wait3A_299] : memref<10240x64xf32, #tpu.memory_space<vmem_shared>> -> memref<10240x64xf32, #tpu.memory_space<vmem_shared>>
        tpu.wait_indirect_dma semaphore(%run_scoped3A_288 : memref<!tpu.dma_semaphore, #tpu.memory_space<semaphore_mem>>) src(%arg10 : memref<128x64xf32, #tpu.memory_space<vmem>>) dst(%dma_wait3A_300 : memref<10240x64xf32, #tpu.memory_space<vmem_shared>>)
        tpu.yield
      }) : () -> ()
      %add3A_257 = arith.constant 2 : i32
      %add3A_258 = arith.addi %mul3A_206, %add3A_257 : i32
      %add3A_259 = arith.constant 4 : i32
      %add3A_260 = arith.addi %add3A_258, %add3A_259 : i32
      %dma_start3A_261 = arith.constant 0 : i32
      %dma_start3A_262 = tpu.memref_slice %arg6[%add3A_260, %dma_start3A_261] : memref<80x128xi32, #tpu.memory_space<vmem>> -> memref<1x128xi32, #tpu.memory_space<vmem>>
      %dma_start3A_263 = tpu.memref_squeeze %dma_start3A_262 : memref<1x128xi32, #tpu.memory_space<vmem>> -> memref<128xi32, #tpu.memory_space<vmem>>
      %dma_start3A_264 = arith.constant 0 : i32
      %dma_start3A_265 = arith.constant 0 : i32
      %dma_start3A_266 = tpu.memref_slice %arg4[%dma_start3A_264, %dma_start3A_265] : memref<10240x64xf32, #tpu.memory_space<hbm>> -> memref<10240x64xf32, #tpu.memory_space<hbm>>
      tpu.enqueue_indirect_dma source(%dma_start3A_266 : memref<10240x64xf32, #tpu.memory_space<hbm>>) target(%arg10 : memref<128x64xf32, #tpu.memory_space<vmem>>) offsets(%dma_start3A_263 : memref<128xi32, #tpu.memory_space<vmem>>) semaphore(%arg16 : memref<!tpu.dma_semaphore, #tpu.memory_space<semaphore_mem>>)
      %add3A_267 = arith.constant 3 : i32
      %add3A_268 = arith.addi %mul3A_206, %add3A_267 : i32
      %dma_wait3A_269 = arith.constant 0 : i32
      %dma_wait3A_270 = tpu.memref_slice %arg6[%add3A_268, %dma_wait3A_269] : memref<80x128xi32, #tpu.memory_space<vmem>> -> memref<1x128xi32, #tpu.memory_space<vmem>>
      %dma_wait3A_271 = tpu.memref_squeeze %dma_wait3A_270 : memref<1x128xi32, #tpu.memory_space<vmem>> -> memref<128xi32, #tpu.memory_space<vmem>>
      %dma_wait3A_272 = arith.constant 0 : i32
      %dma_wait3A_273 = arith.constant 0 : i32
      %dma_wait3A_274 = tpu.memref_slice %arg4[%dma_wait3A_272, %dma_wait3A_273] : memref<10240x64xf32, #tpu.memory_space<hbm>> -> memref<10240x64xf32, #tpu.memory_space<hbm>>
      tpu.wait_indirect_dma semaphore(%arg17 : memref<!tpu.dma_semaphore, #tpu.memory_space<semaphore_mem>>) src(%dma_wait3A_274 : memref<10240x64xf32, #tpu.memory_space<hbm>>) dst(%arg11 : memref<128x64xf32, #tpu.memory_space<vmem>>)
      %add3A_275 = arith.constant 3 : i32
      %add3A_276 = arith.addi %mul3A_206, %add3A_275 : i32
      "tpu.region"() ({
        %run_scoped3A_288 = tpu.sem_alloc : memref<!tpu.dma_semaphore, #tpu.memory_space<semaphore_mem>>
        %dma_start3A_289 = arith.constant 0 : i32
        %dma_start3A_290 = tpu.memref_slice %arg7[%add3A_276, %dma_start3A_289] : memref<80x128xi32, #tpu.memory_space<vmem>> -> memref<1x128xi32, #tpu.memory_space<vmem>>
        %dma_start3A_291 = tpu.memref_squeeze %dma_start3A_290 : memref<1x128xi32, #tpu.memory_space<vmem>> -> memref<128xi32, #tpu.memory_space<vmem>>
        %dma_start3A_292 = arith.constant 0 : i32
        %dma_start3A_293 = arith.constant 0 : i32
        %dma_start3A_294 = tpu.memref_slice %arg13[%dma_start3A_292, %dma_start3A_293] : memref<10240x64xf32, #tpu.memory_space<vmem_shared>> -> memref<10240x64xf32, #tpu.memory_space<vmem_shared>>
        tpu.enqueue_indirect_dma source(%arg11 : memref<128x64xf32, #tpu.memory_space<vmem>>) target(%dma_start3A_294 : memref<10240x64xf32, #tpu.memory_space<vmem_shared>>) offsets(%dma_start3A_291 : memref<128xi32, #tpu.memory_space<vmem>>) semaphore(%run_scoped3A_288 : memref<!tpu.dma_semaphore, #tpu.memory_space<semaphore_mem>>) {add = true}
        %dma_wait3A_295 = arith.constant 0 : i32
        %dma_wait3A_296 = tpu.memref_slice %arg7[%add3A_276, %dma_wait3A_295] : memref<80x128xi32, #tpu.memory_space<vmem>> -> memref<1x128xi32, #tpu.memory_space<vmem>>
        %dma_wait3A_297 = tpu.memref_squeeze %dma_wait3A_296 : memref<1x128xi32, #tpu.memory_space<vmem>> -> memref<128xi32, #tpu.memory_space<vmem>>
        %dma_wait3A_298 = arith.constant 0 : i32
        %dma_wait3A_299 = arith.constant 0 : i32
        %dma_wait3A_300 = tpu.memref_slice %arg13[%dma_wait3A_298, %dma_wait3A_299] : memref<10240x64xf32, #tpu.memory_space<vmem_shared>> -> memref<10240x64xf32, #tpu.memory_space<vmem_shared>>
        tpu.wait_indirect_dma semaphore(%run_scoped3A_288 : memref<!tpu.dma_semaphore, #tpu.memory_space<semaphore_mem>>) src(%arg11 : memref<128x64xf32, #tpu.memory_space<vmem>>) dst(%dma_wait3A_300 : memref<10240x64xf32, #tpu.memory_space<vmem_shared>>)
        tpu.yield
      }) : () -> ()
      %add3A_277 = arith.constant 3 : i32
      %add3A_278 = arith.addi %mul3A_206, %add3A_277 : i32
      %add3A_279 = arith.constant 4 : i32
      %add3A_280 = arith.addi %add3A_278, %add3A_279 : i32
      %dma_start3A_281 = arith.constant 0 : i32
      %dma_start3A_282 = tpu.memref_slice %arg6[%add3A_280, %dma_start3A_281] : memref<80x128xi32, #tpu.memory_space<vmem>> -> memref<1x128xi32, #tpu.memory_space<vmem>>
      %dma_start3A_283 = tpu.memref_squeeze %dma_start3A_282 : memref<1x128xi32, #tpu.memory_space<vmem>> -> memref<128xi32, #tpu.memory_space<vmem>>
      %dma_start3A_284 = arith.constant 0 : i32
      %dma_start3A_285 = arith.constant 0 : i32
      %dma_start3A_286 = tpu.memref_slice %arg4[%dma_start3A_284, %dma_start3A_285] : memref<10240x64xf32, #tpu.memory_space<hbm>> -> memref<10240x64xf32, #tpu.memory_space<hbm>>
      tpu.enqueue_indirect_dma source(%dma_start3A_286 : memref<10240x64xf32, #tpu.memory_space<hbm>>) target(%arg11 : memref<128x64xf32, #tpu.memory_space<vmem>>) offsets(%dma_start3A_283 : memref<128xi32, #tpu.memory_space<vmem>>) semaphore(%arg17 : memref<!tpu.dma_semaphore, #tpu.memory_space<semaphore_mem>>)
      %scan3A_287 = arith.constant 0 : i32
      scf.yield %scan3A_287 : i32
    }
    %scan3A_71 = arith.constant 19 : i32
    %dma_wait3A = arith.constant 76 : i32
    %dma_wait3A_72 = arith.constant 0 : i32
    %dma_wait3A_73 = tpu.memref_slice %arg6[%dma_wait3A, %dma_wait3A_72] : memref<80x128xi32, #tpu.memory_space<vmem>> -> memref<1x128xi32, #tpu.memory_space<vmem>>
    %dma_wait3A_74 = tpu.memref_squeeze %dma_wait3A_73 : memref<1x128xi32, #tpu.memory_space<vmem>> -> memref<128xi32, #tpu.memory_space<vmem>>
    %dma_wait3A_75 = arith.constant 0 : i32
    %dma_wait3A_76 = arith.constant 0 : i32
    %dma_wait3A_77 = tpu.memref_slice %arg4[%dma_wait3A_75, %dma_wait3A_76] : memref<10240x64xf32, #tpu.memory_space<hbm>> -> memref<10240x64xf32, #tpu.memory_space<hbm>>
    tpu.wait_indirect_dma semaphore(%arg14 : memref<!tpu.dma_semaphore, #tpu.memory_space<semaphore_mem>>) src(%dma_wait3A_77 : memref<10240x64xf32, #tpu.memory_space<hbm>>) dst(%arg8 : memref<128x64xf32, #tpu.memory_space<vmem>>)
    %run_scoped3A = arith.constant 76 : i32
    "tpu.region"() ({
      %run_scoped3A_203 = tpu.sem_alloc : memref<!tpu.dma_semaphore, #tpu.memory_space<semaphore_mem>>
      %dma_start3A_204 = arith.constant 0 : i32
      %dma_start3A_205 = tpu.memref_slice %arg7[%run_scoped3A, %dma_start3A_204] : memref<80x128xi32, #tpu.memory_space<vmem>> -> memref<1x128xi32, #tpu.memory_space<vmem>>
      %dma_start3A_206 = tpu.memref_squeeze %dma_start3A_205 : memref<1x128xi32, #tpu.memory_space<vmem>> -> memref<128xi32, #tpu.memory_space<vmem>>
      %dma_start3A_207 = arith.constant 0 : i32
      %dma_start3A_208 = arith.constant 0 : i32
      %dma_start3A_209 = tpu.memref_slice %arg13[%dma_start3A_207, %dma_start3A_208] : memref<10240x64xf32, #tpu.memory_space<vmem_shared>> -> memref<10240x64xf32, #tpu.memory_space<vmem_shared>>
      tpu.enqueue_indirect_dma source(%arg8 : memref<128x64xf32, #tpu.memory_space<vmem>>) target(%dma_start3A_209 : memref<10240x64xf32, #tpu.memory_space<vmem_shared>>) offsets(%dma_start3A_206 : memref<128xi32, #tpu.memory_space<vmem>>) semaphore(%run_scoped3A_203 : memref<!tpu.dma_semaphore, #tpu.memory_space<semaphore_mem>>) {add = true}
      %dma_wait3A_210 = arith.constant 0 : i32
      %dma_wait3A_211 = tpu.memref_slice %arg7[%run_scoped3A, %dma_wait3A_210] : memref<80x128xi32, #tpu.memory_space<vmem>> -> memref<1x128xi32, #tpu.memory_space<vmem>>
      %dma_wait3A_212 = tpu.memref_squeeze %dma_wait3A_211 : memref<1x128xi32, #tpu.memory_space<vmem>> -> memref<128xi32, #tpu.memory_space<vmem>>
      %dma_wait3A_213 = arith.constant 0 : i32
      %dma_wait3A_214 = arith.constant 0 : i32
      %dma_wait3A_215 = tpu.memref_slice %arg13[%dma_wait3A_213, %dma_wait3A_214] : memref<10240x64xf32, #tpu.memory_space<vmem_shared>> -> memref<10240x64xf32, #tpu.memory_space<vmem_shared>>
      tpu.wait_indirect_dma semaphore(%run_scoped3A_203 : memref<!tpu.dma_semaphore, #tpu.memory_space<semaphore_mem>>) src(%arg8 : memref<128x64xf32, #tpu.memory_space<vmem>>) dst(%dma_wait3A_215 : memref<10240x64xf32, #tpu.memory_space<vmem_shared>>)
      tpu.yield
    }) : () -> ()
    %dma_wait3A_78 = arith.constant 77 : i32
    %dma_wait3A_79 = arith.constant 0 : i32
    %dma_wait3A_80 = tpu.memref_slice %arg6[%dma_wait3A_78, %dma_wait3A_79] : memref<80x128xi32, #tpu.memory_space<vmem>> -> memref<1x128xi32, #tpu.memory_space<vmem>>
    %dma_wait3A_81 = tpu.memref_squeeze %dma_wait3A_80 : memref<1x128xi32, #tpu.memory_space<vmem>> -> memref<128xi32, #tpu.memory_space<vmem>>
    %dma_wait3A_82 = arith.constant 0 : i32
    %dma_wait3A_83 = arith.constant 0 : i32
    %dma_wait3A_84 = tpu.memref_slice %arg4[%dma_wait3A_82, %dma_wait3A_83] : memref<10240x64xf32, #tpu.memory_space<hbm>> -> memref<10240x64xf32, #tpu.memory_space<hbm>>
    tpu.wait_indirect_dma semaphore(%arg15 : memref<!tpu.dma_semaphore, #tpu.memory_space<semaphore_mem>>) src(%dma_wait3A_84 : memref<10240x64xf32, #tpu.memory_space<hbm>>) dst(%arg9 : memref<128x64xf32, #tpu.memory_space<vmem>>)
    %run_scoped3A_85 = arith.constant 77 : i32
    "tpu.region"() ({
      %run_scoped3A_203 = tpu.sem_alloc : memref<!tpu.dma_semaphore, #tpu.memory_space<semaphore_mem>>
      %dma_start3A_204 = arith.constant 0 : i32
      %dma_start3A_205 = tpu.memref_slice %arg7[%run_scoped3A_85, %dma_start3A_204] : memref<80x128xi32, #tpu.memory_space<vmem>> -> memref<1x128xi32, #tpu.memory_space<vmem>>
      %dma_start3A_206 = tpu.memref_squeeze %dma_start3A_205 : memref<1x128xi32, #tpu.memory_space<vmem>> -> memref<128xi32, #tpu.memory_space<vmem>>
      %dma_start3A_207 = arith.constant 0 : i32
      %dma_start3A_208 = arith.constant 0 : i32
      %dma_start3A_209 = tpu.memref_slice %arg13[%dma_start3A_207, %dma_start3A_208] : memref<10240x64xf32, #tpu.memory_space<vmem_shared>> -> memref<10240x64xf32, #tpu.memory_space<vmem_shared>>
      tpu.enqueue_indirect_dma source(%arg9 : memref<128x64xf32, #tpu.memory_space<vmem>>) target(%dma_start3A_209 : memref<10240x64xf32, #tpu.memory_space<vmem_shared>>) offsets(%dma_start3A_206 : memref<128xi32, #tpu.memory_space<vmem>>) semaphore(%run_scoped3A_203 : memref<!tpu.dma_semaphore, #tpu.memory_space<semaphore_mem>>) {add = true}
      %dma_wait3A_210 = arith.constant 0 : i32
      %dma_wait3A_211 = tpu.memref_slice %arg7[%run_scoped3A_85, %dma_wait3A_210] : memref<80x128xi32, #tpu.memory_space<vmem>> -> memref<1x128xi32, #tpu.memory_space<vmem>>
      %dma_wait3A_212 = tpu.memref_squeeze %dma_wait3A_211 : memref<1x128xi32, #tpu.memory_space<vmem>> -> memref<128xi32, #tpu.memory_space<vmem>>
      %dma_wait3A_213 = arith.constant 0 : i32
      %dma_wait3A_214 = arith.constant 0 : i32
      %dma_wait3A_215 = tpu.memref_slice %arg13[%dma_wait3A_213, %dma_wait3A_214] : memref<10240x64xf32, #tpu.memory_space<vmem_shared>> -> memref<10240x64xf32, #tpu.memory_space<vmem_shared>>
      tpu.wait_indirect_dma semaphore(%run_scoped3A_203 : memref<!tpu.dma_semaphore, #tpu.memory_space<semaphore_mem>>) src(%arg9 : memref<128x64xf32, #tpu.memory_space<vmem>>) dst(%dma_wait3A_215 : memref<10240x64xf32, #tpu.memory_space<vmem_shared>>)
      tpu.yield
    }) : () -> ()
    %dma_wait3A_86 = arith.constant 78 : i32
    %dma_wait3A_87 = arith.constant 0 : i32
    %dma_wait3A_88 = tpu.memref_slice %arg6[%dma_wait3A_86, %dma_wait3A_87] : memref<80x128xi32, #tpu.memory_space<vmem>> -> memref<1x128xi32, #tpu.memory_space<vmem>>
    %dma_wait3A_89 = tpu.memref_squeeze %dma_wait3A_88 : memref<1x128xi32, #tpu.memory_space<vmem>> -> memref<128xi32, #tpu.memory_space<vmem>>
    %dma_wait3A_90 = arith.constant 0 : i32
    %dma_wait3A_91 = arith.constant 0 : i32
    %dma_wait3A_92 = tpu.memref_slice %arg4[%dma_wait3A_90, %dma_wait3A_91] : memref<10240x64xf32, #tpu.memory_space<hbm>> -> memref<10240x64xf32, #tpu.memory_space<hbm>>
    tpu.wait_indirect_dma semaphore(%arg16 : memref<!tpu.dma_semaphore, #tpu.memory_space<semaphore_mem>>) src(%dma_wait3A_92 : memref<10240x64xf32, #tpu.memory_space<hbm>>) dst(%arg10 : memref<128x64xf32, #tpu.memory_space<vmem>>)
    %run_scoped3A_93 = arith.constant 78 : i32
    "tpu.region"() ({
      %run_scoped3A_203 = tpu.sem_alloc : memref<!tpu.dma_semaphore, #tpu.memory_space<semaphore_mem>>
      %dma_start3A_204 = arith.constant 0 : i32
      %dma_start3A_205 = tpu.memref_slice %arg7[%run_scoped3A_93, %dma_start3A_204] : memref<80x128xi32, #tpu.memory_space<vmem>> -> memref<1x128xi32, #tpu.memory_space<vmem>>
      %dma_start3A_206 = tpu.memref_squeeze %dma_start3A_205 : memref<1x128xi32, #tpu.memory_space<vmem>> -> memref<128xi32, #tpu.memory_space<vmem>>
      %dma_start3A_207 = arith.constant 0 : i32
      %dma_start3A_208 = arith.constant 0 : i32
      %dma_start3A_209 = tpu.memref_slice %arg13[%dma_start3A_207, %dma_start3A_208] : memref<10240x64xf32, #tpu.memory_space<vmem_shared>> -> memref<10240x64xf32, #tpu.memory_space<vmem_shared>>
      tpu.enqueue_indirect_dma source(%arg10 : memref<128x64xf32, #tpu.memory_space<vmem>>) target(%dma_start3A_209 : memref<10240x64xf32, #tpu.memory_space<vmem_shared>>) offsets(%dma_start3A_206 : memref<128xi32, #tpu.memory_space<vmem>>) semaphore(%run_scoped3A_203 : memref<!tpu.dma_semaphore, #tpu.memory_space<semaphore_mem>>) {add = true}
      %dma_wait3A_210 = arith.constant 0 : i32
      %dma_wait3A_211 = tpu.memref_slice %arg7[%run_scoped3A_93, %dma_wait3A_210] : memref<80x128xi32, #tpu.memory_space<vmem>> -> memref<1x128xi32, #tpu.memory_space<vmem>>
      %dma_wait3A_212 = tpu.memref_squeeze %dma_wait3A_211 : memref<1x128xi32, #tpu.memory_space<vmem>> -> memref<128xi32, #tpu.memory_space<vmem>>
      %dma_wait3A_213 = arith.constant 0 : i32
      %dma_wait3A_214 = arith.constant 0 : i32
      %dma_wait3A_215 = tpu.memref_slice %arg13[%dma_wait3A_213, %dma_wait3A_214] : memref<10240x64xf32, #tpu.memory_space<vmem_shared>> -> memref<10240x64xf32, #tpu.memory_space<vmem_shared>>
      tpu.wait_indirect_dma semaphore(%run_scoped3A_203 : memref<!tpu.dma_semaphore, #tpu.memory_space<semaphore_mem>>) src(%arg10 : memref<128x64xf32, #tpu.memory_space<vmem>>) dst(%dma_wait3A_215 : memref<10240x64xf32, #tpu.memory_space<vmem_shared>>)
      tpu.yield
    }) : () -> ()
    %dma_wait3A_94 = arith.constant 79 : i32
    %dma_wait3A_95 = arith.constant 0 : i32
    %dma_wait3A_96 = tpu.memref_slice %arg6[%dma_wait3A_94, %dma_wait3A_95] : memref<80x128xi32, #tpu.memory_space<vmem>> -> memref<1x128xi32, #tpu.memory_space<vmem>>
    %dma_wait3A_97 = tpu.memref_squeeze %dma_wait3A_96 : memref<1x128xi32, #tpu.memory_space<vmem>> -> memref<128xi32, #tpu.memory_space<vmem>>
    %dma_wait3A_98 = arith.constant 0 : i32
    %dma_wait3A_99 = arith.constant 0 : i32
    %dma_wait3A_100 = tpu.memref_slice %arg4[%dma_wait3A_98, %dma_wait3A_99] : memref<10240x64xf32, #tpu.memory_space<hbm>> -> memref<10240x64xf32, #tpu.memory_space<hbm>>
    tpu.wait_indirect_dma semaphore(%arg17 : memref<!tpu.dma_semaphore, #tpu.memory_space<semaphore_mem>>) src(%dma_wait3A_100 : memref<10240x64xf32, #tpu.memory_space<hbm>>) dst(%arg11 : memref<128x64xf32, #tpu.memory_space<vmem>>)
    %run_scoped3A_101 = arith.constant 79 : i32
    "tpu.region"() ({
      %run_scoped3A_203 = tpu.sem_alloc : memref<!tpu.dma_semaphore, #tpu.memory_space<semaphore_mem>>
      %dma_start3A_204 = arith.constant 0 : i32
      %dma_start3A_205 = tpu.memref_slice %arg7[%run_scoped3A_101, %dma_start3A_204] : memref<80x128xi32, #tpu.memory_space<vmem>> -> memref<1x128xi32, #tpu.memory_space<vmem>>
      %dma_start3A_206 = tpu.memref_squeeze %dma_start3A_205 : memref<1x128xi32, #tpu.memory_space<vmem>> -> memref<128xi32, #tpu.memory_space<vmem>>
      %dma_start3A_207 = arith.constant 0 : i32
      %dma_start3A_208 = arith.constant 0 : i32
      %dma_start3A_209 = tpu.memref_slice %arg13[%dma_start3A_207, %dma_start3A_208] : memref<10240x64xf32, #tpu.memory_space<vmem_shared>> -> memref<10240x64xf32, #tpu.memory_space<vmem_shared>>
      tpu.enqueue_indirect_dma source(%arg11 : memref<128x64xf32, #tpu.memory_space<vmem>>) target(%dma_start3A_209 : memref<10240x64xf32, #tpu.memory_space<vmem_shared>>) offsets(%dma_start3A_206 : memref<128xi32, #tpu.memory_space<vmem>>) semaphore(%run_scoped3A_203 : memref<!tpu.dma_semaphore, #tpu.memory_space<semaphore_mem>>) {add = true}
      %dma_wait3A_210 = arith.constant 0 : i32
      %dma_wait3A_211 = tpu.memref_slice %arg7[%run_scoped3A_101, %dma_wait3A_210] : memref<80x128xi32, #tpu.memory_space<vmem>> -> memref<1x128xi32, #tpu.memory_space<vmem>>
      %dma_wait3A_212 = tpu.memref_squeeze %dma_wait3A_211 : memref<1x128xi32, #tpu.memory_space<vmem>> -> memref<128xi32, #tpu.memory_space<vmem>>
      %dma_wait3A_213 = arith.constant 0 : i32
      %dma_wait3A_214 = arith.constant 0 : i32
      %dma_wait3A_215 = tpu.memref_slice %arg13[%dma_wait3A_213, %dma_wait3A_214] : memref<10240x64xf32, #tpu.memory_space<vmem_shared>> -> memref<10240x64xf32, #tpu.memory_space<vmem_shared>>
      tpu.wait_indirect_dma semaphore(%run_scoped3A_203 : memref<!tpu.dma_semaphore, #tpu.memory_space<semaphore_mem>>) src(%arg11 : memref<128x64xf32, #tpu.memory_space<vmem>>) dst(%dma_wait3A_215 : memref<10240x64xf32, #tpu.memory_space<vmem_shared>>)
      tpu.yield
    }) : () -> ()
    %barrier3A_102 = arith.constant 0 : index
    tpu.barrier barrier_id(%barrier3A_102)
    %mul3A_103 = arith.constant 5 : i32
    %mul3A_104 = arith.muli %arg1, %mul3A_103 : i32
    %add3A_105 = arith.constant 0 : i32
    %add3A_106 = arith.addi %mul3A_104, %add3A_105 : i32
    %mul3A_107 = arith.constant 128 : i32
    %mul3A_108 = arith.muli %add3A_106, %mul3A_107 : i32
    "tpu.region"() ({
      %run_scoped3A_203 = tpu.sem_alloc : memref<!tpu.dma_semaphore, #tpu.memory_space<semaphore_mem>>
      %dma_start3A_204 = arith.constant 0 : i32
      %dma_start3A_205 = tpu.memref_slice %arg13[%mul3A_108, %dma_start3A_204] : memref<10240x64xf32, #tpu.memory_space<vmem_shared>> -> memref<128x64xf32, #tpu.memory_space<vmem_shared>>
      %dma_start3A_206 = arith.constant 0 : i32
      %dma_start3A_207 = tpu.memref_slice %arg13[%mul3A_108, %dma_start3A_206] : memref<10240x64xf32, #tpu.memory_space<vmem_shared>> -> memref<128x64xf32, #tpu.memory_space<vmem_shared>>
      tpu.enqueue_dma source(%dma_start3A_207 : memref<128x64xf32, #tpu.memory_space<vmem_shared>>) target(%arg8 : memref<128x64xf32, #tpu.memory_space<vmem>>) target_semaphore(%run_scoped3A_203 : memref<!tpu.dma_semaphore, #tpu.memory_space<semaphore_mem>>)
      %dma_wait3A_208 = arith.constant 0 : i32
      %dma_wait3A_209 = tpu.memref_slice %arg13[%mul3A_108, %dma_wait3A_208] : memref<10240x64xf32, #tpu.memory_space<vmem_shared>> -> memref<128x64xf32, #tpu.memory_space<vmem_shared>>
      %dma_wait3A_210 = arith.constant 0 : i32
      %dma_wait3A_211 = tpu.memref_slice %arg13[%mul3A_108, %dma_wait3A_210] : memref<10240x64xf32, #tpu.memory_space<vmem_shared>> -> memref<128x64xf32, #tpu.memory_space<vmem_shared>>
      tpu.wait_dma2 semaphore(%run_scoped3A_203 : memref<!tpu.dma_semaphore, #tpu.memory_space<semaphore_mem>>) src(%dma_wait3A_211 : memref<128x64xf32, #tpu.memory_space<vmem_shared>>) dst(%arg8 : memref<128x64xf32, #tpu.memory_space<vmem>>)
      tpu.yield
    }) : () -> ()
    %dma_start3A_109 = arith.constant 0 : i32
    %dma_start3A_110 = tpu.memref_slice %arg5[%arg0, %mul3A_108, %dma_start3A_109] : memref<2x10240x64xf32, #tpu.memory_space<hbm>> -> memref<1x128x64xf32, #tpu.memory_space<hbm>>
    %dma_start3A_111 = tpu.memref_squeeze %dma_start3A_110 : memref<1x128x64xf32, #tpu.memory_space<hbm>> -> memref<128x64xf32, #tpu.memory_space<hbm>>
    %dma_start3A_112 = arith.constant 0 : i32
    %dma_start3A_113 = tpu.memref_slice %arg5[%arg0, %mul3A_108, %dma_start3A_112] : memref<2x10240x64xf32, #tpu.memory_space<hbm>> -> memref<1x128x64xf32, #tpu.memory_space<hbm>>
    %dma_start3A_114 = tpu.memref_squeeze %dma_start3A_113 : memref<1x128x64xf32, #tpu.memory_space<hbm>> -> memref<128x64xf32, #tpu.memory_space<hbm>>
    tpu.enqueue_dma source(%arg8 : memref<128x64xf32, #tpu.memory_space<vmem>>) target(%dma_start3A_114 : memref<128x64xf32, #tpu.memory_space<hbm>>) target_semaphore(%arg18 : memref<!tpu.dma_semaphore, #tpu.memory_space<semaphore_mem>>)
    %mul3A_115 = arith.constant 5 : i32
    %mul3A_116 = arith.muli %arg1, %mul3A_115 : i32
    %add3A_117 = arith.constant 1 : i32
    %add3A_118 = arith.addi %mul3A_116, %add3A_117 : i32
    %mul3A_119 = arith.constant 128 : i32
    %mul3A_120 = arith.muli %add3A_118, %mul3A_119 : i32
    "tpu.region"() ({
      %run_scoped3A_203 = tpu.sem_alloc : memref<!tpu.dma_semaphore, #tpu.memory_space<semaphore_mem>>
      %dma_start3A_204 = arith.constant 0 : i32
      %dma_start3A_205 = tpu.memref_slice %arg13[%mul3A_120, %dma_start3A_204] : memref<10240x64xf32, #tpu.memory_space<vmem_shared>> -> memref<128x64xf32, #tpu.memory_space<vmem_shared>>
      %dma_start3A_206 = arith.constant 0 : i32
      %dma_start3A_207 = tpu.memref_slice %arg13[%mul3A_120, %dma_start3A_206] : memref<10240x64xf32, #tpu.memory_space<vmem_shared>> -> memref<128x64xf32, #tpu.memory_space<vmem_shared>>
      tpu.enqueue_dma source(%dma_start3A_207 : memref<128x64xf32, #tpu.memory_space<vmem_shared>>) target(%arg9 : memref<128x64xf32, #tpu.memory_space<vmem>>) target_semaphore(%run_scoped3A_203 : memref<!tpu.dma_semaphore, #tpu.memory_space<semaphore_mem>>)
      %dma_wait3A_208 = arith.constant 0 : i32
      %dma_wait3A_209 = tpu.memref_slice %arg13[%mul3A_120, %dma_wait3A_208] : memref<10240x64xf32, #tpu.memory_space<vmem_shared>> -> memref<128x64xf32, #tpu.memory_space<vmem_shared>>
      %dma_wait3A_210 = arith.constant 0 : i32
      %dma_wait3A_211 = tpu.memref_slice %arg13[%mul3A_120, %dma_wait3A_210] : memref<10240x64xf32, #tpu.memory_space<vmem_shared>> -> memref<128x64xf32, #tpu.memory_space<vmem_shared>>
      tpu.wait_dma2 semaphore(%run_scoped3A_203 : memref<!tpu.dma_semaphore, #tpu.memory_space<semaphore_mem>>) src(%dma_wait3A_211 : memref<128x64xf32, #tpu.memory_space<vmem_shared>>) dst(%arg9 : memref<128x64xf32, #tpu.memory_space<vmem>>)
      tpu.yield
    }) : () -> ()
    %dma_start3A_121 = arith.constant 0 : i32
    %dma_start3A_122 = tpu.memref_slice %arg5[%arg0, %mul3A_120, %dma_start3A_121] : memref<2x10240x64xf32, #tpu.memory_space<hbm>> -> memref<1x128x64xf32, #tpu.memory_space<hbm>>
    %dma_start3A_123 = tpu.memref_squeeze %dma_start3A_122 : memref<1x128x64xf32, #tpu.memory_space<hbm>> -> memref<128x64xf32, #tpu.memory_space<hbm>>
    %dma_start3A_124 = arith.constant 0 : i32
    %dma_start3A_125 = tpu.memref_slice %arg5[%arg0, %mul3A_120, %dma_start3A_124] : memref<2x10240x64xf32, #tpu.memory_space<hbm>> -> memref<1x128x64xf32, #tpu.memory_space<hbm>>
    %dma_start3A_126 = tpu.memref_squeeze %dma_start3A_125 : memref<1x128x64xf32, #tpu.memory_space<hbm>> -> memref<128x64xf32, #tpu.memory_space<hbm>>
    tpu.enqueue_dma source(%arg9 : memref<128x64xf32, #tpu.memory_space<vmem>>) target(%dma_start3A_126 : memref<128x64xf32, #tpu.memory_space<hbm>>) target_semaphore(%arg18 : memref<!tpu.dma_semaphore, #tpu.memory_space<semaphore_mem>>)
    %mul3A_127 = arith.constant 5 : i32
    %mul3A_128 = arith.muli %arg1, %mul3A_127 : i32
    %add3A_129 = arith.constant 2 : i32
    %add3A_130 = arith.addi %mul3A_128, %add3A_129 : i32
    %mul3A_131 = arith.constant 128 : i32
    %mul3A_132 = arith.muli %add3A_130, %mul3A_131 : i32
    %dma_wait3A_133 = arith.constant 0 : i32
    %dma_wait3A_134 = arith.constant 0 : i32
    %dma_wait3A_135 = tpu.memref_slice %arg5[%arg0, %dma_wait3A_133, %dma_wait3A_134] : memref<2x10240x64xf32, #tpu.memory_space<hbm>> -> memref<1x128x64xf32, #tpu.memory_space<hbm>>
    %dma_wait3A_136 = tpu.memref_squeeze %dma_wait3A_135 : memref<1x128x64xf32, #tpu.memory_space<hbm>> -> memref<128x64xf32, #tpu.memory_space<hbm>>
    %dma_wait3A_137 = arith.constant 0 : i32
    %dma_wait3A_138 = arith.constant 0 : i32
    %dma_wait3A_139 = tpu.memref_slice %arg5[%arg0, %dma_wait3A_137, %dma_wait3A_138] : memref<2x10240x64xf32, #tpu.memory_space<hbm>> -> memref<1x128x64xf32, #tpu.memory_space<hbm>>
    %dma_wait3A_140 = tpu.memref_squeeze %dma_wait3A_139 : memref<1x128x64xf32, #tpu.memory_space<hbm>> -> memref<128x64xf32, #tpu.memory_space<hbm>>
    tpu.wait_dma2 semaphore(%arg18 : memref<!tpu.dma_semaphore, #tpu.memory_space<semaphore_mem>>) src(%arg8 : memref<128x64xf32, #tpu.memory_space<vmem>>) dst(%dma_wait3A_140 : memref<128x64xf32, #tpu.memory_space<hbm>>)
    "tpu.region"() ({
      %run_scoped3A_203 = tpu.sem_alloc : memref<!tpu.dma_semaphore, #tpu.memory_space<semaphore_mem>>
      %dma_start3A_204 = arith.constant 0 : i32
      %dma_start3A_205 = tpu.memref_slice %arg13[%mul3A_132, %dma_start3A_204] : memref<10240x64xf32, #tpu.memory_space<vmem_shared>> -> memref<128x64xf32, #tpu.memory_space<vmem_shared>>
      %dma_start3A_206 = arith.constant 0 : i32
      %dma_start3A_207 = tpu.memref_slice %arg13[%mul3A_132, %dma_start3A_206] : memref<10240x64xf32, #tpu.memory_space<vmem_shared>> -> memref<128x64xf32, #tpu.memory_space<vmem_shared>>
      tpu.enqueue_dma source(%dma_start3A_207 : memref<128x64xf32, #tpu.memory_space<vmem_shared>>) target(%arg8 : memref<128x64xf32, #tpu.memory_space<vmem>>) target_semaphore(%run_scoped3A_203 : memref<!tpu.dma_semaphore, #tpu.memory_space<semaphore_mem>>)
      %dma_wait3A_208 = arith.constant 0 : i32
      %dma_wait3A_209 = tpu.memref_slice %arg13[%mul3A_132, %dma_wait3A_208] : memref<10240x64xf32, #tpu.memory_space<vmem_shared>> -> memref<128x64xf32, #tpu.memory_space<vmem_shared>>
      %dma_wait3A_210 = arith.constant 0 : i32
      %dma_wait3A_211 = tpu.memref_slice %arg13[%mul3A_132, %dma_wait3A_210] : memref<10240x64xf32, #tpu.memory_space<vmem_shared>> -> memref<128x64xf32, #tpu.memory_space<vmem_shared>>
      tpu.wait_dma2 semaphore(%run_scoped3A_203 : memref<!tpu.dma_semaphore, #tpu.memory_space<semaphore_mem>>) src(%dma_wait3A_211 : memref<128x64xf32, #tpu.memory_space<vmem_shared>>) dst(%arg8 : memref<128x64xf32, #tpu.memory_space<vmem>>)
      tpu.yield
    }) : () -> ()
    %dma_start3A_141 = arith.constant 0 : i32
    %dma_start3A_142 = tpu.memref_slice %arg5[%arg0, %mul3A_132, %dma_start3A_141] : memref<2x10240x64xf32, #tpu.memory_space<hbm>> -> memref<1x128x64xf32, #tpu.memory_space<hbm>>
    %dma_start3A_143 = tpu.memref_squeeze %dma_start3A_142 : memref<1x128x64xf32, #tpu.memory_space<hbm>> -> memref<128x64xf32, #tpu.memory_space<hbm>>
    %dma_start3A_144 = arith.constant 0 : i32
    %dma_start3A_145 = tpu.memref_slice %arg5[%arg0, %mul3A_132, %dma_start3A_144] : memref<2x10240x64xf32, #tpu.memory_space<hbm>> -> memref<1x128x64xf32, #tpu.memory_space<hbm>>
    %dma_start3A_146 = tpu.memref_squeeze %dma_start3A_145 : memref<1x128x64xf32, #tpu.memory_space<hbm>> -> memref<128x64xf32, #tpu.memory_space<hbm>>
    tpu.enqueue_dma source(%arg8 : memref<128x64xf32, #tpu.memory_space<vmem>>) target(%dma_start3A_146 : memref<128x64xf32, #tpu.memory_space<hbm>>) target_semaphore(%arg18 : memref<!tpu.dma_semaphore, #tpu.memory_space<semaphore_mem>>)
    %mul3A_147 = arith.constant 5 : i32
    %mul3A_148 = arith.muli %arg1, %mul3A_147 : i32
    %add3A_149 = arith.constant 3 : i32
    %add3A_150 = arith.addi %mul3A_148, %add3A_149 : i32
    %mul3A_151 = arith.constant 128 : i32
    %mul3A_152 = arith.muli %add3A_150, %mul3A_151 : i32
    %dma_wait3A_153 = arith.constant 0 : i32
    %dma_wait3A_154 = arith.constant 0 : i32
    %dma_wait3A_155 = tpu.memref_slice %arg5[%arg0, %dma_wait3A_153, %dma_wait3A_154] : memref<2x10240x64xf32, #tpu.memory_space<hbm>> -> memref<1x128x64xf32, #tpu.memory_space<hbm>>
    %dma_wait3A_156 = tpu.memref_squeeze %dma_wait3A_155 : memref<1x128x64xf32, #tpu.memory_space<hbm>> -> memref<128x64xf32, #tpu.memory_space<hbm>>
    %dma_wait3A_157 = arith.constant 0 : i32
    %dma_wait3A_158 = arith.constant 0 : i32
    %dma_wait3A_159 = tpu.memref_slice %arg5[%arg0, %dma_wait3A_157, %dma_wait3A_158] : memref<2x10240x64xf32, #tpu.memory_space<hbm>> -> memref<1x128x64xf32, #tpu.memory_space<hbm>>
    %dma_wait3A_160 = tpu.memref_squeeze %dma_wait3A_159 : memref<1x128x64xf32, #tpu.memory_space<hbm>> -> memref<128x64xf32, #tpu.memory_space<hbm>>
    tpu.wait_dma2 semaphore(%arg18 : memref<!tpu.dma_semaphore, #tpu.memory_space<semaphore_mem>>) src(%arg9 : memref<128x64xf32, #tpu.memory_space<vmem>>) dst(%dma_wait3A_160 : memref<128x64xf32, #tpu.memory_space<hbm>>)
    "tpu.region"() ({
      %run_scoped3A_203 = tpu.sem_alloc : memref<!tpu.dma_semaphore, #tpu.memory_space<semaphore_mem>>
      %dma_start3A_204 = arith.constant 0 : i32
      %dma_start3A_205 = tpu.memref_slice %arg13[%mul3A_152, %dma_start3A_204] : memref<10240x64xf32, #tpu.memory_space<vmem_shared>> -> memref<128x64xf32, #tpu.memory_space<vmem_shared>>
      %dma_start3A_206 = arith.constant 0 : i32
      %dma_start3A_207 = tpu.memref_slice %arg13[%mul3A_152, %dma_start3A_206] : memref<10240x64xf32, #tpu.memory_space<vmem_shared>> -> memref<128x64xf32, #tpu.memory_space<vmem_shared>>
      tpu.enqueue_dma source(%dma_start3A_207 : memref<128x64xf32, #tpu.memory_space<vmem_shared>>) target(%arg9 : memref<128x64xf32, #tpu.memory_space<vmem>>) target_semaphore(%run_scoped3A_203 : memref<!tpu.dma_semaphore, #tpu.memory_space<semaphore_mem>>)
      %dma_wait3A_208 = arith.constant 0 : i32
      %dma_wait3A_209 = tpu.memref_slice %arg13[%mul3A_152, %dma_wait3A_208] : memref<10240x64xf32, #tpu.memory_space<vmem_shared>> -> memref<128x64xf32, #tpu.memory_space<vmem_shared>>
      %dma_wait3A_210 = arith.constant 0 : i32
      %dma_wait3A_211 = tpu.memref_slice %arg13[%mul3A_152, %dma_wait3A_210] : memref<10240x64xf32, #tpu.memory_space<vmem_shared>> -> memref<128x64xf32, #tpu.memory_space<vmem_shared>>
      tpu.wait_dma2 semaphore(%run_scoped3A_203 : memref<!tpu.dma_semaphore, #tpu.memory_space<semaphore_mem>>) src(%dma_wait3A_211 : memref<128x64xf32, #tpu.memory_space<vmem_shared>>) dst(%arg9 : memref<128x64xf32, #tpu.memory_space<vmem>>)
      tpu.yield
    }) : () -> ()
    %dma_start3A_161 = arith.constant 0 : i32
    %dma_start3A_162 = tpu.memref_slice %arg5[%arg0, %mul3A_152, %dma_start3A_161] : memref<2x10240x64xf32, #tpu.memory_space<hbm>> -> memref<1x128x64xf32, #tpu.memory_space<hbm>>
    %dma_start3A_163 = tpu.memref_squeeze %dma_start3A_162 : memref<1x128x64xf32, #tpu.memory_space<hbm>> -> memref<128x64xf32, #tpu.memory_space<hbm>>
    %dma_start3A_164 = arith.constant 0 : i32
    %dma_start3A_165 = tpu.memref_slice %arg5[%arg0, %mul3A_152, %dma_start3A_164] : memref<2x10240x64xf32, #tpu.memory_space<hbm>> -> memref<1x128x64xf32, #tpu.memory_space<hbm>>
    %dma_start3A_166 = tpu.memref_squeeze %dma_start3A_165 : memref<1x128x64xf32, #tpu.memory_space<hbm>> -> memref<128x64xf32, #tpu.memory_space<hbm>>
    tpu.enqueue_dma source(%arg9 : memref<128x64xf32, #tpu.memory_space<vmem>>) target(%dma_start3A_166 : memref<128x64xf32, #tpu.memory_space<hbm>>) target_semaphore(%arg18 : memref<!tpu.dma_semaphore, #tpu.memory_space<semaphore_mem>>)
    %mul3A_167 = arith.constant 5 : i32
    %mul3A_168 = arith.muli %arg1, %mul3A_167 : i32
    %add3A_169 = arith.constant 4 : i32
    %add3A_170 = arith.addi %mul3A_168, %add3A_169 : i32
    %mul3A_171 = arith.constant 128 : i32
    %mul3A_172 = arith.muli %add3A_170, %mul3A_171 : i32
    %dma_wait3A_173 = arith.constant 0 : i32
    %dma_wait3A_174 = arith.constant 0 : i32
    %dma_wait3A_175 = tpu.memref_slice %arg5[%arg0, %dma_wait3A_173, %dma_wait3A_174] : memref<2x10240x64xf32, #tpu.memory_space<hbm>> -> memref<1x128x64xf32, #tpu.memory_space<hbm>>
    %dma_wait3A_176 = tpu.memref_squeeze %dma_wait3A_175 : memref<1x128x64xf32, #tpu.memory_space<hbm>> -> memref<128x64xf32, #tpu.memory_space<hbm>>
    %dma_wait3A_177 = arith.constant 0 : i32
    %dma_wait3A_178 = arith.constant 0 : i32
    %dma_wait3A_179 = tpu.memref_slice %arg5[%arg0, %dma_wait3A_177, %dma_wait3A_178] : memref<2x10240x64xf32, #tpu.memory_space<hbm>> -> memref<1x128x64xf32, #tpu.memory_space<hbm>>
    %dma_wait3A_180 = tpu.memref_squeeze %dma_wait3A_179 : memref<1x128x64xf32, #tpu.memory_space<hbm>> -> memref<128x64xf32, #tpu.memory_space<hbm>>
    tpu.wait_dma2 semaphore(%arg18 : memref<!tpu.dma_semaphore, #tpu.memory_space<semaphore_mem>>) src(%arg8 : memref<128x64xf32, #tpu.memory_space<vmem>>) dst(%dma_wait3A_180 : memref<128x64xf32, #tpu.memory_space<hbm>>)
    "tpu.region"() ({
      %run_scoped3A_203 = tpu.sem_alloc : memref<!tpu.dma_semaphore, #tpu.memory_space<semaphore_mem>>
      %dma_start3A_204 = arith.constant 0 : i32
      %dma_start3A_205 = tpu.memref_slice %arg13[%mul3A_172, %dma_start3A_204] : memref<10240x64xf32, #tpu.memory_space<vmem_shared>> -> memref<128x64xf32, #tpu.memory_space<vmem_shared>>
      %dma_start3A_206 = arith.constant 0 : i32
      %dma_start3A_207 = tpu.memref_slice %arg13[%mul3A_172, %dma_start3A_206] : memref<10240x64xf32, #tpu.memory_space<vmem_shared>> -> memref<128x64xf32, #tpu.memory_space<vmem_shared>>
      tpu.enqueue_dma source(%dma_start3A_207 : memref<128x64xf32, #tpu.memory_space<vmem_shared>>) target(%arg8 : memref<128x64xf32, #tpu.memory_space<vmem>>) target_semaphore(%run_scoped3A_203 : memref<!tpu.dma_semaphore, #tpu.memory_space<semaphore_mem>>)
      %dma_wait3A_208 = arith.constant 0 : i32
      %dma_wait3A_209 = tpu.memref_slice %arg13[%mul3A_172, %dma_wait3A_208] : memref<10240x64xf32, #tpu.memory_space<vmem_shared>> -> memref<128x64xf32, #tpu.memory_space<vmem_shared>>
      %dma_wait3A_210 = arith.constant 0 : i32
      %dma_wait3A_211 = tpu.memref_slice %arg13[%mul3A_172, %dma_wait3A_210] : memref<10240x64xf32, #tpu.memory_space<vmem_shared>> -> memref<128x64xf32, #tpu.memory_space<vmem_shared>>
      tpu.wait_dma2 semaphore(%run_scoped3A_203 : memref<!tpu.dma_semaphore, #tpu.memory_space<semaphore_mem>>) src(%dma_wait3A_211 : memref<128x64xf32, #tpu.memory_space<vmem_shared>>) dst(%arg8 : memref<128x64xf32, #tpu.memory_space<vmem>>)
      tpu.yield
    }) : () -> ()
    %dma_start3A_181 = arith.constant 0 : i32
    %dma_start3A_182 = tpu.memref_slice %arg5[%arg0, %mul3A_172, %dma_start3A_181] : memref<2x10240x64xf32, #tpu.memory_space<hbm>> -> memref<1x128x64xf32, #tpu.memory_space<hbm>>
    %dma_start3A_183 = tpu.memref_squeeze %dma_start3A_182 : memref<1x128x64xf32, #tpu.memory_space<hbm>> -> memref<128x64xf32, #tpu.memory_space<hbm>>
    %dma_start3A_184 = arith.constant 0 : i32
    %dma_start3A_185 = tpu.memref_slice %arg5[%arg0, %mul3A_172, %dma_start3A_184] : memref<2x10240x64xf32, #tpu.memory_space<hbm>> -> memref<1x128x64xf32, #tpu.memory_space<hbm>>
    %dma_start3A_186 = tpu.memref_squeeze %dma_start3A_185 : memref<1x128x64xf32, #tpu.memory_space<hbm>> -> memref<128x64xf32, #tpu.memory_space<hbm>>
    tpu.enqueue_dma source(%arg8 : memref<128x64xf32, #tpu.memory_space<vmem>>) target(%dma_start3A_186 : memref<128x64xf32, #tpu.memory_space<hbm>>) target_semaphore(%arg18 : memref<!tpu.dma_semaphore, #tpu.memory_space<semaphore_mem>>)
    %dma_wait3A_187 = arith.constant 0 : i32
    %dma_wait3A_188 = arith.constant 0 : i32
    %dma_wait3A_189 = tpu.memref_slice %arg5[%arg0, %dma_wait3A_187, %dma_wait3A_188] : memref<2x10240x64xf32, #tpu.memory_space<hbm>> -> memref<1x128x64xf32, #tpu.memory_space<hbm>>
    %dma_wait3A_190 = tpu.memref_squeeze %dma_wait3A_189 : memref<1x128x64xf32, #tpu.memory_space<hbm>> -> memref<128x64xf32, #tpu.memory_space<hbm>>
    %dma_wait3A_191 = arith.constant 0 : i32
    %dma_wait3A_192 = arith.constant 0 : i32
    %dma_wait3A_193 = tpu.memref_slice %arg5[%arg0, %dma_wait3A_191, %dma_wait3A_192] : memref<2x10240x64xf32, #tpu.memory_space<hbm>> -> memref<1x128x64xf32, #tpu.memory_space<hbm>>
    %dma_wait3A_194 = tpu.memref_squeeze %dma_wait3A_193 : memref<1x128x64xf32, #tpu.memory_space<hbm>> -> memref<128x64xf32, #tpu.memory_space<hbm>>
    tpu.wait_dma2 semaphore(%arg18 : memref<!tpu.dma_semaphore, #tpu.memory_space<semaphore_mem>>) src(%arg8 : memref<128x64xf32, #tpu.memory_space<vmem>>) dst(%dma_wait3A_194 : memref<128x64xf32, #tpu.memory_space<hbm>>)
    %dma_wait3A_195 = arith.constant 0 : i32
    %dma_wait3A_196 = arith.constant 0 : i32
    %dma_wait3A_197 = tpu.memref_slice %arg5[%arg0, %dma_wait3A_195, %dma_wait3A_196] : memref<2x10240x64xf32, #tpu.memory_space<hbm>> -> memref<1x128x64xf32, #tpu.memory_space<hbm>>
    %dma_wait3A_198 = tpu.memref_squeeze %dma_wait3A_197 : memref<1x128x64xf32, #tpu.memory_space<hbm>> -> memref<128x64xf32, #tpu.memory_space<hbm>>
    %dma_wait3A_199 = arith.constant 0 : i32
    %dma_wait3A_200 = arith.constant 0 : i32
    %dma_wait3A_201 = tpu.memref_slice %arg5[%arg0, %dma_wait3A_199, %dma_wait3A_200] : memref<2x10240x64xf32, #tpu.memory_space<hbm>> -> memref<1x128x64xf32, #tpu.memory_space<hbm>>
    %dma_wait3A_202 = tpu.memref_squeeze %dma_wait3A_201 : memref<1x128x64xf32, #tpu.memory_space<hbm>> -> memref<128x64xf32, #tpu.memory_space<hbm>>
    tpu.wait_dma2 semaphore(%arg18 : memref<!tpu.dma_semaphore, #tpu.memory_space<semaphore_mem>>) src(%arg9 : memref<128x64xf32, #tpu.memory_space<vmem>>) dst(%dma_wait3A_202 : memref<128x64xf32, #tpu.memory_space<hbm>>)
    return
  }
}

#map = affine_map<(d0, d1) -> (0, 0, 0)>
#map1 = affine_map<(d0, d1) -> (0, 0)>
module attributes {stable_mosaic.version = 14 : i64} {
  func.func @_sc_conv(%arg0: i32, %arg1: i32, %arg2: memref<32x80x128xi32, #tpu.memory_space<hbm>>, %arg3: memref<32x80x128xi32, #tpu.memory_space<hbm>>, %arg4: memref<10240x64xf32, #tpu.memory_space<hbm>>, %arg5: memref<2x10240x64xf32, #tpu.memory_space<hbm>>, %arg6: memref<80x128xi32, #tpu.memory_space<vmem>>, %arg7: memref<80x128xi32, #tpu.memory_space<vmem>>, %arg8: memref<128x64xf32, #tpu.memory_space<vmem>>, %arg9: memref<128x64xf32, #tpu.memory_space<vmem>>, %arg10: memref<128x64xf32, #tpu.memory_space<vmem>>, %arg11: memref<128x64xf32, #tpu.memory_space<vmem>>, %arg12: memref<128x64xf32, #tpu.memory_space<vmem>>, %arg13: memref<10240x64xf32, #tpu.memory_space<vmem_shared>>, %arg14: memref<!tpu.dma_semaphore, #tpu.memory_space<semaphore_mem>>, %arg15: memref<!tpu.dma_semaphore, #tpu.memory_space<semaphore_mem>>, %arg16: memref<!tpu.dma_semaphore, #tpu.memory_space<semaphore_mem>>, %arg17: memref<!tpu.dma_semaphore, #tpu.memory_space<semaphore_mem>>, %arg18: memref<!tpu.dma_semaphore, #tpu.memory_space<semaphore_mem>>) attributes {dimension_semantics = [#tpu.dimension_semantics<core_parallel>, #tpu.dimension_semantics<subcore_parallel>], iteration_bounds = array<i64: 2, 16>, scalar_prefetch = 0 : i64, scratch_operands = 13 : i64, tpu.core_type = #tpu.core_type<sc_vector_subcore>, window_params = [{transform_indices = #map}, {transform_indices = #map}, {transform_indices = #map1}, {transform_indices = #map}]} {
    %mul3A = arith.constant 16 : i32
    %mul3A_0 = arith.muli %arg0, %mul3A : i32
    %add3A = arith.addi %mul3A_0, %arg1 : i32
    %broadcast_in_dim3A = arith.constant 0.000000e+00 : f32
    %broadcast_in_dim3A_1 = vector.broadcast %broadcast_in_dim3A : f32 to vector<16xf32>
    %scan3A = arith.constant 0 : i32
    %scan3A_2 = arith.constant 0 : i32
    %scan3A_3 = arith.constant 128 : i32
    %scan3A_4 = arith.addi %scan3A_2, %scan3A_3 : i32
    %scan3A_5 = arith.constant 1 : i32
    %scan3A_6 = scf.for %scan3A_203 = %scan3A_2 to %scan3A_4 step %scan3A_5 iter_args(%scan3A_204 = %scan3A) -> (i32)  : i32 {
      %swap3A = arith.index_cast %scan3A_203 : i32 to index
      %swap3A_205 = arith.constant 0 : index
      %swap3A_206 = tpu.vector_load %arg12[%swap3A, %swap3A_205] {strides = array<i32>} : memref<128x64xf32, #tpu.memory_space<vmem>>, vector<16xf32>,
      tpu.vector_store %arg12[%swap3A, %swap3A_205], %broadcast_in_dim3A_1 {strides = array<i32>} : memref<128x64xf32, #tpu.memory_space<vmem>>, vector<16xf32>,
      %swap3A_207 = arith.index_cast %scan3A_203 : i32 to index
      %swap3A_208 = arith.constant 16 : index
      %swap3A_209 = tpu.vector_load %arg12[%swap3A_207, %swap3A_208] {strides = array<i32>} : memref<128x64xf32, #tpu.memory_space<vmem>>, vector<16xf32>,
      tpu.vector_store %arg12[%swap3A_207, %swap3A_208], %broadcast_in_dim3A_1 {strides = array<i32>} : memref<128x64xf32, #tpu.memory_space<vmem>>, vector<16xf32>,
      %swap3A_210 = arith.index_cast %scan3A_203 : i32 to index
      %swap3A_211 = arith.constant 32 : index
      %swap3A_212 = tpu.vector_load %arg12[%swap3A_210, %swap3A_211] {strides = array<i32>} : memref<128x64xf32, #tpu.memory_space<vmem>>, vector<16xf32>,
      tpu.vector_store %arg12[%swap3A_210, %swap3A_211], %broadcast_in_dim3A_1 {strides = array<i32>} : memref<128x64xf32, #tpu.memory_space<vmem>>, vector<16xf32>,
      %swap3A_213 = arith.index_cast %scan3A_203 : i32 to index
      %swap3A_214 = arith.constant 48 : index
      %swap3A_215 = tpu.vector_load %arg12[%swap3A_213, %swap3A_214] {strides = array<i32>} : memref<128x64xf32, #tpu.memory_space<vmem>>, vector<16xf32>,
      tpu.vector_store %arg12[%swap3A_213, %swap3A_214], %broadcast_in_dim3A_1 {strides = array<i32>} : memref<128x64xf32, #tpu.memory_space<vmem>>, vector<16xf32>,
      %scan3A_216 = arith.constant 0 : i32
      scf.yield %scan3A_216 : i32
    }
    %scan3A_7 = arith.constant 128 : i32
    %mul3A_8 = arith.constant 5 : i32
    %mul3A_9 = arith.muli %arg1, %mul3A_8 : i32
    %add3A_10 = arith.constant 0 : i32
    %add3A_11 = arith.addi %mul3A_9, %add3A_10 : i32
    %mul3A_12 = arith.constant 128 : i32
    %mul3A_13 = arith.muli %add3A_11, %mul3A_12 : i32
    "tpu.region"() ({
      %run_scoped3A_203 = tpu.sem_alloc : memref<!tpu.dma_semaphore, #tpu.memory_space<semaphore_mem>>
      %dma_start3A_204 = arith.constant 0 : i32
      %dma_start3A_205 = tpu.memref_slice %arg13[%mul3A_13, %dma_start3A_204] : memref<10240x64xf32, #tpu.memory_space<vmem_shared>> -> memref<128x64xf32, #tpu.memory_space<vmem_shared>>
      %dma_start3A_206 = arith.constant 0 : i32
      %dma_start3A_207 = tpu.memref_slice %arg13[%mul3A_13, %dma_start3A_206] : memref<10240x64xf32, #tpu.memory_space<vmem_shared>> -> memref<128x64xf32, #tpu.memory_space<vmem_shared>>
      tpu.enqueue_dma source(%arg12 : memref<128x64xf32, #tpu.memory_space<vmem>>) target(%dma_start3A_207 : memref<128x64xf32, #tpu.memory_space<vmem_shared>>) target_semaphore(%run_scoped3A_203 : memref<!tpu.dma_semaphore, #tpu.memory_space<semaphore_mem>>)
      %dma_wait3A_208 = arith.constant 0 : i32
      %dma_wait3A_209 = tpu.memref_slice %arg13[%mul3A_13, %dma_wait3A_208] : memref<10240x64xf32, #tpu.memory_space<vmem_shared>> -> memref<128x64xf32, #tpu.memory_space<vmem_shared>>
      %dma_wait3A_210 = arith.constant 0 : i32
      %dma_wait3A_211 = tpu.memref_slice %arg13[%mul3A_13, %dma_wait3A_210] : memref<10240x64xf32, #tpu.memory_space<vmem_shared>> -> memref<128x64xf32, #tpu.memory_space<vmem_shared>>
      tpu.wait_dma2 semaphore(%run_scoped3A_203 : memref<!tpu.dma_semaphore, #tpu.memory_space<semaphore_mem>>) src(%arg12 : memref<128x64xf32, #tpu.memory_space<vmem>>) dst(%dma_wait3A_211 : memref<128x64xf32, #tpu.memory_space<vmem_shared>>)
      tpu.yield
    }) : () -> ()
    %mul3A_14 = arith.constant 5 : i32
    %mul3A_15 = arith.muli %arg1, %mul3A_14 : i32
    %add3A_16 = arith.constant 1 : i32
    %add3A_17 = arith.addi %mul3A_15, %add3A_16 : i32
    %mul3A_18 = arith.constant 128 : i32
    %mul3A_19 = arith.muli %add3A_17, %mul3A_18 : i32
    "tpu.region"() ({
      %run_scoped3A_203 = tpu.sem_alloc : memref<!tpu.dma_semaphore, #tpu.memory_space<semaphore_mem>>
      %dma_start3A_204 = arith.constant 0 : i32
      %dma_start3A_205 = tpu.memref_slice %arg13[%mul3A_19, %dma_start3A_204] : memref<10240x64xf32, #tpu.memory_space<vmem_shared>> -> memref<128x64xf32, #tpu.memory_space<vmem_shared>>
      %dma_start3A_206 = arith.constant 0 : i32
      %dma_start3A_207 = tpu.memref_slice %arg13[%mul3A_19, %dma_start3A_206] : memref<10240x64xf32, #tpu.memory_space<vmem_shared>> -> memref<128x64xf32, #tpu.memory_space<vmem_shared>>
      tpu.enqueue_dma source(%arg12 : memref<128x64xf32, #tpu.memory_space<vmem>>) target(%dma_start3A_207 : memref<128x64xf32, #tpu.memory_space<vmem_shared>>) target_semaphore(%run_scoped3A_203 : memref<!tpu.dma_semaphore, #tpu.memory_space<semaphore_mem>>)
      %dma_wait3A_208 = arith.constant 0 : i32
      %dma_wait3A_209 = tpu.memref_slice %arg13[%mul3A_19, %dma_wait3A_208] : memref<10240x64xf32, #tpu.memory_space<vmem_shared>> -> memref<128x64xf32, #tpu.memory_space<vmem_shared>>
      %dma_wait3A_210 = arith.constant 0 : i32
      %dma_wait3A_211 = tpu.memref_slice %arg13[%mul3A_19, %dma_wait3A_210] : memref<10240x64xf32, #tpu.memory_space<vmem_shared>> -> memref<128x64xf32, #tpu.memory_space<vmem_shared>>
      tpu.wait_dma2 semaphore(%run_scoped3A_203 : memref<!tpu.dma_semaphore, #tpu.memory_space<semaphore_mem>>) src(%arg12 : memref<128x64xf32, #tpu.memory_space<vmem>>) dst(%dma_wait3A_211 : memref<128x64xf32, #tpu.memory_space<vmem_shared>>)
      tpu.yield
    }) : () -> ()
    %mul3A_20 = arith.constant 5 : i32
    %mul3A_21 = arith.muli %arg1, %mul3A_20 : i32
    %add3A_22 = arith.constant 2 : i32
    %add3A_23 = arith.addi %mul3A_21, %add3A_22 : i32
    %mul3A_24 = arith.constant 128 : i32
    %mul3A_25 = arith.muli %add3A_23, %mul3A_24 : i32
    "tpu.region"() ({
      %run_scoped3A_203 = tpu.sem_alloc : memref<!tpu.dma_semaphore, #tpu.memory_space<semaphore_mem>>
      %dma_start3A_204 = arith.constant 0 : i32
      %dma_start3A_205 = tpu.memref_slice %arg13[%mul3A_25, %dma_start3A_204] : memref<10240x64xf32, #tpu.memory_space<vmem_shared>> -> memref<128x64xf32, #tpu.memory_space<vmem_shared>>
      %dma_start3A_206 = arith.constant 0 : i32
      %dma_start3A_207 = tpu.memref_slice %arg13[%mul3A_25, %dma_start3A_206] : memref<10240x64xf32, #tpu.memory_space<vmem_shared>> -> memref<128x64xf32, #tpu.memory_space<vmem_shared>>
      tpu.enqueue_dma source(%arg12 : memref<128x64xf32, #tpu.memory_space<vmem>>) target(%dma_start3A_207 : memref<128x64xf32, #tpu.memory_space<vmem_shared>>) target_semaphore(%run_scoped3A_203 : memref<!tpu.dma_semaphore, #tpu.memory_space<semaphore_mem>>)
      %dma_wait3A_208 = arith.constant 0 : i32
      %dma_wait3A_209 = tpu.memref_slice %arg13[%mul3A_25, %dma_wait3A_208] : memref<10240x64xf32, #tpu.memory_space<vmem_shared>> -> memref<128x64xf32, #tpu.memory_space<vmem_shared>>
      %dma_wait3A_210 = arith.constant 0 : i32
      %dma_wait3A_211 = tpu.memref_slice %arg13[%mul3A_25, %dma_wait3A_210] : memref<10240x64xf32, #tpu.memory_space<vmem_shared>> -> memref<128x64xf32, #tpu.memory_space<vmem_shared>>
      tpu.wait_dma2 semaphore(%run_scoped3A_203 : memref<!tpu.dma_semaphore, #tpu.memory_space<semaphore_mem>>) src(%arg12 : memref<128x64xf32, #tpu.memory_space<vmem>>) dst(%dma_wait3A_211 : memref<128x64xf32, #tpu.memory_space<vmem_shared>>)
      tpu.yield
    }) : () -> ()
    %mul3A_26 = arith.constant 5 : i32
    %mul3A_27 = arith.muli %arg1, %mul3A_26 : i32
    %add3A_28 = arith.constant 3 : i32
    %add3A_29 = arith.addi %mul3A_27, %add3A_28 : i32
    %mul3A_30 = arith.constant 128 : i32
    %mul3A_31 = arith.muli %add3A_29, %mul3A_30 : i32
    "tpu.region"() ({
      %run_scoped3A_203 = tpu.sem_alloc : memref<!tpu.dma_semaphore, #tpu.memory_space<semaphore_mem>>
      %dma_start3A_204 = arith.constant 0 : i32
      %dma_start3A_205 = tpu.memref_slice %arg13[%mul3A_31, %dma_start3A_204] : memref<10240x64xf32, #tpu.memory_space<vmem_shared>> -> memref<128x64xf32, #tpu.memory_space<vmem_shared>>
      %dma_start3A_206 = arith.constant 0 : i32
      %dma_start3A_207 = tpu.memref_slice %arg13[%mul3A_31, %dma_start3A_206] : memref<10240x64xf32, #tpu.memory_space<vmem_shared>> -> memref<128x64xf32, #tpu.memory_space<vmem_shared>>
      tpu.enqueue_dma source(%arg12 : memref<128x64xf32, #tpu.memory_space<vmem>>) target(%dma_start3A_207 : memref<128x64xf32, #tpu.memory_space<vmem_shared>>) target_semaphore(%run_scoped3A_203 : memref<!tpu.dma_semaphore, #tpu.memory_space<semaphore_mem>>)
      %dma_wait3A_208 = arith.constant 0 : i32
      %dma_wait3A_209 = tpu.memref_slice %arg13[%mul3A_31, %dma_wait3A_208] : memref<10240x64xf32, #tpu.memory_space<vmem_shared>> -> memref<128x64xf32, #tpu.memory_space<vmem_shared>>
      %dma_wait3A_210 = arith.constant 0 : i32
      %dma_wait3A_211 = tpu.memref_slice %arg13[%mul3A_31, %dma_wait3A_210] : memref<10240x64xf32, #tpu.memory_space<vmem_shared>> -> memref<128x64xf32, #tpu.memory_space<vmem_shared>>
      tpu.wait_dma2 semaphore(%run_scoped3A_203 : memref<!tpu.dma_semaphore, #tpu.memory_space<semaphore_mem>>) src(%arg12 : memref<128x64xf32, #tpu.memory_space<vmem>>) dst(%dma_wait3A_211 : memref<128x64xf32, #tpu.memory_space<vmem_shared>>)
      tpu.yield
    }) : () -> ()
    %mul3A_32 = arith.constant 5 : i32
    %mul3A_33 = arith.muli %arg1, %mul3A_32 : i32
    %add3A_34 = arith.constant 4 : i32
    %add3A_35 = arith.addi %mul3A_33, %add3A_34 : i32
    %mul3A_36 = arith.constant 128 : i32
    %mul3A_37 = arith.muli %add3A_35, %mul3A_36 : i32
    "tpu.region"() ({
      %run_scoped3A_203 = tpu.sem_alloc : memref<!tpu.dma_semaphore, #tpu.memory_space<semaphore_mem>>
      %dma_start3A_204 = arith.constant 0 : i32
      %dma_start3A_205 = tpu.memref_slice %arg13[%mul3A_37, %dma_start3A_204] : memref<10240x64xf32, #tpu.memory_space<vmem_shared>> -> memref<128x64xf32, #tpu.memory_space<vmem_shared>>
      %dma_start3A_206 = arith.constant 0 : i32
      %dma_start3A_207 = tpu.memref_slice %arg13[%mul3A_37, %dma_start3A_206] : memref<10240x64xf32, #tpu.memory_space<vmem_shared>> -> memref<128x64xf32, #tpu.memory_space<vmem_shared>>
      tpu.enqueue_dma source(%arg12 : memref<128x64xf32, #tpu.memory_space<vmem>>) target(%dma_start3A_207 : memref<128x64xf32, #tpu.memory_space<vmem_shared>>) target_semaphore(%run_scoped3A_203 : memref<!tpu.dma_semaphore, #tpu.memory_space<semaphore_mem>>)
      %dma_wait3A_208 = arith.constant 0 : i32
      %dma_wait3A_209 = tpu.memref_slice %arg13[%mul3A_37, %dma_wait3A_208] : memref<10240x64xf32, #tpu.memory_space<vmem_shared>> -> memref<128x64xf32, #tpu.memory_space<vmem_shared>>
      %dma_wait3A_210 = arith.constant 0 : i32
      %dma_wait3A_211 = tpu.memref_slice %arg13[%mul3A_37, %dma_wait3A_210] : memref<10240x64xf32, #tpu.memory_space<vmem_shared>> -> memref<128x64xf32, #tpu.memory_space<vmem_shared>>
      tpu.wait_dma2 semaphore(%run_scoped3A_203 : memref<!tpu.dma_semaphore, #tpu.memory_space<semaphore_mem>>) src(%arg12 : memref<128x64xf32, #tpu.memory_space<vmem>>) dst(%dma_wait3A_211 : memref<128x64xf32, #tpu.memory_space<vmem_shared>>)
      tpu.yield
    }) : () -> ()
    %barrier3A = arith.constant 0 : index
    tpu.barrier barrier_id(%barrier3A)
    "tpu.region"() ({
      %run_scoped3A_203 = tpu.sem_alloc : memref<!tpu.dma_semaphore, #tpu.memory_space<semaphore_mem>>
      %dma_start3A_204 = arith.constant 0 : i32
      %dma_start3A_205 = arith.constant 0 : i32
      %dma_start3A_206 = tpu.memref_slice %arg2[%add3A, %dma_start3A_204, %dma_start3A_205] : memref<32x80x128xi32, #tpu.memory_space<hbm>> -> memref<1x80x128xi32, #tpu.memory_space<hbm>>
      %dma_start3A_207 = tpu.memref_squeeze %dma_start3A_206 : memref<1x80x128xi32, #tpu.memory_space<hbm>> -> memref<80x128xi32, #tpu.memory_space<hbm>>
      %dma_start3A_208 = arith.constant 0 : i32
      %dma_start3A_209 = arith.constant 0 : i32
      %dma_start3A_210 = tpu.memref_slice %arg2[%add3A, %dma_start3A_208, %dma_start3A_209] : memref<32x80x128xi32, #tpu.memory_space<hbm>> -> memref<1x80x128xi32, #tpu.memory_space<hbm>>
      %dma_start3A_211 = tpu.memref_squeeze %dma_start3A_210 : memref<1x80x128xi32, #tpu.memory_space<hbm>> -> memref<80x128xi32, #tpu.memory_space<hbm>>
      tpu.enqueue_dma source(%dma_start3A_211 : memref<80x128xi32, #tpu.memory_space<hbm>>) target(%arg6 : memref<80x128xi32, #tpu.memory_space<vmem>>) target_semaphore(%run_scoped3A_203 : memref<!tpu.dma_semaphore, #tpu.memory_space<semaphore_mem>>)
      %dma_wait3A_212 = arith.constant 0 : i32
      %dma_wait3A_213 = arith.constant 0 : i32
      %dma_wait3A_214 = tpu.memref_slice %arg2[%add3A, %dma_wait3A_212, %dma_wait3A_213] : memref<32x80x128xi32, #tpu.memory_space<hbm>> -> memref<1x80x128xi32, #tpu.memory_space<hbm>>
      %dma_wait3A_215 = tpu.memref_squeeze %dma_wait3A_214 : memref<1x80x128xi32, #tpu.memory_space<hbm>> -> memref<80x128xi32, #tpu.memory_space<hbm>>
      %dma_wait3A_216 = arith.constant 0 : i32
      %dma_wait3A_217 = arith.constant 0 : i32
      %dma_wait3A_218 = tpu.memref_slice %arg2[%add3A, %dma_wait3A_216, %dma_wait3A_217] : memref<32x80x128xi32, #tpu.memory_space<hbm>> -> memref<1x80x128xi32, #tpu.memory_space<hbm>>
      %dma_wait3A_219 = tpu.memref_squeeze %dma_wait3A_218 : memref<1x80x128xi32, #tpu.memory_space<hbm>> -> memref<80x128xi32, #tpu.memory_space<hbm>>
      tpu.wait_dma2 semaphore(%run_scoped3A_203 : memref<!tpu.dma_semaphore, #tpu.memory_space<semaphore_mem>>) src(%dma_wait3A_219 : memref<80x128xi32, #tpu.memory_space<hbm>>) dst(%arg6 : memref<80x128xi32, #tpu.memory_space<vmem>>)
      tpu.yield
    }) : () -> ()
    "tpu.region"() ({
      %run_scoped3A_203 = tpu.sem_alloc : memref<!tpu.dma_semaphore, #tpu.memory_space<semaphore_mem>>
      %dma_start3A_204 = arith.constant 0 : i32
      %dma_start3A_205 = arith.constant 0 : i32
      %dma_start3A_206 = tpu.memref_slice %arg3[%add3A, %dma_start3A_204, %dma_start3A_205] : memref<32x80x128xi32, #tpu.memory_space<hbm>> -> memref<1x80x128xi32, #tpu.memory_space<hbm>>
      %dma_start3A_207 = tpu.memref_squeeze %dma_start3A_206 : memref<1x80x128xi32, #tpu.memory_space<hbm>> -> memref<80x128xi32, #tpu.memory_space<hbm>>
      %dma_start3A_208 = arith.constant 0 : i32
      %dma_start3A_209 = arith.constant 0 : i32
      %dma_start3A_210 = tpu.memref_slice %arg3[%add3A, %dma_start3A_208, %dma_start3A_209] : memref<32x80x128xi32, #tpu.memory_space<hbm>> -> memref<1x80x128xi32, #tpu.memory_space<hbm>>
      %dma_start3A_211 = tpu.memref_squeeze %dma_start3A_210 : memref<1x80x128xi32, #tpu.memory_space<hbm>> -> memref<80x128xi32, #tpu.memory_space<hbm>>
      tpu.enqueue_dma source(%dma_start3A_211 : memref<80x128xi32, #tpu.memory_space<hbm>>) target(%arg7 : memref<80x128xi32, #tpu.memory_space<vmem>>) target_semaphore(%run_scoped3A_203 : memref<!tpu.dma_semaphore, #tpu.memory_space<semaphore_mem>>)
      %dma_wait3A_212 = arith.constant 0 : i32
      %dma_wait3A_213 = arith.constant 0 : i32
      %dma_wait3A_214 = tpu.memref_slice %arg3[%add3A, %dma_wait3A_212, %dma_wait3A_213] : memref<32x80x128xi32, #tpu.memory_space<hbm>> -> memref<1x80x128xi32, #tpu.memory_space<hbm>>
      %dma_wait3A_215 = tpu.memref_squeeze %dma_wait3A_214 : memref<1x80x128xi32, #tpu.memory_space<hbm>> -> memref<80x128xi32, #tpu.memory_space<hbm>>
      %dma_wait3A_216 = arith.constant 0 : i32
      %dma_wait3A_217 = arith.constant 0 : i32
      %dma_wait3A_218 = tpu.memref_slice %arg3[%add3A, %dma_wait3A_216, %dma_wait3A_217] : memref<32x80x128xi32, #tpu.memory_space<hbm>> -> memref<1x80x128xi32, #tpu.memory_space<hbm>>
      %dma_wait3A_219 = tpu.memref_squeeze %dma_wait3A_218 : memref<1x80x128xi32, #tpu.memory_space<hbm>> -> memref<80x128xi32, #tpu.memory_space<hbm>>
      tpu.wait_dma2 semaphore(%run_scoped3A_203 : memref<!tpu.dma_semaphore, #tpu.memory_space<semaphore_mem>>) src(%dma_wait3A_219 : memref<80x128xi32, #tpu.memory_space<hbm>>) dst(%arg7 : memref<80x128xi32, #tpu.memory_space<vmem>>)
      tpu.yield
    }) : () -> ()
    %dma_start3A = arith.constant 0 : i32
    %dma_start3A_38 = arith.constant 0 : i32
    %dma_start3A_39 = tpu.memref_slice %arg6[%dma_start3A, %dma_start3A_38] : memref<80x128xi32, #tpu.memory_space<vmem>> -> memref<1x128xi32, #tpu.memory_space<vmem>>
    %dma_start3A_40 = tpu.memref_squeeze %dma_start3A_39 : memref<1x128xi32, #tpu.memory_space<vmem>> -> memref<128xi32, #tpu.memory_space<vmem>>
    %dma_start3A_41 = arith.constant 0 : i32
    %dma_start3A_42 = arith.constant 0 : i32
    %dma_start3A_43 = tpu.memref_slice %arg4[%dma_start3A_41, %dma_start3A_42] : memref<10240x64xf32, #tpu.memory_space<hbm>> -> memref<10240x64xf32, #tpu.memory_space<hbm>>
    tpu.enqueue_indirect_dma source(%dma_start3A_43 : memref<10240x64xf32, #tpu.memory_space<hbm>>) target(%arg8 : memref<128x64xf32, #tpu.memory_space<vmem>>) offsets(%dma_start3A_40 : memref<128xi32, #tpu.memory_space<vmem>>) semaphore(%arg14 : memref<!tpu.dma_semaphore, #tpu.memory_space<semaphore_mem>>)
    %dma_start3A_44 = arith.constant 1 : i32
    %dma_start3A_45 = arith.constant 0 : i32
    %dma_start3A_46 = tpu.memref_slice %arg6[%dma_start3A_44, %dma_start3A_45] : memref<80x128xi32, #tpu.memory_space<vmem>> -> memref<1x128xi32, #tpu.memory_space<vmem>>
    %dma_start3A_47 = tpu.memref_squeeze %dma_start3A_46 : memref<1x128xi32, #tpu.memory_space<vmem>> -> memref<128xi32, #tpu.memory_space<vmem>>
    %dma_start3A_48 = arith.constant 0 : i32
    %dma_start3A_49 = arith.constant 0 : i32
    %dma_start3A_50 = tpu.memref_slice %arg4[%dma_start3A_48, %dma_start3A_49] : memref<10240x64xf32, #tpu.memory_space<hbm>> -> memref<10240x64xf32, #tpu.memory_space<hbm>>
    tpu.enqueue_indirect_dma source(%dma_start3A_50 : memref<10240x64xf32, #tpu.memory_space<hbm>>) target(%arg9 : memref<128x64xf32, #tpu.memory_space<vmem>>) offsets(%dma_start3A_47 : memref<128xi32, #tpu.memory_space<vmem>>) semaphore(%arg15 : memref<!tpu.dma_semaphore, #tpu.memory_space<semaphore_mem>>)
    %dma_start3A_51 = arith.constant 2 : i32
    %dma_start3A_52 = arith.constant 0 : i32
    %dma_start3A_53 = tpu.memref_slice %arg6[%dma_start3A_51, %dma_start3A_52] : memref<80x128xi32, #tpu.memory_space<vmem>> -> memref<1x128xi32, #tpu.memory_space<vmem>>
    %dma_start3A_54 = tpu.memref_squeeze %dma_start3A_53 : memref<1x128xi32, #tpu.memory_space<vmem>> -> memref<128xi32, #tpu.memory_space<vmem>>
    %dma_start3A_55 = arith.constant 0 : i32
    %dma_start3A_56 = arith.constant 0 : i32
    %dma_start3A_57 = tpu.memref_slice %arg4[%dma_start3A_55, %dma_start3A_56] : memref<10240x64xf32, #tpu.memory_space<hbm>> -> memref<10240x64xf32, #tpu.memory_space<hbm>>
    tpu.enqueue_indirect_dma source(%dma_start3A_57 : memref<10240x64xf32, #tpu.memory_space<hbm>>) target(%arg10 : memref<128x64xf32, #tpu.memory_space<vmem>>) offsets(%dma_start3A_54 : memref<128xi32, #tpu.memory_space<vmem>>) semaphore(%arg16 : memref<!tpu.dma_semaphore, #tpu.memory_space<semaphore_mem>>)
    %dma_start3A_58 = arith.constant 3 : i32
    %dma_start3A_59 = arith.constant 0 : i32
    %dma_start3A_60 = tpu.memref_slice %arg6[%dma_start3A_58, %dma_start3A_59] : memref<80x128xi32, #tpu.memory_space<vmem>> -> memref<1x128xi32, #tpu.memory_space<vmem>>
    %dma_start3A_61 = tpu.memref_squeeze %dma_start3A_60 : memref<1x128xi32, #tpu.memory_space<vmem>> -> memref<128xi32, #tpu.memory_space<vmem>>
    %dma_start3A_62 = arith.constant 0 : i32
    %dma_start3A_63 = arith.constant 0 : i32
    %dma_start3A_64 = tpu.memref_slice %arg4[%dma_start3A_62, %dma_start3A_63] : memref<10240x64xf32, #tpu.memory_space<hbm>> -> memref<10240x64xf32, #tpu.memory_space<hbm>>
    tpu.enqueue_indirect_dma source(%dma_start3A_64 : memref<10240x64xf32, #tpu.memory_space<hbm>>) target(%arg11 : memref<128x64xf32, #tpu.memory_space<vmem>>) offsets(%dma_start3A_61 : memref<128xi32, #tpu.memory_space<vmem>>) semaphore(%arg17 : memref<!tpu.dma_semaphore, #tpu.memory_space<semaphore_mem>>)
    %scan3A_65 = arith.constant 0 : i32
    %scan3A_66 = arith.constant 0 : i32
    %scan3A_67 = arith.constant 19 : i32
    %scan3A_68 = arith.addi %scan3A_66, %scan3A_67 : i32
    %scan3A_69 = arith.constant 1 : i32
    %scan3A_70 = scf.for %scan3A_203 = %scan3A_66 to %scan3A_68 step %scan3A_69 iter_args(%scan3A_204 = %scan3A_65) -> (i32)  : i32 {
      %mul3A_205 = arith.constant 4 : i32
      %mul3A_206 = arith.muli %mul3A_205, %scan3A_203 : i32
      %add3A_207 = arith.constant 0 : i32
      %add3A_208 = arith.addi %mul3A_206, %add3A_207 : i32
      %dma_wait3A_209 = arith.constant 0 : i32
      %dma_wait3A_210 = tpu.memref_slice %arg6[%add3A_208, %dma_wait3A_209] : memref<80x128xi32, #tpu.memory_space<vmem>> -> memref<1x128xi32, #tpu.memory_space<vmem>>
      %dma_wait3A_211 = tpu.memref_squeeze %dma_wait3A_210 : memref<1x128xi32, #tpu.memory_space<vmem>> -> memref<128xi32, #tpu.memory_space<vmem>>
      %dma_wait3A_212 = arith.constant 0 : i32
      %dma_wait3A_213 = arith.constant 0 : i32
      %dma_wait3A_214 = tpu.memref_slice %arg4[%dma_wait3A_212, %dma_wait3A_213] : memref<10240x64xf32, #tpu.memory_space<hbm>> -> memref<10240x64xf32, #tpu.memory_space<hbm>>
      tpu.wait_indirect_dma semaphore(%arg14 : memref<!tpu.dma_semaphore, #tpu.memory_space<semaphore_mem>>) src(%dma_wait3A_214 : memref<10240x64xf32, #tpu.memory_space<hbm>>) dst(%arg8 : memref<128x64xf32, #tpu.memory_space<vmem>>)
      %add3A_215 = arith.constant 0 : i32
      %add3A_216 = arith.addi %mul3A_206, %add3A_215 : i32
      "tpu.region"() ({
        %run_scoped3A_288 = tpu.sem_alloc : memref<!tpu.dma_semaphore, #tpu.memory_space<semaphore_mem>>
        %dma_start3A_289 = arith.constant 0 : i32
        %dma_start3A_290 = tpu.memref_slice %arg7[%add3A_216, %dma_start3A_289] : memref<80x128xi32, #tpu.memory_space<vmem>> -> memref<1x128xi32, #tpu.memory_space<vmem>>
        %dma_start3A_291 = tpu.memref_squeeze %dma_start3A_290 : memref<1x128xi32, #tpu.memory_space<vmem>> -> memref<128xi32, #tpu.memory_space<vmem>>
        %dma_start3A_292 = arith.constant 0 : i32
        %dma_start3A_293 = arith.constant 0 : i32
        %dma_start3A_294 = tpu.memref_slice %arg13[%dma_start3A_292, %dma_start3A_293] : memref<10240x64xf32, #tpu.memory_space<vmem_shared>> -> memref<10240x64xf32, #tpu.memory_space<vmem_shared>>
        tpu.enqueue_indirect_dma source(%arg8 : memref<128x64xf32, #tpu.memory_space<vmem>>) target(%dma_start3A_294 : memref<10240x64xf32, #tpu.memory_space<vmem_shared>>) offsets(%dma_start3A_291 : memref<128xi32, #tpu.memory_space<vmem>>) semaphore(%run_scoped3A_288 : memref<!tpu.dma_semaphore, #tpu.memory_space<semaphore_mem>>) {add = true}
        %dma_wait3A_295 = arith.constant 0 : i32
        %dma_wait3A_296 = tpu.memref_slice %arg7[%add3A_216, %dma_wait3A_295] : memref<80x128xi32, #tpu.memory_space<vmem>> -> memref<1x128xi32, #tpu.memory_space<vmem>>
        %dma_wait3A_297 = tpu.memref_squeeze %dma_wait3A_296 : memref<1x128xi32, #tpu.memory_space<vmem>> -> memref<128xi32, #tpu.memory_space<vmem>>
        %dma_wait3A_298 = arith.constant 0 : i32
        %dma_wait3A_299 = arith.constant 0 : i32
        %dma_wait3A_300 = tpu.memref_slice %arg13[%dma_wait3A_298, %dma_wait3A_299] : memref<10240x64xf32, #tpu.memory_space<vmem_shared>> -> memref<10240x64xf32, #tpu.memory_space<vmem_shared>>
        tpu.wait_indirect_dma semaphore(%run_scoped3A_288 : memref<!tpu.dma_semaphore, #tpu.memory_space<semaphore_mem>>) src(%arg8 : memref<128x64xf32, #tpu.memory_space<vmem>>) dst(%dma_wait3A_300 : memref<10240x64xf32, #tpu.memory_space<vmem_shared>>)
        tpu.yield
      }) : () -> ()
      %add3A_217 = arith.constant 0 : i32
      %add3A_218 = arith.addi %mul3A_206, %add3A_217 : i32
      %add3A_219 = arith.constant 4 : i32
      %add3A_220 = arith.addi %add3A_218, %add3A_219 : i32
      %dma_start3A_221 = arith.constant 0 : i32
      %dma_start3A_222 = tpu.memref_slice %arg6[%add3A_220, %dma_start3A_221] : memref<80x128xi32, #tpu.memory_space<vmem>> -> memref<1x128xi32, #tpu.memory_space<vmem>>
      %dma_start3A_223 = tpu.memref_squeeze %dma_start3A_222 : memref<1x128xi32, #tpu.memory_space<vmem>> -> memref<128xi32, #tpu.memory_space<vmem>>
      %dma_start3A_224 = arith.constant 0 : i32
      %dma_start3A_225 = arith.constant 0 : i32
      %dma_start3A_226 = tpu.memref_slice %arg4[%dma_start3A_224, %dma_start3A_225] : memref<10240x64xf32, #tpu.memory_space<hbm>> -> memref<10240x64xf32, #tpu.memory_space<hbm>>
      tpu.enqueue_indirect_dma source(%dma_start3A_226 : memref<10240x64xf32, #tpu.memory_space<hbm>>) target(%arg8 : memref<128x64xf32, #tpu.memory_space<vmem>>) offsets(%dma_start3A_223 : memref<128xi32, #tpu.memory_space<vmem>>) semaphore(%arg14 : memref<!tpu.dma_semaphore, #tpu.memory_space<semaphore_mem>>)
      %add3A_227 = arith.constant 1 : i32
      %add3A_228 = arith.addi %mul3A_206, %add3A_227 : i32
      %dma_wait3A_229 = arith.constant 0 : i32
      %dma_wait3A_230 = tpu.memref_slice %arg6[%add3A_228, %dma_wait3A_229] : memref<80x128xi32, #tpu.memory_space<vmem>> -> memref<1x128xi32, #tpu.memory_space<vmem>>
      %dma_wait3A_231 = tpu.memref_squeeze %dma_wait3A_230 : memref<1x128xi32, #tpu.memory_space<vmem>> -> memref<128xi32, #tpu.memory_space<vmem>>
      %dma_wait3A_232 = arith.constant 0 : i32
      %dma_wait3A_233 = arith.constant 0 : i32
      %dma_wait3A_234 = tpu.memref_slice %arg4[%dma_wait3A_232, %dma_wait3A_233] : memref<10240x64xf32, #tpu.memory_space<hbm>> -> memref<10240x64xf32, #tpu.memory_space<hbm>>
      tpu.wait_indirect_dma semaphore(%arg15 : memref<!tpu.dma_semaphore, #tpu.memory_space<semaphore_mem>>) src(%dma_wait3A_234 : memref<10240x64xf32, #tpu.memory_space<hbm>>) dst(%arg9 : memref<128x64xf32, #tpu.memory_space<vmem>>)
      %add3A_235 = arith.constant 1 : i32
      %add3A_236 = arith.addi %mul3A_206, %add3A_235 : i32
      "tpu.region"() ({
        %run_scoped3A_288 = tpu.sem_alloc : memref<!tpu.dma_semaphore, #tpu.memory_space<semaphore_mem>>
        %dma_start3A_289 = arith.constant 0 : i32
        %dma_start3A_290 = tpu.memref_slice %arg7[%add3A_236, %dma_start3A_289] : memref<80x128xi32, #tpu.memory_space<vmem>> -> memref<1x128xi32, #tpu.memory_space<vmem>>
        %dma_start3A_291 = tpu.memref_squeeze %dma_start3A_290 : memref<1x128xi32, #tpu.memory_space<vmem>> -> memref<128xi32, #tpu.memory_space<vmem>>
        %dma_start3A_292 = arith.constant 0 : i32
        %dma_start3A_293 = arith.constant 0 : i32
        %dma_start3A_294 = tpu.memref_slice %arg13[%dma_start3A_292, %dma_start3A_293] : memref<10240x64xf32, #tpu.memory_space<vmem_shared>> -> memref<10240x64xf32, #tpu.memory_space<vmem_shared>>
        tpu.enqueue_indirect_dma source(%arg9 : memref<128x64xf32, #tpu.memory_space<vmem>>) target(%dma_start3A_294 : memref<10240x64xf32, #tpu.memory_space<vmem_shared>>) offsets(%dma_start3A_291 : memref<128xi32, #tpu.memory_space<vmem>>) semaphore(%run_scoped3A_288 : memref<!tpu.dma_semaphore, #tpu.memory_space<semaphore_mem>>) {add = true}
        %dma_wait3A_295 = arith.constant 0 : i32
        %dma_wait3A_296 = tpu.memref_slice %arg7[%add3A_236, %dma_wait3A_295] : memref<80x128xi32, #tpu.memory_space<vmem>> -> memref<1x128xi32, #tpu.memory_space<vmem>>
        %dma_wait3A_297 = tpu.memref_squeeze %dma_wait3A_296 : memref<1x128xi32, #tpu.memory_space<vmem>> -> memref<128xi32, #tpu.memory_space<vmem>>
        %dma_wait3A_298 = arith.constant 0 : i32
        %dma_wait3A_299 = arith.constant 0 : i32
        %dma_wait3A_300 = tpu.memref_slice %arg13[%dma_wait3A_298, %dma_wait3A_299] : memref<10240x64xf32, #tpu.memory_space<vmem_shared>> -> memref<10240x64xf32, #tpu.memory_space<vmem_shared>>
        tpu.wait_indirect_dma semaphore(%run_scoped3A_288 : memref<!tpu.dma_semaphore, #tpu.memory_space<semaphore_mem>>) src(%arg9 : memref<128x64xf32, #tpu.memory_space<vmem>>) dst(%dma_wait3A_300 : memref<10240x64xf32, #tpu.memory_space<vmem_shared>>)
        tpu.yield
      }) : () -> ()
      %add3A_237 = arith.constant 1 : i32
      %add3A_238 = arith.addi %mul3A_206, %add3A_237 : i32
      %add3A_239 = arith.constant 4 : i32
      %add3A_240 = arith.addi %add3A_238, %add3A_239 : i32
      %dma_start3A_241 = arith.constant 0 : i32
      %dma_start3A_242 = tpu.memref_slice %arg6[%add3A_240, %dma_start3A_241] : memref<80x128xi32, #tpu.memory_space<vmem>> -> memref<1x128xi32, #tpu.memory_space<vmem>>
      %dma_start3A_243 = tpu.memref_squeeze %dma_start3A_242 : memref<1x128xi32, #tpu.memory_space<vmem>> -> memref<128xi32, #tpu.memory_space<vmem>>
      %dma_start3A_244 = arith.constant 0 : i32
      %dma_start3A_245 = arith.constant 0 : i32
      %dma_start3A_246 = tpu.memref_slice %arg4[%dma_start3A_244, %dma_start3A_245] : memref<10240x64xf32, #tpu.memory_space<hbm>> -> memref<10240x64xf32, #tpu.memory_space<hbm>>
      tpu.enqueue_indirect_dma source(%dma_start3A_246 : memref<10240x64xf32, #tpu.memory_space<hbm>>) target(%arg9 : memref<128x64xf32, #tpu.memory_space<vmem>>) offsets(%dma_start3A_243 : memref<128xi32, #tpu.memory_space<vmem>>) semaphore(%arg15 : memref<!tpu.dma_semaphore, #tpu.memory_space<semaphore_mem>>)
      %add3A_247 = arith.constant 2 : i32
      %add3A_248 = arith.addi %mul3A_206, %add3A_247 : i32
      %dma_wait3A_249 = arith.constant 0 : i32
      %dma_wait3A_250 = tpu.memref_slice %arg6[%add3A_248, %dma_wait3A_249] : memref<80x128xi32, #tpu.memory_space<vmem>> -> memref<1x128xi32, #tpu.memory_space<vmem>>
      %dma_wait3A_251 = tpu.memref_squeeze %dma_wait3A_250 : memref<1x128xi32, #tpu.memory_space<vmem>> -> memref<128xi32, #tpu.memory_space<vmem>>
      %dma_wait3A_252 = arith.constant 0 : i32
      %dma_wait3A_253 = arith.constant 0 : i32
      %dma_wait3A_254 = tpu.memref_slice %arg4[%dma_wait3A_252, %dma_wait3A_253] : memref<10240x64xf32, #tpu.memory_space<hbm>> -> memref<10240x64xf32, #tpu.memory_space<hbm>>
      tpu.wait_indirect_dma semaphore(%arg16 : memref<!tpu.dma_semaphore, #tpu.memory_space<semaphore_mem>>) src(%dma_wait3A_254 : memref<10240x64xf32, #tpu.memory_space<hbm>>) dst(%arg10 : memref<128x64xf32, #tpu.memory_space<vmem>>)
      %add3A_255 = arith.constant 2 : i32
      %add3A_256 = arith.addi %mul3A_206, %add3A_255 : i32
      "tpu.region"() ({
        %run_scoped3A_288 = tpu.sem_alloc : memref<!tpu.dma_semaphore, #tpu.memory_space<semaphore_mem>>
        %dma_start3A_289 = arith.constant 0 : i32
        %dma_start3A_290 = tpu.memref_slice %arg7[%add3A_256, %dma_start3A_289] : memref<80x128xi32, #tpu.memory_space<vmem>> -> memref<1x128xi32, #tpu.memory_space<vmem>>
        %dma_start3A_291 = tpu.memref_squeeze %dma_start3A_290 : memref<1x128xi32, #tpu.memory_space<vmem>> -> memref<128xi32, #tpu.memory_space<vmem>>
        %dma_start3A_292 = arith.constant 0 : i32
        %dma_start3A_293 = arith.constant 0 : i32
        %dma_start3A_294 = tpu.memref_slice %arg13[%dma_start3A_292, %dma_start3A_293] : memref<10240x64xf32, #tpu.memory_space<vmem_shared>> -> memref<10240x64xf32, #tpu.memory_space<vmem_shared>>
        tpu.enqueue_indirect_dma source(%arg10 : memref<128x64xf32, #tpu.memory_space<vmem>>) target(%dma_start3A_294 : memref<10240x64xf32, #tpu.memory_space<vmem_shared>>) offsets(%dma_start3A_291 : memref<128xi32, #tpu.memory_space<vmem>>) semaphore(%run_scoped3A_288 : memref<!tpu.dma_semaphore, #tpu.memory_space<semaphore_mem>>) {add = true}
        %dma_wait3A_295 = arith.constant 0 : i32
        %dma_wait3A_296 = tpu.memref_slice %arg7[%add3A_256, %dma_wait3A_295] : memref<80x128xi32, #tpu.memory_space<vmem>> -> memref<1x128xi32, #tpu.memory_space<vmem>>
        %dma_wait3A_297 = tpu.memref_squeeze %dma_wait3A_296 : memref<1x128xi32, #tpu.memory_space<vmem>> -> memref<128xi32, #tpu.memory_space<vmem>>
        %dma_wait3A_298 = arith.constant 0 : i32
        %dma_wait3A_299 = arith.constant 0 : i32
        %dma_wait3A_300 = tpu.memref_slice %arg13[%dma_wait3A_298, %dma_wait3A_299] : memref<10240x64xf32, #tpu.memory_space<vmem_shared>> -> memref<10240x64xf32, #tpu.memory_space<vmem_shared>>
        tpu.wait_indirect_dma semaphore(%run_scoped3A_288 : memref<!tpu.dma_semaphore, #tpu.memory_space<semaphore_mem>>) src(%arg10 : memref<128x64xf32, #tpu.memory_space<vmem>>) dst(%dma_wait3A_300 : memref<10240x64xf32, #tpu.memory_space<vmem_shared>>)
        tpu.yield
      }) : () -> ()
      %add3A_257 = arith.constant 2 : i32
      %add3A_258 = arith.addi %mul3A_206, %add3A_257 : i32
      %add3A_259 = arith.constant 4 : i32
      %add3A_260 = arith.addi %add3A_258, %add3A_259 : i32
      %dma_start3A_261 = arith.constant 0 : i32
      %dma_start3A_262 = tpu.memref_slice %arg6[%add3A_260, %dma_start3A_261] : memref<80x128xi32, #tpu.memory_space<vmem>> -> memref<1x128xi32, #tpu.memory_space<vmem>>
      %dma_start3A_263 = tpu.memref_squeeze %dma_start3A_262 : memref<1x128xi32, #tpu.memory_space<vmem>> -> memref<128xi32, #tpu.memory_space<vmem>>
      %dma_start3A_264 = arith.constant 0 : i32
      %dma_start3A_265 = arith.constant 0 : i32
      %dma_start3A_266 = tpu.memref_slice %arg4[%dma_start3A_264, %dma_start3A_265] : memref<10240x64xf32, #tpu.memory_space<hbm>> -> memref<10240x64xf32, #tpu.memory_space<hbm>>
      tpu.enqueue_indirect_dma source(%dma_start3A_266 : memref<10240x64xf32, #tpu.memory_space<hbm>>) target(%arg10 : memref<128x64xf32, #tpu.memory_space<vmem>>) offsets(%dma_start3A_263 : memref<128xi32, #tpu.memory_space<vmem>>) semaphore(%arg16 : memref<!tpu.dma_semaphore, #tpu.memory_space<semaphore_mem>>)
      %add3A_267 = arith.constant 3 : i32
      %add3A_268 = arith.addi %mul3A_206, %add3A_267 : i32
      %dma_wait3A_269 = arith.constant 0 : i32
      %dma_wait3A_270 = tpu.memref_slice %arg6[%add3A_268, %dma_wait3A_269] : memref<80x128xi32, #tpu.memory_space<vmem>> -> memref<1x128xi32, #tpu.memory_space<vmem>>
      %dma_wait3A_271 = tpu.memref_squeeze %dma_wait3A_270 : memref<1x128xi32, #tpu.memory_space<vmem>> -> memref<128xi32, #tpu.memory_space<vmem>>
      %dma_wait3A_272 = arith.constant 0 : i32
      %dma_wait3A_273 = arith.constant 0 : i32
      %dma_wait3A_274 = tpu.memref_slice %arg4[%dma_wait3A_272, %dma_wait3A_273] : memref<10240x64xf32, #tpu.memory_space<hbm>> -> memref<10240x64xf32, #tpu.memory_space<hbm>>
      tpu.wait_indirect_dma semaphore(%arg17 : memref<!tpu.dma_semaphore, #tpu.memory_space<semaphore_mem>>) src(%dma_wait3A_274 : memref<10240x64xf32, #tpu.memory_space<hbm>>) dst(%arg11 : memref<128x64xf32, #tpu.memory_space<vmem>>)
      %add3A_275 = arith.constant 3 : i32
      %add3A_276 = arith.addi %mul3A_206, %add3A_275 : i32
      "tpu.region"() ({
        %run_scoped3A_288 = tpu.sem_alloc : memref<!tpu.dma_semaphore, #tpu.memory_space<semaphore_mem>>
        %dma_start3A_289 = arith.constant 0 : i32
        %dma_start3A_290 = tpu.memref_slice %arg7[%add3A_276, %dma_start3A_289] : memref<80x128xi32, #tpu.memory_space<vmem>> -> memref<1x128xi32, #tpu.memory_space<vmem>>
        %dma_start3A_291 = tpu.memref_squeeze %dma_start3A_290 : memref<1x128xi32, #tpu.memory_space<vmem>> -> memref<128xi32, #tpu.memory_space<vmem>>
        %dma_start3A_292 = arith.constant 0 : i32
        %dma_start3A_293 = arith.constant 0 : i32
        %dma_start3A_294 = tpu.memref_slice %arg13[%dma_start3A_292, %dma_start3A_293] : memref<10240x64xf32, #tpu.memory_space<vmem_shared>> -> memref<10240x64xf32, #tpu.memory_space<vmem_shared>>
        tpu.enqueue_indirect_dma source(%arg11 : memref<128x64xf32, #tpu.memory_space<vmem>>) target(%dma_start3A_294 : memref<10240x64xf32, #tpu.memory_space<vmem_shared>>) offsets(%dma_start3A_291 : memref<128xi32, #tpu.memory_space<vmem>>) semaphore(%run_scoped3A_288 : memref<!tpu.dma_semaphore, #tpu.memory_space<semaphore_mem>>) {add = true}
        %dma_wait3A_295 = arith.constant 0 : i32
        %dma_wait3A_296 = tpu.memref_slice %arg7[%add3A_276, %dma_wait3A_295] : memref<80x128xi32, #tpu.memory_space<vmem>> -> memref<1x128xi32, #tpu.memory_space<vmem>>
        %dma_wait3A_297 = tpu.memref_squeeze %dma_wait3A_296 : memref<1x128xi32, #tpu.memory_space<vmem>> -> memref<128xi32, #tpu.memory_space<vmem>>
        %dma_wait3A_298 = arith.constant 0 : i32
        %dma_wait3A_299 = arith.constant 0 : i32
        %dma_wait3A_300 = tpu.memref_slice %arg13[%dma_wait3A_298, %dma_wait3A_299] : memref<10240x64xf32, #tpu.memory_space<vmem_shared>> -> memref<10240x64xf32, #tpu.memory_space<vmem_shared>>
        tpu.wait_indirect_dma semaphore(%run_scoped3A_288 : memref<!tpu.dma_semaphore, #tpu.memory_space<semaphore_mem>>) src(%arg11 : memref<128x64xf32, #tpu.memory_space<vmem>>) dst(%dma_wait3A_300 : memref<10240x64xf32, #tpu.memory_space<vmem_shared>>)
        tpu.yield
      }) : () -> ()
      %add3A_277 = arith.constant 3 : i32
      %add3A_278 = arith.addi %mul3A_206, %add3A_277 : i32
      %add3A_279 = arith.constant 4 : i32
      %add3A_280 = arith.addi %add3A_278, %add3A_279 : i32
      %dma_start3A_281 = arith.constant 0 : i32
      %dma_start3A_282 = tpu.memref_slice %arg6[%add3A_280, %dma_start3A_281] : memref<80x128xi32, #tpu.memory_space<vmem>> -> memref<1x128xi32, #tpu.memory_space<vmem>>
      %dma_start3A_283 = tpu.memref_squeeze %dma_start3A_282 : memref<1x128xi32, #tpu.memory_space<vmem>> -> memref<128xi32, #tpu.memory_space<vmem>>
      %dma_start3A_284 = arith.constant 0 : i32
      %dma_start3A_285 = arith.constant 0 : i32
      %dma_start3A_286 = tpu.memref_slice %arg4[%dma_start3A_284, %dma_start3A_285] : memref<10240x64xf32, #tpu.memory_space<hbm>> -> memref<10240x64xf32, #tpu.memory_space<hbm>>
      tpu.enqueue_indirect_dma source(%dma_start3A_286 : memref<10240x64xf32, #tpu.memory_space<hbm>>) target(%arg11 : memref<128x64xf32, #tpu.memory_space<vmem>>) offsets(%dma_start3A_283 : memref<128xi32, #tpu.memory_space<vmem>>) semaphore(%arg17 : memref<!tpu.dma_semaphore, #tpu.memory_space<semaphore_mem>>)
      %scan3A_287 = arith.constant 0 : i32
      scf.yield %scan3A_287 : i32
    }
    %scan3A_71 = arith.constant 19 : i32
    %dma_wait3A = arith.constant 76 : i32
    %dma_wait3A_72 = arith.constant 0 : i32
    %dma_wait3A_73 = tpu.memref_slice %arg6[%dma_wait3A, %dma_wait3A_72] : memref<80x128xi32, #tpu.memory_space<vmem>> -> memref<1x128xi32, #tpu.memory_space<vmem>>
    %dma_wait3A_74 = tpu.memref_squeeze %dma_wait3A_73 : memref<1x128xi32, #tpu.memory_space<vmem>> -> memref<128xi32, #tpu.memory_space<vmem>>
    %dma_wait3A_75 = arith.constant 0 : i32
    %dma_wait3A_76 = arith.constant 0 : i32
    %dma_wait3A_77 = tpu.memref_slice %arg4[%dma_wait3A_75, %dma_wait3A_76] : memref<10240x64xf32, #tpu.memory_space<hbm>> -> memref<10240x64xf32, #tpu.memory_space<hbm>>
    tpu.wait_indirect_dma semaphore(%arg14 : memref<!tpu.dma_semaphore, #tpu.memory_space<semaphore_mem>>) src(%dma_wait3A_77 : memref<10240x64xf32, #tpu.memory_space<hbm>>) dst(%arg8 : memref<128x64xf32, #tpu.memory_space<vmem>>)
    %run_scoped3A = arith.constant 76 : i32
    "tpu.region"() ({
      %run_scoped3A_203 = tpu.sem_alloc : memref<!tpu.dma_semaphore, #tpu.memory_space<semaphore_mem>>
      %dma_start3A_204 = arith.constant 0 : i32
      %dma_start3A_205 = tpu.memref_slice %arg7[%run_scoped3A, %dma_start3A_204] : memref<80x128xi32, #tpu.memory_space<vmem>> -> memref<1x128xi32, #tpu.memory_space<vmem>>
      %dma_start3A_206 = tpu.memref_squeeze %dma_start3A_205 : memref<1x128xi32, #tpu.memory_space<vmem>> -> memref<128xi32, #tpu.memory_space<vmem>>
      %dma_start3A_207 = arith.constant 0 : i32
      %dma_start3A_208 = arith.constant 0 : i32
      %dma_start3A_209 = tpu.memref_slice %arg13[%dma_start3A_207, %dma_start3A_208] : memref<10240x64xf32, #tpu.memory_space<vmem_shared>> -> memref<10240x64xf32, #tpu.memory_space<vmem_shared>>
      tpu.enqueue_indirect_dma source(%arg8 : memref<128x64xf32, #tpu.memory_space<vmem>>) target(%dma_start3A_209 : memref<10240x64xf32, #tpu.memory_space<vmem_shared>>) offsets(%dma_start3A_206 : memref<128xi32, #tpu.memory_space<vmem>>) semaphore(%run_scoped3A_203 : memref<!tpu.dma_semaphore, #tpu.memory_space<semaphore_mem>>) {add = true}
      %dma_wait3A_210 = arith.constant 0 : i32
      %dma_wait3A_211 = tpu.memref_slice %arg7[%run_scoped3A, %dma_wait3A_210] : memref<80x128xi32, #tpu.memory_space<vmem>> -> memref<1x128xi32, #tpu.memory_space<vmem>>
      %dma_wait3A_212 = tpu.memref_squeeze %dma_wait3A_211 : memref<1x128xi32, #tpu.memory_space<vmem>> -> memref<128xi32, #tpu.memory_space<vmem>>
      %dma_wait3A_213 = arith.constant 0 : i32
      %dma_wait3A_214 = arith.constant 0 : i32
      %dma_wait3A_215 = tpu.memref_slice %arg13[%dma_wait3A_213, %dma_wait3A_214] : memref<10240x64xf32, #tpu.memory_space<vmem_shared>> -> memref<10240x64xf32, #tpu.memory_space<vmem_shared>>
      tpu.wait_indirect_dma semaphore(%run_scoped3A_203 : memref<!tpu.dma_semaphore, #tpu.memory_space<semaphore_mem>>) src(%arg8 : memref<128x64xf32, #tpu.memory_space<vmem>>) dst(%dma_wait3A_215 : memref<10240x64xf32, #tpu.memory_space<vmem_shared>>)
      tpu.yield
    }) : () -> ()
    %dma_wait3A_78 = arith.constant 77 : i32
    %dma_wait3A_79 = arith.constant 0 : i32
    %dma_wait3A_80 = tpu.memref_slice %arg6[%dma_wait3A_78, %dma_wait3A_79] : memref<80x128xi32, #tpu.memory_space<vmem>> -> memref<1x128xi32, #tpu.memory_space<vmem>>
    %dma_wait3A_81 = tpu.memref_squeeze %dma_wait3A_80 : memref<1x128xi32, #tpu.memory_space<vmem>> -> memref<128xi32, #tpu.memory_space<vmem>>
    %dma_wait3A_82 = arith.constant 0 : i32
    %dma_wait3A_83 = arith.constant 0 : i32
    %dma_wait3A_84 = tpu.memref_slice %arg4[%dma_wait3A_82, %dma_wait3A_83] : memref<10240x64xf32, #tpu.memory_space<hbm>> -> memref<10240x64xf32, #tpu.memory_space<hbm>>
    tpu.wait_indirect_dma semaphore(%arg15 : memref<!tpu.dma_semaphore, #tpu.memory_space<semaphore_mem>>) src(%dma_wait3A_84 : memref<10240x64xf32, #tpu.memory_space<hbm>>) dst(%arg9 : memref<128x64xf32, #tpu.memory_space<vmem>>)
    %run_scoped3A_85 = arith.constant 77 : i32
    "tpu.region"() ({
      %run_scoped3A_203 = tpu.sem_alloc : memref<!tpu.dma_semaphore, #tpu.memory_space<semaphore_mem>>
      %dma_start3A_204 = arith.constant 0 : i32
      %dma_start3A_205 = tpu.memref_slice %arg7[%run_scoped3A_85, %dma_start3A_204] : memref<80x128xi32, #tpu.memory_space<vmem>> -> memref<1x128xi32, #tpu.memory_space<vmem>>
      %dma_start3A_206 = tpu.memref_squeeze %dma_start3A_205 : memref<1x128xi32, #tpu.memory_space<vmem>> -> memref<128xi32, #tpu.memory_space<vmem>>
      %dma_start3A_207 = arith.constant 0 : i32
      %dma_start3A_208 = arith.constant 0 : i32
      %dma_start3A_209 = tpu.memref_slice %arg13[%dma_start3A_207, %dma_start3A_208] : memref<10240x64xf32, #tpu.memory_space<vmem_shared>> -> memref<10240x64xf32, #tpu.memory_space<vmem_shared>>
      tpu.enqueue_indirect_dma source(%arg9 : memref<128x64xf32, #tpu.memory_space<vmem>>) target(%dma_start3A_209 : memref<10240x64xf32, #tpu.memory_space<vmem_shared>>) offsets(%dma_start3A_206 : memref<128xi32, #tpu.memory_space<vmem>>) semaphore(%run_scoped3A_203 : memref<!tpu.dma_semaphore, #tpu.memory_space<semaphore_mem>>) {add = true}
      %dma_wait3A_210 = arith.constant 0 : i32
      %dma_wait3A_211 = tpu.memref_slice %arg7[%run_scoped3A_85, %dma_wait3A_210] : memref<80x128xi32, #tpu.memory_space<vmem>> -> memref<1x128xi32, #tpu.memory_space<vmem>>
      %dma_wait3A_212 = tpu.memref_squeeze %dma_wait3A_211 : memref<1x128xi32, #tpu.memory_space<vmem>> -> memref<128xi32, #tpu.memory_space<vmem>>
      %dma_wait3A_213 = arith.constant 0 : i32
      %dma_wait3A_214 = arith.constant 0 : i32
      %dma_wait3A_215 = tpu.memref_slice %arg13[%dma_wait3A_213, %dma_wait3A_214] : memref<10240x64xf32, #tpu.memory_space<vmem_shared>> -> memref<10240x64xf32, #tpu.memory_space<vmem_shared>>
      tpu.wait_indirect_dma semaphore(%run_scoped3A_203 : memref<!tpu.dma_semaphore, #tpu.memory_space<semaphore_mem>>) src(%arg9 : memref<128x64xf32, #tpu.memory_space<vmem>>) dst(%dma_wait3A_215 : memref<10240x64xf32, #tpu.memory_space<vmem_shared>>)
      tpu.yield
    }) : () -> ()
    %dma_wait3A_86 = arith.constant 78 : i32
    %dma_wait3A_87 = arith.constant 0 : i32
    %dma_wait3A_88 = tpu.memref_slice %arg6[%dma_wait3A_86, %dma_wait3A_87] : memref<80x128xi32, #tpu.memory_space<vmem>> -> memref<1x128xi32, #tpu.memory_space<vmem>>
    %dma_wait3A_89 = tpu.memref_squeeze %dma_wait3A_88 : memref<1x128xi32, #tpu.memory_space<vmem>> -> memref<128xi32, #tpu.memory_space<vmem>>
    %dma_wait3A_90 = arith.constant 0 : i32
    %dma_wait3A_91 = arith.constant 0 : i32
    %dma_wait3A_92 = tpu.memref_slice %arg4[%dma_wait3A_90, %dma_wait3A_91] : memref<10240x64xf32, #tpu.memory_space<hbm>> -> memref<10240x64xf32, #tpu.memory_space<hbm>>
    tpu.wait_indirect_dma semaphore(%arg16 : memref<!tpu.dma_semaphore, #tpu.memory_space<semaphore_mem>>) src(%dma_wait3A_92 : memref<10240x64xf32, #tpu.memory_space<hbm>>) dst(%arg10 : memref<128x64xf32, #tpu.memory_space<vmem>>)
    %run_scoped3A_93 = arith.constant 78 : i32
    "tpu.region"() ({
      %run_scoped3A_203 = tpu.sem_alloc : memref<!tpu.dma_semaphore, #tpu.memory_space<semaphore_mem>>
      %dma_start3A_204 = arith.constant 0 : i32
      %dma_start3A_205 = tpu.memref_slice %arg7[%run_scoped3A_93, %dma_start3A_204] : memref<80x128xi32, #tpu.memory_space<vmem>> -> memref<1x128xi32, #tpu.memory_space<vmem>>
      %dma_start3A_206 = tpu.memref_squeeze %dma_start3A_205 : memref<1x128xi32, #tpu.memory_space<vmem>> -> memref<128xi32, #tpu.memory_space<vmem>>
      %dma_start3A_207 = arith.constant 0 : i32
      %dma_start3A_208 = arith.constant 0 : i32
      %dma_start3A_209 = tpu.memref_slice %arg13[%dma_start3A_207, %dma_start3A_208] : memref<10240x64xf32, #tpu.memory_space<vmem_shared>> -> memref<10240x64xf32, #tpu.memory_space<vmem_shared>>
      tpu.enqueue_indirect_dma source(%arg10 : memref<128x64xf32, #tpu.memory_space<vmem>>) target(%dma_start3A_209 : memref<10240x64xf32, #tpu.memory_space<vmem_shared>>) offsets(%dma_start3A_206 : memref<128xi32, #tpu.memory_space<vmem>>) semaphore(%run_scoped3A_203 : memref<!tpu.dma_semaphore, #tpu.memory_space<semaphore_mem>>) {add = true}
      %dma_wait3A_210 = arith.constant 0 : i32
      %dma_wait3A_211 = tpu.memref_slice %arg7[%run_scoped3A_93, %dma_wait3A_210] : memref<80x128xi32, #tpu.memory_space<vmem>> -> memref<1x128xi32, #tpu.memory_space<vmem>>
      %dma_wait3A_212 = tpu.memref_squeeze %dma_wait3A_211 : memref<1x128xi32, #tpu.memory_space<vmem>> -> memref<128xi32, #tpu.memory_space<vmem>>
      %dma_wait3A_213 = arith.constant 0 : i32
      %dma_wait3A_214 = arith.constant 0 : i32
      %dma_wait3A_215 = tpu.memref_slice %arg13[%dma_wait3A_213, %dma_wait3A_214] : memref<10240x64xf32, #tpu.memory_space<vmem_shared>> -> memref<10240x64xf32, #tpu.memory_space<vmem_shared>>
      tpu.wait_indirect_dma semaphore(%run_scoped3A_203 : memref<!tpu.dma_semaphore, #tpu.memory_space<semaphore_mem>>) src(%arg10 : memref<128x64xf32, #tpu.memory_space<vmem>>) dst(%dma_wait3A_215 : memref<10240x64xf32, #tpu.memory_space<vmem_shared>>)
      tpu.yield
    }) : () -> ()
    %dma_wait3A_94 = arith.constant 79 : i32
    %dma_wait3A_95 = arith.constant 0 : i32
    %dma_wait3A_96 = tpu.memref_slice %arg6[%dma_wait3A_94, %dma_wait3A_95] : memref<80x128xi32, #tpu.memory_space<vmem>> -> memref<1x128xi32, #tpu.memory_space<vmem>>
    %dma_wait3A_97 = tpu.memref_squeeze %dma_wait3A_96 : memref<1x128xi32, #tpu.memory_space<vmem>> -> memref<128xi32, #tpu.memory_space<vmem>>
    %dma_wait3A_98 = arith.constant 0 : i32
    %dma_wait3A_99 = arith.constant 0 : i32
    %dma_wait3A_100 = tpu.memref_slice %arg4[%dma_wait3A_98, %dma_wait3A_99] : memref<10240x64xf32, #tpu.memory_space<hbm>> -> memref<10240x64xf32, #tpu.memory_space<hbm>>
    tpu.wait_indirect_dma semaphore(%arg17 : memref<!tpu.dma_semaphore, #tpu.memory_space<semaphore_mem>>) src(%dma_wait3A_100 : memref<10240x64xf32, #tpu.memory_space<hbm>>) dst(%arg11 : memref<128x64xf32, #tpu.memory_space<vmem>>)
    %run_scoped3A_101 = arith.constant 79 : i32
    "tpu.region"() ({
      %run_scoped3A_203 = tpu.sem_alloc : memref<!tpu.dma_semaphore, #tpu.memory_space<semaphore_mem>>
      %dma_start3A_204 = arith.constant 0 : i32
      %dma_start3A_205 = tpu.memref_slice %arg7[%run_scoped3A_101, %dma_start3A_204] : memref<80x128xi32, #tpu.memory_space<vmem>> -> memref<1x128xi32, #tpu.memory_space<vmem>>
      %dma_start3A_206 = tpu.memref_squeeze %dma_start3A_205 : memref<1x128xi32, #tpu.memory_space<vmem>> -> memref<128xi32, #tpu.memory_space<vmem>>
      %dma_start3A_207 = arith.constant 0 : i32
      %dma_start3A_208 = arith.constant 0 : i32
      %dma_start3A_209 = tpu.memref_slice %arg13[%dma_start3A_207, %dma_start3A_208] : memref<10240x64xf32, #tpu.memory_space<vmem_shared>> -> memref<10240x64xf32, #tpu.memory_space<vmem_shared>>
      tpu.enqueue_indirect_dma source(%arg11 : memref<128x64xf32, #tpu.memory_space<vmem>>) target(%dma_start3A_209 : memref<10240x64xf32, #tpu.memory_space<vmem_shared>>) offsets(%dma_start3A_206 : memref<128xi32, #tpu.memory_space<vmem>>) semaphore(%run_scoped3A_203 : memref<!tpu.dma_semaphore, #tpu.memory_space<semaphore_mem>>) {add = true}
      %dma_wait3A_210 = arith.constant 0 : i32
      %dma_wait3A_211 = tpu.memref_slice %arg7[%run_scoped3A_101, %dma_wait3A_210] : memref<80x128xi32, #tpu.memory_space<vmem>> -> memref<1x128xi32, #tpu.memory_space<vmem>>
      %dma_wait3A_212 = tpu.memref_squeeze %dma_wait3A_211 : memref<1x128xi32, #tpu.memory_space<vmem>> -> memref<128xi32, #tpu.memory_space<vmem>>
      %dma_wait3A_213 = arith.constant 0 : i32
      %dma_wait3A_214 = arith.constant 0 : i32
      %dma_wait3A_215 = tpu.memref_slice %arg13[%dma_wait3A_213, %dma_wait3A_214] : memref<10240x64xf32, #tpu.memory_space<vmem_shared>> -> memref<10240x64xf32, #tpu.memory_space<vmem_shared>>
      tpu.wait_indirect_dma semaphore(%run_scoped3A_203 : memref<!tpu.dma_semaphore, #tpu.memory_space<semaphore_mem>>) src(%arg11 : memref<128x64xf32, #tpu.memory_space<vmem>>) dst(%dma_wait3A_215 : memref<10240x64xf32, #tpu.memory_space<vmem_shared>>)
      tpu.yield
    }) : () -> ()
    %barrier3A_102 = arith.constant 0 : index
    tpu.barrier barrier_id(%barrier3A_102)
    %mul3A_103 = arith.constant 5 : i32
    %mul3A_104 = arith.muli %arg1, %mul3A_103 : i32
    %add3A_105 = arith.constant 0 : i32
    %add3A_106 = arith.addi %mul3A_104, %add3A_105 : i32
    %mul3A_107 = arith.constant 128 : i32
    %mul3A_108 = arith.muli %add3A_106, %mul3A_107 : i32
    "tpu.region"() ({
      %run_scoped3A_203 = tpu.sem_alloc : memref<!tpu.dma_semaphore, #tpu.memory_space<semaphore_mem>>
      %dma_start3A_204 = arith.constant 0 : i32
      %dma_start3A_205 = tpu.memref_slice %arg13[%mul3A_108, %dma_start3A_204] : memref<10240x64xf32, #tpu.memory_space<vmem_shared>> -> memref<128x64xf32, #tpu.memory_space<vmem_shared>>
      %dma_start3A_206 = arith.constant 0 : i32
      %dma_start3A_207 = tpu.memref_slice %arg13[%mul3A_108, %dma_start3A_206] : memref<10240x64xf32, #tpu.memory_space<vmem_shared>> -> memref<128x64xf32, #tpu.memory_space<vmem_shared>>
      tpu.enqueue_dma source(%dma_start3A_207 : memref<128x64xf32, #tpu.memory_space<vmem_shared>>) target(%arg8 : memref<128x64xf32, #tpu.memory_space<vmem>>) target_semaphore(%run_scoped3A_203 : memref<!tpu.dma_semaphore, #tpu.memory_space<semaphore_mem>>)
      %dma_wait3A_208 = arith.constant 0 : i32
      %dma_wait3A_209 = tpu.memref_slice %arg13[%mul3A_108, %dma_wait3A_208] : memref<10240x64xf32, #tpu.memory_space<vmem_shared>> -> memref<128x64xf32, #tpu.memory_space<vmem_shared>>
      %dma_wait3A_210 = arith.constant 0 : i32
      %dma_wait3A_211 = tpu.memref_slice %arg13[%mul3A_108, %dma_wait3A_210] : memref<10240x64xf32, #tpu.memory_space<vmem_shared>> -> memref<128x64xf32, #tpu.memory_space<vmem_shared>>
      tpu.wait_dma2 semaphore(%run_scoped3A_203 : memref<!tpu.dma_semaphore, #tpu.memory_space<semaphore_mem>>) src(%dma_wait3A_211 : memref<128x64xf32, #tpu.memory_space<vmem_shared>>) dst(%arg8 : memref<128x64xf32, #tpu.memory_space<vmem>>)
      tpu.yield
    }) : () -> ()
    %dma_start3A_109 = arith.constant 0 : i32
    %dma_start3A_110 = tpu.memref_slice %arg5[%arg0, %mul3A_108, %dma_start3A_109] : memref<2x10240x64xf32, #tpu.memory_space<hbm>> -> memref<1x128x64xf32, #tpu.memory_space<hbm>>
    %dma_start3A_111 = tpu.memref_squeeze %dma_start3A_110 : memref<1x128x64xf32, #tpu.memory_space<hbm>> -> memref<128x64xf32, #tpu.memory_space<hbm>>
    %dma_start3A_112 = arith.constant 0 : i32
    %dma_start3A_113 = tpu.memref_slice %arg5[%arg0, %mul3A_108, %dma_start3A_112] : memref<2x10240x64xf32, #tpu.memory_space<hbm>> -> memref<1x128x64xf32, #tpu.memory_space<hbm>>
    %dma_start3A_114 = tpu.memref_squeeze %dma_start3A_113 : memref<1x128x64xf32, #tpu.memory_space<hbm>> -> memref<128x64xf32, #tpu.memory_space<hbm>>
    tpu.enqueue_dma source(%arg8 : memref<128x64xf32, #tpu.memory_space<vmem>>) target(%dma_start3A_114 : memref<128x64xf32, #tpu.memory_space<hbm>>) target_semaphore(%arg18 : memref<!tpu.dma_semaphore, #tpu.memory_space<semaphore_mem>>)
    %mul3A_115 = arith.constant 5 : i32
    %mul3A_116 = arith.muli %arg1, %mul3A_115 : i32
    %add3A_117 = arith.constant 1 : i32
    %add3A_118 = arith.addi %mul3A_116, %add3A_117 : i32
    %mul3A_119 = arith.constant 128 : i32
    %mul3A_120 = arith.muli %add3A_118, %mul3A_119 : i32
    "tpu.region"() ({
      %run_scoped3A_203 = tpu.sem_alloc : memref<!tpu.dma_semaphore, #tpu.memory_space<semaphore_mem>>
      %dma_start3A_204 = arith.constant 0 : i32
      %dma_start3A_205 = tpu.memref_slice %arg13[%mul3A_120, %dma_start3A_204] : memref<10240x64xf32, #tpu.memory_space<vmem_shared>> -> memref<128x64xf32, #tpu.memory_space<vmem_shared>>
      %dma_start3A_206 = arith.constant 0 : i32
      %dma_start3A_207 = tpu.memref_slice %arg13[%mul3A_120, %dma_start3A_206] : memref<10240x64xf32, #tpu.memory_space<vmem_shared>> -> memref<128x64xf32, #tpu.memory_space<vmem_shared>>
      tpu.enqueue_dma source(%dma_start3A_207 : memref<128x64xf32, #tpu.memory_space<vmem_shared>>) target(%arg9 : memref<128x64xf32, #tpu.memory_space<vmem>>) target_semaphore(%run_scoped3A_203 : memref<!tpu.dma_semaphore, #tpu.memory_space<semaphore_mem>>)
      %dma_wait3A_208 = arith.constant 0 : i32
      %dma_wait3A_209 = tpu.memref_slice %arg13[%mul3A_120, %dma_wait3A_208] : memref<10240x64xf32, #tpu.memory_space<vmem_shared>> -> memref<128x64xf32, #tpu.memory_space<vmem_shared>>
      %dma_wait3A_210 = arith.constant 0 : i32
      %dma_wait3A_211 = tpu.memref_slice %arg13[%mul3A_120, %dma_wait3A_210] : memref<10240x64xf32, #tpu.memory_space<vmem_shared>> -> memref<128x64xf32, #tpu.memory_space<vmem_shared>>
      tpu.wait_dma2 semaphore(%run_scoped3A_203 : memref<!tpu.dma_semaphore, #tpu.memory_space<semaphore_mem>>) src(%dma_wait3A_211 : memref<128x64xf32, #tpu.memory_space<vmem_shared>>) dst(%arg9 : memref<128x64xf32, #tpu.memory_space<vmem>>)
      tpu.yield
    }) : () -> ()
    %dma_start3A_121 = arith.constant 0 : i32
    %dma_start3A_122 = tpu.memref_slice %arg5[%arg0, %mul3A_120, %dma_start3A_121] : memref<2x10240x64xf32, #tpu.memory_space<hbm>> -> memref<1x128x64xf32, #tpu.memory_space<hbm>>
    %dma_start3A_123 = tpu.memref_squeeze %dma_start3A_122 : memref<1x128x64xf32, #tpu.memory_space<hbm>> -> memref<128x64xf32, #tpu.memory_space<hbm>>
    %dma_start3A_124 = arith.constant 0 : i32
    %dma_start3A_125 = tpu.memref_slice %arg5[%arg0, %mul3A_120, %dma_start3A_124] : memref<2x10240x64xf32, #tpu.memory_space<hbm>> -> memref<1x128x64xf32, #tpu.memory_space<hbm>>
    %dma_start3A_126 = tpu.memref_squeeze %dma_start3A_125 : memref<1x128x64xf32, #tpu.memory_space<hbm>> -> memref<128x64xf32, #tpu.memory_space<hbm>>
    tpu.enqueue_dma source(%arg9 : memref<128x64xf32, #tpu.memory_space<vmem>>) target(%dma_start3A_126 : memref<128x64xf32, #tpu.memory_space<hbm>>) target_semaphore(%arg18 : memref<!tpu.dma_semaphore, #tpu.memory_space<semaphore_mem>>)
    %mul3A_127 = arith.constant 5 : i32
    %mul3A_128 = arith.muli %arg1, %mul3A_127 : i32
    %add3A_129 = arith.constant 2 : i32
    %add3A_130 = arith.addi %mul3A_128, %add3A_129 : i32
    %mul3A_131 = arith.constant 128 : i32
    %mul3A_132 = arith.muli %add3A_130, %mul3A_131 : i32
    %dma_wait3A_133 = arith.constant 0 : i32
    %dma_wait3A_134 = arith.constant 0 : i32
    %dma_wait3A_135 = tpu.memref_slice %arg5[%arg0, %dma_wait3A_133, %dma_wait3A_134] : memref<2x10240x64xf32, #tpu.memory_space<hbm>> -> memref<1x128x64xf32, #tpu.memory_space<hbm>>
    %dma_wait3A_136 = tpu.memref_squeeze %dma_wait3A_135 : memref<1x128x64xf32, #tpu.memory_space<hbm>> -> memref<128x64xf32, #tpu.memory_space<hbm>>
    %dma_wait3A_137 = arith.constant 0 : i32
    %dma_wait3A_138 = arith.constant 0 : i32
    %dma_wait3A_139 = tpu.memref_slice %arg5[%arg0, %dma_wait3A_137, %dma_wait3A_138] : memref<2x10240x64xf32, #tpu.memory_space<hbm>> -> memref<1x128x64xf32, #tpu.memory_space<hbm>>
    %dma_wait3A_140 = tpu.memref_squeeze %dma_wait3A_139 : memref<1x128x64xf32, #tpu.memory_space<hbm>> -> memref<128x64xf32, #tpu.memory_space<hbm>>
    tpu.wait_dma2 semaphore(%arg18 : memref<!tpu.dma_semaphore, #tpu.memory_space<semaphore_mem>>) src(%arg8 : memref<128x64xf32, #tpu.memory_space<vmem>>) dst(%dma_wait3A_140 : memref<128x64xf32, #tpu.memory_space<hbm>>)
    "tpu.region"() ({
      %run_scoped3A_203 = tpu.sem_alloc : memref<!tpu.dma_semaphore, #tpu.memory_space<semaphore_mem>>
      %dma_start3A_204 = arith.constant 0 : i32
      %dma_start3A_205 = tpu.memref_slice %arg13[%mul3A_132, %dma_start3A_204] : memref<10240x64xf32, #tpu.memory_space<vmem_shared>> -> memref<128x64xf32, #tpu.memory_space<vmem_shared>>
      %dma_start3A_206 = arith.constant 0 : i32
      %dma_start3A_207 = tpu.memref_slice %arg13[%mul3A_132, %dma_start3A_206] : memref<10240x64xf32, #tpu.memory_space<vmem_shared>> -> memref<128x64xf32, #tpu.memory_space<vmem_shared>>
      tpu.enqueue_dma source(%dma_start3A_207 : memref<128x64xf32, #tpu.memory_space<vmem_shared>>) target(%arg8 : memref<128x64xf32, #tpu.memory_space<vmem>>) target_semaphore(%run_scoped3A_203 : memref<!tpu.dma_semaphore, #tpu.memory_space<semaphore_mem>>)
      %dma_wait3A_208 = arith.constant 0 : i32
      %dma_wait3A_209 = tpu.memref_slice %arg13[%mul3A_132, %dma_wait3A_208] : memref<10240x64xf32, #tpu.memory_space<vmem_shared>> -> memref<128x64xf32, #tpu.memory_space<vmem_shared>>
      %dma_wait3A_210 = arith.constant 0 : i32
      %dma_wait3A_211 = tpu.memref_slice %arg13[%mul3A_132, %dma_wait3A_210] : memref<10240x64xf32, #tpu.memory_space<vmem_shared>> -> memref<128x64xf32, #tpu.memory_space<vmem_shared>>
      tpu.wait_dma2 semaphore(%run_scoped3A_203 : memref<!tpu.dma_semaphore, #tpu.memory_space<semaphore_mem>>) src(%dma_wait3A_211 : memref<128x64xf32, #tpu.memory_space<vmem_shared>>) dst(%arg8 : memref<128x64xf32, #tpu.memory_space<vmem>>)
      tpu.yield
    }) : () -> ()
    %dma_start3A_141 = arith.constant 0 : i32
    %dma_start3A_142 = tpu.memref_slice %arg5[%arg0, %mul3A_132, %dma_start3A_141] : memref<2x10240x64xf32, #tpu.memory_space<hbm>> -> memref<1x128x64xf32, #tpu.memory_space<hbm>>
    %dma_start3A_143 = tpu.memref_squeeze %dma_start3A_142 : memref<1x128x64xf32, #tpu.memory_space<hbm>> -> memref<128x64xf32, #tpu.memory_space<hbm>>
    %dma_start3A_144 = arith.constant 0 : i32
    %dma_start3A_145 = tpu.memref_slice %arg5[%arg0, %mul3A_132, %dma_start3A_144] : memref<2x10240x64xf32, #tpu.memory_space<hbm>> -> memref<1x128x64xf32, #tpu.memory_space<hbm>>
    %dma_start3A_146 = tpu.memref_squeeze %dma_start3A_145 : memref<1x128x64xf32, #tpu.memory_space<hbm>> -> memref<128x64xf32, #tpu.memory_space<hbm>>
    tpu.enqueue_dma source(%arg8 : memref<128x64xf32, #tpu.memory_space<vmem>>) target(%dma_start3A_146 : memref<128x64xf32, #tpu.memory_space<hbm>>) target_semaphore(%arg18 : memref<!tpu.dma_semaphore, #tpu.memory_space<semaphore_mem>>)
    %mul3A_147 = arith.constant 5 : i32
    %mul3A_148 = arith.muli %arg1, %mul3A_147 : i32
    %add3A_149 = arith.constant 3 : i32
    %add3A_150 = arith.addi %mul3A_148, %add3A_149 : i32
    %mul3A_151 = arith.constant 128 : i32
    %mul3A_152 = arith.muli %add3A_150, %mul3A_151 : i32
    %dma_wait3A_153 = arith.constant 0 : i32
    %dma_wait3A_154 = arith.constant 0 : i32
    %dma_wait3A_155 = tpu.memref_slice %arg5[%arg0, %dma_wait3A_153, %dma_wait3A_154] : memref<2x10240x64xf32, #tpu.memory_space<hbm>> -> memref<1x128x64xf32, #tpu.memory_space<hbm>>
    %dma_wait3A_156 = tpu.memref_squeeze %dma_wait3A_155 : memref<1x128x64xf32, #tpu.memory_space<hbm>> -> memref<128x64xf32, #tpu.memory_space<hbm>>
    %dma_wait3A_157 = arith.constant 0 : i32
    %dma_wait3A_158 = arith.constant 0 : i32
    %dma_wait3A_159 = tpu.memref_slice %arg5[%arg0, %dma_wait3A_157, %dma_wait3A_158] : memref<2x10240x64xf32, #tpu.memory_space<hbm>> -> memref<1x128x64xf32, #tpu.memory_space<hbm>>
    %dma_wait3A_160 = tpu.memref_squeeze %dma_wait3A_159 : memref<1x128x64xf32, #tpu.memory_space<hbm>> -> memref<128x64xf32, #tpu.memory_space<hbm>>
    tpu.wait_dma2 semaphore(%arg18 : memref<!tpu.dma_semaphore, #tpu.memory_space<semaphore_mem>>) src(%arg9 : memref<128x64xf32, #tpu.memory_space<vmem>>) dst(%dma_wait3A_160 : memref<128x64xf32, #tpu.memory_space<hbm>>)
    "tpu.region"() ({
      %run_scoped3A_203 = tpu.sem_alloc : memref<!tpu.dma_semaphore, #tpu.memory_space<semaphore_mem>>
      %dma_start3A_204 = arith.constant 0 : i32
      %dma_start3A_205 = tpu.memref_slice %arg13[%mul3A_152, %dma_start3A_204] : memref<10240x64xf32, #tpu.memory_space<vmem_shared>> -> memref<128x64xf32, #tpu.memory_space<vmem_shared>>
      %dma_start3A_206 = arith.constant 0 : i32
      %dma_start3A_207 = tpu.memref_slice %arg13[%mul3A_152, %dma_start3A_206] : memref<10240x64xf32, #tpu.memory_space<vmem_shared>> -> memref<128x64xf32, #tpu.memory_space<vmem_shared>>
      tpu.enqueue_dma source(%dma_start3A_207 : memref<128x64xf32, #tpu.memory_space<vmem_shared>>) target(%arg9 : memref<128x64xf32, #tpu.memory_space<vmem>>) target_semaphore(%run_scoped3A_203 : memref<!tpu.dma_semaphore, #tpu.memory_space<semaphore_mem>>)
      %dma_wait3A_208 = arith.constant 0 : i32
      %dma_wait3A_209 = tpu.memref_slice %arg13[%mul3A_152, %dma_wait3A_208] : memref<10240x64xf32, #tpu.memory_space<vmem_shared>> -> memref<128x64xf32, #tpu.memory_space<vmem_shared>>
      %dma_wait3A_210 = arith.constant 0 : i32
      %dma_wait3A_211 = tpu.memref_slice %arg13[%mul3A_152, %dma_wait3A_210] : memref<10240x64xf32, #tpu.memory_space<vmem_shared>> -> memref<128x64xf32, #tpu.memory_space<vmem_shared>>
      tpu.wait_dma2 semaphore(%run_scoped3A_203 : memref<!tpu.dma_semaphore, #tpu.memory_space<semaphore_mem>>) src(%dma_wait3A_211 : memref<128x64xf32, #tpu.memory_space<vmem_shared>>) dst(%arg9 : memref<128x64xf32, #tpu.memory_space<vmem>>)
      tpu.yield
    }) : () -> ()
    %dma_start3A_161 = arith.constant 0 : i32
    %dma_start3A_162 = tpu.memref_slice %arg5[%arg0, %mul3A_152, %dma_start3A_161] : memref<2x10240x64xf32, #tpu.memory_space<hbm>> -> memref<1x128x64xf32, #tpu.memory_space<hbm>>
    %dma_start3A_163 = tpu.memref_squeeze %dma_start3A_162 : memref<1x128x64xf32, #tpu.memory_space<hbm>> -> memref<128x64xf32, #tpu.memory_space<hbm>>
    %dma_start3A_164 = arith.constant 0 : i32
    %dma_start3A_165 = tpu.memref_slice %arg5[%arg0, %mul3A_152, %dma_start3A_164] : memref<2x10240x64xf32, #tpu.memory_space<hbm>> -> memref<1x128x64xf32, #tpu.memory_space<hbm>>
    %dma_start3A_166 = tpu.memref_squeeze %dma_start3A_165 : memref<1x128x64xf32, #tpu.memory_space<hbm>> -> memref<128x64xf32, #tpu.memory_space<hbm>>
    tpu.enqueue_dma source(%arg9 : memref<128x64xf32, #tpu.memory_space<vmem>>) target(%dma_start3A_166 : memref<128x64xf32, #tpu.memory_space<hbm>>) target_semaphore(%arg18 : memref<!tpu.dma_semaphore, #tpu.memory_space<semaphore_mem>>)
    %mul3A_167 = arith.constant 5 : i32
    %mul3A_168 = arith.muli %arg1, %mul3A_167 : i32
    %add3A_169 = arith.constant 4 : i32
    %add3A_170 = arith.addi %mul3A_168, %add3A_169 : i32
    %mul3A_171 = arith.constant 128 : i32
    %mul3A_172 = arith.muli %add3A_170, %mul3A_171 : i32
    %dma_wait3A_173 = arith.constant 0 : i32
    %dma_wait3A_174 = arith.constant 0 : i32
    %dma_wait3A_175 = tpu.memref_slice %arg5[%arg0, %dma_wait3A_173, %dma_wait3A_174] : memref<2x10240x64xf32, #tpu.memory_space<hbm>> -> memref<1x128x64xf32, #tpu.memory_space<hbm>>
    %dma_wait3A_176 = tpu.memref_squeeze %dma_wait3A_175 : memref<1x128x64xf32, #tpu.memory_space<hbm>> -> memref<128x64xf32, #tpu.memory_space<hbm>>
    %dma_wait3A_177 = arith.constant 0 : i32
    %dma_wait3A_178 = arith.constant 0 : i32
    %dma_wait3A_179 = tpu.memref_slice %arg5[%arg0, %dma_wait3A_177, %dma_wait3A_178] : memref<2x10240x64xf32, #tpu.memory_space<hbm>> -> memref<1x128x64xf32, #tpu.memory_space<hbm>>
    %dma_wait3A_180 = tpu.memref_squeeze %dma_wait3A_179 : memref<1x128x64xf32, #tpu.memory_space<hbm>> -> memref<128x64xf32, #tpu.memory_space<hbm>>
    tpu.wait_dma2 semaphore(%arg18 : memref<!tpu.dma_semaphore, #tpu.memory_space<semaphore_mem>>) src(%arg8 : memref<128x64xf32, #tpu.memory_space<vmem>>) dst(%dma_wait3A_180 : memref<128x64xf32, #tpu.memory_space<hbm>>)
    "tpu.region"() ({
      %run_scoped3A_203 = tpu.sem_alloc : memref<!tpu.dma_semaphore, #tpu.memory_space<semaphore_mem>>
      %dma_start3A_204 = arith.constant 0 : i32
      %dma_start3A_205 = tpu.memref_slice %arg13[%mul3A_172, %dma_start3A_204] : memref<10240x64xf32, #tpu.memory_space<vmem_shared>> -> memref<128x64xf32, #tpu.memory_space<vmem_shared>>
      %dma_start3A_206 = arith.constant 0 : i32
      %dma_start3A_207 = tpu.memref_slice %arg13[%mul3A_172, %dma_start3A_206] : memref<10240x64xf32, #tpu.memory_space<vmem_shared>> -> memref<128x64xf32, #tpu.memory_space<vmem_shared>>
      tpu.enqueue_dma source(%dma_start3A_207 : memref<128x64xf32, #tpu.memory_space<vmem_shared>>) target(%arg8 : memref<128x64xf32, #tpu.memory_space<vmem>>) target_semaphore(%run_scoped3A_203 : memref<!tpu.dma_semaphore, #tpu.memory_space<semaphore_mem>>)
      %dma_wait3A_208 = arith.constant 0 : i32
      %dma_wait3A_209 = tpu.memref_slice %arg13[%mul3A_172, %dma_wait3A_208] : memref<10240x64xf32, #tpu.memory_space<vmem_shared>> -> memref<128x64xf32, #tpu.memory_space<vmem_shared>>
      %dma_wait3A_210 = arith.constant 0 : i32
      %dma_wait3A_211 = tpu.memref_slice %arg13[%mul3A_172, %dma_wait3A_210] : memref<10240x64xf32, #tpu.memory_space<vmem_shared>> -> memref<128x64xf32, #tpu.memory_space<vmem_shared>>
      tpu.wait_dma2 semaphore(%run_scoped3A_203 : memref<!tpu.dma_semaphore, #tpu.memory_space<semaphore_mem>>) src(%dma_wait3A_211 : memref<128x64xf32, #tpu.memory_space<vmem_shared>>) dst(%arg8 : memref<128x64xf32, #tpu.memory_space<vmem>>)
      tpu.yield
    }) : () -> ()
    %dma_start3A_181 = arith.constant 0 : i32
    %dma_start3A_182 = tpu.memref_slice %arg5[%arg0, %mul3A_172, %dma_start3A_181] : memref<2x10240x64xf32, #tpu.memory_space<hbm>> -> memref<1x128x64xf32, #tpu.memory_space<hbm>>
    %dma_start3A_183 = tpu.memref_squeeze %dma_start3A_182 : memref<1x128x64xf32, #tpu.memory_space<hbm>> -> memref<128x64xf32, #tpu.memory_space<hbm>>
    %dma_start3A_184 = arith.constant 0 : i32
    %dma_start3A_185 = tpu.memref_slice %arg5[%arg0, %mul3A_172, %dma_start3A_184] : memref<2x10240x64xf32, #tpu.memory_space<hbm>> -> memref<1x128x64xf32, #tpu.memory_space<hbm>>
    %dma_start3A_186 = tpu.memref_squeeze %dma_start3A_185 : memref<1x128x64xf32, #tpu.memory_space<hbm>> -> memref<128x64xf32, #tpu.memory_space<hbm>>
    tpu.enqueue_dma source(%arg8 : memref<128x64xf32, #tpu.memory_space<vmem>>) target(%dma_start3A_186 : memref<128x64xf32, #tpu.memory_space<hbm>>) target_semaphore(%arg18 : memref<!tpu.dma_semaphore, #tpu.memory_space<semaphore_mem>>)
    %dma_wait3A_187 = arith.constant 0 : i32
    %dma_wait3A_188 = arith.constant 0 : i32
    %dma_wait3A_189 = tpu.memref_slice %arg5[%arg0, %dma_wait3A_187, %dma_wait3A_188] : memref<2x10240x64xf32, #tpu.memory_space<hbm>> -> memref<1x128x64xf32, #tpu.memory_space<hbm>>
    %dma_wait3A_190 = tpu.memref_squeeze %dma_wait3A_189 : memref<1x128x64xf32, #tpu.memory_space<hbm>> -> memref<128x64xf32, #tpu.memory_space<hbm>>
    %dma_wait3A_191 = arith.constant 0 : i32
    %dma_wait3A_192 = arith.constant 0 : i32
    %dma_wait3A_193 = tpu.memref_slice %arg5[%arg0, %dma_wait3A_191, %dma_wait3A_192] : memref<2x10240x64xf32, #tpu.memory_space<hbm>> -> memref<1x128x64xf32, #tpu.memory_space<hbm>>
    %dma_wait3A_194 = tpu.memref_squeeze %dma_wait3A_193 : memref<1x128x64xf32, #tpu.memory_space<hbm>> -> memref<128x64xf32, #tpu.memory_space<hbm>>
    tpu.wait_dma2 semaphore(%arg18 : memref<!tpu.dma_semaphore, #tpu.memory_space<semaphore_mem>>) src(%arg8 : memref<128x64xf32, #tpu.memory_space<vmem>>) dst(%dma_wait3A_194 : memref<128x64xf32, #tpu.memory_space<hbm>>)
    %dma_wait3A_195 = arith.constant 0 : i32
    %dma_wait3A_196 = arith.constant 0 : i32
    %dma_wait3A_197 = tpu.memref_slice %arg5[%arg0, %dma_wait3A_195, %dma_wait3A_196] : memref<2x10240x64xf32, #tpu.memory_space<hbm>> -> memref<1x128x64xf32, #tpu.memory_space<hbm>>
    %dma_wait3A_198 = tpu.memref_squeeze %dma_wait3A_197 : memref<1x128x64xf32, #tpu.memory_space<hbm>> -> memref<128x64xf32, #tpu.memory_space<hbm>>
    %dma_wait3A_199 = arith.constant 0 : i32
    %dma_wait3A_200 = arith.constant 0 : i32
    %dma_wait3A_201 = tpu.memref_slice %arg5[%arg0, %dma_wait3A_199, %dma_wait3A_200] : memref<2x10240x64xf32, #tpu.memory_space<hbm>> -> memref<1x128x64xf32, #tpu.memory_space<hbm>>
    %dma_wait3A_202 = tpu.memref_squeeze %dma_wait3A_201 : memref<1x128x64xf32, #tpu.memory_space<hbm>> -> memref<128x64xf32, #tpu.memory_space<hbm>>
    tpu.wait_dma2 semaphore(%arg18 : memref<!tpu.dma_semaphore, #tpu.memory_space<semaphore_mem>>) src(%arg9 : memref<128x64xf32, #tpu.memory_space<vmem>>) dst(%dma_wait3A_202 : memref<128x64xf32, #tpu.memory_space<hbm>>)
    return
  }
}

#map = affine_map<(d0, d1) -> (0, 0, 0)>
#map1 = affine_map<(d0, d1) -> (0, 0)>
module attributes {stable_mosaic.version = 14 : i64} {
  func.func @_sc_conv(%arg0: i32, %arg1: i32, %arg2: memref<32x80x128xi32, #tpu.memory_space<hbm>>, %arg3: memref<32x80x128xi32, #tpu.memory_space<hbm>>, %arg4: memref<10240x64xf32, #tpu.memory_space<hbm>>, %arg5: memref<2x10240x64xf32, #tpu.memory_space<hbm>>, %arg6: memref<80x128xi32, #tpu.memory_space<vmem>>, %arg7: memref<80x128xi32, #tpu.memory_space<vmem>>, %arg8: memref<128x64xf32, #tpu.memory_space<vmem>>, %arg9: memref<128x64xf32, #tpu.memory_space<vmem>>, %arg10: memref<128x64xf32, #tpu.memory_space<vmem>>, %arg11: memref<128x64xf32, #tpu.memory_space<vmem>>, %arg12: memref<128x64xf32, #tpu.memory_space<vmem>>, %arg13: memref<10240x64xf32, #tpu.memory_space<vmem_shared>>, %arg14: memref<!tpu.dma_semaphore, #tpu.memory_space<semaphore_mem>>, %arg15: memref<!tpu.dma_semaphore, #tpu.memory_space<semaphore_mem>>, %arg16: memref<!tpu.dma_semaphore, #tpu.memory_space<semaphore_mem>>, %arg17: memref<!tpu.dma_semaphore, #tpu.memory_space<semaphore_mem>>, %arg18: memref<!tpu.dma_semaphore, #tpu.memory_space<semaphore_mem>>) attributes {dimension_semantics = [#tpu.dimension_semantics<core_parallel>, #tpu.dimension_semantics<subcore_parallel>], iteration_bounds = array<i64: 2, 16>, scalar_prefetch = 0 : i64, scratch_operands = 13 : i64, tpu.core_type = #tpu.core_type<sc_vector_subcore>, window_params = [{transform_indices = #map}, {transform_indices = #map}, {transform_indices = #map1}, {transform_indices = #map}]} {
    %mul3A = arith.constant 16 : i32
    %mul3A_0 = arith.muli %arg0, %mul3A : i32
    %add3A = arith.addi %mul3A_0, %arg1 : i32
    %broadcast_in_dim3A = arith.constant 0.000000e+00 : f32
    %broadcast_in_dim3A_1 = vector.broadcast %broadcast_in_dim3A : f32 to vector<16xf32>
    %scan3A = arith.constant 0 : i32
    %scan3A_2 = arith.constant 0 : i32
    %scan3A_3 = arith.constant 128 : i32
    %scan3A_4 = arith.addi %scan3A_2, %scan3A_3 : i32
    %scan3A_5 = arith.constant 1 : i32
    %scan3A_6 = scf.for %scan3A_203 = %scan3A_2 to %scan3A_4 step %scan3A_5 iter_args(%scan3A_204 = %scan3A) -> (i32)  : i32 {
      %swap3A = arith.index_cast %scan3A_203 : i32 to index
      %swap3A_205 = arith.constant 0 : index
      %swap3A_206 = tpu.vector_load %arg12[%swap3A, %swap3A_205] {strides = array<i32>} : memref<128x64xf32, #tpu.memory_space<vmem>>, vector<16xf32>,
      tpu.vector_store %arg12[%swap3A, %swap3A_205], %broadcast_in_dim3A_1 {strides = array<i32>} : memref<128x64xf32, #tpu.memory_space<vmem>>, vector<16xf32>,
      %swap3A_207 = arith.index_cast %scan3A_203 : i32 to index
      %swap3A_208 = arith.constant 16 : index
      %swap3A_209 = tpu.vector_load %arg12[%swap3A_207, %swap3A_208] {strides = array<i32>} : memref<128x64xf32, #tpu.memory_space<vmem>>, vector<16xf32>,
      tpu.vector_store %arg12[%swap3A_207, %swap3A_208], %broadcast_in_dim3A_1 {strides = array<i32>} : memref<128x64xf32, #tpu.memory_space<vmem>>, vector<16xf32>,
      %swap3A_210 = arith.index_cast %scan3A_203 : i32 to index
      %swap3A_211 = arith.constant 32 : index
      %swap3A_212 = tpu.vector_load %arg12[%swap3A_210, %swap3A_211] {strides = array<i32>} : memref<128x64xf32, #tpu.memory_space<vmem>>, vector<16xf32>,
      tpu.vector_store %arg12[%swap3A_210, %swap3A_211], %broadcast_in_dim3A_1 {strides = array<i32>} : memref<128x64xf32, #tpu.memory_space<vmem>>, vector<16xf32>,
      %swap3A_213 = arith.index_cast %scan3A_203 : i32 to index
      %swap3A_214 = arith.constant 48 : index
      %swap3A_215 = tpu.vector_load %arg12[%swap3A_213, %swap3A_214] {strides = array<i32>} : memref<128x64xf32, #tpu.memory_space<vmem>>, vector<16xf32>,
      tpu.vector_store %arg12[%swap3A_213, %swap3A_214], %broadcast_in_dim3A_1 {strides = array<i32>} : memref<128x64xf32, #tpu.memory_space<vmem>>, vector<16xf32>,
      %scan3A_216 = arith.constant 0 : i32
      scf.yield %scan3A_216 : i32
    }
    %scan3A_7 = arith.constant 128 : i32
    %mul3A_8 = arith.constant 5 : i32
    %mul3A_9 = arith.muli %arg1, %mul3A_8 : i32
    %add3A_10 = arith.constant 0 : i32
    %add3A_11 = arith.addi %mul3A_9, %add3A_10 : i32
    %mul3A_12 = arith.constant 128 : i32
    %mul3A_13 = arith.muli %add3A_11, %mul3A_12 : i32
    "tpu.region"() ({
      %run_scoped3A_203 = tpu.sem_alloc : memref<!tpu.dma_semaphore, #tpu.memory_space<semaphore_mem>>
      %dma_start3A_204 = arith.constant 0 : i32
      %dma_start3A_205 = tpu.memref_slice %arg13[%mul3A_13, %dma_start3A_204] : memref<10240x64xf32, #tpu.memory_space<vmem_shared>> -> memref<128x64xf32, #tpu.memory_space<vmem_shared>>
      %dma_start3A_206 = arith.constant 0 : i32
      %dma_start3A_207 = tpu.memref_slice %arg13[%mul3A_13, %dma_start3A_206] : memref<10240x64xf32, #tpu.memory_space<vmem_shared>> -> memref<128x64xf32, #tpu.memory_space<vmem_shared>>
      tpu.enqueue_dma source(%arg12 : memref<128x64xf32, #tpu.memory_space<vmem>>) target(%dma_start3A_207 : memref<128x64xf32, #tpu.memory_space<vmem_shared>>) target_semaphore(%run_scoped3A_203 : memref<!tpu.dma_semaphore, #tpu.memory_space<semaphore_mem>>)
      %dma_wait3A_208 = arith.constant 0 : i32
      %dma_wait3A_209 = tpu.memref_slice %arg13[%mul3A_13, %dma_wait3A_208] : memref<10240x64xf32, #tpu.memory_space<vmem_shared>> -> memref<128x64xf32, #tpu.memory_space<vmem_shared>>
      %dma_wait3A_210 = arith.constant 0 : i32
      %dma_wait3A_211 = tpu.memref_slice %arg13[%mul3A_13, %dma_wait3A_210] : memref<10240x64xf32, #tpu.memory_space<vmem_shared>> -> memref<128x64xf32, #tpu.memory_space<vmem_shared>>
      tpu.wait_dma2 semaphore(%run_scoped3A_203 : memref<!tpu.dma_semaphore, #tpu.memory_space<semaphore_mem>>) src(%arg12 : memref<128x64xf32, #tpu.memory_space<vmem>>) dst(%dma_wait3A_211 : memref<128x64xf32, #tpu.memory_space<vmem_shared>>)
      tpu.yield
    }) : () -> ()
    %mul3A_14 = arith.constant 5 : i32
    %mul3A_15 = arith.muli %arg1, %mul3A_14 : i32
    %add3A_16 = arith.constant 1 : i32
    %add3A_17 = arith.addi %mul3A_15, %add3A_16 : i32
    %mul3A_18 = arith.constant 128 : i32
    %mul3A_19 = arith.muli %add3A_17, %mul3A_18 : i32
    "tpu.region"() ({
      %run_scoped3A_203 = tpu.sem_alloc : memref<!tpu.dma_semaphore, #tpu.memory_space<semaphore_mem>>
      %dma_start3A_204 = arith.constant 0 : i32
      %dma_start3A_205 = tpu.memref_slice %arg13[%mul3A_19, %dma_start3A_204] : memref<10240x64xf32, #tpu.memory_space<vmem_shared>> -> memref<128x64xf32, #tpu.memory_space<vmem_shared>>
      %dma_start3A_206 = arith.constant 0 : i32
      %dma_start3A_207 = tpu.memref_slice %arg13[%mul3A_19, %dma_start3A_206] : memref<10240x64xf32, #tpu.memory_space<vmem_shared>> -> memref<128x64xf32, #tpu.memory_space<vmem_shared>>
      tpu.enqueue_dma source(%arg12 : memref<128x64xf32, #tpu.memory_space<vmem>>) target(%dma_start3A_207 : memref<128x64xf32, #tpu.memory_space<vmem_shared>>) target_semaphore(%run_scoped3A_203 : memref<!tpu.dma_semaphore, #tpu.memory_space<semaphore_mem>>)
      %dma_wait3A_208 = arith.constant 0 : i32
      %dma_wait3A_209 = tpu.memref_slice %arg13[%mul3A_19, %dma_wait3A_208] : memref<10240x64xf32, #tpu.memory_space<vmem_shared>> -> memref<128x64xf32, #tpu.memory_space<vmem_shared>>
      %dma_wait3A_210 = arith.constant 0 : i32
      %dma_wait3A_211 = tpu.memref_slice %arg13[%mul3A_19, %dma_wait3A_210] : memref<10240x64xf32, #tpu.memory_space<vmem_shared>> -> memref<128x64xf32, #tpu.memory_space<vmem_shared>>
      tpu.wait_dma2 semaphore(%run_scoped3A_203 : memref<!tpu.dma_semaphore, #tpu.memory_space<semaphore_mem>>) src(%arg12 : memref<128x64xf32, #tpu.memory_space<vmem>>) dst(%dma_wait3A_211 : memref<128x64xf32, #tpu.memory_space<vmem_shared>>)
      tpu.yield
    }) : () -> ()
    %mul3A_20 = arith.constant 5 : i32
    %mul3A_21 = arith.muli %arg1, %mul3A_20 : i32
    %add3A_22 = arith.constant 2 : i32
    %add3A_23 = arith.addi %mul3A_21, %add3A_22 : i32
    %mul3A_24 = arith.constant 128 : i32
    %mul3A_25 = arith.muli %add3A_23, %mul3A_24 : i32
    "tpu.region"() ({
      %run_scoped3A_203 = tpu.sem_alloc : memref<!tpu.dma_semaphore, #tpu.memory_space<semaphore_mem>>
      %dma_start3A_204 = arith.constant 0 : i32
      %dma_start3A_205 = tpu.memref_slice %arg13[%mul3A_25, %dma_start3A_204] : memref<10240x64xf32, #tpu.memory_space<vmem_shared>> -> memref<128x64xf32, #tpu.memory_space<vmem_shared>>
      %dma_start3A_206 = arith.constant 0 : i32
      %dma_start3A_207 = tpu.memref_slice %arg13[%mul3A_25, %dma_start3A_206] : memref<10240x64xf32, #tpu.memory_space<vmem_shared>> -> memref<128x64xf32, #tpu.memory_space<vmem_shared>>
      tpu.enqueue_dma source(%arg12 : memref<128x64xf32, #tpu.memory_space<vmem>>) target(%dma_start3A_207 : memref<128x64xf32, #tpu.memory_space<vmem_shared>>) target_semaphore(%run_scoped3A_203 : memref<!tpu.dma_semaphore, #tpu.memory_space<semaphore_mem>>)
      %dma_wait3A_208 = arith.constant 0 : i32
      %dma_wait3A_209 = tpu.memref_slice %arg13[%mul3A_25, %dma_wait3A_208] : memref<10240x64xf32, #tpu.memory_space<vmem_shared>> -> memref<128x64xf32, #tpu.memory_space<vmem_shared>>
      %dma_wait3A_210 = arith.constant 0 : i32
      %dma_wait3A_211 = tpu.memref_slice %arg13[%mul3A_25, %dma_wait3A_210] : memref<10240x64xf32, #tpu.memory_space<vmem_shared>> -> memref<128x64xf32, #tpu.memory_space<vmem_shared>>
      tpu.wait_dma2 semaphore(%run_scoped3A_203 : memref<!tpu.dma_semaphore, #tpu.memory_space<semaphore_mem>>) src(%arg12 : memref<128x64xf32, #tpu.memory_space<vmem>>) dst(%dma_wait3A_211 : memref<128x64xf32, #tpu.memory_space<vmem_shared>>)
      tpu.yield
    }) : () -> ()
    %mul3A_26 = arith.constant 5 : i32
    %mul3A_27 = arith.muli %arg1, %mul3A_26 : i32
    %add3A_28 = arith.constant 3 : i32
    %add3A_29 = arith.addi %mul3A_27, %add3A_28 : i32
    %mul3A_30 = arith.constant 128 : i32
    %mul3A_31 = arith.muli %add3A_29, %mul3A_30 : i32
    "tpu.region"() ({
      %run_scoped3A_203 = tpu.sem_alloc : memref<!tpu.dma_semaphore, #tpu.memory_space<semaphore_mem>>
      %dma_start3A_204 = arith.constant 0 : i32
      %dma_start3A_205 = tpu.memref_slice %arg13[%mul3A_31, %dma_start3A_204] : memref<10240x64xf32, #tpu.memory_space<vmem_shared>> -> memref<128x64xf32, #tpu.memory_space<vmem_shared>>
      %dma_start3A_206 = arith.constant 0 : i32
      %dma_start3A_207 = tpu.memref_slice %arg13[%mul3A_31, %dma_start3A_206] : memref<10240x64xf32, #tpu.memory_space<vmem_shared>> -> memref<128x64xf32, #tpu.memory_space<vmem_shared>>
      tpu.enqueue_dma source(%arg12 : memref<128x64xf32, #tpu.memory_space<vmem>>) target(%dma_start3A_207 : memref<128x64xf32, #tpu.memory_space<vmem_shared>>) target_semaphore(%run_scoped3A_203 : memref<!tpu.dma_semaphore, #tpu.memory_space<semaphore_mem>>)
      %dma_wait3A_208 = arith.constant 0 : i32
      %dma_wait3A_209 = tpu.memref_slice %arg13[%mul3A_31, %dma_wait3A_208] : memref<10240x64xf32, #tpu.memory_space<vmem_shared>> -> memref<128x64xf32, #tpu.memory_space<vmem_shared>>
      %dma_wait3A_210 = arith.constant 0 : i32
      %dma_wait3A_211 = tpu.memref_slice %arg13[%mul3A_31, %dma_wait3A_210] : memref<10240x64xf32, #tpu.memory_space<vmem_shared>> -> memref<128x64xf32, #tpu.memory_space<vmem_shared>>
      tpu.wait_dma2 semaphore(%run_scoped3A_203 : memref<!tpu.dma_semaphore, #tpu.memory_space<semaphore_mem>>) src(%arg12 : memref<128x64xf32, #tpu.memory_space<vmem>>) dst(%dma_wait3A_211 : memref<128x64xf32, #tpu.memory_space<vmem_shared>>)
      tpu.yield
    }) : () -> ()
    %mul3A_32 = arith.constant 5 : i32
    %mul3A_33 = arith.muli %arg1, %mul3A_32 : i32
    %add3A_34 = arith.constant 4 : i32
    %add3A_35 = arith.addi %mul3A_33, %add3A_34 : i32
    %mul3A_36 = arith.constant 128 : i32
    %mul3A_37 = arith.muli %add3A_35, %mul3A_36 : i32
    "tpu.region"() ({
      %run_scoped3A_203 = tpu.sem_alloc : memref<!tpu.dma_semaphore, #tpu.memory_space<semaphore_mem>>
      %dma_start3A_204 = arith.constant 0 : i32
      %dma_start3A_205 = tpu.memref_slice %arg13[%mul3A_37, %dma_start3A_204] : memref<10240x64xf32, #tpu.memory_space<vmem_shared>> -> memref<128x64xf32, #tpu.memory_space<vmem_shared>>
      %dma_start3A_206 = arith.constant 0 : i32
      %dma_start3A_207 = tpu.memref_slice %arg13[%mul3A_37, %dma_start3A_206] : memref<10240x64xf32, #tpu.memory_space<vmem_shared>> -> memref<128x64xf32, #tpu.memory_space<vmem_shared>>
      tpu.enqueue_dma source(%arg12 : memref<128x64xf32, #tpu.memory_space<vmem>>) target(%dma_start3A_207 : memref<128x64xf32, #tpu.memory_space<vmem_shared>>) target_semaphore(%run_scoped3A_203 : memref<!tpu.dma_semaphore, #tpu.memory_space<semaphore_mem>>)
      %dma_wait3A_208 = arith.constant 0 : i32
      %dma_wait3A_209 = tpu.memref_slice %arg13[%mul3A_37, %dma_wait3A_208] : memref<10240x64xf32, #tpu.memory_space<vmem_shared>> -> memref<128x64xf32, #tpu.memory_space<vmem_shared>>
      %dma_wait3A_210 = arith.constant 0 : i32
      %dma_wait3A_211 = tpu.memref_slice %arg13[%mul3A_37, %dma_wait3A_210] : memref<10240x64xf32, #tpu.memory_space<vmem_shared>> -> memref<128x64xf32, #tpu.memory_space<vmem_shared>>
      tpu.wait_dma2 semaphore(%run_scoped3A_203 : memref<!tpu.dma_semaphore, #tpu.memory_space<semaphore_mem>>) src(%arg12 : memref<128x64xf32, #tpu.memory_space<vmem>>) dst(%dma_wait3A_211 : memref<128x64xf32, #tpu.memory_space<vmem_shared>>)
      tpu.yield
    }) : () -> ()
    %barrier3A = arith.constant 0 : index
    tpu.barrier barrier_id(%barrier3A)
    "tpu.region"() ({
      %run_scoped3A_203 = tpu.sem_alloc : memref<!tpu.dma_semaphore, #tpu.memory_space<semaphore_mem>>
      %dma_start3A_204 = arith.constant 0 : i32
      %dma_start3A_205 = arith.constant 0 : i32
      %dma_start3A_206 = tpu.memref_slice %arg2[%add3A, %dma_start3A_204, %dma_start3A_205] : memref<32x80x128xi32, #tpu.memory_space<hbm>> -> memref<1x80x128xi32, #tpu.memory_space<hbm>>
      %dma_start3A_207 = tpu.memref_squeeze %dma_start3A_206 : memref<1x80x128xi32, #tpu.memory_space<hbm>> -> memref<80x128xi32, #tpu.memory_space<hbm>>
      %dma_start3A_208 = arith.constant 0 : i32
      %dma_start3A_209 = arith.constant 0 : i32
      %dma_start3A_210 = tpu.memref_slice %arg2[%add3A, %dma_start3A_208, %dma_start3A_209] : memref<32x80x128xi32, #tpu.memory_space<hbm>> -> memref<1x80x128xi32, #tpu.memory_space<hbm>>
      %dma_start3A_211 = tpu.memref_squeeze %dma_start3A_210 : memref<1x80x128xi32, #tpu.memory_space<hbm>> -> memref<80x128xi32, #tpu.memory_space<hbm>>
      tpu.enqueue_dma source(%dma_start3A_211 : memref<80x128xi32, #tpu.memory_space<hbm>>) target(%arg6 : memref<80x128xi32, #tpu.memory_space<vmem>>) target_semaphore(%run_scoped3A_203 : memref<!tpu.dma_semaphore, #tpu.memory_space<semaphore_mem>>)
      %dma_wait3A_212 = arith.constant 0 : i32
      %dma_wait3A_213 = arith.constant 0 : i32
      %dma_wait3A_214 = tpu.memref_slice %arg2[%add3A, %dma_wait3A_212, %dma_wait3A_213] : memref<32x80x128xi32, #tpu.memory_space<hbm>> -> memref<1x80x128xi32, #tpu.memory_space<hbm>>
      %dma_wait3A_215 = tpu.memref_squeeze %dma_wait3A_214 : memref<1x80x128xi32, #tpu.memory_space<hbm>> -> memref<80x128xi32, #tpu.memory_space<hbm>>
      %dma_wait3A_216 = arith.constant 0 : i32
      %dma_wait3A_217 = arith.constant 0 : i32
      %dma_wait3A_218 = tpu.memref_slice %arg2[%add3A, %dma_wait3A_216, %dma_wait3A_217] : memref<32x80x128xi32, #tpu.memory_space<hbm>> -> memref<1x80x128xi32, #tpu.memory_space<hbm>>
      %dma_wait3A_219 = tpu.memref_squeeze %dma_wait3A_218 : memref<1x80x128xi32, #tpu.memory_space<hbm>> -> memref<80x128xi32, #tpu.memory_space<hbm>>
      tpu.wait_dma2 semaphore(%run_scoped3A_203 : memref<!tpu.dma_semaphore, #tpu.memory_space<semaphore_mem>>) src(%dma_wait3A_219 : memref<80x128xi32, #tpu.memory_space<hbm>>) dst(%arg6 : memref<80x128xi32, #tpu.memory_space<vmem>>)
      tpu.yield
    }) : () -> ()
    "tpu.region"() ({
      %run_scoped3A_203 = tpu.sem_alloc : memref<!tpu.dma_semaphore, #tpu.memory_space<semaphore_mem>>
      %dma_start3A_204 = arith.constant 0 : i32
      %dma_start3A_205 = arith.constant 0 : i32
      %dma_start3A_206 = tpu.memref_slice %arg3[%add3A, %dma_start3A_204, %dma_start3A_205] : memref<32x80x128xi32, #tpu.memory_space<hbm>> -> memref<1x80x128xi32, #tpu.memory_space<hbm>>
      %dma_start3A_207 = tpu.memref_squeeze %dma_start3A_206 : memref<1x80x128xi32, #tpu.memory_space<hbm>> -> memref<80x128xi32, #tpu.memory_space<hbm>>
      %dma_start3A_208 = arith.constant 0 : i32
      %dma_start3A_209 = arith.constant 0 : i32
      %dma_start3A_210 = tpu.memref_slice %arg3[%add3A, %dma_start3A_208, %dma_start3A_209] : memref<32x80x128xi32, #tpu.memory_space<hbm>> -> memref<1x80x128xi32, #tpu.memory_space<hbm>>
      %dma_start3A_211 = tpu.memref_squeeze %dma_start3A_210 : memref<1x80x128xi32, #tpu.memory_space<hbm>> -> memref<80x128xi32, #tpu.memory_space<hbm>>
      tpu.enqueue_dma source(%dma_start3A_211 : memref<80x128xi32, #tpu.memory_space<hbm>>) target(%arg7 : memref<80x128xi32, #tpu.memory_space<vmem>>) target_semaphore(%run_scoped3A_203 : memref<!tpu.dma_semaphore, #tpu.memory_space<semaphore_mem>>)
      %dma_wait3A_212 = arith.constant 0 : i32
      %dma_wait3A_213 = arith.constant 0 : i32
      %dma_wait3A_214 = tpu.memref_slice %arg3[%add3A, %dma_wait3A_212, %dma_wait3A_213] : memref<32x80x128xi32, #tpu.memory_space<hbm>> -> memref<1x80x128xi32, #tpu.memory_space<hbm>>
      %dma_wait3A_215 = tpu.memref_squeeze %dma_wait3A_214 : memref<1x80x128xi32, #tpu.memory_space<hbm>> -> memref<80x128xi32, #tpu.memory_space<hbm>>
      %dma_wait3A_216 = arith.constant 0 : i32
      %dma_wait3A_217 = arith.constant 0 : i32
      %dma_wait3A_218 = tpu.memref_slice %arg3[%add3A, %dma_wait3A_216, %dma_wait3A_217] : memref<32x80x128xi32, #tpu.memory_space<hbm>> -> memref<1x80x128xi32, #tpu.memory_space<hbm>>
      %dma_wait3A_219 = tpu.memref_squeeze %dma_wait3A_218 : memref<1x80x128xi32, #tpu.memory_space<hbm>> -> memref<80x128xi32, #tpu.memory_space<hbm>>
      tpu.wait_dma2 semaphore(%run_scoped3A_203 : memref<!tpu.dma_semaphore, #tpu.memory_space<semaphore_mem>>) src(%dma_wait3A_219 : memref<80x128xi32, #tpu.memory_space<hbm>>) dst(%arg7 : memref<80x128xi32, #tpu.memory_space<vmem>>)
      tpu.yield
    }) : () -> ()
    %dma_start3A = arith.constant 0 : i32
    %dma_start3A_38 = arith.constant 0 : i32
    %dma_start3A_39 = tpu.memref_slice %arg6[%dma_start3A, %dma_start3A_38] : memref<80x128xi32, #tpu.memory_space<vmem>> -> memref<1x128xi32, #tpu.memory_space<vmem>>
    %dma_start3A_40 = tpu.memref_squeeze %dma_start3A_39 : memref<1x128xi32, #tpu.memory_space<vmem>> -> memref<128xi32, #tpu.memory_space<vmem>>
    %dma_start3A_41 = arith.constant 0 : i32
    %dma_start3A_42 = arith.constant 0 : i32
    %dma_start3A_43 = tpu.memref_slice %arg4[%dma_start3A_41, %dma_start3A_42] : memref<10240x64xf32, #tpu.memory_space<hbm>> -> memref<10240x64xf32, #tpu.memory_space<hbm>>
    tpu.enqueue_indirect_dma source(%dma_start3A_43 : memref<10240x64xf32, #tpu.memory_space<hbm>>) target(%arg8 : memref<128x64xf32, #tpu.memory_space<vmem>>) offsets(%dma_start3A_40 : memref<128xi32, #tpu.memory_space<vmem>>) semaphore(%arg14 : memref<!tpu.dma_semaphore, #tpu.memory_space<semaphore_mem>>)
    %dma_start3A_44 = arith.constant 1 : i32
    %dma_start3A_45 = arith.constant 0 : i32
    %dma_start3A_46 = tpu.memref_slice %arg6[%dma_start3A_44, %dma_start3A_45] : memref<80x128xi32, #tpu.memory_space<vmem>> -> memref<1x128xi32, #tpu.memory_space<vmem>>
    %dma_start3A_47 = tpu.memref_squeeze %dma_start3A_46 : memref<1x128xi32, #tpu.memory_space<vmem>> -> memref<128xi32, #tpu.memory_space<vmem>>
    %dma_start3A_48 = arith.constant 0 : i32
    %dma_start3A_49 = arith.constant 0 : i32
    %dma_start3A_50 = tpu.memref_slice %arg4[%dma_start3A_48, %dma_start3A_49] : memref<10240x64xf32, #tpu.memory_space<hbm>> -> memref<10240x64xf32, #tpu.memory_space<hbm>>
    tpu.enqueue_indirect_dma source(%dma_start3A_50 : memref<10240x64xf32, #tpu.memory_space<hbm>>) target(%arg9 : memref<128x64xf32, #tpu.memory_space<vmem>>) offsets(%dma_start3A_47 : memref<128xi32, #tpu.memory_space<vmem>>) semaphore(%arg15 : memref<!tpu.dma_semaphore, #tpu.memory_space<semaphore_mem>>)
    %dma_start3A_51 = arith.constant 2 : i32
    %dma_start3A_52 = arith.constant 0 : i32
    %dma_start3A_53 = tpu.memref_slice %arg6[%dma_start3A_51, %dma_start3A_52] : memref<80x128xi32, #tpu.memory_space<vmem>> -> memref<1x128xi32, #tpu.memory_space<vmem>>
    %dma_start3A_54 = tpu.memref_squeeze %dma_start3A_53 : memref<1x128xi32, #tpu.memory_space<vmem>> -> memref<128xi32, #tpu.memory_space<vmem>>
    %dma_start3A_55 = arith.constant 0 : i32
    %dma_start3A_56 = arith.constant 0 : i32
    %dma_start3A_57 = tpu.memref_slice %arg4[%dma_start3A_55, %dma_start3A_56] : memref<10240x64xf32, #tpu.memory_space<hbm>> -> memref<10240x64xf32, #tpu.memory_space<hbm>>
    tpu.enqueue_indirect_dma source(%dma_start3A_57 : memref<10240x64xf32, #tpu.memory_space<hbm>>) target(%arg10 : memref<128x64xf32, #tpu.memory_space<vmem>>) offsets(%dma_start3A_54 : memref<128xi32, #tpu.memory_space<vmem>>) semaphore(%arg16 : memref<!tpu.dma_semaphore, #tpu.memory_space<semaphore_mem>>)
    %dma_start3A_58 = arith.constant 3 : i32
    %dma_start3A_59 = arith.constant 0 : i32
    %dma_start3A_60 = tpu.memref_slice %arg6[%dma_start3A_58, %dma_start3A_59] : memref<80x128xi32, #tpu.memory_space<vmem>> -> memref<1x128xi32, #tpu.memory_space<vmem>>
    %dma_start3A_61 = tpu.memref_squeeze %dma_start3A_60 : memref<1x128xi32, #tpu.memory_space<vmem>> -> memref<128xi32, #tpu.memory_space<vmem>>
    %dma_start3A_62 = arith.constant 0 : i32
    %dma_start3A_63 = arith.constant 0 : i32
    %dma_start3A_64 = tpu.memref_slice %arg4[%dma_start3A_62, %dma_start3A_63] : memref<10240x64xf32, #tpu.memory_space<hbm>> -> memref<10240x64xf32, #tpu.memory_space<hbm>>
    tpu.enqueue_indirect_dma source(%dma_start3A_64 : memref<10240x64xf32, #tpu.memory_space<hbm>>) target(%arg11 : memref<128x64xf32, #tpu.memory_space<vmem>>) offsets(%dma_start3A_61 : memref<128xi32, #tpu.memory_space<vmem>>) semaphore(%arg17 : memref<!tpu.dma_semaphore, #tpu.memory_space<semaphore_mem>>)
    %scan3A_65 = arith.constant 0 : i32
    %scan3A_66 = arith.constant 0 : i32
    %scan3A_67 = arith.constant 19 : i32
    %scan3A_68 = arith.addi %scan3A_66, %scan3A_67 : i32
    %scan3A_69 = arith.constant 1 : i32
    %scan3A_70 = scf.for %scan3A_203 = %scan3A_66 to %scan3A_68 step %scan3A_69 iter_args(%scan3A_204 = %scan3A_65) -> (i32)  : i32 {
      %mul3A_205 = arith.constant 4 : i32
      %mul3A_206 = arith.muli %mul3A_205, %scan3A_203 : i32
      %add3A_207 = arith.constant 0 : i32
      %add3A_208 = arith.addi %mul3A_206, %add3A_207 : i32
      %dma_wait3A_209 = arith.constant 0 : i32
      %dma_wait3A_210 = tpu.memref_slice %arg6[%add3A_208, %dma_wait3A_209] : memref<80x128xi32, #tpu.memory_space<vmem>> -> memref<1x128xi32, #tpu.memory_space<vmem>>
      %dma_wait3A_211 = tpu.memref_squeeze %dma_wait3A_210 : memref<1x128xi32, #tpu.memory_space<vmem>> -> memref<128xi32, #tpu.memory_space<vmem>>
      %dma_wait3A_212 = arith.constant 0 : i32
      %dma_wait3A_213 = arith.constant 0 : i32
      %dma_wait3A_214 = tpu.memref_slice %arg4[%dma_wait3A_212, %dma_wait3A_213] : memref<10240x64xf32, #tpu.memory_space<hbm>> -> memref<10240x64xf32, #tpu.memory_space<hbm>>
      tpu.wait_indirect_dma semaphore(%arg14 : memref<!tpu.dma_semaphore, #tpu.memory_space<semaphore_mem>>) src(%dma_wait3A_214 : memref<10240x64xf32, #tpu.memory_space<hbm>>) dst(%arg8 : memref<128x64xf32, #tpu.memory_space<vmem>>)
      %add3A_215 = arith.constant 0 : i32
      %add3A_216 = arith.addi %mul3A_206, %add3A_215 : i32
      "tpu.region"() ({
        %run_scoped3A_288 = tpu.sem_alloc : memref<!tpu.dma_semaphore, #tpu.memory_space<semaphore_mem>>
        %dma_start3A_289 = arith.constant 0 : i32
        %dma_start3A_290 = tpu.memref_slice %arg7[%add3A_216, %dma_start3A_289] : memref<80x128xi32, #tpu.memory_space<vmem>> -> memref<1x128xi32, #tpu.memory_space<vmem>>
        %dma_start3A_291 = tpu.memref_squeeze %dma_start3A_290 : memref<1x128xi32, #tpu.memory_space<vmem>> -> memref<128xi32, #tpu.memory_space<vmem>>
        %dma_start3A_292 = arith.constant 0 : i32
        %dma_start3A_293 = arith.constant 0 : i32
        %dma_start3A_294 = tpu.memref_slice %arg13[%dma_start3A_292, %dma_start3A_293] : memref<10240x64xf32, #tpu.memory_space<vmem_shared>> -> memref<10240x64xf32, #tpu.memory_space<vmem_shared>>
        tpu.enqueue_indirect_dma source(%arg8 : memref<128x64xf32, #tpu.memory_space<vmem>>) target(%dma_start3A_294 : memref<10240x64xf32, #tpu.memory_space<vmem_shared>>) offsets(%dma_start3A_291 : memref<128xi32, #tpu.memory_space<vmem>>) semaphore(%run_scoped3A_288 : memref<!tpu.dma_semaphore, #tpu.memory_space<semaphore_mem>>) {add = true}
        %dma_wait3A_295 = arith.constant 0 : i32
        %dma_wait3A_296 = tpu.memref_slice %arg7[%add3A_216, %dma_wait3A_295] : memref<80x128xi32, #tpu.memory_space<vmem>> -> memref<1x128xi32, #tpu.memory_space<vmem>>
        %dma_wait3A_297 = tpu.memref_squeeze %dma_wait3A_296 : memref<1x128xi32, #tpu.memory_space<vmem>> -> memref<128xi32, #tpu.memory_space<vmem>>
        %dma_wait3A_298 = arith.constant 0 : i32
        %dma_wait3A_299 = arith.constant 0 : i32
        %dma_wait3A_300 = tpu.memref_slice %arg13[%dma_wait3A_298, %dma_wait3A_299] : memref<10240x64xf32, #tpu.memory_space<vmem_shared>> -> memref<10240x64xf32, #tpu.memory_space<vmem_shared>>
        tpu.wait_indirect_dma semaphore(%run_scoped3A_288 : memref<!tpu.dma_semaphore, #tpu.memory_space<semaphore_mem>>) src(%arg8 : memref<128x64xf32, #tpu.memory_space<vmem>>) dst(%dma_wait3A_300 : memref<10240x64xf32, #tpu.memory_space<vmem_shared>>)
        tpu.yield
      }) : () -> ()
      %add3A_217 = arith.constant 0 : i32
      %add3A_218 = arith.addi %mul3A_206, %add3A_217 : i32
      %add3A_219 = arith.constant 4 : i32
      %add3A_220 = arith.addi %add3A_218, %add3A_219 : i32
      %dma_start3A_221 = arith.constant 0 : i32
      %dma_start3A_222 = tpu.memref_slice %arg6[%add3A_220, %dma_start3A_221] : memref<80x128xi32, #tpu.memory_space<vmem>> -> memref<1x128xi32, #tpu.memory_space<vmem>>
      %dma_start3A_223 = tpu.memref_squeeze %dma_start3A_222 : memref<1x128xi32, #tpu.memory_space<vmem>> -> memref<128xi32, #tpu.memory_space<vmem>>
      %dma_start3A_224 = arith.constant 0 : i32
      %dma_start3A_225 = arith.constant 0 : i32
      %dma_start3A_226 = tpu.memref_slice %arg4[%dma_start3A_224, %dma_start3A_225] : memref<10240x64xf32, #tpu.memory_space<hbm>> -> memref<10240x64xf32, #tpu.memory_space<hbm>>
      tpu.enqueue_indirect_dma source(%dma_start3A_226 : memref<10240x64xf32, #tpu.memory_space<hbm>>) target(%arg8 : memref<128x64xf32, #tpu.memory_space<vmem>>) offsets(%dma_start3A_223 : memref<128xi32, #tpu.memory_space<vmem>>) semaphore(%arg14 : memref<!tpu.dma_semaphore, #tpu.memory_space<semaphore_mem>>)
      %add3A_227 = arith.constant 1 : i32
      %add3A_228 = arith.addi %mul3A_206, %add3A_227 : i32
      %dma_wait3A_229 = arith.constant 0 : i32
      %dma_wait3A_230 = tpu.memref_slice %arg6[%add3A_228, %dma_wait3A_229] : memref<80x128xi32, #tpu.memory_space<vmem>> -> memref<1x128xi32, #tpu.memory_space<vmem>>
      %dma_wait3A_231 = tpu.memref_squeeze %dma_wait3A_230 : memref<1x128xi32, #tpu.memory_space<vmem>> -> memref<128xi32, #tpu.memory_space<vmem>>
      %dma_wait3A_232 = arith.constant 0 : i32
      %dma_wait3A_233 = arith.constant 0 : i32
      %dma_wait3A_234 = tpu.memref_slice %arg4[%dma_wait3A_232, %dma_wait3A_233] : memref<10240x64xf32, #tpu.memory_space<hbm>> -> memref<10240x64xf32, #tpu.memory_space<hbm>>
      tpu.wait_indirect_dma semaphore(%arg15 : memref<!tpu.dma_semaphore, #tpu.memory_space<semaphore_mem>>) src(%dma_wait3A_234 : memref<10240x64xf32, #tpu.memory_space<hbm>>) dst(%arg9 : memref<128x64xf32, #tpu.memory_space<vmem>>)
      %add3A_235 = arith.constant 1 : i32
      %add3A_236 = arith.addi %mul3A_206, %add3A_235 : i32
      "tpu.region"() ({
        %run_scoped3A_288 = tpu.sem_alloc : memref<!tpu.dma_semaphore, #tpu.memory_space<semaphore_mem>>
        %dma_start3A_289 = arith.constant 0 : i32
        %dma_start3A_290 = tpu.memref_slice %arg7[%add3A_236, %dma_start3A_289] : memref<80x128xi32, #tpu.memory_space<vmem>> -> memref<1x128xi32, #tpu.memory_space<vmem>>
        %dma_start3A_291 = tpu.memref_squeeze %dma_start3A_290 : memref<1x128xi32, #tpu.memory_space<vmem>> -> memref<128xi32, #tpu.memory_space<vmem>>
        %dma_start3A_292 = arith.constant 0 : i32
        %dma_start3A_293 = arith.constant 0 : i32
        %dma_start3A_294 = tpu.memref_slice %arg13[%dma_start3A_292, %dma_start3A_293] : memref<10240x64xf32, #tpu.memory_space<vmem_shared>> -> memref<10240x64xf32, #tpu.memory_space<vmem_shared>>
        tpu.enqueue_indirect_dma source(%arg9 : memref<128x64xf32, #tpu.memory_space<vmem>>) target(%dma_start3A_294 : memref<10240x64xf32, #tpu.memory_space<vmem_shared>>) offsets(%dma_start3A_291 : memref<128xi32, #tpu.memory_space<vmem>>) semaphore(%run_scoped3A_288 : memref<!tpu.dma_semaphore, #tpu.memory_space<semaphore_mem>>) {add = true}
        %dma_wait3A_295 = arith.constant 0 : i32
        %dma_wait3A_296 = tpu.memref_slice %arg7[%add3A_236, %dma_wait3A_295] : memref<80x128xi32, #tpu.memory_space<vmem>> -> memref<1x128xi32, #tpu.memory_space<vmem>>
        %dma_wait3A_297 = tpu.memref_squeeze %dma_wait3A_296 : memref<1x128xi32, #tpu.memory_space<vmem>> -> memref<128xi32, #tpu.memory_space<vmem>>
        %dma_wait3A_298 = arith.constant 0 : i32
        %dma_wait3A_299 = arith.constant 0 : i32
        %dma_wait3A_300 = tpu.memref_slice %arg13[%dma_wait3A_298, %dma_wait3A_299] : memref<10240x64xf32, #tpu.memory_space<vmem_shared>> -> memref<10240x64xf32, #tpu.memory_space<vmem_shared>>
        tpu.wait_indirect_dma semaphore(%run_scoped3A_288 : memref<!tpu.dma_semaphore, #tpu.memory_space<semaphore_mem>>) src(%arg9 : memref<128x64xf32, #tpu.memory_space<vmem>>) dst(%dma_wait3A_300 : memref<10240x64xf32, #tpu.memory_space<vmem_shared>>)
        tpu.yield
      }) : () -> ()
      %add3A_237 = arith.constant 1 : i32
      %add3A_238 = arith.addi %mul3A_206, %add3A_237 : i32
      %add3A_239 = arith.constant 4 : i32
      %add3A_240 = arith.addi %add3A_238, %add3A_239 : i32
      %dma_start3A_241 = arith.constant 0 : i32
      %dma_start3A_242 = tpu.memref_slice %arg6[%add3A_240, %dma_start3A_241] : memref<80x128xi32, #tpu.memory_space<vmem>> -> memref<1x128xi32, #tpu.memory_space<vmem>>
      %dma_start3A_243 = tpu.memref_squeeze %dma_start3A_242 : memref<1x128xi32, #tpu.memory_space<vmem>> -> memref<128xi32, #tpu.memory_space<vmem>>
      %dma_start3A_244 = arith.constant 0 : i32
      %dma_start3A_245 = arith.constant 0 : i32
      %dma_start3A_246 = tpu.memref_slice %arg4[%dma_start3A_244, %dma_start3A_245] : memref<10240x64xf32, #tpu.memory_space<hbm>> -> memref<10240x64xf32, #tpu.memory_space<hbm>>
      tpu.enqueue_indirect_dma source(%dma_start3A_246 : memref<10240x64xf32, #tpu.memory_space<hbm>>) target(%arg9 : memref<128x64xf32, #tpu.memory_space<vmem>>) offsets(%dma_start3A_243 : memref<128xi32, #tpu.memory_space<vmem>>) semaphore(%arg15 : memref<!tpu.dma_semaphore, #tpu.memory_space<semaphore_mem>>)
      %add3A_247 = arith.constant 2 : i32
      %add3A_248 = arith.addi %mul3A_206, %add3A_247 : i32
      %dma_wait3A_249 = arith.constant 0 : i32
      %dma_wait3A_250 = tpu.memref_slice %arg6[%add3A_248, %dma_wait3A_249] : memref<80x128xi32, #tpu.memory_space<vmem>> -> memref<1x128xi32, #tpu.memory_space<vmem>>
      %dma_wait3A_251 = tpu.memref_squeeze %dma_wait3A_250 : memref<1x128xi32, #tpu.memory_space<vmem>> -> memref<128xi32, #tpu.memory_space<vmem>>
      %dma_wait3A_252 = arith.constant 0 : i32
      %dma_wait3A_253 = arith.constant 0 : i32
      %dma_wait3A_254 = tpu.memref_slice %arg4[%dma_wait3A_252, %dma_wait3A_253] : memref<10240x64xf32, #tpu.memory_space<hbm>> -> memref<10240x64xf32, #tpu.memory_space<hbm>>
      tpu.wait_indirect_dma semaphore(%arg16 : memref<!tpu.dma_semaphore, #tpu.memory_space<semaphore_mem>>) src(%dma_wait3A_254 : memref<10240x64xf32, #tpu.memory_space<hbm>>) dst(%arg10 : memref<128x64xf32, #tpu.memory_space<vmem>>)
      %add3A_255 = arith.constant 2 : i32
      %add3A_256 = arith.addi %mul3A_206, %add3A_255 : i32
      "tpu.region"() ({
        %run_scoped3A_288 = tpu.sem_alloc : memref<!tpu.dma_semaphore, #tpu.memory_space<semaphore_mem>>
        %dma_start3A_289 = arith.constant 0 : i32
        %dma_start3A_290 = tpu.memref_slice %arg7[%add3A_256, %dma_start3A_289] : memref<80x128xi32, #tpu.memory_space<vmem>> -> memref<1x128xi32, #tpu.memory_space<vmem>>
        %dma_start3A_291 = tpu.memref_squeeze %dma_start3A_290 : memref<1x128xi32, #tpu.memory_space<vmem>> -> memref<128xi32, #tpu.memory_space<vmem>>
        %dma_start3A_292 = arith.constant 0 : i32
        %dma_start3A_293 = arith.constant 0 : i32
        %dma_start3A_294 = tpu.memref_slice %arg13[%dma_start3A_292, %dma_start3A_293] : memref<10240x64xf32, #tpu.memory_space<vmem_shared>> -> memref<10240x64xf32, #tpu.memory_space<vmem_shared>>
        tpu.enqueue_indirect_dma source(%arg10 : memref<128x64xf32, #tpu.memory_space<vmem>>) target(%dma_start3A_294 : memref<10240x64xf32, #tpu.memory_space<vmem_shared>>) offsets(%dma_start3A_291 : memref<128xi32, #tpu.memory_space<vmem>>) semaphore(%run_scoped3A_288 : memref<!tpu.dma_semaphore, #tpu.memory_space<semaphore_mem>>) {add = true}
        %dma_wait3A_295 = arith.constant 0 : i32
        %dma_wait3A_296 = tpu.memref_slice %arg7[%add3A_256, %dma_wait3A_295] : memref<80x128xi32, #tpu.memory_space<vmem>> -> memref<1x128xi32, #tpu.memory_space<vmem>>
        %dma_wait3A_297 = tpu.memref_squeeze %dma_wait3A_296 : memref<1x128xi32, #tpu.memory_space<vmem>> -> memref<128xi32, #tpu.memory_space<vmem>>
        %dma_wait3A_298 = arith.constant 0 : i32
        %dma_wait3A_299 = arith.constant 0 : i32
        %dma_wait3A_300 = tpu.memref_slice %arg13[%dma_wait3A_298, %dma_wait3A_299] : memref<10240x64xf32, #tpu.memory_space<vmem_shared>> -> memref<10240x64xf32, #tpu.memory_space<vmem_shared>>
        tpu.wait_indirect_dma semaphore(%run_scoped3A_288 : memref<!tpu.dma_semaphore, #tpu.memory_space<semaphore_mem>>) src(%arg10 : memref<128x64xf32, #tpu.memory_space<vmem>>) dst(%dma_wait3A_300 : memref<10240x64xf32, #tpu.memory_space<vmem_shared>>)
        tpu.yield
      }) : () -> ()
      %add3A_257 = arith.constant 2 : i32
      %add3A_258 = arith.addi %mul3A_206, %add3A_257 : i32
      %add3A_259 = arith.constant 4 : i32
      %add3A_260 = arith.addi %add3A_258, %add3A_259 : i32
      %dma_start3A_261 = arith.constant 0 : i32
      %dma_start3A_262 = tpu.memref_slice %arg6[%add3A_260, %dma_start3A_261] : memref<80x128xi32, #tpu.memory_space<vmem>> -> memref<1x128xi32, #tpu.memory_space<vmem>>
      %dma_start3A_263 = tpu.memref_squeeze %dma_start3A_262 : memref<1x128xi32, #tpu.memory_space<vmem>> -> memref<128xi32, #tpu.memory_space<vmem>>
      %dma_start3A_264 = arith.constant 0 : i32
      %dma_start3A_265 = arith.constant 0 : i32
      %dma_start3A_266 = tpu.memref_slice %arg4[%dma_start3A_264, %dma_start3A_265] : memref<10240x64xf32, #tpu.memory_space<hbm>> -> memref<10240x64xf32, #tpu.memory_space<hbm>>
      tpu.enqueue_indirect_dma source(%dma_start3A_266 : memref<10240x64xf32, #tpu.memory_space<hbm>>) target(%arg10 : memref<128x64xf32, #tpu.memory_space<vmem>>) offsets(%dma_start3A_263 : memref<128xi32, #tpu.memory_space<vmem>>) semaphore(%arg16 : memref<!tpu.dma_semaphore, #tpu.memory_space<semaphore_mem>>)
      %add3A_267 = arith.constant 3 : i32
      %add3A_268 = arith.addi %mul3A_206, %add3A_267 : i32
      %dma_wait3A_269 = arith.constant 0 : i32
      %dma_wait3A_270 = tpu.memref_slice %arg6[%add3A_268, %dma_wait3A_269] : memref<80x128xi32, #tpu.memory_space<vmem>> -> memref<1x128xi32, #tpu.memory_space<vmem>>
      %dma_wait3A_271 = tpu.memref_squeeze %dma_wait3A_270 : memref<1x128xi32, #tpu.memory_space<vmem>> -> memref<128xi32, #tpu.memory_space<vmem>>
      %dma_wait3A_272 = arith.constant 0 : i32
      %dma_wait3A_273 = arith.constant 0 : i32
      %dma_wait3A_274 = tpu.memref_slice %arg4[%dma_wait3A_272, %dma_wait3A_273] : memref<10240x64xf32, #tpu.memory_space<hbm>> -> memref<10240x64xf32, #tpu.memory_space<hbm>>
      tpu.wait_indirect_dma semaphore(%arg17 : memref<!tpu.dma_semaphore, #tpu.memory_space<semaphore_mem>>) src(%dma_wait3A_274 : memref<10240x64xf32, #tpu.memory_space<hbm>>) dst(%arg11 : memref<128x64xf32, #tpu.memory_space<vmem>>)
      %add3A_275 = arith.constant 3 : i32
      %add3A_276 = arith.addi %mul3A_206, %add3A_275 : i32
      "tpu.region"() ({
        %run_scoped3A_288 = tpu.sem_alloc : memref<!tpu.dma_semaphore, #tpu.memory_space<semaphore_mem>>
        %dma_start3A_289 = arith.constant 0 : i32
        %dma_start3A_290 = tpu.memref_slice %arg7[%add3A_276, %dma_start3A_289] : memref<80x128xi32, #tpu.memory_space<vmem>> -> memref<1x128xi32, #tpu.memory_space<vmem>>
        %dma_start3A_291 = tpu.memref_squeeze %dma_start3A_290 : memref<1x128xi32, #tpu.memory_space<vmem>> -> memref<128xi32, #tpu.memory_space<vmem>>
        %dma_start3A_292 = arith.constant 0 : i32
        %dma_start3A_293 = arith.constant 0 : i32
        %dma_start3A_294 = tpu.memref_slice %arg13[%dma_start3A_292, %dma_start3A_293] : memref<10240x64xf32, #tpu.memory_space<vmem_shared>> -> memref<10240x64xf32, #tpu.memory_space<vmem_shared>>
        tpu.enqueue_indirect_dma source(%arg11 : memref<128x64xf32, #tpu.memory_space<vmem>>) target(%dma_start3A_294 : memref<10240x64xf32, #tpu.memory_space<vmem_shared>>) offsets(%dma_start3A_291 : memref<128xi32, #tpu.memory_space<vmem>>) semaphore(%run_scoped3A_288 : memref<!tpu.dma_semaphore, #tpu.memory_space<semaphore_mem>>) {add = true}
        %dma_wait3A_295 = arith.constant 0 : i32
        %dma_wait3A_296 = tpu.memref_slice %arg7[%add3A_276, %dma_wait3A_295] : memref<80x128xi32, #tpu.memory_space<vmem>> -> memref<1x128xi32, #tpu.memory_space<vmem>>
        %dma_wait3A_297 = tpu.memref_squeeze %dma_wait3A_296 : memref<1x128xi32, #tpu.memory_space<vmem>> -> memref<128xi32, #tpu.memory_space<vmem>>
        %dma_wait3A_298 = arith.constant 0 : i32
        %dma_wait3A_299 = arith.constant 0 : i32
        %dma_wait3A_300 = tpu.memref_slice %arg13[%dma_wait3A_298, %dma_wait3A_299] : memref<10240x64xf32, #tpu.memory_space<vmem_shared>> -> memref<10240x64xf32, #tpu.memory_space<vmem_shared>>
        tpu.wait_indirect_dma semaphore(%run_scoped3A_288 : memref<!tpu.dma_semaphore, #tpu.memory_space<semaphore_mem>>) src(%arg11 : memref<128x64xf32, #tpu.memory_space<vmem>>) dst(%dma_wait3A_300 : memref<10240x64xf32, #tpu.memory_space<vmem_shared>>)
        tpu.yield
      }) : () -> ()
      %add3A_277 = arith.constant 3 : i32
      %add3A_278 = arith.addi %mul3A_206, %add3A_277 : i32
      %add3A_279 = arith.constant 4 : i32
      %add3A_280 = arith.addi %add3A_278, %add3A_279 : i32
      %dma_start3A_281 = arith.constant 0 : i32
      %dma_start3A_282 = tpu.memref_slice %arg6[%add3A_280, %dma_start3A_281] : memref<80x128xi32, #tpu.memory_space<vmem>> -> memref<1x128xi32, #tpu.memory_space<vmem>>
      %dma_start3A_283 = tpu.memref_squeeze %dma_start3A_282 : memref<1x128xi32, #tpu.memory_space<vmem>> -> memref<128xi32, #tpu.memory_space<vmem>>
      %dma_start3A_284 = arith.constant 0 : i32
      %dma_start3A_285 = arith.constant 0 : i32
      %dma_start3A_286 = tpu.memref_slice %arg4[%dma_start3A_284, %dma_start3A_285] : memref<10240x64xf32, #tpu.memory_space<hbm>> -> memref<10240x64xf32, #tpu.memory_space<hbm>>
      tpu.enqueue_indirect_dma source(%dma_start3A_286 : memref<10240x64xf32, #tpu.memory_space<hbm>>) target(%arg11 : memref<128x64xf32, #tpu.memory_space<vmem>>) offsets(%dma_start3A_283 : memref<128xi32, #tpu.memory_space<vmem>>) semaphore(%arg17 : memref<!tpu.dma_semaphore, #tpu.memory_space<semaphore_mem>>)
      %scan3A_287 = arith.constant 0 : i32
      scf.yield %scan3A_287 : i32
    }
    %scan3A_71 = arith.constant 19 : i32
    %dma_wait3A = arith.constant 76 : i32
    %dma_wait3A_72 = arith.constant 0 : i32
    %dma_wait3A_73 = tpu.memref_slice %arg6[%dma_wait3A, %dma_wait3A_72] : memref<80x128xi32, #tpu.memory_space<vmem>> -> memref<1x128xi32, #tpu.memory_space<vmem>>
    %dma_wait3A_74 = tpu.memref_squeeze %dma_wait3A_73 : memref<1x128xi32, #tpu.memory_space<vmem>> -> memref<128xi32, #tpu.memory_space<vmem>>
    %dma_wait3A_75 = arith.constant 0 : i32
    %dma_wait3A_76 = arith.constant 0 : i32
    %dma_wait3A_77 = tpu.memref_slice %arg4[%dma_wait3A_75, %dma_wait3A_76] : memref<10240x64xf32, #tpu.memory_space<hbm>> -> memref<10240x64xf32, #tpu.memory_space<hbm>>
    tpu.wait_indirect_dma semaphore(%arg14 : memref<!tpu.dma_semaphore, #tpu.memory_space<semaphore_mem>>) src(%dma_wait3A_77 : memref<10240x64xf32, #tpu.memory_space<hbm>>) dst(%arg8 : memref<128x64xf32, #tpu.memory_space<vmem>>)
    %run_scoped3A = arith.constant 76 : i32
    "tpu.region"() ({
      %run_scoped3A_203 = tpu.sem_alloc : memref<!tpu.dma_semaphore, #tpu.memory_space<semaphore_mem>>
      %dma_start3A_204 = arith.constant 0 : i32
      %dma_start3A_205 = tpu.memref_slice %arg7[%run_scoped3A, %dma_start3A_204] : memref<80x128xi32, #tpu.memory_space<vmem>> -> memref<1x128xi32, #tpu.memory_space<vmem>>
      %dma_start3A_206 = tpu.memref_squeeze %dma_start3A_205 : memref<1x128xi32, #tpu.memory_space<vmem>> -> memref<128xi32, #tpu.memory_space<vmem>>
      %dma_start3A_207 = arith.constant 0 : i32
      %dma_start3A_208 = arith.constant 0 : i32
      %dma_start3A_209 = tpu.memref_slice %arg13[%dma_start3A_207, %dma_start3A_208] : memref<10240x64xf32, #tpu.memory_space<vmem_shared>> -> memref<10240x64xf32, #tpu.memory_space<vmem_shared>>
      tpu.enqueue_indirect_dma source(%arg8 : memref<128x64xf32, #tpu.memory_space<vmem>>) target(%dma_start3A_209 : memref<10240x64xf32, #tpu.memory_space<vmem_shared>>) offsets(%dma_start3A_206 : memref<128xi32, #tpu.memory_space<vmem>>) semaphore(%run_scoped3A_203 : memref<!tpu.dma_semaphore, #tpu.memory_space<semaphore_mem>>) {add = true}
      %dma_wait3A_210 = arith.constant 0 : i32
      %dma_wait3A_211 = tpu.memref_slice %arg7[%run_scoped3A, %dma_wait3A_210] : memref<80x128xi32, #tpu.memory_space<vmem>> -> memref<1x128xi32, #tpu.memory_space<vmem>>
      %dma_wait3A_212 = tpu.memref_squeeze %dma_wait3A_211 : memref<1x128xi32, #tpu.memory_space<vmem>> -> memref<128xi32, #tpu.memory_space<vmem>>
      %dma_wait3A_213 = arith.constant 0 : i32
      %dma_wait3A_214 = arith.constant 0 : i32
      %dma_wait3A_215 = tpu.memref_slice %arg13[%dma_wait3A_213, %dma_wait3A_214] : memref<10240x64xf32, #tpu.memory_space<vmem_shared>> -> memref<10240x64xf32, #tpu.memory_space<vmem_shared>>
      tpu.wait_indirect_dma semaphore(%run_scoped3A_203 : memref<!tpu.dma_semaphore, #tpu.memory_space<semaphore_mem>>) src(%arg8 : memref<128x64xf32, #tpu.memory_space<vmem>>) dst(%dma_wait3A_215 : memref<10240x64xf32, #tpu.memory_space<vmem_shared>>)
      tpu.yield
    }) : () -> ()
    %dma_wait3A_78 = arith.constant 77 : i32
    %dma_wait3A_79 = arith.constant 0 : i32
    %dma_wait3A_80 = tpu.memref_slice %arg6[%dma_wait3A_78, %dma_wait3A_79] : memref<80x128xi32, #tpu.memory_space<vmem>> -> memref<1x128xi32, #tpu.memory_space<vmem>>
    %dma_wait3A_81 = tpu.memref_squeeze %dma_wait3A_80 : memref<1x128xi32, #tpu.memory_space<vmem>> -> memref<128xi32, #tpu.memory_space<vmem>>
    %dma_wait3A_82 = arith.constant 0 : i32
    %dma_wait3A_83 = arith.constant 0 : i32
    %dma_wait3A_84 = tpu.memref_slice %arg4[%dma_wait3A_82, %dma_wait3A_83] : memref<10240x64xf32, #tpu.memory_space<hbm>> -> memref<10240x64xf32, #tpu.memory_space<hbm>>
    tpu.wait_indirect_dma semaphore(%arg15 : memref<!tpu.dma_semaphore, #tpu.memory_space<semaphore_mem>>) src(%dma_wait3A_84 : memref<10240x64xf32, #tpu.memory_space<hbm>>) dst(%arg9 : memref<128x64xf32, #tpu.memory_space<vmem>>)
    %run_scoped3A_85 = arith.constant 77 : i32
    "tpu.region"() ({
      %run_scoped3A_203 = tpu.sem_alloc : memref<!tpu.dma_semaphore, #tpu.memory_space<semaphore_mem>>
      %dma_start3A_204 = arith.constant 0 : i32
      %dma_start3A_205 = tpu.memref_slice %arg7[%run_scoped3A_85, %dma_start3A_204] : memref<80x128xi32, #tpu.memory_space<vmem>> -> memref<1x128xi32, #tpu.memory_space<vmem>>
      %dma_start3A_206 = tpu.memref_squeeze %dma_start3A_205 : memref<1x128xi32, #tpu.memory_space<vmem>> -> memref<128xi32, #tpu.memory_space<vmem>>
      %dma_start3A_207 = arith.constant 0 : i32
      %dma_start3A_208 = arith.constant 0 : i32
      %dma_start3A_209 = tpu.memref_slice %arg13[%dma_start3A_207, %dma_start3A_208] : memref<10240x64xf32, #tpu.memory_space<vmem_shared>> -> memref<10240x64xf32, #tpu.memory_space<vmem_shared>>
      tpu.enqueue_indirect_dma source(%arg9 : memref<128x64xf32, #tpu.memory_space<vmem>>) target(%dma_start3A_209 : memref<10240x64xf32, #tpu.memory_space<vmem_shared>>) offsets(%dma_start3A_206 : memref<128xi32, #tpu.memory_space<vmem>>) semaphore(%run_scoped3A_203 : memref<!tpu.dma_semaphore, #tpu.memory_space<semaphore_mem>>) {add = true}
      %dma_wait3A_210 = arith.constant 0 : i32
      %dma_wait3A_211 = tpu.memref_slice %arg7[%run_scoped3A_85, %dma_wait3A_210] : memref<80x128xi32, #tpu.memory_space<vmem>> -> memref<1x128xi32, #tpu.memory_space<vmem>>
      %dma_wait3A_212 = tpu.memref_squeeze %dma_wait3A_211 : memref<1x128xi32, #tpu.memory_space<vmem>> -> memref<128xi32, #tpu.memory_space<vmem>>
      %dma_wait3A_213 = arith.constant 0 : i32
      %dma_wait3A_214 = arith.constant 0 : i32
      %dma_wait3A_215 = tpu.memref_slice %arg13[%dma_wait3A_213, %dma_wait3A_214] : memref<10240x64xf32, #tpu.memory_space<vmem_shared>> -> memref<10240x64xf32, #tpu.memory_space<vmem_shared>>
      tpu.wait_indirect_dma semaphore(%run_scoped3A_203 : memref<!tpu.dma_semaphore, #tpu.memory_space<semaphore_mem>>) src(%arg9 : memref<128x64xf32, #tpu.memory_space<vmem>>) dst(%dma_wait3A_215 : memref<10240x64xf32, #tpu.memory_space<vmem_shared>>)
      tpu.yield
    }) : () -> ()
    %dma_wait3A_86 = arith.constant 78 : i32
    %dma_wait3A_87 = arith.constant 0 : i32
    %dma_wait3A_88 = tpu.memref_slice %arg6[%dma_wait3A_86, %dma_wait3A_87] : memref<80x128xi32, #tpu.memory_space<vmem>> -> memref<1x128xi32, #tpu.memory_space<vmem>>
    %dma_wait3A_89 = tpu.memref_squeeze %dma_wait3A_88 : memref<1x128xi32, #tpu.memory_space<vmem>> -> memref<128xi32, #tpu.memory_space<vmem>>
    %dma_wait3A_90 = arith.constant 0 : i32
    %dma_wait3A_91 = arith.constant 0 : i32
    %dma_wait3A_92 = tpu.memref_slice %arg4[%dma_wait3A_90, %dma_wait3A_91] : memref<10240x64xf32, #tpu.memory_space<hbm>> -> memref<10240x64xf32, #tpu.memory_space<hbm>>
    tpu.wait_indirect_dma semaphore(%arg16 : memref<!tpu.dma_semaphore, #tpu.memory_space<semaphore_mem>>) src(%dma_wait3A_92 : memref<10240x64xf32, #tpu.memory_space<hbm>>) dst(%arg10 : memref<128x64xf32, #tpu.memory_space<vmem>>)
    %run_scoped3A_93 = arith.constant 78 : i32
    "tpu.region"() ({
      %run_scoped3A_203 = tpu.sem_alloc : memref<!tpu.dma_semaphore, #tpu.memory_space<semaphore_mem>>
      %dma_start3A_204 = arith.constant 0 : i32
      %dma_start3A_205 = tpu.memref_slice %arg7[%run_scoped3A_93, %dma_start3A_204] : memref<80x128xi32, #tpu.memory_space<vmem>> -> memref<1x128xi32, #tpu.memory_space<vmem>>
      %dma_start3A_206 = tpu.memref_squeeze %dma_start3A_205 : memref<1x128xi32, #tpu.memory_space<vmem>> -> memref<128xi32, #tpu.memory_space<vmem>>
      %dma_start3A_207 = arith.constant 0 : i32
      %dma_start3A_208 = arith.constant 0 : i32
      %dma_start3A_209 = tpu.memref_slice %arg13[%dma_start3A_207, %dma_start3A_208] : memref<10240x64xf32, #tpu.memory_space<vmem_shared>> -> memref<10240x64xf32, #tpu.memory_space<vmem_shared>>
      tpu.enqueue_indirect_dma source(%arg10 : memref<128x64xf32, #tpu.memory_space<vmem>>) target(%dma_start3A_209 : memref<10240x64xf32, #tpu.memory_space<vmem_shared>>) offsets(%dma_start3A_206 : memref<128xi32, #tpu.memory_space<vmem>>) semaphore(%run_scoped3A_203 : memref<!tpu.dma_semaphore, #tpu.memory_space<semaphore_mem>>) {add = true}
      %dma_wait3A_210 = arith.constant 0 : i32
      %dma_wait3A_211 = tpu.memref_slice %arg7[%run_scoped3A_93, %dma_wait3A_210] : memref<80x128xi32, #tpu.memory_space<vmem>> -> memref<1x128xi32, #tpu.memory_space<vmem>>
      %dma_wait3A_212 = tpu.memref_squeeze %dma_wait3A_211 : memref<1x128xi32, #tpu.memory_space<vmem>> -> memref<128xi32, #tpu.memory_space<vmem>>
      %dma_wait3A_213 = arith.constant 0 : i32
      %dma_wait3A_214 = arith.constant 0 : i32
      %dma_wait3A_215 = tpu.memref_slice %arg13[%dma_wait3A_213, %dma_wait3A_214] : memref<10240x64xf32, #tpu.memory_space<vmem_shared>> -> memref<10240x64xf32, #tpu.memory_space<vmem_shared>>
      tpu.wait_indirect_dma semaphore(%run_scoped3A_203 : memref<!tpu.dma_semaphore, #tpu.memory_space<semaphore_mem>>) src(%arg10 : memref<128x64xf32, #tpu.memory_space<vmem>>) dst(%dma_wait3A_215 : memref<10240x64xf32, #tpu.memory_space<vmem_shared>>)
      tpu.yield
    }) : () -> ()
    %dma_wait3A_94 = arith.constant 79 : i32
    %dma_wait3A_95 = arith.constant 0 : i32
    %dma_wait3A_96 = tpu.memref_slice %arg6[%dma_wait3A_94, %dma_wait3A_95] : memref<80x128xi32, #tpu.memory_space<vmem>> -> memref<1x128xi32, #tpu.memory_space<vmem>>
    %dma_wait3A_97 = tpu.memref_squeeze %dma_wait3A_96 : memref<1x128xi32, #tpu.memory_space<vmem>> -> memref<128xi32, #tpu.memory_space<vmem>>
    %dma_wait3A_98 = arith.constant 0 : i32
    %dma_wait3A_99 = arith.constant 0 : i32
    %dma_wait3A_100 = tpu.memref_slice %arg4[%dma_wait3A_98, %dma_wait3A_99] : memref<10240x64xf32, #tpu.memory_space<hbm>> -> memref<10240x64xf32, #tpu.memory_space<hbm>>
    tpu.wait_indirect_dma semaphore(%arg17 : memref<!tpu.dma_semaphore, #tpu.memory_space<semaphore_mem>>) src(%dma_wait3A_100 : memref<10240x64xf32, #tpu.memory_space<hbm>>) dst(%arg11 : memref<128x64xf32, #tpu.memory_space<vmem>>)
    %run_scoped3A_101 = arith.constant 79 : i32
    "tpu.region"() ({
      %run_scoped3A_203 = tpu.sem_alloc : memref<!tpu.dma_semaphore, #tpu.memory_space<semaphore_mem>>
      %dma_start3A_204 = arith.constant 0 : i32
      %dma_start3A_205 = tpu.memref_slice %arg7[%run_scoped3A_101, %dma_start3A_204] : memref<80x128xi32, #tpu.memory_space<vmem>> -> memref<1x128xi32, #tpu.memory_space<vmem>>
      %dma_start3A_206 = tpu.memref_squeeze %dma_start3A_205 : memref<1x128xi32, #tpu.memory_space<vmem>> -> memref<128xi32, #tpu.memory_space<vmem>>
      %dma_start3A_207 = arith.constant 0 : i32
      %dma_start3A_208 = arith.constant 0 : i32
      %dma_start3A_209 = tpu.memref_slice %arg13[%dma_start3A_207, %dma_start3A_208] : memref<10240x64xf32, #tpu.memory_space<vmem_shared>> -> memref<10240x64xf32, #tpu.memory_space<vmem_shared>>
      tpu.enqueue_indirect_dma source(%arg11 : memref<128x64xf32, #tpu.memory_space<vmem>>) target(%dma_start3A_209 : memref<10240x64xf32, #tpu.memory_space<vmem_shared>>) offsets(%dma_start3A_206 : memref<128xi32, #tpu.memory_space<vmem>>) semaphore(%run_scoped3A_203 : memref<!tpu.dma_semaphore, #tpu.memory_space<semaphore_mem>>) {add = true}
      %dma_wait3A_210 = arith.constant 0 : i32
      %dma_wait3A_211 = tpu.memref_slice %arg7[%run_scoped3A_101, %dma_wait3A_210] : memref<80x128xi32, #tpu.memory_space<vmem>> -> memref<1x128xi32, #tpu.memory_space<vmem>>
      %dma_wait3A_212 = tpu.memref_squeeze %dma_wait3A_211 : memref<1x128xi32, #tpu.memory_space<vmem>> -> memref<128xi32, #tpu.memory_space<vmem>>
      %dma_wait3A_213 = arith.constant 0 : i32
      %dma_wait3A_214 = arith.constant 0 : i32
      %dma_wait3A_215 = tpu.memref_slice %arg13[%dma_wait3A_213, %dma_wait3A_214] : memref<10240x64xf32, #tpu.memory_space<vmem_shared>> -> memref<10240x64xf32, #tpu.memory_space<vmem_shared>>
      tpu.wait_indirect_dma semaphore(%run_scoped3A_203 : memref<!tpu.dma_semaphore, #tpu.memory_space<semaphore_mem>>) src(%arg11 : memref<128x64xf32, #tpu.memory_space<vmem>>) dst(%dma_wait3A_215 : memref<10240x64xf32, #tpu.memory_space<vmem_shared>>)
      tpu.yield
    }) : () -> ()
    %barrier3A_102 = arith.constant 0 : index
    tpu.barrier barrier_id(%barrier3A_102)
    %mul3A_103 = arith.constant 5 : i32
    %mul3A_104 = arith.muli %arg1, %mul3A_103 : i32
    %add3A_105 = arith.constant 0 : i32
    %add3A_106 = arith.addi %mul3A_104, %add3A_105 : i32
    %mul3A_107 = arith.constant 128 : i32
    %mul3A_108 = arith.muli %add3A_106, %mul3A_107 : i32
    "tpu.region"() ({
      %run_scoped3A_203 = tpu.sem_alloc : memref<!tpu.dma_semaphore, #tpu.memory_space<semaphore_mem>>
      %dma_start3A_204 = arith.constant 0 : i32
      %dma_start3A_205 = tpu.memref_slice %arg13[%mul3A_108, %dma_start3A_204] : memref<10240x64xf32, #tpu.memory_space<vmem_shared>> -> memref<128x64xf32, #tpu.memory_space<vmem_shared>>
      %dma_start3A_206 = arith.constant 0 : i32
      %dma_start3A_207 = tpu.memref_slice %arg13[%mul3A_108, %dma_start3A_206] : memref<10240x64xf32, #tpu.memory_space<vmem_shared>> -> memref<128x64xf32, #tpu.memory_space<vmem_shared>>
      tpu.enqueue_dma source(%dma_start3A_207 : memref<128x64xf32, #tpu.memory_space<vmem_shared>>) target(%arg8 : memref<128x64xf32, #tpu.memory_space<vmem>>) target_semaphore(%run_scoped3A_203 : memref<!tpu.dma_semaphore, #tpu.memory_space<semaphore_mem>>)
      %dma_wait3A_208 = arith.constant 0 : i32
      %dma_wait3A_209 = tpu.memref_slice %arg13[%mul3A_108, %dma_wait3A_208] : memref<10240x64xf32, #tpu.memory_space<vmem_shared>> -> memref<128x64xf32, #tpu.memory_space<vmem_shared>>
      %dma_wait3A_210 = arith.constant 0 : i32
      %dma_wait3A_211 = tpu.memref_slice %arg13[%mul3A_108, %dma_wait3A_210] : memref<10240x64xf32, #tpu.memory_space<vmem_shared>> -> memref<128x64xf32, #tpu.memory_space<vmem_shared>>
      tpu.wait_dma2 semaphore(%run_scoped3A_203 : memref<!tpu.dma_semaphore, #tpu.memory_space<semaphore_mem>>) src(%dma_wait3A_211 : memref<128x64xf32, #tpu.memory_space<vmem_shared>>) dst(%arg8 : memref<128x64xf32, #tpu.memory_space<vmem>>)
      tpu.yield
    }) : () -> ()
    %dma_start3A_109 = arith.constant 0 : i32
    %dma_start3A_110 = tpu.memref_slice %arg5[%arg0, %mul3A_108, %dma_start3A_109] : memref<2x10240x64xf32, #tpu.memory_space<hbm>> -> memref<1x128x64xf32, #tpu.memory_space<hbm>>
    %dma_start3A_111 = tpu.memref_squeeze %dma_start3A_110 : memref<1x128x64xf32, #tpu.memory_space<hbm>> -> memref<128x64xf32, #tpu.memory_space<hbm>>
    %dma_start3A_112 = arith.constant 0 : i32
    %dma_start3A_113 = tpu.memref_slice %arg5[%arg0, %mul3A_108, %dma_start3A_112] : memref<2x10240x64xf32, #tpu.memory_space<hbm>> -> memref<1x128x64xf32, #tpu.memory_space<hbm>>
    %dma_start3A_114 = tpu.memref_squeeze %dma_start3A_113 : memref<1x128x64xf32, #tpu.memory_space<hbm>> -> memref<128x64xf32, #tpu.memory_space<hbm>>
    tpu.enqueue_dma source(%arg8 : memref<128x64xf32, #tpu.memory_space<vmem>>) target(%dma_start3A_114 : memref<128x64xf32, #tpu.memory_space<hbm>>) target_semaphore(%arg18 : memref<!tpu.dma_semaphore, #tpu.memory_space<semaphore_mem>>)
    %mul3A_115 = arith.constant 5 : i32
    %mul3A_116 = arith.muli %arg1, %mul3A_115 : i32
    %add3A_117 = arith.constant 1 : i32
    %add3A_118 = arith.addi %mul3A_116, %add3A_117 : i32
    %mul3A_119 = arith.constant 128 : i32
    %mul3A_120 = arith.muli %add3A_118, %mul3A_119 : i32
    "tpu.region"() ({
      %run_scoped3A_203 = tpu.sem_alloc : memref<!tpu.dma_semaphore, #tpu.memory_space<semaphore_mem>>
      %dma_start3A_204 = arith.constant 0 : i32
      %dma_start3A_205 = tpu.memref_slice %arg13[%mul3A_120, %dma_start3A_204] : memref<10240x64xf32, #tpu.memory_space<vmem_shared>> -> memref<128x64xf32, #tpu.memory_space<vmem_shared>>
      %dma_start3A_206 = arith.constant 0 : i32
      %dma_start3A_207 = tpu.memref_slice %arg13[%mul3A_120, %dma_start3A_206] : memref<10240x64xf32, #tpu.memory_space<vmem_shared>> -> memref<128x64xf32, #tpu.memory_space<vmem_shared>>
      tpu.enqueue_dma source(%dma_start3A_207 : memref<128x64xf32, #tpu.memory_space<vmem_shared>>) target(%arg9 : memref<128x64xf32, #tpu.memory_space<vmem>>) target_semaphore(%run_scoped3A_203 : memref<!tpu.dma_semaphore, #tpu.memory_space<semaphore_mem>>)
      %dma_wait3A_208 = arith.constant 0 : i32
      %dma_wait3A_209 = tpu.memref_slice %arg13[%mul3A_120, %dma_wait3A_208] : memref<10240x64xf32, #tpu.memory_space<vmem_shared>> -> memref<128x64xf32, #tpu.memory_space<vmem_shared>>
      %dma_wait3A_210 = arith.constant 0 : i32
      %dma_wait3A_211 = tpu.memref_slice %arg13[%mul3A_120, %dma_wait3A_210] : memref<10240x64xf32, #tpu.memory_space<vmem_shared>> -> memref<128x64xf32, #tpu.memory_space<vmem_shared>>
      tpu.wait_dma2 semaphore(%run_scoped3A_203 : memref<!tpu.dma_semaphore, #tpu.memory_space<semaphore_mem>>) src(%dma_wait3A_211 : memref<128x64xf32, #tpu.memory_space<vmem_shared>>) dst(%arg9 : memref<128x64xf32, #tpu.memory_space<vmem>>)
      tpu.yield
    }) : () -> ()
    %dma_start3A_121 = arith.constant 0 : i32
    %dma_start3A_122 = tpu.memref_slice %arg5[%arg0, %mul3A_120, %dma_start3A_121] : memref<2x10240x64xf32, #tpu.memory_space<hbm>> -> memref<1x128x64xf32, #tpu.memory_space<hbm>>
    %dma_start3A_123 = tpu.memref_squeeze %dma_start3A_122 : memref<1x128x64xf32, #tpu.memory_space<hbm>> -> memref<128x64xf32, #tpu.memory_space<hbm>>
    %dma_start3A_124 = arith.constant 0 : i32
    %dma_start3A_125 = tpu.memref_slice %arg5[%arg0, %mul3A_120, %dma_start3A_124] : memref<2x10240x64xf32, #tpu.memory_space<hbm>> -> memref<1x128x64xf32, #tpu.memory_space<hbm>>
    %dma_start3A_126 = tpu.memref_squeeze %dma_start3A_125 : memref<1x128x64xf32, #tpu.memory_space<hbm>> -> memref<128x64xf32, #tpu.memory_space<hbm>>
    tpu.enqueue_dma source(%arg9 : memref<128x64xf32, #tpu.memory_space<vmem>>) target(%dma_start3A_126 : memref<128x64xf32, #tpu.memory_space<hbm>>) target_semaphore(%arg18 : memref<!tpu.dma_semaphore, #tpu.memory_space<semaphore_mem>>)
    %mul3A_127 = arith.constant 5 : i32
    %mul3A_128 = arith.muli %arg1, %mul3A_127 : i32
    %add3A_129 = arith.constant 2 : i32
    %add3A_130 = arith.addi %mul3A_128, %add3A_129 : i32
    %mul3A_131 = arith.constant 128 : i32
    %mul3A_132 = arith.muli %add3A_130, %mul3A_131 : i32
    %dma_wait3A_133 = arith.constant 0 : i32
    %dma_wait3A_134 = arith.constant 0 : i32
    %dma_wait3A_135 = tpu.memref_slice %arg5[%arg0, %dma_wait3A_133, %dma_wait3A_134] : memref<2x10240x64xf32, #tpu.memory_space<hbm>> -> memref<1x128x64xf32, #tpu.memory_space<hbm>>
    %dma_wait3A_136 = tpu.memref_squeeze %dma_wait3A_135 : memref<1x128x64xf32, #tpu.memory_space<hbm>> -> memref<128x64xf32, #tpu.memory_space<hbm>>
    %dma_wait3A_137 = arith.constant 0 : i32
    %dma_wait3A_138 = arith.constant 0 : i32
    %dma_wait3A_139 = tpu.memref_slice %arg5[%arg0, %dma_wait3A_137, %dma_wait3A_138] : memref<2x10240x64xf32, #tpu.memory_space<hbm>> -> memref<1x128x64xf32, #tpu.memory_space<hbm>>
    %dma_wait3A_140 = tpu.memref_squeeze %dma_wait3A_139 : memref<1x128x64xf32, #tpu.memory_space<hbm>> -> memref<128x64xf32, #tpu.memory_space<hbm>>
    tpu.wait_dma2 semaphore(%arg18 : memref<!tpu.dma_semaphore, #tpu.memory_space<semaphore_mem>>) src(%arg8 : memref<128x64xf32, #tpu.memory_space<vmem>>) dst(%dma_wait3A_140 : memref<128x64xf32, #tpu.memory_space<hbm>>)
    "tpu.region"() ({
      %run_scoped3A_203 = tpu.sem_alloc : memref<!tpu.dma_semaphore, #tpu.memory_space<semaphore_mem>>
      %dma_start3A_204 = arith.constant 0 : i32
      %dma_start3A_205 = tpu.memref_slice %arg13[%mul3A_132, %dma_start3A_204] : memref<10240x64xf32, #tpu.memory_space<vmem_shared>> -> memref<128x64xf32, #tpu.memory_space<vmem_shared>>
      %dma_start3A_206 = arith.constant 0 : i32
      %dma_start3A_207 = tpu.memref_slice %arg13[%mul3A_132, %dma_start3A_206] : memref<10240x64xf32, #tpu.memory_space<vmem_shared>> -> memref<128x64xf32, #tpu.memory_space<vmem_shared>>
      tpu.enqueue_dma source(%dma_start3A_207 : memref<128x64xf32, #tpu.memory_space<vmem_shared>>) target(%arg8 : memref<128x64xf32, #tpu.memory_space<vmem>>) target_semaphore(%run_scoped3A_203 : memref<!tpu.dma_semaphore, #tpu.memory_space<semaphore_mem>>)
      %dma_wait3A_208 = arith.constant 0 : i32
      %dma_wait3A_209 = tpu.memref_slice %arg13[%mul3A_132, %dma_wait3A_208] : memref<10240x64xf32, #tpu.memory_space<vmem_shared>> -> memref<128x64xf32, #tpu.memory_space<vmem_shared>>
      %dma_wait3A_210 = arith.constant 0 : i32
      %dma_wait3A_211 = tpu.memref_slice %arg13[%mul3A_132, %dma_wait3A_210] : memref<10240x64xf32, #tpu.memory_space<vmem_shared>> -> memref<128x64xf32, #tpu.memory_space<vmem_shared>>
      tpu.wait_dma2 semaphore(%run_scoped3A_203 : memref<!tpu.dma_semaphore, #tpu.memory_space<semaphore_mem>>) src(%dma_wait3A_211 : memref<128x64xf32, #tpu.memory_space<vmem_shared>>) dst(%arg8 : memref<128x64xf32, #tpu.memory_space<vmem>>)
      tpu.yield
    }) : () -> ()
    %dma_start3A_141 = arith.constant 0 : i32
    %dma_start3A_142 = tpu.memref_slice %arg5[%arg0, %mul3A_132, %dma_start3A_141] : memref<2x10240x64xf32, #tpu.memory_space<hbm>> -> memref<1x128x64xf32, #tpu.memory_space<hbm>>
    %dma_start3A_143 = tpu.memref_squeeze %dma_start3A_142 : memref<1x128x64xf32, #tpu.memory_space<hbm>> -> memref<128x64xf32, #tpu.memory_space<hbm>>
    %dma_start3A_144 = arith.constant 0 : i32
    %dma_start3A_145 = tpu.memref_slice %arg5[%arg0, %mul3A_132, %dma_start3A_144] : memref<2x10240x64xf32, #tpu.memory_space<hbm>> -> memref<1x128x64xf32, #tpu.memory_space<hbm>>
    %dma_start3A_146 = tpu.memref_squeeze %dma_start3A_145 : memref<1x128x64xf32, #tpu.memory_space<hbm>> -> memref<128x64xf32, #tpu.memory_space<hbm>>
    tpu.enqueue_dma source(%arg8 : memref<128x64xf32, #tpu.memory_space<vmem>>) target(%dma_start3A_146 : memref<128x64xf32, #tpu.memory_space<hbm>>) target_semaphore(%arg18 : memref<!tpu.dma_semaphore, #tpu.memory_space<semaphore_mem>>)
    %mul3A_147 = arith.constant 5 : i32
    %mul3A_148 = arith.muli %arg1, %mul3A_147 : i32
    %add3A_149 = arith.constant 3 : i32
    %add3A_150 = arith.addi %mul3A_148, %add3A_149 : i32
    %mul3A_151 = arith.constant 128 : i32
    %mul3A_152 = arith.muli %add3A_150, %mul3A_151 : i32
    %dma_wait3A_153 = arith.constant 0 : i32
    %dma_wait3A_154 = arith.constant 0 : i32
    %dma_wait3A_155 = tpu.memref_slice %arg5[%arg0, %dma_wait3A_153, %dma_wait3A_154] : memref<2x10240x64xf32, #tpu.memory_space<hbm>> -> memref<1x128x64xf32, #tpu.memory_space<hbm>>
    %dma_wait3A_156 = tpu.memref_squeeze %dma_wait3A_155 : memref<1x128x64xf32, #tpu.memory_space<hbm>> -> memref<128x64xf32, #tpu.memory_space<hbm>>
    %dma_wait3A_157 = arith.constant 0 : i32
    %dma_wait3A_158 = arith.constant 0 : i32
    %dma_wait3A_159 = tpu.memref_slice %arg5[%arg0, %dma_wait3A_157, %dma_wait3A_158] : memref<2x10240x64xf32, #tpu.memory_space<hbm>> -> memref<1x128x64xf32, #tpu.memory_space<hbm>>
    %dma_wait3A_160 = tpu.memref_squeeze %dma_wait3A_159 : memref<1x128x64xf32, #tpu.memory_space<hbm>> -> memref<128x64xf32, #tpu.memory_space<hbm>>
    tpu.wait_dma2 semaphore(%arg18 : memref<!tpu.dma_semaphore, #tpu.memory_space<semaphore_mem>>) src(%arg9 : memref<128x64xf32, #tpu.memory_space<vmem>>) dst(%dma_wait3A_160 : memref<128x64xf32, #tpu.memory_space<hbm>>)
    "tpu.region"() ({
      %run_scoped3A_203 = tpu.sem_alloc : memref<!tpu.dma_semaphore, #tpu.memory_space<semaphore_mem>>
      %dma_start3A_204 = arith.constant 0 : i32
      %dma_start3A_205 = tpu.memref_slice %arg13[%mul3A_152, %dma_start3A_204] : memref<10240x64xf32, #tpu.memory_space<vmem_shared>> -> memref<128x64xf32, #tpu.memory_space<vmem_shared>>
      %dma_start3A_206 = arith.constant 0 : i32
      %dma_start3A_207 = tpu.memref_slice %arg13[%mul3A_152, %dma_start3A_206] : memref<10240x64xf32, #tpu.memory_space<vmem_shared>> -> memref<128x64xf32, #tpu.memory_space<vmem_shared>>
      tpu.enqueue_dma source(%dma_start3A_207 : memref<128x64xf32, #tpu.memory_space<vmem_shared>>) target(%arg9 : memref<128x64xf32, #tpu.memory_space<vmem>>) target_semaphore(%run_scoped3A_203 : memref<!tpu.dma_semaphore, #tpu.memory_space<semaphore_mem>>)
      %dma_wait3A_208 = arith.constant 0 : i32
      %dma_wait3A_209 = tpu.memref_slice %arg13[%mul3A_152, %dma_wait3A_208] : memref<10240x64xf32, #tpu.memory_space<vmem_shared>> -> memref<128x64xf32, #tpu.memory_space<vmem_shared>>
      %dma_wait3A_210 = arith.constant 0 : i32
      %dma_wait3A_211 = tpu.memref_slice %arg13[%mul3A_152, %dma_wait3A_210] : memref<10240x64xf32, #tpu.memory_space<vmem_shared>> -> memref<128x64xf32, #tpu.memory_space<vmem_shared>>
      tpu.wait_dma2 semaphore(%run_scoped3A_203 : memref<!tpu.dma_semaphore, #tpu.memory_space<semaphore_mem>>) src(%dma_wait3A_211 : memref<128x64xf32, #tpu.memory_space<vmem_shared>>) dst(%arg9 : memref<128x64xf32, #tpu.memory_space<vmem>>)
      tpu.yield
    }) : () -> ()
    %dma_start3A_161 = arith.constant 0 : i32
    %dma_start3A_162 = tpu.memref_slice %arg5[%arg0, %mul3A_152, %dma_start3A_161] : memref<2x10240x64xf32, #tpu.memory_space<hbm>> -> memref<1x128x64xf32, #tpu.memory_space<hbm>>
    %dma_start3A_163 = tpu.memref_squeeze %dma_start3A_162 : memref<1x128x64xf32, #tpu.memory_space<hbm>> -> memref<128x64xf32, #tpu.memory_space<hbm>>
    %dma_start3A_164 = arith.constant 0 : i32
    %dma_start3A_165 = tpu.memref_slice %arg5[%arg0, %mul3A_152, %dma_start3A_164] : memref<2x10240x64xf32, #tpu.memory_space<hbm>> -> memref<1x128x64xf32, #tpu.memory_space<hbm>>
    %dma_start3A_166 = tpu.memref_squeeze %dma_start3A_165 : memref<1x128x64xf32, #tpu.memory_space<hbm>> -> memref<128x64xf32, #tpu.memory_space<hbm>>
    tpu.enqueue_dma source(%arg9 : memref<128x64xf32, #tpu.memory_space<vmem>>) target(%dma_start3A_166 : memref<128x64xf32, #tpu.memory_space<hbm>>) target_semaphore(%arg18 : memref<!tpu.dma_semaphore, #tpu.memory_space<semaphore_mem>>)
    %mul3A_167 = arith.constant 5 : i32
    %mul3A_168 = arith.muli %arg1, %mul3A_167 : i32
    %add3A_169 = arith.constant 4 : i32
    %add3A_170 = arith.addi %mul3A_168, %add3A_169 : i32
    %mul3A_171 = arith.constant 128 : i32
    %mul3A_172 = arith.muli %add3A_170, %mul3A_171 : i32
    %dma_wait3A_173 = arith.constant 0 : i32
    %dma_wait3A_174 = arith.constant 0 : i32
    %dma_wait3A_175 = tpu.memref_slice %arg5[%arg0, %dma_wait3A_173, %dma_wait3A_174] : memref<2x10240x64xf32, #tpu.memory_space<hbm>> -> memref<1x128x64xf32, #tpu.memory_space<hbm>>
    %dma_wait3A_176 = tpu.memref_squeeze %dma_wait3A_175 : memref<1x128x64xf32, #tpu.memory_space<hbm>> -> memref<128x64xf32, #tpu.memory_space<hbm>>
    %dma_wait3A_177 = arith.constant 0 : i32
    %dma_wait3A_178 = arith.constant 0 : i32
    %dma_wait3A_179 = tpu.memref_slice %arg5[%arg0, %dma_wait3A_177, %dma_wait3A_178] : memref<2x10240x64xf32, #tpu.memory_space<hbm>> -> memref<1x128x64xf32, #tpu.memory_space<hbm>>
    %dma_wait3A_180 = tpu.memref_squeeze %dma_wait3A_179 : memref<1x128x64xf32, #tpu.memory_space<hbm>> -> memref<128x64xf32, #tpu.memory_space<hbm>>
    tpu.wait_dma2 semaphore(%arg18 : memref<!tpu.dma_semaphore, #tpu.memory_space<semaphore_mem>>) src(%arg8 : memref<128x64xf32, #tpu.memory_space<vmem>>) dst(%dma_wait3A_180 : memref<128x64xf32, #tpu.memory_space<hbm>>)
    "tpu.region"() ({
      %run_scoped3A_203 = tpu.sem_alloc : memref<!tpu.dma_semaphore, #tpu.memory_space<semaphore_mem>>
      %dma_start3A_204 = arith.constant 0 : i32
      %dma_start3A_205 = tpu.memref_slice %arg13[%mul3A_172, %dma_start3A_204] : memref<10240x64xf32, #tpu.memory_space<vmem_shared>> -> memref<128x64xf32, #tpu.memory_space<vmem_shared>>
      %dma_start3A_206 = arith.constant 0 : i32
      %dma_start3A_207 = tpu.memref_slice %arg13[%mul3A_172, %dma_start3A_206] : memref<10240x64xf32, #tpu.memory_space<vmem_shared>> -> memref<128x64xf32, #tpu.memory_space<vmem_shared>>
      tpu.enqueue_dma source(%dma_start3A_207 : memref<128x64xf32, #tpu.memory_space<vmem_shared>>) target(%arg8 : memref<128x64xf32, #tpu.memory_space<vmem>>) target_semaphore(%run_scoped3A_203 : memref<!tpu.dma_semaphore, #tpu.memory_space<semaphore_mem>>)
      %dma_wait3A_208 = arith.constant 0 : i32
      %dma_wait3A_209 = tpu.memref_slice %arg13[%mul3A_172, %dma_wait3A_208] : memref<10240x64xf32, #tpu.memory_space<vmem_shared>> -> memref<128x64xf32, #tpu.memory_space<vmem_shared>>
      %dma_wait3A_210 = arith.constant 0 : i32
      %dma_wait3A_211 = tpu.memref_slice %arg13[%mul3A_172, %dma_wait3A_210] : memref<10240x64xf32, #tpu.memory_space<vmem_shared>> -> memref<128x64xf32, #tpu.memory_space<vmem_shared>>
      tpu.wait_dma2 semaphore(%run_scoped3A_203 : memref<!tpu.dma_semaphore, #tpu.memory_space<semaphore_mem>>) src(%dma_wait3A_211 : memref<128x64xf32, #tpu.memory_space<vmem_shared>>) dst(%arg8 : memref<128x64xf32, #tpu.memory_space<vmem>>)
      tpu.yield
    }) : () -> ()
    %dma_start3A_181 = arith.constant 0 : i32
    %dma_start3A_182 = tpu.memref_slice %arg5[%arg0, %mul3A_172, %dma_start3A_181] : memref<2x10240x64xf32, #tpu.memory_space<hbm>> -> memref<1x128x64xf32, #tpu.memory_space<hbm>>
    %dma_start3A_183 = tpu.memref_squeeze %dma_start3A_182 : memref<1x128x64xf32, #tpu.memory_space<hbm>> -> memref<128x64xf32, #tpu.memory_space<hbm>>
    %dma_start3A_184 = arith.constant 0 : i32
    %dma_start3A_185 = tpu.memref_slice %arg5[%arg0, %mul3A_172, %dma_start3A_184] : memref<2x10240x64xf32, #tpu.memory_space<hbm>> -> memref<1x128x64xf32, #tpu.memory_space<hbm>>
    %dma_start3A_186 = tpu.memref_squeeze %dma_start3A_185 : memref<1x128x64xf32, #tpu.memory_space<hbm>> -> memref<128x64xf32, #tpu.memory_space<hbm>>
    tpu.enqueue_dma source(%arg8 : memref<128x64xf32, #tpu.memory_space<vmem>>) target(%dma_start3A_186 : memref<128x64xf32, #tpu.memory_space<hbm>>) target_semaphore(%arg18 : memref<!tpu.dma_semaphore, #tpu.memory_space<semaphore_mem>>)
    %dma_wait3A_187 = arith.constant 0 : i32
    %dma_wait3A_188 = arith.constant 0 : i32
    %dma_wait3A_189 = tpu.memref_slice %arg5[%arg0, %dma_wait3A_187, %dma_wait3A_188] : memref<2x10240x64xf32, #tpu.memory_space<hbm>> -> memref<1x128x64xf32, #tpu.memory_space<hbm>>
    %dma_wait3A_190 = tpu.memref_squeeze %dma_wait3A_189 : memref<1x128x64xf32, #tpu.memory_space<hbm>> -> memref<128x64xf32, #tpu.memory_space<hbm>>
    %dma_wait3A_191 = arith.constant 0 : i32
    %dma_wait3A_192 = arith.constant 0 : i32
    %dma_wait3A_193 = tpu.memref_slice %arg5[%arg0, %dma_wait3A_191, %dma_wait3A_192] : memref<2x10240x64xf32, #tpu.memory_space<hbm>> -> memref<1x128x64xf32, #tpu.memory_space<hbm>>
    %dma_wait3A_194 = tpu.memref_squeeze %dma_wait3A_193 : memref<1x128x64xf32, #tpu.memory_space<hbm>> -> memref<128x64xf32, #tpu.memory_space<hbm>>
    tpu.wait_dma2 semaphore(%arg18 : memref<!tpu.dma_semaphore, #tpu.memory_space<semaphore_mem>>) src(%arg8 : memref<128x64xf32, #tpu.memory_space<vmem>>) dst(%dma_wait3A_194 : memref<128x64xf32, #tpu.memory_space<hbm>>)
    %dma_wait3A_195 = arith.constant 0 : i32
    %dma_wait3A_196 = arith.constant 0 : i32
    %dma_wait3A_197 = tpu.memref_slice %arg5[%arg0, %dma_wait3A_195, %dma_wait3A_196] : memref<2x10240x64xf32, #tpu.memory_space<hbm>> -> memref<1x128x64xf32, #tpu.memory_space<hbm>>
    %dma_wait3A_198 = tpu.memref_squeeze %dma_wait3A_197 : memref<1x128x64xf32, #tpu.memory_space<hbm>> -> memref<128x64xf32, #tpu.memory_space<hbm>>
    %dma_wait3A_199 = arith.constant 0 : i32
    %dma_wait3A_200 = arith.constant 0 : i32
    %dma_wait3A_201 = tpu.memref_slice %arg5[%arg0, %dma_wait3A_199, %dma_wait3A_200] : memref<2x10240x64xf32, #tpu.memory_space<hbm>> -> memref<1x128x64xf32, #tpu.memory_space<hbm>>
    %dma_wait3A_202 = tpu.memref_squeeze %dma_wait3A_201 : memref<1x128x64xf32, #tpu.memory_space<hbm>> -> memref<128x64xf32, #tpu.memory_space<hbm>>
    tpu.wait_dma2 semaphore(%arg18 : memref<!tpu.dma_semaphore, #tpu.memory_space<semaphore_mem>>) src(%arg9 : memref<128x64xf32, #tpu.memory_space<vmem>>) dst(%dma_wait3A_202 : memref<128x64xf32, #tpu.memory_space<hbm>>)
    return
  }
}

module attributes {stable_mosaic.version = 14 : i64} {
  func.func @_tca1(%arg0: memref<10000x128xf32, #tpu.memory_space<vmem>>, %arg1: memref<1x128xf32, #tpu.memory_space<vmem>>, %arg2: memref<1x128xf32, #tpu.memory_space<vmem>>, %arg3: memref<1x128xf32, #tpu.memory_space<vmem>>, %arg4: memref<128x64xf32, #tpu.memory_space<vmem>>, %arg5: memref<10000x64xf32, #tpu.memory_space<vmem>>) attributes {dimension_semantics = [], scalar_prefetch = 0 : i64, scratch_operands = 0 : i64, tpu.core_type = #tpu.core_type<tc>} {
    %get3A = arith.constant 0 : index
    %get3A_0 = arith.constant 0 : index
    %get3A_1 = vector.load %arg0[%get3A, %get3A_0] : memref<10000x128xf32, #tpu.memory_space<vmem>>, vector<10000x128xf32>
    %reduce_sum3A = arith.constant dense<0.000000e+00> : vector<128xf32>
    %reduce_sum3A_2 = vector.multi_reduction <add>, %get3A_1, %reduce_sum3A [0] : vector<10000x128xf32> to vector<128xf32>
    %broadcast_in_dim3A = vector.shape_cast %reduce_sum3A_2 : vector<128xf32> to vector<1x128xf32>
    %mul3A = arith.constant 9.99999974E-5 : f32
    %mul3A_3 = vector.broadcast %mul3A : f32 to vector<1x128xf32>
    %mul3A_4 = arith.mulf %broadcast_in_dim3A, %mul3A_3 : vector<1x128xf32>
    %get3A_5 = arith.constant 0 : index
    %get3A_6 = arith.constant 0 : index
    %get3A_7 = vector.load %arg3[%get3A_5, %get3A_6] : memref<1x128xf32, #tpu.memory_space<vmem>>, vector<1x128xf32>
    %mul3A_8 = arith.mulf %get3A_7, %mul3A_4 : vector<1x128xf32>
    %sub3A = vector.broadcast %mul3A_8 : vector<1x128xf32> to vector<10000x128xf32>
    %sub3A_9 = arith.subf %get3A_1, %sub3A : vector<10000x128xf32>
    %mul3A_10 = arith.mulf %sub3A_9, %sub3A_9 : vector<10000x128xf32>
    %reduce_sum3A_11 = arith.constant dense<0.000000e+00> : vector<128xf32>
    %reduce_sum3A_12 = vector.multi_reduction <add>, %mul3A_10, %reduce_sum3A_11 [0] : vector<10000x128xf32> to vector<128xf32>
    %broadcast_in_dim3A_13 = vector.shape_cast %reduce_sum3A_12 : vector<128xf32> to vector<1x128xf32>
    %mul3A_14 = arith.constant 9.99999974E-5 : f32
    %mul3A_15 = vector.broadcast %mul3A_14 : f32 to vector<1x128xf32>
    %mul3A_16 = arith.mulf %broadcast_in_dim3A_13, %mul3A_15 : vector<1x128xf32>
    %get3A_17 = arith.constant 0 : index
    %get3A_18 = arith.constant 0 : index
    %get3A_19 = vector.load %arg1[%get3A_17, %get3A_18] : memref<1x128xf32, #tpu.memory_space<vmem>>, vector<1x128xf32>
    %mul3A_20 = vector.broadcast %get3A_19 : vector<1x128xf32> to vector<10000x128xf32>
    %mul3A_21 = arith.mulf %mul3A_20, %sub3A_9 : vector<10000x128xf32>
    %add3A = arith.constant 9.99999974E-6 : f32
    %add3A_22 = vector.broadcast %add3A : f32 to vector<1x128xf32>
    %add3A_23 = arith.addf %mul3A_16, %add3A_22 : vector<1x128xf32>
    %rsqrt3A = math.rsqrt %add3A_23 : vector<1x128xf32>
    %mul3A_24 = vector.broadcast %rsqrt3A : vector<1x128xf32> to vector<10000x128xf32>
    %mul3A_25 = arith.mulf %mul3A_21, %mul3A_24 : vector<10000x128xf32>
    %get3A_26 = arith.constant 0 : index
    %get3A_27 = arith.constant 0 : index
    %get3A_28 = vector.load %arg2[%get3A_26, %get3A_27] : memref<1x128xf32, #tpu.memory_space<vmem>>, vector<1x128xf32>
    %add3A_29 = vector.broadcast %get3A_28 : vector<1x128xf32> to vector<10000x128xf32>
    %add3A_30 = arith.addf %mul3A_25, %add3A_29 : vector<10000x128xf32>
    %get3A_31 = arith.constant 0 : index
    %get3A_32 = arith.constant 0 : index
    %get3A_33 = vector.load %arg4[%get3A_31, %get3A_32] : memref<128x64xf32, #tpu.memory_space<vmem>>, vector<128x64xf32>
    %dot_general3A = arith.constant dense<0.000000e+00> : vector<10000x64xf32>
    %dot_general3A_34 = tpu.matmul %add3A_30, %get3A_33, %dot_general3A {dimension_numbers = #tpu.dot_dimension_numbers<[1], [0], [0], [1], [0, 0, 1, 1], [], []>, transpose_lhs_hint = false} : vector<10000x128xf32>, vector<128x64xf32>, vector<10000x64xf32> -> vector<10000x64xf32>
    %swap3A = arith.constant 0 : index
    %swap3A_35 = arith.constant 0 : index
    %swap3A_36 = vector.load %arg5[%swap3A, %swap3A_35] : memref<10000x64xf32, #tpu.memory_space<vmem>>, vector<10000x64xf32>
    tpu.vector_store %arg5[%swap3A, %swap3A_35], %dot_general3A_34 {strides = array<i32>} : memref<10000x64xf32, #tpu.memory_space<vmem>>, vector<10000x64xf32>,
    return
  }
}

module attributes {stable_mosaic.version = 14 : i64} {
  func.func @_tca2(%arg0: memref<10000x64xf32, #tpu.memory_space<vmem>>, %arg1: memref<2x5120x128xf32, #tpu.memory_space<vmem>>, %arg2: memref<5120x128xf32, #tpu.memory_space<vmem>>, %arg3: memref<5120x128xf32, #tpu.memory_space<vmem>>) attributes {dimension_semantics = [], scalar_prefetch = 0 : i64, scratch_operands = 0 : i64, tpu.core_type = #tpu.core_type<tc>} {
    %get3A = arith.constant 0 : index
    %get3A_0 = arith.constant 0 : index
    %get3A_1 = vector.load %arg0[%get3A, %get3A_0] : memref<10000x64xf32, #tpu.memory_space<vmem>>, vector<10000x64xf32>
    %get3A_2 = arith.constant 0 : index
    %get3A_3 = arith.constant 0 : index
    %get3A_4 = arith.constant 0 : index
    %get3A_5 = vector.load %arg1[%get3A_2, %get3A_3, %get3A_4] : memref<2x5120x128xf32, #tpu.memory_space<vmem>>, vector<1x5120x128xf32>
    %get3A_6 = vector.shape_cast %get3A_5 : vector<1x5120x128xf32> to vector<5120x128xf32>
    %get3A_7 = arith.constant 1 : index
    %get3A_8 = arith.constant 0 : index
    %get3A_9 = arith.constant 0 : index
    %get3A_10 = vector.load %arg1[%get3A_7, %get3A_8, %get3A_9] : memref<2x5120x128xf32, #tpu.memory_space<vmem>>, vector<1x5120x128xf32>
    %get3A_11 = vector.shape_cast %get3A_10 : vector<1x5120x128xf32> to vector<5120x128xf32>
    %add3A = arith.addf %get3A_6, %get3A_11 : vector<5120x128xf32>
    %slice3A = vector.extract_strided_slice %add3A {offsets = [0, 0], sizes = [5120, 1], strides = [1, 1]} : vector<5120x128xf32> to vector<5120x1xf32>
    %add3A_12 = arith.constant 1.000000e+00 : f32
    %add3A_13 = vector.broadcast %add3A_12 : f32 to vector<5120x1xf32>
    %add3A_14 = arith.addf %slice3A, %add3A_13 : vector<5120x1xf32>
    %rsqrt3A = math.rsqrt %add3A_14 : vector<5120x1xf32>
    %broadcast_in_dim3A = arith.constant 1.000000e+00 : f32
    %broadcast_in_dim3A_15 = vector.broadcast %broadcast_in_dim3A : f32 to vector<1x64xf32>
    %mul3A = vector.broadcast %rsqrt3A : vector<5120x1xf32> to vector<5120x64xf32>
    %mul3A_16 = vector.broadcast %broadcast_in_dim3A_15 : vector<1x64xf32> to vector<5120x64xf32>
    %mul3A_17 = arith.mulf %mul3A, %mul3A_16 : vector<5120x64xf32>
    %slice3A_18 = vector.extract_strided_slice %add3A {offsets = [0, 64], sizes = [5120, 1], strides = [1, 1]} : vector<5120x128xf32> to vector<5120x1xf32>
    %add3A_19 = arith.constant 1.000000e+00 : f32
    %add3A_20 = vector.broadcast %add3A_19 : f32 to vector<5120x1xf32>
    %add3A_21 = arith.addf %slice3A_18, %add3A_20 : vector<5120x1xf32>
    %rsqrt3A_22 = math.rsqrt %add3A_21 : vector<5120x1xf32>
    %broadcast_in_dim3A_23 = arith.constant 1.000000e+00 : f32
    %broadcast_in_dim3A_24 = vector.broadcast %broadcast_in_dim3A_23 : f32 to vector<1x64xf32>
    %mul3A_25 = vector.broadcast %rsqrt3A_22 : vector<5120x1xf32> to vector<5120x64xf32>
    %mul3A_26 = vector.broadcast %broadcast_in_dim3A_24 : vector<1x64xf32> to vector<5120x64xf32>
    %mul3A_27 = arith.mulf %mul3A_25, %mul3A_26 : vector<5120x64xf32>
    %concatenate3A = tpu.concatenate %mul3A_17, %mul3A_27 in 1 : vector<5120x64xf32>, vector<5120x64xf32> -> vector<5120x128xf32>
    %swap3A = arith.constant 0 : index
    %swap3A_28 = arith.constant 0 : index
    %swap3A_29 = vector.load %arg3[%swap3A, %swap3A_28] : memref<5120x128xf32, #tpu.memory_space<vmem>>, vector<5120x128xf32>
    tpu.vector_store %arg3[%swap3A, %swap3A_28], %concatenate3A {strides = array<i32>} : memref<5120x128xf32, #tpu.memory_space<vmem>>, vector<5120x128xf32>,
    %slice3A_30 = vector.extract_strided_slice %get3A_1 {offsets = [0, 0], sizes = [5120, 64], strides = [1, 1]} : vector<10000x64xf32> to vector<5120x64xf32>
    %slice3A_31 = vector.extract_strided_slice %get3A_1 {offsets = [5120, 0], sizes = [4880, 64], strides = [1, 1]} : vector<10000x64xf32> to vector<4880x64xf32>
    %broadcast_in_dim3A_32 = arith.constant 0.000000e+00 : f32
    %broadcast_in_dim3A_33 = vector.broadcast %broadcast_in_dim3A_32 : f32 to vector<240x64xf32>
    %concatenate3A_34 = tpu.concatenate %slice3A_31, %broadcast_in_dim3A_33 in 0 : vector<4880x64xf32>, vector<240x64xf32> -> vector<5120x64xf32>
    %concatenate3A_35 = tpu.concatenate %slice3A_30, %concatenate3A_34 in 1 : vector<5120x64xf32>, vector<5120x64xf32> -> vector<5120x128xf32>
    %mul3A_36 = arith.mulf %concatenate3A_35, %concatenate3A : vector<5120x128xf32>
    %swap3A_37 = arith.constant 0 : index
    %swap3A_38 = arith.constant 0 : index
    %swap3A_39 = vector.load %arg2[%swap3A_37, %swap3A_38] : memref<5120x128xf32, #tpu.memory_space<vmem>>, vector<5120x128xf32>
    tpu.vector_store %arg2[%swap3A_37, %swap3A_38], %mul3A_36 {strides = array<i32>} : memref<5120x128xf32, #tpu.memory_space<vmem>>, vector<5120x128xf32>,
    return
  }
}

module attributes {stable_mosaic.version = 14 : i64} {
  func.func @_tcmid(%arg0: memref<2x5120x128xf32, #tpu.memory_space<vmem>>, %arg1: memref<5120x128xf32, #tpu.memory_space<vmem>>, %arg2: memref<1x128xf32, #tpu.memory_space<vmem>>, %arg3: memref<1x128xf32, #tpu.memory_space<vmem>>, %arg4: memref<1x128xf32, #tpu.memory_space<vmem>>, %arg5: memref<1x128xf32, #tpu.memory_space<vmem>>, %arg6: memref<128x128xf32, #tpu.memory_space<vmem>>, %arg7: memref<5120x128xf32, #tpu.memory_space<vmem>>, %arg8: memref<5120x128xf32, #tpu.memory_space<vmem>>) attributes {dimension_semantics = [], scalar_prefetch = 0 : i64, scratch_operands = 0 : i64, tpu.core_type = #tpu.core_type<tc>} {
    %get3A = arith.constant 0 : index
    %get3A_0 = arith.constant 0 : index
    %get3A_1 = vector.load %arg7[%get3A, %get3A_0] : memref<5120x128xf32, #tpu.memory_space<vmem>>, vector<5120x128xf32>
    %get3A_2 = arith.constant 0 : index
    %get3A_3 = arith.constant 0 : index
    %get3A_4 = arith.constant 0 : index
    %get3A_5 = vector.load %arg0[%get3A_2, %get3A_3, %get3A_4] : memref<2x5120x128xf32, #tpu.memory_space<vmem>>, vector<1x5120x128xf32>
    %get3A_6 = vector.shape_cast %get3A_5 : vector<1x5120x128xf32> to vector<5120x128xf32>
    %get3A_7 = arith.constant 1 : index
    %get3A_8 = arith.constant 0 : index
    %get3A_9 = arith.constant 0 : index
    %get3A_10 = vector.load %arg0[%get3A_7, %get3A_8, %get3A_9] : memref<2x5120x128xf32, #tpu.memory_space<vmem>>, vector<1x5120x128xf32>
    %get3A_11 = vector.shape_cast %get3A_10 : vector<1x5120x128xf32> to vector<5120x128xf32>
    %add3A = arith.addf %get3A_6, %get3A_11 : vector<5120x128xf32>
    %get3A_12 = arith.constant 0 : index
    %get3A_13 = arith.constant 0 : index
    %get3A_14 = vector.load %arg1[%get3A_12, %get3A_13] : memref<5120x128xf32, #tpu.memory_space<vmem>>, vector<5120x128xf32>
    %add3A_15 = arith.addf %add3A, %get3A_14 : vector<5120x128xf32>
    %mul3A = arith.mulf %get3A_1, %add3A_15 : vector<5120x128xf32>
    %get3A_16 = arith.constant 0 : index
    %get3A_17 = arith.constant 0 : index
    %get3A_18 = vector.load %arg2[%get3A_16, %get3A_17] : memref<1x128xf32, #tpu.memory_space<vmem>>, vector<1x128xf32>
    %add3A_19 = vector.broadcast %get3A_18 : vector<1x128xf32> to vector<5120x128xf32>
    %add3A_20 = arith.addf %mul3A, %add3A_19 : vector<5120x128xf32>
    %max3A = arith.constant 0.000000e+00 : f32
    %max3A_21 = vector.broadcast %max3A : f32 to vector<5120x128xf32>
    %max3A_22 = arith.maximumf %add3A_20, %max3A_21 : vector<5120x128xf32>
    %iota3A = tpu.iota {dimensions = array<i32: 0>} : vector<5120x128xi32>
    %iota3A_23 = tpu.iota {dimensions = array<i32: 1>} : vector<5120x128xi32>
    %ge3A = arith.constant 4880 : i32
    %ge3A_24 = vector.broadcast %ge3A : i32 to vector<5120x128xi32>
    %ge3A_25 = arith.cmpi sge, %iota3A, %ge3A_24 : vector<5120x128xi32>
    %ge3A_26 = arith.constant 64 : i32
    %ge3A_27 = vector.broadcast %ge3A_26 : i32 to vector<5120x128xi32>
    %ge3A_28 = arith.cmpi sge, %iota3A_23, %ge3A_27 : vector<5120x128xi32>
    %and3A = arith.andi %ge3A_25, %ge3A_28 : vector<5120x128xi1>
    %jit3A = arith.constant 0.000000e+00 : f32
    %broadcast_in_dim3A = vector.broadcast %jit3A : f32 to vector<5120x128xf32>
    %select_n3A = arith.select %and3A, %broadcast_in_dim3A, %max3A_22 : vector<5120x128xi1>, vector<5120x128xf32>
    %reduce_sum3A = arith.constant dense<0.000000e+00> : vector<128xf32>
    %reduce_sum3A_29 = vector.multi_reduction <add>, %select_n3A, %reduce_sum3A [0] : vector<5120x128xf32> to vector<128xf32>
    %broadcast_in_dim3A_30 = vector.shape_cast %reduce_sum3A_29 : vector<128xf32> to vector<1x128xf32>
    %slice3A = vector.extract_strided_slice %broadcast_in_dim3A_30 {offsets = [0, 0], sizes = [1, 64], strides = [1, 1]} : vector<1x128xf32> to vector<1x64xf32>
    %slice3A_31 = vector.extract_strided_slice %broadcast_in_dim3A_30 {offsets = [0, 64], sizes = [1, 64], strides = [1, 1]} : vector<1x128xf32> to vector<1x64xf32>
    %add3A_32 = arith.addf %slice3A, %slice3A_31 : vector<1x64xf32>
    %mul3A_33 = arith.constant 9.99999974E-5 : f32
    %mul3A_34 = vector.broadcast %mul3A_33 : f32 to vector<1x64xf32>
    %mul3A_35 = arith.mulf %add3A_32, %mul3A_34 : vector<1x64xf32>
    %concatenate3A = tpu.concatenate %mul3A_35, %mul3A_35 in 1 : vector<1x64xf32>, vector<1x64xf32> -> vector<1x128xf32>
    %get3A_36 = arith.constant 0 : index
    %get3A_37 = arith.constant 0 : index
    %get3A_38 = vector.load %arg5[%get3A_36, %get3A_37] : memref<1x128xf32, #tpu.memory_space<vmem>>, vector<1x128xf32>
    %mul3A_39 = arith.mulf %get3A_38, %concatenate3A : vector<1x128xf32>
    %sub3A = vector.broadcast %mul3A_39 : vector<1x128xf32> to vector<5120x128xf32>
    %sub3A_40 = arith.subf %select_n3A, %sub3A : vector<5120x128xf32>
    %iota3A_41 = tpu.iota {dimensions = array<i32: 0>} : vector<5120x128xi32>
    %iota3A_42 = tpu.iota {dimensions = array<i32: 1>} : vector<5120x128xi32>
    %ge3A_43 = arith.constant 4880 : i32
    %ge3A_44 = vector.broadcast %ge3A_43 : i32 to vector<5120x128xi32>
    %ge3A_45 = arith.cmpi sge, %iota3A_41, %ge3A_44 : vector<5120x128xi32>
    %ge3A_46 = arith.constant 64 : i32
    %ge3A_47 = vector.broadcast %ge3A_46 : i32 to vector<5120x128xi32>
    %ge3A_48 = arith.cmpi sge, %iota3A_42, %ge3A_47 : vector<5120x128xi32>
    %and3A_49 = arith.andi %ge3A_45, %ge3A_48 : vector<5120x128xi1>
    %jit3A_50 = arith.constant 0.000000e+00 : f32
    %broadcast_in_dim3A_51 = vector.broadcast %jit3A_50 : f32 to vector<5120x128xf32>
    %select_n3A_52 = arith.select %and3A_49, %broadcast_in_dim3A_51, %sub3A_40 : vector<5120x128xi1>, vector<5120x128xf32>
    %mul3A_53 = arith.mulf %select_n3A_52, %select_n3A_52 : vector<5120x128xf32>
    %reduce_sum3A_54 = arith.constant dense<0.000000e+00> : vector<128xf32>
    %reduce_sum3A_55 = vector.multi_reduction <add>, %mul3A_53, %reduce_sum3A_54 [0] : vector<5120x128xf32> to vector<128xf32>
    %broadcast_in_dim3A_56 = vector.shape_cast %reduce_sum3A_55 : vector<128xf32> to vector<1x128xf32>
    %slice3A_57 = vector.extract_strided_slice %broadcast_in_dim3A_56 {offsets = [0, 0], sizes = [1, 64], strides = [1, 1]} : vector<1x128xf32> to vector<1x64xf32>
    %slice3A_58 = vector.extract_strided_slice %broadcast_in_dim3A_56 {offsets = [0, 64], sizes = [1, 64], strides = [1, 1]} : vector<1x128xf32> to vector<1x64xf32>
    %add3A_59 = arith.addf %slice3A_57, %slice3A_58 : vector<1x64xf32>
    %mul3A_60 = arith.constant 9.99999974E-5 : f32
    %mul3A_61 = vector.broadcast %mul3A_60 : f32 to vector<1x64xf32>
    %mul3A_62 = arith.mulf %add3A_59, %mul3A_61 : vector<1x64xf32>
    %concatenate3A_63 = tpu.concatenate %mul3A_62, %mul3A_62 in 1 : vector<1x64xf32>, vector<1x64xf32> -> vector<1x128xf32>
    %get3A_64 = arith.constant 0 : index
    %get3A_65 = arith.constant 0 : index
    %get3A_66 = vector.load %arg3[%get3A_64, %get3A_65] : memref<1x128xf32, #tpu.memory_space<vmem>>, vector<1x128xf32>
    %mul3A_67 = vector.broadcast %get3A_66 : vector<1x128xf32> to vector<5120x128xf32>
    %mul3A_68 = arith.mulf %mul3A_67, %select_n3A_52 : vector<5120x128xf32>
    %add3A_69 = arith.constant 9.99999974E-6 : f32
    %add3A_70 = vector.broadcast %add3A_69 : f32 to vector<1x128xf32>
    %add3A_71 = arith.addf %concatenate3A_63, %add3A_70 : vector<1x128xf32>
    %rsqrt3A = math.rsqrt %add3A_71 : vector<1x128xf32>
    %mul3A_72 = vector.broadcast %rsqrt3A : vector<1x128xf32> to vector<5120x128xf32>
    %mul3A_73 = arith.mulf %mul3A_68, %mul3A_72 : vector<5120x128xf32>
    %get3A_74 = arith.constant 0 : index
    %get3A_75 = arith.constant 0 : index
    %get3A_76 = vector.load %arg4[%get3A_74, %get3A_75] : memref<1x128xf32, #tpu.memory_space<vmem>>, vector<1x128xf32>
    %add3A_77 = vector.broadcast %get3A_76 : vector<1x128xf32> to vector<5120x128xf32>
    %add3A_78 = arith.addf %mul3A_73, %add3A_77 : vector<5120x128xf32>
    %get3A_79 = arith.constant 0 : index
    %get3A_80 = arith.constant 0 : index
    %get3A_81 = vector.load %arg6[%get3A_79, %get3A_80] : memref<128x128xf32, #tpu.memory_space<vmem>>, vector<128x128xf32>
    %dot_general3A = arith.constant dense<0.000000e+00> : vector<5120x128xf32>
    %dot_general3A_82 = tpu.matmul %add3A_78, %get3A_81, %dot_general3A {dimension_numbers = #tpu.dot_dimension_numbers<[1], [0], [0], [1], [0, 0, 1, 1], [], []>, transpose_lhs_hint = false} : vector<5120x128xf32>, vector<128x128xf32>, vector<5120x128xf32> -> vector<5120x128xf32>
    %mul3A_83 = arith.mulf %dot_general3A_82, %get3A_1 : vector<5120x128xf32>
    %swap3A = arith.constant 0 : index
    %swap3A_84 = arith.constant 0 : index
    %swap3A_85 = vector.load %arg8[%swap3A, %swap3A_84] : memref<5120x128xf32, #tpu.memory_space<vmem>>, vector<5120x128xf32>
    tpu.vector_store %arg8[%swap3A, %swap3A_84], %mul3A_83 {strides = array<i32>} : memref<5120x128xf32, #tpu.memory_space<vmem>>, vector<5120x128xf32>,
    return
  }
}

module attributes {stable_mosaic.version = 14 : i64} {
  func.func @_tcd(%arg0: memref<2x5120x128xf32, #tpu.memory_space<vmem>>, %arg1: memref<5120x128xf32, #tpu.memory_space<vmem>>, %arg2: memref<1x128xf32, #tpu.memory_space<vmem>>, %arg3: memref<5120x128xf32, #tpu.memory_space<vmem>>, %arg4: memref<64x64xf32, #tpu.memory_space<vmem>>, %arg5: memref<1x64xf32, #tpu.memory_space<vmem>>, %arg6: memref<64x10xf32, #tpu.memory_space<vmem>>, %arg7: memref<1x10xf32, #tpu.memory_space<vmem>>, %arg8: memref<1x10xf32, #tpu.memory_space<vmem>>) attributes {dimension_semantics = [], scalar_prefetch = 0 : i64, scratch_operands = 0 : i64, tpu.core_type = #tpu.core_type<tc>} {
    %get3A = arith.constant 0 : index
    %get3A_0 = arith.constant 0 : index
    %get3A_1 = vector.load %arg3[%get3A, %get3A_0] : memref<5120x128xf32, #tpu.memory_space<vmem>>, vector<5120x128xf32>
    %get3A_2 = arith.constant 0 : index
    %get3A_3 = arith.constant 0 : index
    %get3A_4 = arith.constant 0 : index
    %get3A_5 = vector.load %arg0[%get3A_2, %get3A_3, %get3A_4] : memref<2x5120x128xf32, #tpu.memory_space<vmem>>, vector<1x5120x128xf32>
    %get3A_6 = vector.shape_cast %get3A_5 : vector<1x5120x128xf32> to vector<5120x128xf32>
    %get3A_7 = arith.constant 1 : index
    %get3A_8 = arith.constant 0 : index
    %get3A_9 = arith.constant 0 : index
    %get3A_10 = vector.load %arg0[%get3A_7, %get3A_8, %get3A_9] : memref<2x5120x128xf32, #tpu.memory_space<vmem>>, vector<1x5120x128xf32>
    %get3A_11 = vector.shape_cast %get3A_10 : vector<1x5120x128xf32> to vector<5120x128xf32>
    %add3A = arith.addf %get3A_6, %get3A_11 : vector<5120x128xf32>
    %get3A_12 = arith.constant 0 : index
    %get3A_13 = arith.constant 0 : index
    %get3A_14 = vector.load %arg1[%get3A_12, %get3A_13] : memref<5120x128xf32, #tpu.memory_space<vmem>>, vector<5120x128xf32>
    %add3A_15 = arith.addf %add3A, %get3A_14 : vector<5120x128xf32>
    %mul3A = arith.mulf %get3A_1, %add3A_15 : vector<5120x128xf32>
    %get3A_16 = arith.constant 0 : index
    %get3A_17 = arith.constant 0 : index
    %get3A_18 = vector.load %arg2[%get3A_16, %get3A_17] : memref<1x128xf32, #tpu.memory_space<vmem>>, vector<1x128xf32>
    %add3A_19 = vector.broadcast %get3A_18 : vector<1x128xf32> to vector<5120x128xf32>
    %add3A_20 = arith.addf %mul3A, %add3A_19 : vector<5120x128xf32>
    %max3A = arith.constant 0.000000e+00 : f32
    %max3A_21 = vector.broadcast %max3A : f32 to vector<5120x128xf32>
    %max3A_22 = arith.maximumf %add3A_20, %max3A_21 : vector<5120x128xf32>
    %iota3A = tpu.iota {dimensions = array<i32: 0>} : vector<5120x128xi32>
    %iota3A_23 = tpu.iota {dimensions = array<i32: 1>} : vector<5120x128xi32>
    %ge3A = arith.constant 4880 : i32
    %ge3A_24 = vector.broadcast %ge3A : i32 to vector<5120x128xi32>
    %ge3A_25 = arith.cmpi sge, %iota3A, %ge3A_24 : vector<5120x128xi32>
    %ge3A_26 = arith.constant 64 : i32
    %ge3A_27 = vector.broadcast %ge3A_26 : i32 to vector<5120x128xi32>
    %ge3A_28 = arith.cmpi sge, %iota3A_23, %ge3A_27 : vector<5120x128xi32>
    %and3A = arith.andi %ge3A_25, %ge3A_28 : vector<5120x128xi1>
    %jit3A = arith.constant 0.000000e+00 : f32
    %broadcast_in_dim3A = vector.broadcast %jit3A : f32 to vector<5120x128xf32>
    %select_n3A = arith.select %and3A, %broadcast_in_dim3A, %max3A_22 : vector<5120x128xi1>, vector<5120x128xf32>
    %reduce_sum3A = arith.constant dense<0.000000e+00> : vector<128xf32>
    %reduce_sum3A_29 = vector.multi_reduction <add>, %select_n3A, %reduce_sum3A [0] : vector<5120x128xf32> to vector<128xf32>
    %broadcast_in_dim3A_30 = vector.shape_cast %reduce_sum3A_29 : vector<128xf32> to vector<1x128xf32>
    %slice3A = vector.extract_strided_slice %broadcast_in_dim3A_30 {offsets = [0, 0], sizes = [1, 64], strides = [1, 1]} : vector<1x128xf32> to vector<1x64xf32>
    %slice3A_31 = vector.extract_strided_slice %broadcast_in_dim3A_30 {offsets = [0, 64], sizes = [1, 64], strides = [1, 1]} : vector<1x128xf32> to vector<1x64xf32>
    %add3A_32 = arith.addf %slice3A, %slice3A_31 : vector<1x64xf32>
    %mul3A_33 = arith.constant 9.99999974E-5 : f32
    %mul3A_34 = vector.broadcast %mul3A_33 : f32 to vector<1x64xf32>
    %mul3A_35 = arith.mulf %add3A_32, %mul3A_34 : vector<1x64xf32>
    %get3A_36 = arith.constant 0 : index
    %get3A_37 = arith.constant 0 : index
    %get3A_38 = vector.load %arg4[%get3A_36, %get3A_37] : memref<64x64xf32, #tpu.memory_space<vmem>>, vector<64x64xf32>
    %dot_general3A = arith.constant dense<0.000000e+00> : vector<1x64xf32>
    %dot_general3A_39 = tpu.matmul %mul3A_35, %get3A_38, %dot_general3A {dimension_numbers = #tpu.dot_dimension_numbers<[1], [0], [0], [1], [0, 0, 1, 1], [], []>, transpose_lhs_hint = false} : vector<1x64xf32>, vector<64x64xf32>, vector<1x64xf32> -> vector<1x64xf32>
    %get3A_40 = arith.constant 0 : index
    %get3A_41 = arith.constant 0 : index
    %get3A_42 = vector.load %arg5[%get3A_40, %get3A_41] : memref<1x64xf32, #tpu.memory_space<vmem>>, vector<1x64xf32>
    %add3A_43 = arith.addf %dot_general3A_39, %get3A_42 : vector<1x64xf32>
    %max3A_44 = arith.constant 0.000000e+00 : f32
    %max3A_45 = vector.broadcast %max3A_44 : f32 to vector<1x64xf32>
    %max3A_46 = arith.maximumf %add3A_43, %max3A_45 : vector<1x64xf32>
    %get3A_47 = arith.constant 0 : index
    %get3A_48 = arith.constant 0 : index
    %get3A_49 = vector.load %arg6[%get3A_47, %get3A_48] : memref<64x10xf32, #tpu.memory_space<vmem>>, vector<64x10xf32>
    %dot_general3A_50 = arith.constant dense<0.000000e+00> : vector<1x10xf32>
    %dot_general3A_51 = tpu.matmul %max3A_46, %get3A_49, %dot_general3A_50 {dimension_numbers = #tpu.dot_dimension_numbers<[1], [0], [0], [1], [0, 0, 1, 1], [], []>, transpose_lhs_hint = false} : vector<1x64xf32>, vector<64x10xf32>, vector<1x10xf32> -> vector<1x10xf32>
    %get3A_52 = arith.constant 0 : index
    %get3A_53 = arith.constant 0 : index
    %get3A_54 = vector.load %arg7[%get3A_52, %get3A_53] : memref<1x10xf32, #tpu.memory_space<vmem>>, vector<1x10xf32>
    %add3A_55 = arith.addf %dot_general3A_51, %get3A_54 : vector<1x10xf32>
    %reduce_max3A = arith.constant dense<0xFF800000> : vector<1xf32>
    %reduce_max3A_56 = vector.multi_reduction <maximumf>, %add3A_55, %reduce_max3A [1] : vector<1x10xf32> to vector<1xf32>
    %broadcast_in_dim3A_57 = vector.shape_cast %reduce_max3A_56 : vector<1xf32> to vector<1x1xf32>
    %sub3A = vector.broadcast %broadcast_in_dim3A_57 : vector<1x1xf32> to vector<1x10xf32>
    %sub3A_58 = arith.subf %add3A_55, %sub3A : vector<1x10xf32>
    %exp3A = math.exp %sub3A_58 : vector<1x10xf32>
    %reduce_sum3A_59 = arith.constant dense<0.000000e+00> : vector<1xf32>
    %reduce_sum3A_60 = vector.multi_reduction <add>, %exp3A, %reduce_sum3A_59 [1] : vector<1x10xf32> to vector<1xf32>
    %broadcast_in_dim3A_61 = vector.shape_cast %reduce_sum3A_60 : vector<1xf32> to vector<1x1xf32>
    %div3A = vector.broadcast %broadcast_in_dim3A_61 : vector<1x1xf32> to vector<1x10xf32>
    %div3A_62 = arith.divf %exp3A, %div3A : vector<1x10xf32>
    %swap3A = arith.constant 0 : index
    %swap3A_63 = arith.constant 0 : index
    %swap3A_64 = vector.load %arg8[%swap3A, %swap3A_63] : memref<1x10xf32, #tpu.memory_space<vmem>>, vector<1x10xf32>
    tpu.vector_store %arg8[%swap3A, %swap3A_63], %div3A_62 {strides = array<i32>} : memref<1x10xf32, #tpu.memory_space<vmem>>, vector<1x10xf32>,
    return
  }
}

</mosaic_0001>

<sc_bundles>
// kernel: kernel.11.cloned.1.call-start
scs
__scs_entry_jumppad:
0x0: {  	(pc) =	sbr.rel $0x88, $3  }
0x1: {  	(tag) =	ssettag $0x0;
	lr =	simm.s32 $0x1  }
0x2: {  	[smem:$0x3F8C] =	sst lr;
	_ =	strace $0xD0000000  }
0x3: {  	_ = 	snop  }
0x4: {  	_ = 	snop  }
0x5: {  	_ = 	snop  }
0x6: {  	_ = 	snop  }
0x7: {  	_ = 	snop  }
__scs_overlays_trampoline_lowered:
0x8: {  	[smem:$0x3F9B] =	sst s0  }
0x9: {  	[smem:$0x3F9C] =	sst s1  }
0xa: {  	[smem:$0x3F9D] =	sst s2  }
0xb: {  	[smem:$0x3F9E] =	sst s3  }
0xc: {  	[smem:$0x3F9F] =	sst s4  }
0xd: {  	[smem:$0x3FA0] =	sst s5  }
0xe: {  	[smem:$0x3FA1] =	sst s6  }
0xf: {  	[smem:$0x3FA2] =	sst s7  }
0x10: {  	[smem:$0x3FA3] =	sst s8  }
0x11: {  	[smem:$0x3FA4] =	sst s9;
	s0 =	simm.s32 @!p0 $0x0  }
0x12: {  	s1 =	sld [smem:$0x3F8A];
	s0 =	simm.s32 @p0 $0x1  }
0x13: {  	[smem:$0x3FA5] =	sst s0;
	s0 =	simm.s32 @!p1 $0x0  }
0x14: {  	s2 =	sld [smem:$0x3F89];
	s0 =	simm.s32 @p1 $0x1  }
0x15: {  	[smem:$0x3FA6] =	sst s0;
	s0 =	simm.s32 @!p2 $0x0  }
0x16: {  	s3 =	sld [smem:$0x3FDB];
	s0 =	simm.s32 @p2 $0x1  }
0x17: {  	s4 =	simm.s32 $0x1BF5;
	[smem:$0x3FA8] =	sst s0  }
0x18: {  	s0 =	sld [smem:$0x3F8B];
	_ =	swait.ge [sflag:s4], $0x0  }
0x19: {  	s7 =	sld [smem:$0x3F8C]  }
0x1a: {  	s8 =	sadd.s32 $0xFFFFE003, lr  }
0x1b: {  	s9 =	sadd.s32 $0xFFFFFEF7, lr;
	s5 =	simm.s32 $0xFFFFFFFF;
	p2 =	slt.u32 s8, $0xFFFFF086  }
0x1c: {  	p1 =	slt.u32 s9, $0xF7A;
	s5 =	simm.s32 @!p2 $0x0  }
0x1d: {  	s5 =	simm.s32 @p1 $0x1;
	p0 =	seq.s32 s7, s2  }
0x1e: {  	s7 =	smul.u32 @!p0 $0xF7A, s2;
	p2 =	seq.s32 @!p0 s5, $0x0  }
0x1f: {  	s9 =	smul.u32 $0xF7A, s1;
	s8 =	simm.s32 @!p0 $0x1BF5;
	p2 =	por !p2, p0  }
0x20: {  	[sflag:s8] =	ssyncset.s32 @!p0 $0xFFFFF086;
	s6 =	sadd.s32 @!p0 s3, s7;
	s7 =	simm.s32 @!p0 $0x108  }
0x21: {  	s3 =	sadd.s32 s3, s9;
	s6 =	sadd.s32 @!p0 $0x88, s6;
	s7 =	simm.s32 @p2 $0x1082  }
0x22: {  	[simem:s7], [sflag:s8] =	dma.local @!p0 [hbm:s6], $0xF7A  }
0x23: {  	s9 =	sor.u32 $0xD0000000, s2;
	s6 =	simm.s32 $0x108;
	_ =	swait.ge @!p0 [sflag:s8], $0x0  }
0x24: {  	s3 =	sadd.s32 $0x88, s3;
	s6 =	simm.s32 @!p1 $0x1082;
	[sflag:s4] =	ssyncset.s32 $0xFFFFF086  }
0x25: {  	[simem:s6], [sflag:s4] =	dma.local [hbm:s3], $0xF7A  }
0x26: {  	[smem:$0x3F8C] =	sst s1;
	(tag) =	ssettag s2;
	_ =	strace s9  }
0x27: {  	s1 =	sld [smem:$0x3F9C]  }
0x28: {  	s2 =	sld [smem:$0x3F9D]  }
0x29: {  	s4 =	sld [smem:$0x3F9F]  }
0x2a: {  	p0 =	seq.s32 s5, $0x0;
	s5 =	sld [smem:$0x3FA0]  }
0x2b: {  	s6 =	sld [smem:$0x3FA1]  }
0x2c: {  	s7 =	sld [smem:$0x3FA2]  }
0x2d: {  	s3 =	simm.s32 $0x108;
	s8 =	sld [smem:$0x3FA3]  }
0x2e: {  	s3 =	simm.s32 @!p0 $0x1082;
	s9 =	sld [smem:$0x3FA4]  }
0x2f: {  	lr =	sadd.s32 s0, s3;
	s0 =	sld [smem:$0x3F9B]  }
0x30: {  	s3 =	sld [smem:$0x3F9E]  }
0x31: {  	[smem:$0x3FA7] =	sst s10  }
0x32: {  	s10 =	sld [smem:$0x3FA5];
	_ =	sdelay $0x3  }
0x33: {  	p0 =	seq.s32 s10, $0x1;
	s10 =	sld [smem:$0x3FA7];
	_ =	sdelay $0x3  }
0x34: {  	[smem:$0x3FA7] =	sst s10  }
0x35: {  	s10 =	sld [smem:$0x3FA6];
	_ =	sdelay $0x3  }
0x36: {  	p1 =	seq.s32 s10, $0x1;
	s10 =	sld [smem:$0x3FA7];
	_ =	sdelay $0x3  }
0x37: {  	[smem:$0x3FA7] =	sst s10  }
0x38: {  	s10 =	sld [smem:$0x3FA8]  }
0x39: {  	_ = 	snop;
	(pc) =	sbr.ind lr, $3  }
0x3a: {  	_ = 	snop  }
0x3b: {  	_ = 	snop  }
0x3c: {  	p2 =	seq.s32 s10, $0x1;
	s10 =	sld [smem:$0x3FA7]  }
0x3d: {  	_ =	shalt  }
0x3e: {  	_ =	shalt  }
0x3f: {  	_ =	shalt  }
0x40: {  	_ =	shalt  }
0x41: {  	_ =	shalt  }
0x42: {  	_ =	shalt  }
0x43: {  	_ =	shalt  }
0x44: {  	_ =	shalt  }
0x45: {  	_ =	shalt  }
0x46: {  	_ =	shalt  }
0x47: {  	_ =	shalt  }
0x48: {  	_ =	shalt  }
0x49: {  	_ =	shalt  }
0x4a: {  	_ =	shalt  }
0x4b: {  	_ =	shalt  }
0x4c: {  	_ =	shalt  }
0x4d: {  	_ =	shalt  }
0x4e: {  	_ =	shalt  }
0x4f: {  	_ =	shalt  }
0x50: {  	_ =	shalt  }
0x51: {  	_ =	shalt  }
0x52: {  	_ =	shalt  }
0x53: {  	_ =	shalt  }
0x54: {  	_ =	shalt  }
0x55: {  	_ =	shalt  }
0x56: {  	_ =	shalt  }
0x57: {  	_ =	shalt  }
0x58: {  	_ =	shalt  }
0x59: {  	_ =	shalt  }
0x5a: {  	_ =	shalt  }
0x5b: {  	_ =	shalt  }
0x5c: {  	_ =	shalt  }
0x5d: {  	_ =	shalt  }
0x5e: {  	_ =	shalt  }
0x5f: {  	_ =	shalt  }
0x60: {  	_ =	shalt  }
0x61: {  	_ =	shalt  }
0x62: {  	_ =	shalt  }
0x63: {  	_ =	shalt  }
0x64: {  	_ =	shalt  }
0x65: {  	_ =	shalt  }
0x66: {  	_ =	shalt  }
0x67: {  	_ =	shalt  }
0x68: {  	_ =	shalt  }
0x69: {  	_ =	shalt  }
0x6a: {  	_ =	shalt  }
0x6b: {  	_ =	shalt  }
0x6c: {  	_ =	shalt  }
0x6d: {  	_ =	shalt  }
0x6e: {  	_ =	shalt  }
0x6f: {  	_ =	shalt  }
0x70: {  	_ =	shalt  }
0x71: {  	_ =	shalt  }
0x72: {  	_ =	shalt  }
0x73: {  	_ =	shalt  }
0x74: {  	_ =	shalt  }
0x75: {  	_ =	shalt  }
0x76: {  	_ =	shalt  }
0x77: {  	_ =	shalt  }
0x78: {  	_ =	shalt  }
0x79: {  	_ =	shalt  }
0x7a: {  	_ =	shalt  }
0x7b: {  	_ =	shalt  }
0x7c: {  	_ =	shalt  }
0x7d: {  	_ =	shalt  }
0x7e: {  	_ =	shalt  }
0x7f: {  	_ =	shalt  }
0x80: {  	_ =	shalt  }
0x81: {  	_ =	shalt  }
0x82: {  	_ =	shalt  }
0x83: {  	_ =	shalt  }
0x84: {  	_ =	shalt  }
0x85: {  	_ =	shalt  }
0x86: {  	_ =	shalt  }
0x87: {  	_ =	shalt  }
.Lfunc_end0:
.L_simem_size_0:
called_computation_lowered:
.L_overlay_start_0:
0x88: {  	s2 =	sld [smem:$0x3FD9]  }
0x89: {  	s3 =	sld [smem:$0x3FFE];
	_ =	sdelay $0x1  }
0x8a: {  	s1 =	srdreg.scid  }
0x8b: {  	s0 =	sand.u32 $0x1, s1  }
0x8c: {  	s16 =	sshll.u32 s0, $0xA;
	s2 =	sadd.s32 s3, s2  }
0x8d: {  	s2 =	sadd.s32 s2, s16  }
0x8e: {  	[smem:$0x3FB3] =	sst s2  }
0x8f: {  	_ = 	snop  }
0x90: {  	(tm) =	ssettm $0x1  }
0x91: {  	s17 =	sld [smem:$0x3FFB];
	_ =	sdelay $0x3  }
0x92: {  	_ =	strace s17  }
0x93: {  	s2 =	sld [smem:$0x3FFC];
	_ =	sdelay $0x3  }
0x94: {  	_ =	strace s2  }
0x95: {  	s2 =	sld [smem:$0x3FFD];
	_ =	sdelay $0x3  }
0x96: {  	_ =	strace s2  }
0x97: {  	_ =	strace $0x8FFFFFFF  }
0x98: {  	s18 =	sld [smem:$0x3FDB];
	_ =	sdelay $0x1  }
0x99: {  	s19 =	simm.s32 $_scs_section_size  }
0x9a: {  	s4 =	simm.s32 $_size__tile_overlayer_lowered;
	s5 =	simm.s32 $_tile_overlayer_lowered  }
0x9b: {  	s22 =	simm.s32 $0x1BFF;
	s21 =	sshll.u32 s5, $0x1;
	s2 =	sadd.s32 s19, s18  }
0x9c: {  	s6 =	simm.s32 $0x0;
	s20 =	sshll.u32 s4, $0x1;
	s4 =	sadd.s32 s21, s2  }
0x9d: {  	[timem:s6], [sflag:s22] =	dma.local [hbm:s4], s20  }
0x9e: {  	_ =	swait.ge [sflag:s22], s20  }
0x9f: {  	s3 =	ssub.s32 $0x0, s20;
	[sflag:s22] =	ssyncset.done $0x0  }
0xa0: {  	[sflag:s22] =	ssyncadd.s32 s3;
	_ =	sdelay $0x1  }
0xa1: {  	s23 =	simm.s32 $0x1B8B  }
0xa2: {  	_ =	swait.ge [sflag:s23], $0x1  }
0xa3: {  	[sflag:s23] =	ssyncset.done $0x0  }
0xa4: {  	s25 =	simm.s32 $0x1B8E;
	s24 =	sld [smem:$0x3FFE];
	[sflag:s23] =	ssyncadd.s32 $0xFFFFFFFF  }
0xa5: {  	s26 =	simm.s32 $execute0_lowered;
	[smem:$0x3FD2] =	sst s25  }
0xa6: {  	s4 =	sshll.u32 s26, $0x1;
	_ =	strace $0x80000046;
	[dreg:$0x1] =	wrdreg $0xFFFFFFFF  }
0xa7: {  	s28 =	simm.s32 $_size_execute0_lowered;
	s2 =	sadd.s32 s2, s4;
	[dreg:$0x0] =	wrdreg $0x0  }
0xa8: {  	s4 =	sshll.u32 s28, $0x1;
	[dreg:$0x2] =	wrdreg s2  }
0xa9: {  	[dreg:$0x3] =	wrdreg s4  }
0xaa: {  	[dreg:$0x4] =	wrdreg $0xC0  }
0xab: {  	_ =	task [dreg:s6], $0x5FFFF  }
0xac: {  	[dreg:$0x1] =	wrdreg $0xFFFFFFFF  }
0xad: {  	[dreg:$0x0] =	wrdreg $0x60  }
0xae: {  	[dreg:$0x2] =	wrdreg s24  }
0xaf: {  	[dreg:$0x3] =	wrdreg $0x58000  }
0xb0: {  	[dreg:$0x4] =	wrdreg $0x9  }
0xb1: {  	_ =	task.clear_ibuf [dreg:s6], $0x5FFFF;
	_ =	strace $0x90000046  }
0xb2: {  	s29 =	simm.s32 $0x9;
	_ =	strace $0x80000048  }
0xb3: {  	_ =	swait.ge [sflag:s29], $0x1  }
0xb4: {  	[sflag:s29] =	ssyncadd.s32 $0xFFFFFFFF  }
0xb5: {  	_ =	strace $0x90000048  }
0xb6: {  	_ =	sfence  }
0xb7: {  	s30 =	sld [smem:$0x0];
	_ =	sdelay $0x2  }
0xb8: {  	s31 =	sshll.u32 s1, $0xD;
	s1 =	sshrl.u32 s1, $0x2  }
0xb9: {  	s3 =	sand.u32 $0x4000, s31;
	s1 =	sadd.s32 s1, s30  }
0xba: {  	s0 =	sor.u32 s3, s0;
	s1 =	sshll.u32 s1, $0x11  }
0xbb: {  	s0 =	sor.u32 s1, s0  }
0xbc: {  	s0 =	sadd.s32 $0x8F2B, s0  }
0xbd: {  	[sflag:s0] =	ssyncadd.remote.s32 $0x1  }
0xbe: {  	_ =	sfence.sel $0xFFFF  }
0xbf: {  	[dreg:$0x0] =	wrdreg $0xFFFFFFFF;
	(pc) =	sbr.abs _section_cstart, $3  }
0xc0: {  	[dreg:$0x1] =	wrdreg $0xFFFFFFFF  }
0xc1: {  	_ =	task.clear_ibuf [dreg:s6], $0x2FFFF;
	_ =	strace $0x9FFFFFFF  }
0xc2: {  	(tm) =	ssettm $0x7FFFFFFF  }
0xc3: {  	_ =	shalt  }
tec
execute0_lowered:
.L_overlay_start_1:
0x0: {  	(tag) =	ssettag $0x1  }
0x1: {  	s0 =	srdreg.scid;
	s4 =	rddreg [dreg:$0x0]  }
0x2: {  	s2 =	rddreg [dreg:$0x1];
	s1 =	stileid.u32;
	s3 =	simm.s32 $0x0  }
0x3: {  	s19 =	simm.s32 $0x2800;
	s6 =	sand.u32 $0x1, s0;
	s0 =	rddreg [dreg:$0x2]  }
0x4: {  	s20 =	simm.s32 $0x3800;
	s21 =	simm.s32 $0x0;
	[smem:$0x7FF] =	sst s3  }
0x5: {  	s9 =	smul.u32 $0xA000, s1;
	s14 =	sadd.s32 $0xF800, s4;
	s5 =	sshll.u32 s6, $0x4  }
0x6: {  	_ =	strace $0x80000047;
	s7 =	ssub.s32 $0x2, s6;
	s17 =	smul.u32 $0xA0000, s6  }
0x7: {  	s5 =	sor.u32 s1, s5;
	s25 =	sshrl.u32 s7, $0x1;
	s26 =	sshrl.u32 s9, $0x2  }
0x8: {  	s11 =	sadd.s32 $0x2000, s9;
	s12 =	sadd.s32 $0x4000, s9;
	s13 =	sadd.s32 $0x6000, s9  }
0x9: {  	s16 =	sadd.s32 $0x8000, s9;
	s5 =	smul.u32 $0x500, s5;
	s15 =	ssub.s32 s7, s25  }
0xa: {  	s28 =	sshrl.u32 s11, $0x2;
	s29 =	sshrl.u32 s12, $0x2;
	s8 =	sshrl.u32 s13, $0x2  }
0xb: {  	s30 =	sshrl.u32 s16, $0x2;
	s18 =	sadd.s32 s9, s17;
	s11 =	sadd.s32 s17, s11  }
0xc: {  	v1 =	vlaneseq.u32;
	s12 =	sadd.s32 s17, s12;
	s13 =	sadd.s32 s17, s13;
	s16 =	sadd.s32 s17, s16  }
0xd: {  	v0 =	vmul.u32 $0x10, v1;
	v1 =	vmul.u32 $0x40, v1;
	s17 =	simm.s32 $0x1;
	s6 =	sadd.s32 s29, s2;
	s7 =	sadd.s32 s8, s2  }
0xe: {  	vm0 =	vcmask $0x300;
	v2 =	vimm.f32 $0.0e+00;
	s8 =	sadd.s32 s30, s2;
	s31 =	sshrl.u32 s18, $0x3;
	s11 =	sshrl.u32 s11, $0x3  }
0xf: {  	v3 =	vsel vm0, $0x3F800000, v2;
	v4 =	vor.u32 $0x100, v0;
	v5 =	vor.u32 $0x400, v1;
	s12 =	sshrl.u32 s12, $0x3;
	s13 =	sshrl.u32 s13, $0x3;
	s16 =	sshrl.u32 s16, $0x3  }
0x10: {  	v6 =	vor.u32 $0x200, v0;
	v7 =	vor.u32 $0x800, v1;
	v8 =	vor.u32 $0x300, v0;
	s15 =	smax.u32 s15, $0x1;
	s18 =	simm.s32 $0x80;
	s10 =	sadd.s32 s5, s4  }
0x11: {  	v9 =	vor.u32 $0xC00, v1;
	v10 =	vor.u32 $0x400, v0;
	v11 =	vor.u32 $0x1000, v1;
	s4 =	sadd.s32 s26, s2;
	s5 =	sadd.s32 s28, s2;
	s11 =	sadd.s32 s14, s11  }
0x12: {  	v12 =	vor.u32 $0x500, v0;
	v13 =	vor.u32 $0x1400, v1;
	v14 =	vor.u32 $0x600, v0;
	s12 =	sadd.s32 s14, s12;
	s13 =	sadd.s32 s14, s13;
	s9 =	sadd.s32 $0x5800, s10  }
0x13: {  	v15 =	vor.u32 $0x1800, v1;
	v16 =	vor.u32 $0x700, v0;
	v17 =	vor.u32 $0x1C00, v1;
	s10 =	sadd.s32 s14, s31;
	s14 =	sadd.s32 s14, s16;
	s16 =	simm.s32 $0x3000  }
.LBB2_1:
0x14: {  	s22 =	simm.s32 $0x0  }
.LBB2_2:
0x15: {  	p0 =	sne.s32 s22, $0x1FC0  }
.Ltmp0:
0x16: {  	_ = 	snop;
	(pc) =	sbr.rel @p0 .LBB2_2-.Ltmp0, $4  }
0x17: {  	_ = 	snop  }
0x18: {  	s23 =	sshra.s32 s22, $0x2  }
0x19: {  	[tilespmem:s23+$0x2800] =	vst v3  }
0x1a: {  	s22 =	sadd.s32 $0x40, s22;
	[tilespmem:s23+$0x3000] =	vst v2  }
0x1b: {  	s22 =	simm.s32 $0x0;
	s23 =	simm.s32 $0x200  }
.LBB2_4:
0x1c: {  	p0 =	sne.s32 s23, $0x7E00;
	[tilespmem:s22+$0x3870] =	vst v2  }
0x1d: {  	[tilespmem:s22+$0x3800] =	vst v2  }
0x1e: {  	[tilespmem:s22+$0x3810] =	vst v2  }
.Ltmp1:
0x1f: {  	[tilespmem:s22+$0x3820] =	vst v2;
	(pc) =	sbr.rel @p0 .LBB2_4-.Ltmp1, $4  }
0x20: {  	[tilespmem:s22+$0x3830] =	vst v2  }
0x21: {  	[tilespmem:s22+$0x3840] =	vst v2  }
0x22: {  	[tilespmem:s22+$0x3850] =	vst v2  }
0x23: {  	[tilespmem:s22+$0x3860] =	vst v2;
	s22 =	sshra.s32 s23, $0x2;
	s23 =	sadd.s32 $0x200, s23  }
0x24: {  	[tilespmem:s22+$0x3870] =	vst v2  }
0x25: {  	[tilespmem:s22+$0x3800] =	vst v2  }
0x26: {  	[tilespmem:s22+$0x3810] =	vst v2  }
0x27: {  	[tilespmem:s22+$0x3820] =	vst v2  }
0x28: {  	[tilespmem:s22+$0x3830] =	vst v2  }
0x29: {  	[tilespmem:s22+$0x3840] =	vst v2  }
0x2a: {  	[tilespmem:s22+$0x3850] =	vst v2  }
0x2b: {  	[tilespmem:s22+$0x3860] =	vst v2  }
0x2c: {  	[spmem:s4] =	stream.linear.scatter [tilespmem:s16], [sflag:$0x1], $0x800, $0x38;
	[tilespmem:$0x8000] =	vst v63  }
0x2d: {  	_ =	swait.ge [sflag:s17], $0x800  }
0x2e: {  	[sflag:s17] =	ssyncset.done $0x0  }
0x2f: {  	[sflag:s17] =	ssyncadd.s32 $0xFFFFF800  }
0x30: {  	[spmem:s5] =	stream.linear.scatter [tilespmem:s16], [sflag:$0x1], $0x800, $0x38;
	[tilespmem:$0x8000] =	vst v63  }
0x31: {  	_ =	swait.ge [sflag:s17], $0x800  }
0x32: {  	[sflag:s17] =	ssyncset.done $0x0  }
0x33: {  	[sflag:s17] =	ssyncadd.s32 $0xFFFFF800  }
0x34: {  	[spmem:s6] =	stream.linear.scatter [tilespmem:s16], [sflag:$0x1], $0x800, $0x38;
	[tilespmem:$0x8000] =	vst v63  }
0x35: {  	_ =	swait.ge [sflag:s17], $0x800  }
0x36: {  	[sflag:s17] =	ssyncset.done $0x0  }
0x37: {  	[sflag:s17] =	ssyncadd.s32 $0xFFFFF800  }
0x38: {  	[spmem:s7] =	stream.linear.scatter [tilespmem:s16], [sflag:$0x1], $0x800, $0x38;
	[tilespmem:$0x8000] =	vst v63  }
0x39: {  	_ =	swait.ge [sflag:s17], $0x800  }
0x3a: {  	[sflag:s17] =	ssyncset.done $0x0  }
0x3b: {  	[sflag:s17] =	ssyncadd.s32 $0xFFFFF800  }
0x3c: {  	[spmem:s8] =	stream.linear.scatter [tilespmem:s16], [sflag:$0x1], $0x800, $0x38;
	[tilespmem:$0x8000] =	vst v63  }
0x3d: {  	_ =	swait.ge [sflag:s17], $0x800  }
0x3e: {  	[sflag:s17] =	ssyncset.done $0x0  }
0x3f: {  	[sflag:s17] =	ssyncadd.s32 $0xFFFFF800  }
0x40: {  	s30 =	simm.s32 $0x0;
	[bflag:$0x0] =	sbarrier.arrive $0xFFFF  }
0x41: {  	[tilespmem:s30], [sflag:$0x1] =	stream.linear.gather [hbm4b:s9+s30], $0x2800, $0x38;
	[tilespmem:$0x8000] =	vst v63  }
0x42: {  	_ =	swait.ge [sflag:s17], $0x2800  }
0x43: {  	[sflag:s17] =	ssyncset.done $0x0  }
0x44: {  	s31 =	simm.s32 $0x0;
	[sflag:s17] =	ssyncadd.s32 $0xFFFFD800  }
0x45: {  	[spmem:s2] =	stream.indirect.scatter.add.f32 [tilespmem:s19], [sflag:$0x1], $0x10, s31, s18, $0xb8;
	[tilespmem:$0x8000] =	vst v63  }
0x46: {  	_ =	swait.ge [sflag:s17], $0x800  }
0x47: {  	s22 =	simm.s32 $0x200;
	[sflag:s17] =	ssyncset.done $0x0  }
.LBB2_6:
0x48: {  	s23 =	sshra.s32 s22, $0x2;
	[sflag:s17] =	ssyncadd.s32 $0xFFFFF800;
	p0 =	sne.s32 s22, $0x9E00  }
0x49: {  	[spmem:s2] =	stream.indirect.scatter.add.f32 [tilespmem:s19], [sflag:$0x1], $0x10, s23, s18, $0xb8;
	[tilespmem:$0x8000] =	vst v63  }
.Ltmp2:
0x4a: {  	_ = 	snop;
	(pc) =	sbr.rel @p0 .LBB2_6-.Ltmp2, $4  }
0x4b: {  	_ = 	snop  }
0x4c: {  	s22 =	sadd.s32 $0x200, s22  }
0x4d: {  	_ =	swait.ge [sflag:s17], $0x800  }
0x4e: {  	[sflag:s17] =	ssyncset.done $0x0  }
0x4f: {  	[sflag:s17] =	ssyncadd.s32 $0xFFFFF800  }
0x50: {  	[bflag:$0x0] =	sbarrier.arrive $0xFFFF  }
0x51: {  	[tilespmem:s16], [sflag:$0x1] =	stream.linear.gather [spmem:s4], $0x800, $0x38;
	[tilespmem:$0x8000] =	vst v63  }
0x52: {  	_ =	swait.ge [sflag:s17], $0x800  }
0x53: {  	[sflag:s17] =	ssyncset.done $0x0  }
0x54: {  	[sflag:s17] =	ssyncadd.s32 $0xFFFFF800  }
0x55: {  	v18 =	vld.idx.msk [tilespmem:v0+s16+$0x0], $0xffff;
	_ =	sdelay $0x4  }
0x56: {  	[tilespmem:v1+s20+$0x0] =	vst.idx.msk $0xffff, v18  }
0x57: {  	v18 =	vld.idx.msk [tilespmem:v4+s16+$0x0], $0xffff;
	_ =	sdelay $0x4  }
0x58: {  	[tilespmem:v5+s20+$0x0] =	vst.idx.msk $0xffff, v18  }
0x59: {  	v18 =	vld.idx.msk [tilespmem:v6+s16+$0x0], $0xffff;
	_ =	sdelay $0x4  }
0x5a: {  	[tilespmem:v7+s20+$0x0] =	vst.idx.msk $0xffff, v18  }
0x5b: {  	v18 =	vld.idx.msk [tilespmem:v8+s16+$0x0], $0xffff;
	_ =	sdelay $0x4  }
0x5c: {  	[tilespmem:v9+s20+$0x0] =	vst.idx.msk $0xffff, v18  }
0x5d: {  	v18 =	vld.idx.msk [tilespmem:v10+s16+$0x0], $0xffff;
	_ =	sdelay $0x4  }
0x5e: {  	[tilespmem:v11+s20+$0x0] =	vst.idx.msk $0xffff, v18  }
0x5f: {  	v18 =	vld.idx.msk [tilespmem:v12+s16+$0x0], $0xffff;
	_ =	sdelay $0x4  }
0x60: {  	[tilespmem:v13+s20+$0x0] =	vst.idx.msk $0xffff, v18  }
0x61: {  	v18 =	vld.idx.msk [tilespmem:v14+s16+$0x0], $0xffff;
	_ =	sdelay $0x4  }
0x62: {  	[tilespmem:v15+s20+$0x0] =	vst.idx.msk $0xffff, v18  }
0x63: {  	v18 =	vld.idx.msk [tilespmem:v16+s16+$0x0], $0xffff;
	_ =	sdelay $0x4  }
0x64: {  	[tilespmem:v17+s20+$0x0] =	vst.idx.msk $0xffff, v18  }
0x65: {  	[hbm4b:s10+s3] =	stream.linear.scatter [tilespmem:s20], [sflag:$0x1], $0x2000, $0x38;
	[tilespmem:$0x8000] =	vst v63  }
0x66: {  	_ =	swait.ge [sflag:s17], $0x2000  }
0x67: {  	[sflag:s17] =	ssyncset.done $0x0  }
0x68: {  	[sflag:s17] =	ssyncadd.s32 $0xFFFFE000  }
0x69: {  	[tilespmem:s16], [sflag:$0x1] =	stream.linear.gather [spmem:s5], $0x800, $0x38;
	[tilespmem:$0x8000] =	vst v63  }
0x6a: {  	_ =	swait.ge [sflag:s17], $0x800  }
0x6b: {  	[sflag:s17] =	ssyncset.done $0x0  }
0x6c: {  	[sflag:s17] =	ssyncadd.s32 $0xFFFFF800  }
0x6d: {  	v18 =	vld.idx.msk [tilespmem:v0+s16+$0x0], $0xffff;
	_ =	sdelay $0x4  }
0x6e: {  	[tilespmem:v1+s20+$0x0] =	vst.idx.msk $0xffff, v18  }
0x6f: {  	v18 =	vld.idx.msk [tilespmem:v4+s16+$0x0], $0xffff;
	_ =	sdelay $0x4  }
0x70: {  	[tilespmem:v5+s20+$0x0] =	vst.idx.msk $0xffff, v18  }
0x71: {  	v18 =	vld.idx.msk [tilespmem:v6+s16+$0x0], $0xffff;
	_ =	sdelay $0x4  }
0x72: {  	[tilespmem:v7+s20+$0x0] =	vst.idx.msk $0xffff, v18  }
0x73: {  	v18 =	vld.idx.msk [tilespmem:v8+s16+$0x0], $0xffff;
	_ =	sdelay $0x4  }
0x74: {  	[tilespmem:v9+s20+$0x0] =	vst.idx.msk $0xffff, v18  }
0x75: {  	v18 =	vld.idx.msk [tilespmem:v10+s16+$0x0], $0xffff;
	_ =	sdelay $0x4  }
0x76: {  	[tilespmem:v11+s20+$0x0] =	vst.idx.msk $0xffff, v18  }
0x77: {  	v18 =	vld.idx.msk [tilespmem:v12+s16+$0x0], $0xffff;
	_ =	sdelay $0x4  }
0x78: {  	[tilespmem:v13+s20+$0x0] =	vst.idx.msk $0xffff, v18  }
0x79: {  	v18 =	vld.idx.msk [tilespmem:v14+s16+$0x0], $0xffff;
	_ =	sdelay $0x4  }
0x7a: {  	[tilespmem:v15+s20+$0x0] =	vst.idx.msk $0xffff, v18  }
0x7b: {  	v18 =	vld.idx.msk [tilespmem:v16+s16+$0x0], $0xffff;
	_ =	sdelay $0x4  }
0x7c: {  	[tilespmem:v17+s20+$0x0] =	vst.idx.msk $0xffff, v18  }
0x7d: {  	[hbm4b:s11+s3] =	stream.linear.scatter [tilespmem:s20], [sflag:$0x1], $0x2000, $0x38;
	[tilespmem:$0x8000] =	vst v63  }
0x7e: {  	_ =	swait.ge [sflag:s17], $0x2000  }
0x7f: {  	[sflag:s17] =	ssyncset.done $0x0  }
0x80: {  	[sflag:s17] =	ssyncadd.s32 $0xFFFFE000  }
0x81: {  	[tilespmem:s16], [sflag:$0x1] =	stream.linear.gather [spmem:s6], $0x800, $0x38;
	[tilespmem:$0x8000] =	vst v63  }
0x82: {  	_ =	swait.ge [sflag:s17], $0x800  }
0x83: {  	[sflag:s17] =	ssyncset.done $0x0  }
0x84: {  	[sflag:s17] =	ssyncadd.s32 $0xFFFFF800  }
0x85: {  	v18 =	vld.idx.msk [tilespmem:v0+s16+$0x0], $0xffff;
	_ =	sdelay $0x4  }
0x86: {  	[tilespmem:v1+s20+$0x0] =	vst.idx.msk $0xffff, v18  }
0x87: {  	v18 =	vld.idx.msk [tilespmem:v4+s16+$0x0], $0xffff;
	_ =	sdelay $0x4  }
0x88: {  	[tilespmem:v5+s20+$0x0] =	vst.idx.msk $0xffff, v18  }
0x89: {  	v18 =	vld.idx.msk [tilespmem:v6+s16+$0x0], $0xffff;
	_ =	sdelay $0x4  }
0x8a: {  	[tilespmem:v7+s20+$0x0] =	vst.idx.msk $0xffff, v18  }
0x8b: {  	v18 =	vld.idx.msk [tilespmem:v8+s16+$0x0], $0xffff;
	_ =	sdelay $0x4  }
0x8c: {  	[tilespmem:v9+s20+$0x0] =	vst.idx.msk $0xffff, v18  }
0x8d: {  	v18 =	vld.idx.msk [tilespmem:v10+s16+$0x0], $0xffff;
	_ =	sdelay $0x4  }
0x8e: {  	[tilespmem:v11+s20+$0x0] =	vst.idx.msk $0xffff, v18  }
0x8f: {  	v18 =	vld.idx.msk [tilespmem:v12+s16+$0x0], $0xffff;
	_ =	sdelay $0x4  }
0x90: {  	[tilespmem:v13+s20+$0x0] =	vst.idx.msk $0xffff, v18  }
0x91: {  	v18 =	vld.idx.msk [tilespmem:v14+s16+$0x0], $0xffff;
	_ =	sdelay $0x4  }
0x92: {  	[tilespmem:v15+s20+$0x0] =	vst.idx.msk $0xffff, v18  }
0x93: {  	v18 =	vld.idx.msk [tilespmem:v16+s16+$0x0], $0xffff;
	_ =	sdelay $0x4  }
0x94: {  	[tilespmem:v17+s20+$0x0] =	vst.idx.msk $0xffff, v18  }
0x95: {  	[hbm4b:s12+s3] =	stream.linear.scatter [tilespmem:s20], [sflag:$0x1], $0x2000, $0x38;
	[tilespmem:$0x8000] =	vst v63  }
0x96: {  	_ =	swait.ge [sflag:s17], $0x2000  }
0x97: {  	[sflag:s17] =	ssyncset.done $0x0  }
0x98: {  	[sflag:s17] =	ssyncadd.s32 $0xFFFFE000  }
0x99: {  	[tilespmem:s16], [sflag:$0x1] =	stream.linear.gather [spmem:s7], $0x800, $0x38;
	[tilespmem:$0x8000] =	vst v63  }
0x9a: {  	_ =	swait.ge [sflag:s17], $0x800  }
0x9b: {  	[sflag:s17] =	ssyncset.done $0x0  }
0x9c: {  	[sflag:s17] =	ssyncadd.s32 $0xFFFFF800  }
0x9d: {  	v18 =	vld.idx.msk [tilespmem:v0+s16+$0x0], $0xffff;
	_ =	sdelay $0x4  }
0x9e: {  	[tilespmem:v1+s20+$0x0] =	vst.idx.msk $0xffff, v18  }
0x9f: {  	v18 =	vld.idx.msk [tilespmem:v4+s16+$0x0], $0xffff;
	_ =	sdelay $0x4  }
0xa0: {  	[tilespmem:v5+s20+$0x0] =	vst.idx.msk $0xffff, v18  }
0xa1: {  	v18 =	vld.idx.msk [tilespmem:v6+s16+$0x0], $0xffff;
	_ =	sdelay $0x4  }
0xa2: {  	[tilespmem:v7+s20+$0x0] =	vst.idx.msk $0xffff, v18  }
0xa3: {  	v18 =	vld.idx.msk [tilespmem:v8+s16+$0x0], $0xffff;
	_ =	sdelay $0x4  }
0xa4: {  	[tilespmem:v9+s20+$0x0] =	vst.idx.msk $0xffff, v18  }
0xa5: {  	v18 =	vld.idx.msk [tilespmem:v10+s16+$0x0], $0xffff;
	_ =	sdelay $0x4  }
0xa6: {  	[tilespmem:v11+s20+$0x0] =	vst.idx.msk $0xffff, v18  }
0xa7: {  	v18 =	vld.idx.msk [tilespmem:v12+s16+$0x0], $0xffff;
	_ =	sdelay $0x4  }
0xa8: {  	[tilespmem:v13+s20+$0x0] =	vst.idx.msk $0xffff, v18  }
0xa9: {  	v18 =	vld.idx.msk [tilespmem:v14+s16+$0x0], $0xffff;
	_ =	sdelay $0x4  }
0xaa: {  	[tilespmem:v15+s20+$0x0] =	vst.idx.msk $0xffff, v18  }
0xab: {  	v18 =	vld.idx.msk [tilespmem:v16+s16+$0x0], $0xffff;
	_ =	sdelay $0x4  }
0xac: {  	[tilespmem:v17+s20+$0x0] =	vst.idx.msk $0xffff, v18  }
0xad: {  	[hbm4b:s13+s3] =	stream.linear.scatter [tilespmem:s20], [sflag:$0x1], $0x2000, $0x38;
	[tilespmem:$0x8000] =	vst v63  }
0xae: {  	_ =	swait.ge [sflag:s17], $0x2000  }
0xaf: {  	[sflag:s17] =	ssyncset.done $0x0  }
0xb0: {  	[sflag:s17] =	ssyncadd.s32 $0xFFFFE000  }
0xb1: {  	[tilespmem:s16], [sflag:$0x1] =	stream.linear.gather [spmem:s8], $0x800, $0x38;
	[tilespmem:$0x8000] =	vst v63  }
0xb2: {  	_ =	swait.ge [sflag:s17], $0x800  }
0xb3: {  	[sflag:s17] =	ssyncset.done $0x0  }
0xb4: {  	[sflag:s17] =	ssyncadd.s32 $0xFFFFF800  }
0xb5: {  	v18 =	vld.idx.msk [tilespmem:v0+s16+$0x0], $0xffff;
	_ =	sdelay $0x4  }
0xb6: {  	[tilespmem:v1+s20+$0x0] =	vst.idx.msk $0xffff, v18  }
0xb7: {  	v18 =	vld.idx.msk [tilespmem:v4+s16+$0x0], $0xffff;
	_ =	sdelay $0x4  }
0xb8: {  	[tilespmem:v5+s20+$0x0] =	vst.idx.msk $0xffff, v18  }
0xb9: {  	v18 =	vld.idx.msk [tilespmem:v6+s16+$0x0], $0xffff;
	_ =	sdelay $0x4  }
0xba: {  	[tilespmem:v7+s20+$0x0] =	vst.idx.msk $0xffff, v18  }
0xbb: {  	v18 =	vld.idx.msk [tilespmem:v8+s16+$0x0], $0xffff;
	_ =	sdelay $0x4  }
0xbc: {  	[tilespmem:v9+s20+$0x0] =	vst.idx.msk $0xffff, v18  }
0xbd: {  	v18 =	vld.idx.msk [tilespmem:v10+s16+$0x0], $0xffff;
	_ =	sdelay $0x4  }
0xbe: {  	[tilespmem:v11+s20+$0x0] =	vst.idx.msk $0xffff, v18  }
0xbf: {  	v18 =	vld.idx.msk [tilespmem:v12+s16+$0x0], $0xffff;
	_ =	sdelay $0x4  }
0xc0: {  	[tilespmem:v13+s20+$0x0] =	vst.idx.msk $0xffff, v18  }
0xc1: {  	v18 =	vld.idx.msk [tilespmem:v14+s16+$0x0], $0xffff;
	_ =	sdelay $0x4  }
0xc2: {  	[tilespmem:v15+s20+$0x0] =	vst.idx.msk $0xffff, v18  }
0xc3: {  	v18 =	vld.idx.msk [tilespmem:v16+s16+$0x0], $0xffff;
	_ =	sdelay $0x2  }
0xc4: {  	s21 =	sadd.s32 $0x1, s21  }
0xc5: {  	p0 =	sne.s32 s21, s15  }
.Ltmp3:
0xc6: {  	[tilespmem:v17+s20+$0x0] =	vst.idx.msk $0xffff, v18;
	(pc) =	sbr.rel @p0 .LBB2_1-.Ltmp3, $4  }
0xc7: {  	[hbm4b:s14+s3] =	stream.linear.scatter [tilespmem:s20], [sflag:$0x1], $0x2000, $0x38;
	[tilespmem:$0x8000] =	vst v63  }
0xc8: {  	_ =	swait.ge [sflag:s17], $0x2000  }
0xc9: {  	[sflag:s17] =	ssyncset.done $0x0  }
0xca: {  	[sflag:s17] =	ssyncadd.s32 $0xFFFFE000  }
0xcb: {  	_ =	sfence.sel $0x180000  }
0xcc: {  	[bflag:$0x0] =	sbarrier.arrive $0xFFFF  }
0xcd: {  	p0 =	sne.s32 s1, $0x0;
	_ =	strace $0x90000047  }
0xce: {  	s0 =	sadd.s32 @!p0 $0x100000, s0;
	[bflag:$0x2] =	sbarrier.arrive $0xFFFF  }
0xcf: {  	[sflag:s0] =	ssyncadd.tile.s32 @!p0 $0x1;
	_ =	shalt  }
.Lfunc_end2:
_tile_overlayer_lowered:
.L_overlay_start_2:
0xd0: {  	(tag) =	ssettag $0x2  }
0xd1: {  	s0 =	rddreg [dreg:$0x0];
	s2 =	stileid.u32  }
0xd2: {  	s1 =	rddreg [dreg:$0x1];
	p0 =	sne.s32 s2, $0x0  }
0xd3: {  	s3 =	rddreg [dreg:$0x2];
	[bflag:$0x3] =	sbarrier.arrive $0xFFFF;
	s2 =	simm.s32 @!p0 $0x1C01  }
0xd4: {  	[timem:s3], [sflag:s2] =	dma.local @!p0 [hbm:s0], s1  }
0xd5: {  	s0 =	simm.s32 @!p0 $0x1  }
0xd6: {  	_ =	swait.ge @!p0 [sflag:s0], s1  }
0xd7: {  	s1 =	ssub.s32 @!p0 $0x0, s1;
	[sflag:s0] =	ssyncset.done @!p0 $0x0  }
0xd8: {  	[sflag:s0] =	ssyncadd.s32 @!p0 s1  }
0xd9: {  	[bflag:$0x3] =	sbarrier.arrive $0xFFFF  }
0xda: {  	_ =	shalt  }

// kernel: kernel.14.cloned.1.call-start
scs
__scs_entry_jumppad:
0x0: {  	(pc) =	sbr.rel $0x88, $3  }
0x1: {  	(tag) =	ssettag $0x0;
	lr =	simm.s32 $0x1  }
0x2: {  	[smem:$0x3F8C] =	sst lr;
	_ =	strace $0xD0000000  }
0x3: {  	_ = 	snop  }
0x4: {  	_ = 	snop  }
0x5: {  	_ = 	snop  }
0x6: {  	_ = 	snop  }
0x7: {  	_ = 	snop  }
__scs_overlays_trampoline_lowered:
0x8: {  	[smem:$0x3F9B] =	sst s0  }
0x9: {  	[smem:$0x3F9C] =	sst s1  }
0xa: {  	[smem:$0x3F9D] =	sst s2  }
0xb: {  	[smem:$0x3F9E] =	sst s3  }
0xc: {  	[smem:$0x3F9F] =	sst s4  }
0xd: {  	[smem:$0x3FA0] =	sst s5  }
0xe: {  	[smem:$0x3FA1] =	sst s6  }
0xf: {  	[smem:$0x3FA2] =	sst s7  }
0x10: {  	[smem:$0x3FA3] =	sst s8  }
0x11: {  	[smem:$0x3FA4] =	sst s9;
	s0 =	simm.s32 @!p0 $0x0  }
0x12: {  	s1 =	sld [smem:$0x3F8A];
	s0 =	simm.s32 @p0 $0x1  }
0x13: {  	[smem:$0x3FA5] =	sst s0;
	s0 =	simm.s32 @!p1 $0x0  }
0x14: {  	s2 =	sld [smem:$0x3F89];
	s0 =	simm.s32 @p1 $0x1  }
0x15: {  	[smem:$0x3FA6] =	sst s0;
	s0 =	simm.s32 @!p2 $0x0  }
0x16: {  	s3 =	sld [smem:$0x3FDB];
	s0 =	simm.s32 @p2 $0x1  }
0x17: {  	s4 =	simm.s32 $0x1BF5;
	[smem:$0x3FA8] =	sst s0  }
0x18: {  	s0 =	sld [smem:$0x3F8B];
	_ =	swait.ge [sflag:s4], $0x0  }
0x19: {  	s7 =	sld [smem:$0x3F8C]  }
0x1a: {  	s8 =	sadd.s32 $0xFFFFE003, lr  }
0x1b: {  	s9 =	sadd.s32 $0xFFFFFEF7, lr;
	s5 =	simm.s32 $0xFFFFFFFF;
	p2 =	slt.u32 s8, $0xFFFFF086  }
0x1c: {  	p1 =	slt.u32 s9, $0xF7A;
	s5 =	simm.s32 @!p2 $0x0  }
0x1d: {  	s5 =	simm.s32 @p1 $0x1;
	p0 =	seq.s32 s7, s2  }
0x1e: {  	s7 =	smul.u32 @!p0 $0xF7A, s2;
	p2 =	seq.s32 @!p0 s5, $0x0  }
0x1f: {  	s9 =	smul.u32 $0xF7A, s1;
	s8 =	simm.s32 @!p0 $0x1BF5;
	p2 =	por !p2, p0  }
0x20: {  	[sflag:s8] =	ssyncset.s32 @!p0 $0xFFFFF086;
	s6 =	sadd.s32 @!p0 s3, s7;
	s7 =	simm.s32 @!p0 $0x108  }
0x21: {  	s3 =	sadd.s32 s3, s9;
	s6 =	sadd.s32 @!p0 $0x88, s6;
	s7 =	simm.s32 @p2 $0x1082  }
0x22: {  	[simem:s7], [sflag:s8] =	dma.local @!p0 [hbm:s6], $0xF7A  }
0x23: {  	s9 =	sor.u32 $0xD0000000, s2;
	s6 =	simm.s32 $0x108;
	_ =	swait.ge @!p0 [sflag:s8], $0x0  }
0x24: {  	s3 =	sadd.s32 $0x88, s3;
	s6 =	simm.s32 @!p1 $0x1082;
	[sflag:s4] =	ssyncset.s32 $0xFFFFF086  }
0x25: {  	[simem:s6], [sflag:s4] =	dma.local [hbm:s3], $0xF7A  }
0x26: {  	[smem:$0x3F8C] =	sst s1;
	(tag) =	ssettag s2;
	_ =	strace s9  }
0x27: {  	s1 =	sld [smem:$0x3F9C]  }
0x28: {  	s2 =	sld [smem:$0x3F9D]  }
0x29: {  	s4 =	sld [smem:$0x3F9F]  }
0x2a: {  	p0 =	seq.s32 s5, $0x0;
	s5 =	sld [smem:$0x3FA0]  }
0x2b: {  	s6 =	sld [smem:$0x3FA1]  }
0x2c: {  	s7 =	sld [smem:$0x3FA2]  }
0x2d: {  	s3 =	simm.s32 $0x108;
	s8 =	sld [smem:$0x3FA3]  }
0x2e: {  	s3 =	simm.s32 @!p0 $0x1082;
	s9 =	sld [smem:$0x3FA4]  }
0x2f: {  	lr =	sadd.s32 s0, s3;
	s0 =	sld [smem:$0x3F9B]  }
0x30: {  	s3 =	sld [smem:$0x3F9E]  }
0x31: {  	[smem:$0x3FA7] =	sst s10  }
0x32: {  	s10 =	sld [smem:$0x3FA5];
	_ =	sdelay $0x3  }
0x33: {  	p0 =	seq.s32 s10, $0x1;
	s10 =	sld [smem:$0x3FA7];
	_ =	sdelay $0x3  }
0x34: {  	[smem:$0x3FA7] =	sst s10  }
0x35: {  	s10 =	sld [smem:$0x3FA6];
	_ =	sdelay $0x3  }
0x36: {  	p1 =	seq.s32 s10, $0x1;
	s10 =	sld [smem:$0x3FA7];
	_ =	sdelay $0x3  }
0x37: {  	[smem:$0x3FA7] =	sst s10  }
0x38: {  	s10 =	sld [smem:$0x3FA8]  }
0x39: {  	_ = 	snop;
	(pc) =	sbr.ind lr, $3  }
0x3a: {  	_ = 	snop  }
0x3b: {  	_ = 	snop  }
0x3c: {  	p2 =	seq.s32 s10, $0x1;
	s10 =	sld [smem:$0x3FA7]  }
0x3d: {  	_ =	shalt  }
0x3e: {  	_ =	shalt  }
0x3f: {  	_ =	shalt  }
0x40: {  	_ =	shalt  }
0x41: {  	_ =	shalt  }
0x42: {  	_ =	shalt  }
0x43: {  	_ =	shalt  }
0x44: {  	_ =	shalt  }
0x45: {  	_ =	shalt  }
0x46: {  	_ =	shalt  }
0x47: {  	_ =	shalt  }
0x48: {  	_ =	shalt  }
0x49: {  	_ =	shalt  }
0x4a: {  	_ =	shalt  }
0x4b: {  	_ =	shalt  }
0x4c: {  	_ =	shalt  }
0x4d: {  	_ =	shalt  }
0x4e: {  	_ =	shalt  }
0x4f: {  	_ =	shalt  }
0x50: {  	_ =	shalt  }
0x51: {  	_ =	shalt  }
0x52: {  	_ =	shalt  }
0x53: {  	_ =	shalt  }
0x54: {  	_ =	shalt  }
0x55: {  	_ =	shalt  }
0x56: {  	_ =	shalt  }
0x57: {  	_ =	shalt  }
0x58: {  	_ =	shalt  }
0x59: {  	_ =	shalt  }
0x5a: {  	_ =	shalt  }
0x5b: {  	_ =	shalt  }
0x5c: {  	_ =	shalt  }
0x5d: {  	_ =	shalt  }
0x5e: {  	_ =	shalt  }
0x5f: {  	_ =	shalt  }
0x60: {  	_ =	shalt  }
0x61: {  	_ =	shalt  }
0x62: {  	_ =	shalt  }
0x63: {  	_ =	shalt  }
0x64: {  	_ =	shalt  }
0x65: {  	_ =	shalt  }
0x66: {  	_ =	shalt  }
0x67: {  	_ =	shalt  }
0x68: {  	_ =	shalt  }
0x69: {  	_ =	shalt  }
0x6a: {  	_ =	shalt  }
0x6b: {  	_ =	shalt  }
0x6c: {  	_ =	shalt  }
0x6d: {  	_ =	shalt  }
0x6e: {  	_ =	shalt  }
0x6f: {  	_ =	shalt  }
0x70: {  	_ =	shalt  }
0x71: {  	_ =	shalt  }
0x72: {  	_ =	shalt  }
0x73: {  	_ =	shalt  }
0x74: {  	_ =	shalt  }
0x75: {  	_ =	shalt  }
0x76: {  	_ =	shalt  }
0x77: {  	_ =	shalt  }
0x78: {  	_ =	shalt  }
0x79: {  	_ =	shalt  }
0x7a: {  	_ =	shalt  }
0x7b: {  	_ =	shalt  }
0x7c: {  	_ =	shalt  }
0x7d: {  	_ =	shalt  }
0x7e: {  	_ =	shalt  }
0x7f: {  	_ =	shalt  }
0x80: {  	_ =	shalt  }
0x81: {  	_ =	shalt  }
0x82: {  	_ =	shalt  }
0x83: {  	_ =	shalt  }
0x84: {  	_ =	shalt  }
0x85: {  	_ =	shalt  }
0x86: {  	_ =	shalt  }
0x87: {  	_ =	shalt  }
.Lfunc_end0:
.L_simem_size_0:
called_computation.1_lowered:
.L_overlay_start_0:
0x88: {  	s2 =	sld [smem:$0x3FD9]  }
0x89: {  	s3 =	sld [smem:$0x3FFE];
	_ =	sdelay $0x1  }
0x8a: {  	s1 =	srdreg.scid  }
0x8b: {  	s0 =	sand.u32 $0x1, s1  }
0x8c: {  	s16 =	sshll.u32 s0, $0xA;
	s2 =	sadd.s32 s3, s2  }
0x8d: {  	s2 =	sadd.s32 s2, s16  }
0x8e: {  	[smem:$0x3FB3] =	sst s2  }
0x8f: {  	_ = 	snop  }
0x90: {  	(tm) =	ssettm $0x1  }
0x91: {  	s17 =	sld [smem:$0x3FFB];
	_ =	sdelay $0x3  }
0x92: {  	_ =	strace s17  }
0x93: {  	s2 =	sld [smem:$0x3FFC];
	_ =	sdelay $0x3  }
0x94: {  	_ =	strace s2  }
0x95: {  	s2 =	sld [smem:$0x3FFD];
	_ =	sdelay $0x3  }
0x96: {  	_ =	strace s2  }
0x97: {  	_ =	strace $0x8FFFFFFF  }
0x98: {  	s18 =	sld [smem:$0x3FDB];
	_ =	sdelay $0x1  }
0x99: {  	s19 =	simm.s32 $_scs_section_size  }
0x9a: {  	s4 =	simm.s32 $_size__tile_overlayer_lowered;
	s5 =	simm.s32 $_tile_overlayer_lowered  }
0x9b: {  	s22 =	simm.s32 $0x1BFF;
	s21 =	sshll.u32 s5, $0x1;
	s2 =	sadd.s32 s19, s18  }
0x9c: {  	s6 =	simm.s32 $0x0;
	s20 =	sshll.u32 s4, $0x1;
	s4 =	sadd.s32 s21, s2  }
0x9d: {  	[timem:s6], [sflag:s22] =	dma.local [hbm:s4], s20  }
0x9e: {  	_ =	swait.ge [sflag:s22], s20  }
0x9f: {  	s3 =	ssub.s32 $0x0, s20;
	[sflag:s22] =	ssyncset.done $0x0  }
0xa0: {  	[sflag:s22] =	ssyncadd.s32 s3;
	_ =	sdelay $0x1  }
0xa1: {  	s23 =	simm.s32 $0x1B8B  }
0xa2: {  	_ =	swait.ge [sflag:s23], $0x1  }
0xa3: {  	[sflag:s23] =	ssyncset.done $0x0  }
0xa4: {  	s25 =	simm.s32 $0x1B8E;
	s24 =	sld [smem:$0x3FFE];
	[sflag:s23] =	ssyncadd.s32 $0xFFFFFFFF  }
0xa5: {  	s26 =	simm.s32 $execute0_lowered;
	[smem:$0x3FD2] =	sst s25  }
0xa6: {  	s4 =	sshll.u32 s26, $0x1;
	_ =	strace $0x80000049;
	[dreg:$0x1] =	wrdreg $0xFFFFFFFF  }
0xa7: {  	s28 =	simm.s32 $_size_execute0_lowered;
	s2 =	sadd.s32 s2, s4;
	[dreg:$0x0] =	wrdreg $0x0  }
0xa8: {  	s4 =	sshll.u32 s28, $0x1;
	[dreg:$0x2] =	wrdreg s2  }
0xa9: {  	[dreg:$0x3] =	wrdreg s4  }
0xaa: {  	[dreg:$0x4] =	wrdreg $0xC0  }
0xab: {  	_ =	task [dreg:s6], $0x5FFFF  }
0xac: {  	[dreg:$0x1] =	wrdreg $0xFFFFFFFF  }
0xad: {  	[dreg:$0x0] =	wrdreg $0x60  }
0xae: {  	[dreg:$0x2] =	wrdreg s24  }
0xaf: {  	[dreg:$0x3] =	wrdreg $0xF0000  }
0xb0: {  	[dreg:$0x4] =	wrdreg $0x9  }
0xb1: {  	_ =	task.clear_ibuf [dreg:s6], $0x5FFFF;
	_ =	strace $0x90000049  }
0xb2: {  	s29 =	simm.s32 $0x9;
	_ =	strace $0x8000004B  }
0xb3: {  	_ =	swait.ge [sflag:s29], $0x1  }
0xb4: {  	[sflag:s29] =	ssyncadd.s32 $0xFFFFFFFF  }
0xb5: {  	_ =	strace $0x9000004B  }
0xb6: {  	_ =	sfence  }
0xb7: {  	s30 =	sld [smem:$0x0];
	_ =	sdelay $0x2  }
0xb8: {  	s31 =	sshll.u32 s1, $0xD;
	s1 =	sshrl.u32 s1, $0x2  }
0xb9: {  	s3 =	sand.u32 $0x4000, s31;
	s1 =	sadd.s32 s1, s30  }
0xba: {  	s0 =	sor.u32 s3, s0;
	s1 =	sshll.u32 s1, $0x11  }
0xbb: {  	s0 =	sor.u32 s1, s0  }
0xbc: {  	s0 =	sadd.s32 $0x8F2B, s0  }
0xbd: {  	[sflag:s0] =	ssyncadd.remote.s32 $0x1  }
0xbe: {  	_ =	sfence.sel $0xFFFF  }
0xbf: {  	[dreg:$0x0] =	wrdreg $0xFFFFFFFF;
	(pc) =	sbr.abs _section_cstart, $3  }
0xc0: {  	[dreg:$0x1] =	wrdreg $0xFFFFFFFF  }
0xc1: {  	_ =	task.clear_ibuf [dreg:s6], $0x2FFFF;
	_ =	strace $0x9FFFFFFF  }
0xc2: {  	(tm) =	ssettm $0x7FFFFFFF  }
0xc3: {  	_ =	shalt  }
tec
execute0_lowered:
.L_overlay_start_1:
0x0: {  	(tag) =	ssettag $0x1  }
0x1: {  	s1 =	rddreg [dreg:$0x0]  }
0x2: {  	s0 =	srdreg.scid;
	s2 =	rddreg [dreg:$0x1]  }
0x3: {  	s5 =	stileid.u32;
	s3 =	simm.s32 $0x0;
	s19 =	simm.s32 $0x6  }
0x4: {  	s21 =	simm.s32 $0x80;
	s22 =	simm.s32 $0x5000;
	s23 =	simm.s32 $0x7000  }
0x5: {  	s28 =	simm.s32 $0xB000;
	s29 =	simm.s32 $0x1;
	s30 =	simm.s32 $0x2  }
0x6: {  	s31 =	simm.s32 $0x3;
	s20 =	simm.s32 $0x0;
	s0 =	sand.u32 $0x1, s0  }
0x7: {  	[smem:$0x7FF] =	sst s3;
	s10 =	smul.u32 $0xA000, s5;
	s4 =	sshll.u32 s0, $0x4  }
0x8: {  	_ =	strace $0x8000004A;
	s25 =	ssub.s32 $0x2, s0;
	s0 =	smul.u32 $0xA0000, s0  }
0x9: {  	s4 =	sor.u32 s5, s4;
	s6 =	sshrl.u32 s25, $0x1;
	s12 =	sadd.s32 $0x2000, s10  }
0xa: {  	s5 =	sadd.s32 s10, s2;
	s14 =	sadd.s32 $0x4000, s10;
	s15 =	sadd.s32 $0x6000, s10  }
0xb: {  	s16 =	sadd.s32 $0x8000, s10;
	s4 =	smul.u32 $0x500, s4;
	s17 =	ssub.s32 s25, s6  }
0xc: {  	s6 =	sadd.s32 s12, s2;
	s7 =	sadd.s32 s14, s2;
	s8 =	sadd.s32 s15, s2  }
0xd: {  	s9 =	sadd.s32 s16, s2;
	s13 =	sadd.s32 s10, s0;
	s12 =	sadd.s32 s0, s12  }
0xe: {  	s14 =	sadd.s32 s0, s14;
	s15 =	sadd.s32 s0, s15;
	s0 =	sadd.s32 s0, s16  }
0xf: {  	s25 =	simm.s32 $0x9000;
	s13 =	sshrl.u32 s13, $0x3;
	s18 =	sshrl.u32 s12, $0x3  }
0x10: {  	s14 =	sshrl.u32 s14, $0x3;
	s15 =	sshrl.u32 s15, $0x3;
	s0 =	sshrl.u32 s0, $0x3  }
0x11: {  	s17 =	smax.u32 s17, $0x1;
	s11 =	sadd.s32 s4, s1;
	s4 =	sadd.s32 $0xF800, s1  }
0x12: {  	s1 =	sadd.s32 $0x41800, s1;
	s26 =	sadd.s32 $0x37800, s11;
	s11 =	sadd.s32 $0x5800, s11  }
0x13: {  	s12 =	sadd.s32 s1, s13;
	s13 =	sadd.s32 s1, s18;
	s14 =	sadd.s32 s1, s14  }
0x14: {  	s15 =	sadd.s32 s1, s15;
	s16 =	sadd.s32 s1, s0;
	s18 =	simm.s32 $0xD000  }
0x15: {  	v0 =	vimm.f32 $0.0e+00;
	s0 =	simm.s32 $0x4;
	s1 =	simm.s32 $0x5;
	[dreg:$0x3] =	wrdreg s26  }
.LBB2_1:
0x16: {  	s26 =	simm.s32 $0x100;
	s24 =	simm.s32 $0x0  }
.LBB2_2:
0x17: {  	p0 =	sne.s32 s26, $0x7F00;
	[tilespmem:s24+$0xD030] =	vst v0;
	s10 =	smov.u32 s26;
	s26 =	sadd.s32 $0x100, s26  }
.Ltmp0:
0x18: {  	[tilespmem:s24+$0xD020] =	vst v0;
	(pc) =	sbr.rel @p0 .LBB2_2-.Ltmp0, $3  }
0x19: {  	[tilespmem:s24+$0xD000] =	vst v0  }
0x1a: {  	[tilespmem:s24+$0xD010] =	vst v0;
	_ =	sdelay $0x1  }
0x1b: {  	s24 =	sshra.s32 s10, $0x2  }
0x1c: {  	[tilespmem:s24+$0xD030] =	vst v0  }
0x1d: {  	[tilespmem:s24+$0xD020] =	vst v0  }
0x1e: {  	[tilespmem:s24+$0xD000] =	vst v0  }
0x1f: {  	[tilespmem:s24+$0xD010] =	vst v0  }
0x20: {  	[spmem:s5] =	stream.linear.scatter [tilespmem:s18], [sflag:$0x6], $0x2000, $0x38;
	[tilespmem:$0x19000] =	vst v63  }
0x21: {  	_ =	swait.ge [sflag:s19], $0x2000  }
0x22: {  	[sflag:s19] =	ssyncset.done $0x0  }
0x23: {  	[sflag:s19] =	ssyncadd.s32 $0xFFFFE000  }
0x24: {  	[spmem:s6] =	stream.linear.scatter [tilespmem:s18], [sflag:$0x6], $0x2000, $0x38;
	[tilespmem:$0x19000] =	vst v63  }
0x25: {  	_ =	swait.ge [sflag:s19], $0x2000  }
0x26: {  	[sflag:s19] =	ssyncset.done $0x0  }
0x27: {  	[sflag:s19] =	ssyncadd.s32 $0xFFFFE000  }
0x28: {  	[spmem:s7] =	stream.linear.scatter [tilespmem:s18], [sflag:$0x6], $0x2000, $0x38;
	[tilespmem:$0x19000] =	vst v63  }
0x29: {  	_ =	swait.ge [sflag:s19], $0x2000  }
0x2a: {  	[sflag:s19] =	ssyncset.done $0x0  }
0x2b: {  	[sflag:s19] =	ssyncadd.s32 $0xFFFFE000  }
0x2c: {  	[spmem:s8] =	stream.linear.scatter [tilespmem:s18], [sflag:$0x6], $0x2000, $0x38;
	[tilespmem:$0x19000] =	vst v63  }
0x2d: {  	_ =	swait.ge [sflag:s19], $0x2000  }
0x2e: {  	[sflag:s19] =	ssyncset.done $0x0  }
0x2f: {  	[sflag:s19] =	ssyncadd.s32 $0xFFFFE000  }
0x30: {  	[spmem:s9] =	stream.linear.scatter [tilespmem:s18], [sflag:$0x6], $0x2000, $0x38;
	[tilespmem:$0x19000] =	vst v63  }
0x31: {  	_ =	swait.ge [sflag:s19], $0x2000  }
0x32: {  	[sflag:s19] =	ssyncset.done $0x0  }
0x33: {  	[sflag:s19] =	ssyncadd.s32 $0xFFFFE000  }
0x34: {  	[bflag:$0x0] =	sbarrier.arrive $0xFFFF  }
0x35: {  	s10 =	simm.s32 $0x0;
	s26 =	rddreg [dreg:$0x3]  }
0x36: {  	[tilespmem:s10], [sflag:$0x6] =	stream.linear.gather [hbm4b:s26+s10], $0x2800, $0x38;
	[tilespmem:$0x19000] =	vst v63  }
0x37: {  	_ =	swait.ge [sflag:s19], $0x2800  }
0x38: {  	[sflag:s19] =	ssyncset.done $0x0  }
0x39: {  	s26 =	simm.s32 $0x2800;
	[sflag:s19] =	ssyncadd.s32 $0xFFFFD800  }
0x3a: {  	[tilespmem:s26], [sflag:$0x6] =	stream.linear.gather [hbm4b:s11+s10], $0x2800, $0x38;
	[tilespmem:$0x19000] =	vst v63  }
0x3b: {  	_ =	swait.ge [sflag:s19], $0x2800  }
0x3c: {  	[sflag:s19] =	ssyncset.done $0x0  }
0x3d: {  	[sflag:s19] =	ssyncadd.s32 $0xFFFFD800  }
0x3e: {  	[tilespmem:s22], [sflag:$0x1] =	stream.indirect.gather [hbm4b:s4+s21], $0x40, s10, s21, $0xb8;
	[tilespmem:$0x19000] =	vst v63  }
0x3f: {  	_ = 	snop  }
0x40: {  	[tilespmem:s23], [sflag:$0x2] =	stream.indirect.gather [hbm4b:s4+s21], $0x40, s21, s21, $0xb8;
	[tilespmem:$0x19000] =	vst v63  }
0x41: {  	s26 =	simm.s32 $0x100  }
0x42: {  	[tilespmem:s25], [sflag:$0x3] =	stream.indirect.gather [hbm4b:s4+s21], $0x40, s26, s21, $0xb8;
	[tilespmem:$0x19000] =	vst v63  }
0x43: {  	s24 =	simm.s32 $0x180  }
0x44: {  	[tilespmem:s28], [sflag:$0x4] =	stream.indirect.gather [hbm4b:s4+s21], $0x40, s24, s21, $0xb8;
	[tilespmem:$0x19000] =	vst v63  }
0x45: {  	_ =	swait.ge [sflag:s29], $0x2000  }
0x46: {  	[sflag:s29] =	ssyncset.done $0x0  }
0x47: {  	s26 =	simm.s32 $0x2800;
	[sflag:s29] =	ssyncadd.s32 $0xFFFFE000  }
0x48: {  	[spmem:s2] =	stream.indirect.scatter.add.f32 [tilespmem:s22], [sflag:$0x6], $0x40, s26, s21, $0xb8;
	[tilespmem:$0x19000] =	vst v63  }
0x49: {  	_ =	swait.ge [sflag:s19], $0x2000  }
0x4a: {  	[sflag:s19] =	ssyncset.done $0x0  }
0x4b: {  	s24 =	simm.s32 $0x200;
	[sflag:s19] =	ssyncadd.s32 $0xFFFFE000  }
0x4c: {  	[tilespmem:s22], [sflag:$0x1] =	stream.indirect.gather [hbm4b:s4+s21], $0x40, s24, s21, $0xb8;
	[tilespmem:$0x19000] =	vst v63  }
0x4d: {  	_ =	swait.ge [sflag:s30], $0x2000  }
0x4e: {  	[sflag:s30] =	ssyncset.done $0x0  }
0x4f: {  	s26 =	simm.s32 $0x2880;
	[sflag:s30] =	ssyncadd.s32 $0xFFFFE000  }
0x50: {  	[spmem:s2] =	stream.indirect.scatter.add.f32 [tilespmem:s23], [sflag:$0x6], $0x40, s26, s21, $0xb8;
	[tilespmem:$0x19000] =	vst v63  }
0x51: {  	_ =	swait.ge [sflag:s19], $0x2000  }
0x52: {  	[sflag:s19] =	ssyncset.done $0x0  }
0x53: {  	s24 =	simm.s32 $0x280;
	[sflag:s19] =	ssyncadd.s32 $0xFFFFE000  }
0x54: {  	[tilespmem:s23], [sflag:$0x2] =	stream.indirect.gather [hbm4b:s4+s21], $0x40, s24, s21, $0xb8;
	[tilespmem:$0x19000] =	vst v63  }
0x55: {  	_ =	swait.ge [sflag:s31], $0x2000  }
0x56: {  	[sflag:s31] =	ssyncset.done $0x0  }
0x57: {  	s26 =	simm.s32 $0x2900;
	[sflag:s31] =	ssyncadd.s32 $0xFFFFE000  }
0x58: {  	[spmem:s2] =	stream.indirect.scatter.add.f32 [tilespmem:s25], [sflag:$0x6], $0x40, s26, s21, $0xb8;
	[tilespmem:$0x19000] =	vst v63  }
0x59: {  	_ =	swait.ge [sflag:s19], $0x2000  }
0x5a: {  	[sflag:s19] =	ssyncset.done $0x0  }
0x5b: {  	s24 =	simm.s32 $0x300;
	[sflag:s19] =	ssyncadd.s32 $0xFFFFE000  }
0x5c: {  	[tilespmem:s25], [sflag:$0x3] =	stream.indirect.gather [hbm4b:s4+s21], $0x40, s24, s21, $0xb8;
	[tilespmem:$0x19000] =	vst v63  }
0x5d: {  	_ =	swait.ge [sflag:s0], $0x2000  }
0x5e: {  	[sflag:s0] =	ssyncset.done $0x0  }
0x5f: {  	s26 =	simm.s32 $0x2980;
	[sflag:s0] =	ssyncadd.s32 $0xFFFFE000  }
0x60: {  	[spmem:s2] =	stream.indirect.scatter.add.f32 [tilespmem:s28], [sflag:$0x6], $0x40, s26, s21, $0xb8;
	[tilespmem:$0x19000] =	vst v63  }
0x61: {  	_ =	swait.ge [sflag:s19], $0x2000  }
0x62: {  	[sflag:s19] =	ssyncset.done $0x0  }
0x63: {  	s24 =	simm.s32 $0x800;
	s26 =	simm.s32 $0x380;
	[sflag:s19] =	ssyncadd.s32 $0xFFFFE000  }
.LBB2_4:
0x64: {  	[tilespmem:s28], [sflag:$0x4] =	stream.indirect.gather [hbm4b:s4+s21], $0x40, s26, s21, $0xb8;
	[tilespmem:$0x19000] =	vst v63  }
0x65: {  	s10 =	smov.u32 s24  }
0x66: {  	p0 =	sne.s32 s24, $0x9000;
	s24 =	sadd.s32 $0x800, s24;
	_ =	swait.ge [sflag:s29], $0x2000  }
0x67: {  	s26 =	sshra.s32 s10, $0x2;
	[sflag:s29] =	ssyncset.done $0x0  }
0x68: {  	s10 =	sadd.s32 $0x2800, s26;
	[sflag:s29] =	ssyncadd.s32 $0xFFFFE000  }
0x69: {  	[spmem:s2] =	stream.indirect.scatter.add.f32 [tilespmem:s22], [sflag:$0x6], $0x40, s10, s21, $0xb8;
	[tilespmem:$0x19000] =	vst v63  }
0x6a: {  	_ =	swait.ge [sflag:s19], $0x2000  }
0x6b: {  	[sflag:s19] =	ssyncset.done $0x0  }
0x6c: {  	s10 =	sadd.s32 $0x200, s26;
	[sflag:s19] =	ssyncadd.s32 $0xFFFFE000  }
0x6d: {  	[tilespmem:s22], [sflag:$0x1] =	stream.indirect.gather [hbm4b:s4+s21], $0x40, s10, s21, $0xb8;
	[tilespmem:$0x19000] =	vst v63  }
0x6e: {  	_ =	swait.ge [sflag:s30], $0x2000  }
0x6f: {  	[sflag:s30] =	ssyncset.done $0x0  }
0x70: {  	s10 =	sadd.s32 $0x2880, s26;
	[sflag:s30] =	ssyncadd.s32 $0xFFFFE000  }
0x71: {  	[spmem:s2] =	stream.indirect.scatter.add.f32 [tilespmem:s23], [sflag:$0x6], $0x40, s10, s21, $0xb8;
	[tilespmem:$0x19000] =	vst v63  }
0x72: {  	_ =	swait.ge [sflag:s19], $0x2000  }
0x73: {  	[sflag:s19] =	ssyncset.done $0x0  }
0x74: {  	s10 =	sadd.s32 $0x280, s26;
	[sflag:s19] =	ssyncadd.s32 $0xFFFFE000  }
0x75: {  	[tilespmem:s23], [sflag:$0x2] =	stream.indirect.gather [hbm4b:s4+s21], $0x40, s10, s21, $0xb8;
	[tilespmem:$0x19000] =	vst v63  }
0x76: {  	_ =	swait.ge [sflag:s31], $0x2000  }
0x77: {  	[sflag:s31] =	ssyncset.done $0x0  }
0x78: {  	s10 =	sadd.s32 $0x2900, s26;
	[sflag:s31] =	ssyncadd.s32 $0xFFFFE000  }
0x79: {  	[spmem:s2] =	stream.indirect.scatter.add.f32 [tilespmem:s25], [sflag:$0x6], $0x40, s10, s21, $0xb8;
	[tilespmem:$0x19000] =	vst v63  }
0x7a: {  	_ =	swait.ge [sflag:s19], $0x2000  }
0x7b: {  	[sflag:s19] =	ssyncset.done $0x0  }
0x7c: {  	s10 =	sadd.s32 $0x300, s26;
	[sflag:s19] =	ssyncadd.s32 $0xFFFFE000  }
0x7d: {  	[tilespmem:s25], [sflag:$0x3] =	stream.indirect.gather [hbm4b:s4+s21], $0x40, s10, s21, $0xb8;
	[tilespmem:$0x19000] =	vst v63  }
0x7e: {  	_ =	swait.ge [sflag:s0], $0x2000  }
0x7f: {  	[sflag:s0] =	ssyncset.done $0x0  }
.Ltmp1:
0x80: {  	s10 =	sadd.s32 $0x2980, s26;
	[sflag:s0] =	ssyncadd.s32 $0xFFFFE000;
	(pc) =	sbr.rel @p0 .LBB2_4-.Ltmp1, $4  }
0x81: {  	[spmem:s2] =	stream.indirect.scatter.add.f32 [tilespmem:s28], [sflag:$0x6], $0x40, s10, s21, $0xb8;
	[tilespmem:$0x19000] =	vst v63  }
0x82: {  	_ =	swait.ge [sflag:s19], $0x2000  }
0x83: {  	[sflag:s19] =	ssyncset.done $0x0  }
0x84: {  	s26 =	sadd.s32 $0x380, s26;
	[sflag:s19] =	ssyncadd.s32 $0xFFFFE000  }
0x85: {  	[tilespmem:s28], [sflag:$0x4] =	stream.indirect.gather [hbm4b:s4+s21], $0x40, s26, s21, $0xb8;
	[tilespmem:$0x19000] =	vst v63  }
0x86: {  	_ =	swait.ge [sflag:s29], $0x2000  }
0x87: {  	[sflag:s29] =	ssyncset.done $0x0  }
0x88: {  	s10 =	simm.s32 $0x4E00;
	[sflag:s29] =	ssyncadd.s32 $0xFFFFE000  }
0x89: {  	[spmem:s2] =	stream.indirect.scatter.add.f32 [tilespmem:s22], [sflag:$0x6], $0x40, s10, s21, $0xb8;
	[tilespmem:$0x19000] =	vst v63  }
0x8a: {  	_ =	swait.ge [sflag:s19], $0x2000  }
0x8b: {  	[sflag:s19] =	ssyncset.done $0x0  }
0x8c: {  	[sflag:s19] =	ssyncadd.s32 $0xFFFFE000  }
0x8d: {  	_ =	swait.ge [sflag:s30], $0x2000  }
0x8e: {  	[sflag:s30] =	ssyncset.done $0x0  }
0x8f: {  	s26 =	simm.s32 $0x4E80;
	[sflag:s30] =	ssyncadd.s32 $0xFFFFE000  }
0x90: {  	[spmem:s2] =	stream.indirect.scatter.add.f32 [tilespmem:s23], [sflag:$0x6], $0x40, s26, s21, $0xb8;
	[tilespmem:$0x19000] =	vst v63  }
0x91: {  	_ =	swait.ge [sflag:s19], $0x2000  }
0x92: {  	[sflag:s19] =	ssyncset.done $0x0  }
0x93: {  	[sflag:s19] =	ssyncadd.s32 $0xFFFFE000  }
0x94: {  	_ =	swait.ge [sflag:s31], $0x2000  }
0x95: {  	[sflag:s31] =	ssyncset.done $0x0  }
0x96: {  	s24 =	simm.s32 $0x4F00;
	[sflag:s31] =	ssyncadd.s32 $0xFFFFE000  }
0x97: {  	[spmem:s2] =	stream.indirect.scatter.add.f32 [tilespmem:s25], [sflag:$0x6], $0x40, s24, s21, $0xb8;
	[tilespmem:$0x19000] =	vst v63  }
0x98: {  	_ =	swait.ge [sflag:s19], $0x2000  }
0x99: {  	[sflag:s19] =	ssyncset.done $0x0  }
0x9a: {  	[sflag:s19] =	ssyncadd.s32 $0xFFFFE000  }
0x9b: {  	_ =	swait.ge [sflag:s0], $0x2000  }
0x9c: {  	[sflag:s0] =	ssyncset.done $0x0  }
0x9d: {  	s26 =	simm.s32 $0x4F80;
	[sflag:s0] =	ssyncadd.s32 $0xFFFFE000  }
0x9e: {  	[spmem:s2] =	stream.indirect.scatter.add.f32 [tilespmem:s28], [sflag:$0x6], $0x40, s26, s21, $0xb8;
	[tilespmem:$0x19000] =	vst v63  }
0x9f: {  	_ =	swait.ge [sflag:s19], $0x2000  }
0xa0: {  	[sflag:s19] =	ssyncset.done $0x0  }
0xa1: {  	[sflag:s19] =	ssyncadd.s32 $0xFFFFE000  }
0xa2: {  	[bflag:$0x0] =	sbarrier.arrive $0xFFFF  }
0xa3: {  	[tilespmem:s22], [sflag:$0x6] =	stream.linear.gather [spmem:s5], $0x2000, $0x38;
	[tilespmem:$0x19000] =	vst v63  }
0xa4: {  	_ =	swait.ge [sflag:s19], $0x2000  }
0xa5: {  	[sflag:s19] =	ssyncset.done $0x0  }
0xa6: {  	[sflag:s19] =	ssyncadd.s32 $0xFFFFE000  }
0xa7: {  	[hbm4b:s12+s3] =	stream.linear.scatter [tilespmem:s22], [sflag:$0x5], $0x2000, $0x38;
	[tilespmem:$0x19000] =	vst v63  }
0xa8: {  	_ = 	snop  }
0xa9: {  	[tilespmem:s23], [sflag:$0x6] =	stream.linear.gather [spmem:s6], $0x2000, $0x38;
	[tilespmem:$0x19000] =	vst v63  }
0xaa: {  	_ =	swait.ge [sflag:s19], $0x2000  }
0xab: {  	[sflag:s19] =	ssyncset.done $0x0  }
0xac: {  	[sflag:s19] =	ssyncadd.s32 $0xFFFFE000  }
0xad: {  	[hbm4b:s13+s3] =	stream.linear.scatter [tilespmem:s23], [sflag:$0x5], $0x2000, $0x38;
	[tilespmem:$0x19000] =	vst v63  }
0xae: {  	_ =	swait.ge [sflag:s1], $0x2000  }
0xaf: {  	[sflag:s1] =	ssyncset.done $0x0  }
0xb0: {  	[sflag:s1] =	ssyncadd.s32 $0xFFFFE000  }
0xb1: {  	[tilespmem:s22], [sflag:$0x6] =	stream.linear.gather [spmem:s7], $0x2000, $0x38;
	[tilespmem:$0x19000] =	vst v63  }
0xb2: {  	_ =	swait.ge [sflag:s19], $0x2000  }
0xb3: {  	[sflag:s19] =	ssyncset.done $0x0  }
0xb4: {  	[sflag:s19] =	ssyncadd.s32 $0xFFFFE000  }
0xb5: {  	[hbm4b:s14+s3] =	stream.linear.scatter [tilespmem:s22], [sflag:$0x5], $0x2000, $0x38;
	[tilespmem:$0x19000] =	vst v63  }
0xb6: {  	_ =	swait.ge [sflag:s1], $0x2000  }
0xb7: {  	[sflag:s1] =	ssyncset.done $0x0  }
0xb8: {  	[sflag:s1] =	ssyncadd.s32 $0xFFFFE000  }
0xb9: {  	[tilespmem:s23], [sflag:$0x6] =	stream.linear.gather [spmem:s8], $0x2000, $0x38;
	[tilespmem:$0x19000] =	vst v63  }
0xba: {  	_ =	swait.ge [sflag:s19], $0x2000  }
0xbb: {  	[sflag:s19] =	ssyncset.done $0x0  }
0xbc: {  	[sflag:s19] =	ssyncadd.s32 $0xFFFFE000  }
0xbd: {  	[hbm4b:s15+s3] =	stream.linear.scatter [tilespmem:s23], [sflag:$0x5], $0x2000, $0x38;
	[tilespmem:$0x19000] =	vst v63  }
0xbe: {  	_ =	swait.ge [sflag:s1], $0x2000  }
0xbf: {  	[sflag:s1] =	ssyncset.done $0x0  }
0xc0: {  	[sflag:s1] =	ssyncadd.s32 $0xFFFFE000  }
0xc1: {  	[tilespmem:s22], [sflag:$0x6] =	stream.linear.gather [spmem:s9], $0x2000, $0x38;
	[tilespmem:$0x19000] =	vst v63  }
0xc2: {  	_ =	swait.ge [sflag:s19], $0x2000  }
0xc3: {  	[sflag:s19] =	ssyncset.done $0x0  }
0xc4: {  	s20 =	sadd.s32 $0x1, s20;
	[sflag:s19] =	ssyncadd.s32 $0xFFFFE000  }
0xc5: {  	[hbm4b:s16+s3] =	stream.linear.scatter [tilespmem:s22], [sflag:$0x5], $0x2000, $0x38;
	[tilespmem:$0x19000] =	vst v63  }
0xc6: {  	p0 =	sne.s32 s20, s17;
	_ =	swait.ge [sflag:s1], $0x2000  }
.Ltmp2:
0xc7: {  	[sflag:s1] =	ssyncset.done $0x0;
	(pc) =	sbr.rel @p0 .LBB2_1-.Ltmp2, $4  }
0xc8: {  	[sflag:s1] =	ssyncadd.s32 $0xFFFFE000  }
0xc9: {  	_ =	swait.ge [sflag:s1], $0x2000  }
0xca: {  	[sflag:s1] =	ssyncset.done $0x0  }
0xcb: {  	[sflag:s1] =	ssyncadd.s32 $0xFFFFE000  }
0xcc: {  	_ =	sfence.sel $0x180000  }
0xcd: {  	[bflag:$0x0] =	sbarrier.arrive $0xFFFF  }
0xce: {  	_ =	strace $0x9000004A  }
0xcf: {  	s0 =	stileid.u32;
	[bflag:$0x2] =	sbarrier.arrive $0xFFFF  }
0xd0: {  	p0 =	sne.s32 s0, $0x0;
	s0 =	rddreg [dreg:$0x2]  }
0xd1: {  	s0 =	sadd.s32 @!p0 $0x100000, s0  }
0xd2: {  	[sflag:s0] =	ssyncadd.tile.s32 @!p0 $0x1;
	_ =	shalt  }
.Lfunc_end2:
_tile_overlayer_lowered:
.L_overlay_start_2:
0xd3: {  	(tag) =	ssettag $0x2  }
0xd4: {  	s0 =	rddreg [dreg:$0x0];
	s2 =	stileid.u32  }
0xd5: {  	s1 =	rddreg [dreg:$0x1];
	p0 =	sne.s32 s2, $0x0  }
0xd6: {  	s3 =	rddreg [dreg:$0x2];
	[bflag:$0x3] =	sbarrier.arrive $0xFFFF;
	s2 =	simm.s32 @!p0 $0x1C06  }
0xd7: {  	[timem:s3], [sflag:s2] =	dma.local @!p0 [hbm:s0], s1  }
0xd8: {  	s0 =	simm.s32 @!p0 $0x6  }
0xd9: {  	_ =	swait.ge @!p0 [sflag:s0], s1  }
0xda: {  	s1 =	ssub.s32 @!p0 $0x0, s1;
	[sflag:s0] =	ssyncset.done @!p0 $0x0  }
0xdb: {  	[sflag:s0] =	ssyncadd.s32 @!p0 s1  }
0xdc: {  	[bflag:$0x3] =	sbarrier.arrive $0xFFFF  }
0xdd: {  	_ =	shalt  }

// kernel: kernel.17.cloned.1.call-start
scs
__scs_entry_jumppad:
0x0: {  	(pc) =	sbr.rel $0x88, $3  }
0x1: {  	(tag) =	ssettag $0x0;
	lr =	simm.s32 $0x1  }
0x2: {  	[smem:$0x3F8C] =	sst lr;
	_ =	strace $0xD0000000  }
0x3: {  	_ = 	snop  }
0x4: {  	_ = 	snop  }
0x5: {  	_ = 	snop  }
0x6: {  	_ = 	snop  }
0x7: {  	_ = 	snop  }
__scs_overlays_trampoline_lowered:
0x8: {  	[smem:$0x3F9B] =	sst s0  }
0x9: {  	[smem:$0x3F9C] =	sst s1  }
0xa: {  	[smem:$0x3F9D] =	sst s2  }
0xb: {  	[smem:$0x3F9E] =	sst s3  }
0xc: {  	[smem:$0x3F9F] =	sst s4  }
0xd: {  	[smem:$0x3FA0] =	sst s5  }
0xe: {  	[smem:$0x3FA1] =	sst s6  }
0xf: {  	[smem:$0x3FA2] =	sst s7  }
0x10: {  	[smem:$0x3FA3] =	sst s8  }
0x11: {  	[smem:$0x3FA4] =	sst s9;
	s0 =	simm.s32 @!p0 $0x0  }
0x12: {  	s1 =	sld [smem:$0x3F8A];
	s0 =	simm.s32 @p0 $0x1  }
0x13: {  	[smem:$0x3FA5] =	sst s0;
	s0 =	simm.s32 @!p1 $0x0  }
0x14: {  	s2 =	sld [smem:$0x3F89];
	s0 =	simm.s32 @p1 $0x1  }
0x15: {  	[smem:$0x3FA6] =	sst s0;
	s0 =	simm.s32 @!p2 $0x0  }
0x16: {  	s3 =	sld [smem:$0x3FDB];
	s0 =	simm.s32 @p2 $0x1  }
0x17: {  	s4 =	simm.s32 $0x1BF5;
	[smem:$0x3FA8] =	sst s0  }
0x18: {  	s0 =	sld [smem:$0x3F8B];
	_ =	swait.ge [sflag:s4], $0x0  }
0x19: {  	s7 =	sld [smem:$0x3F8C]  }
0x1a: {  	s8 =	sadd.s32 $0xFFFFE003, lr  }
0x1b: {  	s9 =	sadd.s32 $0xFFFFFEF7, lr;
	s5 =	simm.s32 $0xFFFFFFFF;
	p2 =	slt.u32 s8, $0xFFFFF086  }
0x1c: {  	p1 =	slt.u32 s9, $0xF7A;
	s5 =	simm.s32 @!p2 $0x0  }
0x1d: {  	s5 =	simm.s32 @p1 $0x1;
	p0 =	seq.s32 s7, s2  }
0x1e: {  	s7 =	smul.u32 @!p0 $0xF7A, s2;
	p2 =	seq.s32 @!p0 s5, $0x0  }
0x1f: {  	s9 =	smul.u32 $0xF7A, s1;
	s8 =	simm.s32 @!p0 $0x1BF5;
	p2 =	por !p2, p0  }
0x20: {  	[sflag:s8] =	ssyncset.s32 @!p0 $0xFFFFF086;
	s6 =	sadd.s32 @!p0 s3, s7;
	s7 =	simm.s32 @!p0 $0x108  }
0x21: {  	s3 =	sadd.s32 s3, s9;
	s6 =	sadd.s32 @!p0 $0x88, s6;
	s7 =	simm.s32 @p2 $0x1082  }
0x22: {  	[simem:s7], [sflag:s8] =	dma.local @!p0 [hbm:s6], $0xF7A  }
0x23: {  	s9 =	sor.u32 $0xD0000000, s2;
	s6 =	simm.s32 $0x108;
	_ =	swait.ge @!p0 [sflag:s8], $0x0  }
0x24: {  	s3 =	sadd.s32 $0x88, s3;
	s6 =	simm.s32 @!p1 $0x1082;
	[sflag:s4] =	ssyncset.s32 $0xFFFFF086  }
0x25: {  	[simem:s6], [sflag:s4] =	dma.local [hbm:s3], $0xF7A  }
0x26: {  	[smem:$0x3F8C] =	sst s1;
	(tag) =	ssettag s2;
	_ =	strace s9  }
0x27: {  	s1 =	sld [smem:$0x3F9C]  }
0x28: {  	s2 =	sld [smem:$0x3F9D]  }
0x29: {  	s4 =	sld [smem:$0x3F9F]  }
0x2a: {  	p0 =	seq.s32 s5, $0x0;
	s5 =	sld [smem:$0x3FA0]  }
0x2b: {  	s6 =	sld [smem:$0x3FA1]  }
0x2c: {  	s7 =	sld [smem:$0x3FA2]  }
0x2d: {  	s3 =	simm.s32 $0x108;
	s8 =	sld [smem:$0x3FA3]  }
0x2e: {  	s3 =	simm.s32 @!p0 $0x1082;
	s9 =	sld [smem:$0x3FA4]  }
0x2f: {  	lr =	sadd.s32 s0, s3;
	s0 =	sld [smem:$0x3F9B]  }
0x30: {  	s3 =	sld [smem:$0x3F9E]  }
0x31: {  	[smem:$0x3FA7] =	sst s10  }
0x32: {  	s10 =	sld [smem:$0x3FA5];
	_ =	sdelay $0x3  }
0x33: {  	p0 =	seq.s32 s10, $0x1;
	s10 =	sld [smem:$0x3FA7];
	_ =	sdelay $0x3  }
0x34: {  	[smem:$0x3FA7] =	sst s10  }
0x35: {  	s10 =	sld [smem:$0x3FA6];
	_ =	sdelay $0x3  }
0x36: {  	p1 =	seq.s32 s10, $0x1;
	s10 =	sld [smem:$0x3FA7];
	_ =	sdelay $0x3  }
0x37: {  	[smem:$0x3FA7] =	sst s10  }
0x38: {  	s10 =	sld [smem:$0x3FA8]  }
0x39: {  	_ = 	snop;
	(pc) =	sbr.ind lr, $3  }
0x3a: {  	_ = 	snop  }
0x3b: {  	_ = 	snop  }
0x3c: {  	p2 =	seq.s32 s10, $0x1;
	s10 =	sld [smem:$0x3FA7]  }
0x3d: {  	_ =	shalt  }
0x3e: {  	_ =	shalt  }
0x3f: {  	_ =	shalt  }
0x40: {  	_ =	shalt  }
0x41: {  	_ =	shalt  }
0x42: {  	_ =	shalt  }
0x43: {  	_ =	shalt  }
0x44: {  	_ =	shalt  }
0x45: {  	_ =	shalt  }
0x46: {  	_ =	shalt  }
0x47: {  	_ =	shalt  }
0x48: {  	_ =	shalt  }
0x49: {  	_ =	shalt  }
0x4a: {  	_ =	shalt  }
0x4b: {  	_ =	shalt  }
0x4c: {  	_ =	shalt  }
0x4d: {  	_ =	shalt  }
0x4e: {  	_ =	shalt  }
0x4f: {  	_ =	shalt  }
0x50: {  	_ =	shalt  }
0x51: {  	_ =	shalt  }
0x52: {  	_ =	shalt  }
0x53: {  	_ =	shalt  }
0x54: {  	_ =	shalt  }
0x55: {  	_ =	shalt  }
0x56: {  	_ =	shalt  }
0x57: {  	_ =	shalt  }
0x58: {  	_ =	shalt  }
0x59: {  	_ =	shalt  }
0x5a: {  	_ =	shalt  }
0x5b: {  	_ =	shalt  }
0x5c: {  	_ =	shalt  }
0x5d: {  	_ =	shalt  }
0x5e: {  	_ =	shalt  }
0x5f: {  	_ =	shalt  }
0x60: {  	_ =	shalt  }
0x61: {  	_ =	shalt  }
0x62: {  	_ =	shalt  }
0x63: {  	_ =	shalt  }
0x64: {  	_ =	shalt  }
0x65: {  	_ =	shalt  }
0x66: {  	_ =	shalt  }
0x67: {  	_ =	shalt  }
0x68: {  	_ =	shalt  }
0x69: {  	_ =	shalt  }
0x6a: {  	_ =	shalt  }
0x6b: {  	_ =	shalt  }
0x6c: {  	_ =	shalt  }
0x6d: {  	_ =	shalt  }
0x6e: {  	_ =	shalt  }
0x6f: {  	_ =	shalt  }
0x70: {  	_ =	shalt  }
0x71: {  	_ =	shalt  }
0x72: {  	_ =	shalt  }
0x73: {  	_ =	shalt  }
0x74: {  	_ =	shalt  }
0x75: {  	_ =	shalt  }
0x76: {  	_ =	shalt  }
0x77: {  	_ =	shalt  }
0x78: {  	_ =	shalt  }
0x79: {  	_ =	shalt  }
0x7a: {  	_ =	shalt  }
0x7b: {  	_ =	shalt  }
0x7c: {  	_ =	shalt  }
0x7d: {  	_ =	shalt  }
0x7e: {  	_ =	shalt  }
0x7f: {  	_ =	shalt  }
0x80: {  	_ =	shalt  }
0x81: {  	_ =	shalt  }
0x82: {  	_ =	shalt  }
0x83: {  	_ =	shalt  }
0x84: {  	_ =	shalt  }
0x85: {  	_ =	shalt  }
0x86: {  	_ =	shalt  }
0x87: {  	_ =	shalt  }
.Lfunc_end0:
.L_simem_size_0:
called_computation.2_lowered:
.L_overlay_start_0:
0x88: {  	s2 =	sld [smem:$0x3FD9]  }
0x89: {  	s3 =	sld [smem:$0x3FFE];
	_ =	sdelay $0x1  }
0x8a: {  	s1 =	srdreg.scid  }
0x8b: {  	s0 =	sand.u32 $0x1, s1  }
0x8c: {  	s16 =	sshll.u32 s0, $0xA;
	s2 =	sadd.s32 s3, s2  }
0x8d: {  	s2 =	sadd.s32 s2, s16  }
0x8e: {  	[smem:$0x3FB3] =	sst s2  }
0x8f: {  	_ = 	snop  }
0x90: {  	(tm) =	ssettm $0x1  }
0x91: {  	s17 =	sld [smem:$0x3FFB];
	_ =	sdelay $0x3  }
0x92: {  	_ =	strace s17  }
0x93: {  	s2 =	sld [smem:$0x3FFC];
	_ =	sdelay $0x3  }
0x94: {  	_ =	strace s2  }
0x95: {  	s2 =	sld [smem:$0x3FFD];
	_ =	sdelay $0x3  }
0x96: {  	_ =	strace s2  }
0x97: {  	_ =	strace $0x8FFFFFFF  }
0x98: {  	s18 =	sld [smem:$0x3FDB];
	_ =	sdelay $0x1  }
0x99: {  	s19 =	simm.s32 $_scs_section_size  }
0x9a: {  	s4 =	simm.s32 $_size__tile_overlayer_lowered;
	s5 =	simm.s32 $_tile_overlayer_lowered  }
0x9b: {  	s22 =	simm.s32 $0x1BFF;
	s21 =	sshll.u32 s5, $0x1;
	s2 =	sadd.s32 s19, s18  }
0x9c: {  	s6 =	simm.s32 $0x0;
	s20 =	sshll.u32 s4, $0x1;
	s4 =	sadd.s32 s21, s2  }
0x9d: {  	[timem:s6], [sflag:s22] =	dma.local [hbm:s4], s20  }
0x9e: {  	_ =	swait.ge [sflag:s22], s20  }
0x9f: {  	s3 =	ssub.s32 $0x0, s20;
	[sflag:s22] =	ssyncset.done $0x0  }
0xa0: {  	[sflag:s22] =	ssyncadd.s32 s3;
	_ =	sdelay $0x1  }
0xa1: {  	s23 =	simm.s32 $0x1B8B  }
0xa2: {  	_ =	swait.ge [sflag:s23], $0x1  }
0xa3: {  	[sflag:s23] =	ssyncset.done $0x0  }
0xa4: {  	s25 =	simm.s32 $0x1B8E;
	s24 =	sld [smem:$0x3FFE];
	[sflag:s23] =	ssyncadd.s32 $0xFFFFFFFF  }
0xa5: {  	s26 =	simm.s32 $execute0_lowered;
	[smem:$0x3FD2] =	sst s25  }
0xa6: {  	s4 =	sshll.u32 s26, $0x1;
	_ =	strace $0x8000004C;
	[dreg:$0x1] =	wrdreg $0xFFFFFFFF  }
0xa7: {  	s28 =	simm.s32 $_size_execute0_lowered;
	s2 =	sadd.s32 s2, s4;
	[dreg:$0x0] =	wrdreg $0x0  }
0xa8: {  	s4 =	sshll.u32 s28, $0x1;
	[dreg:$0x2] =	wrdreg s2  }
0xa9: {  	[dreg:$0x3] =	wrdreg s4  }
0xaa: {  	[dreg:$0x4] =	wrdreg $0xC0  }
0xab: {  	_ =	task [dreg:s6], $0x5FFFF  }
0xac: {  	[dreg:$0x1] =	wrdreg $0xFFFFFFFF  }
0xad: {  	[dreg:$0x0] =	wrdreg $0x60  }
0xae: {  	[dreg:$0x2] =	wrdreg s24  }
0xaf: {  	[dreg:$0x3] =	wrdreg $0xF0000  }
0xb0: {  	[dreg:$0x4] =	wrdreg $0x9  }
0xb1: {  	_ =	task.clear_ibuf [dreg:s6], $0x5FFFF;
	_ =	strace $0x9000004C  }
0xb2: {  	s29 =	simm.s32 $0x9;
	_ =	strace $0x8000004E  }
0xb3: {  	_ =	swait.ge [sflag:s29], $0x1  }
0xb4: {  	[sflag:s29] =	ssyncadd.s32 $0xFFFFFFFF  }
0xb5: {  	_ =	strace $0x9000004E  }
0xb6: {  	_ =	sfence  }
0xb7: {  	s30 =	sld [smem:$0x0];
	_ =	sdelay $0x2  }
0xb8: {  	s31 =	sshll.u32 s1, $0xD;
	s1 =	sshrl.u32 s1, $0x2  }
0xb9: {  	s3 =	sand.u32 $0x4000, s31;
	s1 =	sadd.s32 s1, s30  }
0xba: {  	s0 =	sor.u32 s3, s0;
	s1 =	sshll.u32 s1, $0x11  }
0xbb: {  	s0 =	sor.u32 s1, s0  }
0xbc: {  	s0 =	sadd.s32 $0x8F2B, s0  }
0xbd: {  	[sflag:s0] =	ssyncadd.remote.s32 $0x1  }
0xbe: {  	_ =	sfence.sel $0xFFFF  }
0xbf: {  	[dreg:$0x0] =	wrdreg $0xFFFFFFFF;
	(pc) =	sbr.abs _section_cstart, $3  }
0xc0: {  	[dreg:$0x1] =	wrdreg $0xFFFFFFFF  }
0xc1: {  	_ =	task.clear_ibuf [dreg:s6], $0x2FFFF;
	_ =	strace $0x9FFFFFFF  }
0xc2: {  	(tm) =	ssettm $0x7FFFFFFF  }
0xc3: {  	_ =	shalt  }
tec
execute0_lowered:
.L_overlay_start_1:
0x0: {  	(tag) =	ssettag $0x1  }
0x1: {  	s1 =	rddreg [dreg:$0x0]  }
0x2: {  	s0 =	srdreg.scid;
	s2 =	rddreg [dreg:$0x1]  }
0x3: {  	s5 =	stileid.u32;
	s3 =	simm.s32 $0x0;
	s19 =	simm.s32 $0x6  }
0x4: {  	s21 =	simm.s32 $0x80;
	s22 =	simm.s32 $0x5000;
	s23 =	simm.s32 $0x7000  }
0x5: {  	s28 =	simm.s32 $0xB000;
	s29 =	simm.s32 $0x1;
	s30 =	simm.s32 $0x2  }
0x6: {  	s31 =	simm.s32 $0x3;
	s20 =	simm.s32 $0x0;
	s0 =	sand.u32 $0x1, s0  }
0x7: {  	[smem:$0x7FF] =	sst s3;
	s10 =	smul.u32 $0xA000, s5;
	s4 =	sshll.u32 s0, $0x4  }
0x8: {  	_ =	strace $0x8000004D;
	s25 =	ssub.s32 $0x2, s0;
	s0 =	smul.u32 $0xA0000, s0  }
0x9: {  	s4 =	sor.u32 s5, s4;
	s6 =	sshrl.u32 s25, $0x1;
	s12 =	sadd.s32 $0x2000, s10  }
0xa: {  	s5 =	sadd.s32 s10, s2;
	s14 =	sadd.s32 $0x4000, s10;
	s15 =	sadd.s32 $0x6000, s10  }
0xb: {  	s16 =	sadd.s32 $0x8000, s10;
	s4 =	smul.u32 $0x500, s4;
	s17 =	ssub.s32 s25, s6  }
0xc: {  	s6 =	sadd.s32 s12, s2;
	s7 =	sadd.s32 s14, s2;
	s8 =	sadd.s32 s15, s2  }
0xd: {  	s9 =	sadd.s32 s16, s2;
	s13 =	sadd.s32 s10, s0;
	s12 =	sadd.s32 s0, s12  }
0xe: {  	s14 =	sadd.s32 s0, s14;
	s15 =	sadd.s32 s0, s15;
	s0 =	sadd.s32 s0, s16  }
0xf: {  	s25 =	simm.s32 $0x9000;
	s13 =	sshrl.u32 s13, $0x3;
	s18 =	sshrl.u32 s12, $0x3  }
0x10: {  	s14 =	sshrl.u32 s14, $0x3;
	s15 =	sshrl.u32 s15, $0x3;
	s0 =	sshrl.u32 s0, $0x3  }
0x11: {  	s17 =	smax.u32 s17, $0x1;
	s11 =	sadd.s32 s4, s1;
	s4 =	sadd.s32 $0xF800, s1  }
0x12: {  	s1 =	sadd.s32 $0x41800, s1;
	s26 =	sadd.s32 $0x37800, s11;
	s11 =	sadd.s32 $0x5800, s11  }
0x13: {  	s12 =	sadd.s32 s1, s13;
	s13 =	sadd.s32 s1, s18;
	s14 =	sadd.s32 s1, s14  }
0x14: {  	s15 =	sadd.s32 s1, s15;
	s16 =	sadd.s32 s1, s0;
	s18 =	simm.s32 $0xD000  }
0x15: {  	v0 =	vimm.f32 $0.0e+00;
	s0 =	simm.s32 $0x4;
	s1 =	simm.s32 $0x5;
	[dreg:$0x3] =	wrdreg s26  }
.LBB2_1:
0x16: {  	s26 =	simm.s32 $0x100;
	s24 =	simm.s32 $0x0  }
.LBB2_2:
0x17: {  	p0 =	sne.s32 s26, $0x7F00;
	[tilespmem:s24+$0xD030] =	vst v0;
	s10 =	smov.u32 s26;
	s26 =	sadd.s32 $0x100, s26  }
.Ltmp0:
0x18: {  	[tilespmem:s24+$0xD020] =	vst v0;
	(pc) =	sbr.rel @p0 .LBB2_2-.Ltmp0, $3  }
0x19: {  	[tilespmem:s24+$0xD000] =	vst v0  }
0x1a: {  	[tilespmem:s24+$0xD010] =	vst v0;
	_ =	sdelay $0x1  }
0x1b: {  	s24 =	sshra.s32 s10, $0x2  }
0x1c: {  	[tilespmem:s24+$0xD030] =	vst v0  }
0x1d: {  	[tilespmem:s24+$0xD020] =	vst v0  }
0x1e: {  	[tilespmem:s24+$0xD000] =	vst v0  }
0x1f: {  	[tilespmem:s24+$0xD010] =	vst v0  }
0x20: {  	[spmem:s5] =	stream.linear.scatter [tilespmem:s18], [sflag:$0x6], $0x2000, $0x38;
	[tilespmem:$0x19000] =	vst v63  }
0x21: {  	_ =	swait.ge [sflag:s19], $0x2000  }
0x22: {  	[sflag:s19] =	ssyncset.done $0x0  }
0x23: {  	[sflag:s19] =	ssyncadd.s32 $0xFFFFE000  }
0x24: {  	[spmem:s6] =	stream.linear.scatter [tilespmem:s18], [sflag:$0x6], $0x2000, $0x38;
	[tilespmem:$0x19000] =	vst v63  }
0x25: {  	_ =	swait.ge [sflag:s19], $0x2000  }
0x26: {  	[sflag:s19] =	ssyncset.done $0x0  }
0x27: {  	[sflag:s19] =	ssyncadd.s32 $0xFFFFE000  }
0x28: {  	[spmem:s7] =	stream.linear.scatter [tilespmem:s18], [sflag:$0x6], $0x2000, $0x38;
	[tilespmem:$0x19000] =	vst v63  }
0x29: {  	_ =	swait.ge [sflag:s19], $0x2000  }
0x2a: {  	[sflag:s19] =	ssyncset.done $0x0  }
0x2b: {  	[sflag:s19] =	ssyncadd.s32 $0xFFFFE000  }
0x2c: {  	[spmem:s8] =	stream.linear.scatter [tilespmem:s18], [sflag:$0x6], $0x2000, $0x38;
	[tilespmem:$0x19000] =	vst v63  }
0x2d: {  	_ =	swait.ge [sflag:s19], $0x2000  }
0x2e: {  	[sflag:s19] =	ssyncset.done $0x0  }
0x2f: {  	[sflag:s19] =	ssyncadd.s32 $0xFFFFE000  }
0x30: {  	[spmem:s9] =	stream.linear.scatter [tilespmem:s18], [sflag:$0x6], $0x2000, $0x38;
	[tilespmem:$0x19000] =	vst v63  }
0x31: {  	_ =	swait.ge [sflag:s19], $0x2000  }
0x32: {  	[sflag:s19] =	ssyncset.done $0x0  }
0x33: {  	[sflag:s19] =	ssyncadd.s32 $0xFFFFE000  }
0x34: {  	[bflag:$0x0] =	sbarrier.arrive $0xFFFF  }
0x35: {  	s10 =	simm.s32 $0x0;
	s26 =	rddreg [dreg:$0x3]  }
0x36: {  	[tilespmem:s10], [sflag:$0x6] =	stream.linear.gather [hbm4b:s26+s10], $0x2800, $0x38;
	[tilespmem:$0x19000] =	vst v63  }
0x37: {  	_ =	swait.ge [sflag:s19], $0x2800  }
0x38: {  	[sflag:s19] =	ssyncset.done $0x0  }
0x39: {  	s26 =	simm.s32 $0x2800;
	[sflag:s19] =	ssyncadd.s32 $0xFFFFD800  }
0x3a: {  	[tilespmem:s26], [sflag:$0x6] =	stream.linear.gather [hbm4b:s11+s10], $0x2800, $0x38;
	[tilespmem:$0x19000] =	vst v63  }
0x3b: {  	_ =	swait.ge [sflag:s19], $0x2800  }
0x3c: {  	[sflag:s19] =	ssyncset.done $0x0  }
0x3d: {  	[sflag:s19] =	ssyncadd.s32 $0xFFFFD800  }
0x3e: {  	[tilespmem:s22], [sflag:$0x1] =	stream.indirect.gather [hbm4b:s4+s21], $0x40, s10, s21, $0xb8;
	[tilespmem:$0x19000] =	vst v63  }
0x3f: {  	_ = 	snop  }
0x40: {  	[tilespmem:s23], [sflag:$0x2] =	stream.indirect.gather [hbm4b:s4+s21], $0x40, s21, s21, $0xb8;
	[tilespmem:$0x19000] =	vst v63  }
0x41: {  	s26 =	simm.s32 $0x100  }
0x42: {  	[tilespmem:s25], [sflag:$0x3] =	stream.indirect.gather [hbm4b:s4+s21], $0x40, s26, s21, $0xb8;
	[tilespmem:$0x19000] =	vst v63  }
0x43: {  	s24 =	simm.s32 $0x180  }
0x44: {  	[tilespmem:s28], [sflag:$0x4] =	stream.indirect.gather [hbm4b:s4+s21], $0x40, s24, s21, $0xb8;
	[tilespmem:$0x19000] =	vst v63  }
0x45: {  	_ =	swait.ge [sflag:s29], $0x2000  }
0x46: {  	[sflag:s29] =	ssyncset.done $0x0  }
0x47: {  	s26 =	simm.s32 $0x2800;
	[sflag:s29] =	ssyncadd.s32 $0xFFFFE000  }
0x48: {  	[spmem:s2] =	stream.indirect.scatter.add.f32 [tilespmem:s22], [sflag:$0x6], $0x40, s26, s21, $0xb8;
	[tilespmem:$0x19000] =	vst v63  }
0x49: {  	_ =	swait.ge [sflag:s19], $0x2000  }
0x4a: {  	[sflag:s19] =	ssyncset.done $0x0  }
0x4b: {  	s24 =	simm.s32 $0x200;
	[sflag:s19] =	ssyncadd.s32 $0xFFFFE000  }
0x4c: {  	[tilespmem:s22], [sflag:$0x1] =	stream.indirect.gather [hbm4b:s4+s21], $0x40, s24, s21, $0xb8;
	[tilespmem:$0x19000] =	vst v63  }
0x4d: {  	_ =	swait.ge [sflag:s30], $0x2000  }
0x4e: {  	[sflag:s30] =	ssyncset.done $0x0  }
0x4f: {  	s26 =	simm.s32 $0x2880;
	[sflag:s30] =	ssyncadd.s32 $0xFFFFE000  }
0x50: {  	[spmem:s2] =	stream.indirect.scatter.add.f32 [tilespmem:s23], [sflag:$0x6], $0x40, s26, s21, $0xb8;
	[tilespmem:$0x19000] =	vst v63  }
0x51: {  	_ =	swait.ge [sflag:s19], $0x2000  }
0x52: {  	[sflag:s19] =	ssyncset.done $0x0  }
0x53: {  	s24 =	simm.s32 $0x280;
	[sflag:s19] =	ssyncadd.s32 $0xFFFFE000  }
0x54: {  	[tilespmem:s23], [sflag:$0x2] =	stream.indirect.gather [hbm4b:s4+s21], $0x40, s24, s21, $0xb8;
	[tilespmem:$0x19000] =	vst v63  }
0x55: {  	_ =	swait.ge [sflag:s31], $0x2000  }
0x56: {  	[sflag:s31] =	ssyncset.done $0x0  }
0x57: {  	s26 =	simm.s32 $0x2900;
	[sflag:s31] =	ssyncadd.s32 $0xFFFFE000  }
0x58: {  	[spmem:s2] =	stream.indirect.scatter.add.f32 [tilespmem:s25], [sflag:$0x6], $0x40, s26, s21, $0xb8;
	[tilespmem:$0x19000] =	vst v63  }
0x59: {  	_ =	swait.ge [sflag:s19], $0x2000  }
0x5a: {  	[sflag:s19] =	ssyncset.done $0x0  }
0x5b: {  	s24 =	simm.s32 $0x300;
	[sflag:s19] =	ssyncadd.s32 $0xFFFFE000  }
0x5c: {  	[tilespmem:s25], [sflag:$0x3] =	stream.indirect.gather [hbm4b:s4+s21], $0x40, s24, s21, $0xb8;
	[tilespmem:$0x19000] =	vst v63  }
0x5d: {  	_ =	swait.ge [sflag:s0], $0x2000  }
0x5e: {  	[sflag:s0] =	ssyncset.done $0x0  }
0x5f: {  	s26 =	simm.s32 $0x2980;
	[sflag:s0] =	ssyncadd.s32 $0xFFFFE000  }
0x60: {  	[spmem:s2] =	stream.indirect.scatter.add.f32 [tilespmem:s28], [sflag:$0x6], $0x40, s26, s21, $0xb8;
	[tilespmem:$0x19000] =	vst v63  }
0x61: {  	_ =	swait.ge [sflag:s19], $0x2000  }
0x62: {  	[sflag:s19] =	ssyncset.done $0x0  }
0x63: {  	s24 =	simm.s32 $0x800;
	s26 =	simm.s32 $0x380;
	[sflag:s19] =	ssyncadd.s32 $0xFFFFE000  }
.LBB2_4:
0x64: {  	[tilespmem:s28], [sflag:$0x4] =	stream.indirect.gather [hbm4b:s4+s21], $0x40, s26, s21, $0xb8;
	[tilespmem:$0x19000] =	vst v63  }
0x65: {  	s10 =	smov.u32 s24  }
0x66: {  	p0 =	sne.s32 s24, $0x9000;
	s24 =	sadd.s32 $0x800, s24;
	_ =	swait.ge [sflag:s29], $0x2000  }
0x67: {  	s26 =	sshra.s32 s10, $0x2;
	[sflag:s29] =	ssyncset.done $0x0  }
0x68: {  	s10 =	sadd.s32 $0x2800, s26;
	[sflag:s29] =	ssyncadd.s32 $0xFFFFE000  }
0x69: {  	[spmem:s2] =	stream.indirect.scatter.add.f32 [tilespmem:s22], [sflag:$0x6], $0x40, s10, s21, $0xb8;
	[tilespmem:$0x19000] =	vst v63  }
0x6a: {  	_ =	swait.ge [sflag:s19], $0x2000  }
0x6b: {  	[sflag:s19] =	ssyncset.done $0x0  }
0x6c: {  	s10 =	sadd.s32 $0x200, s26;
	[sflag:s19] =	ssyncadd.s32 $0xFFFFE000  }
0x6d: {  	[tilespmem:s22], [sflag:$0x1] =	stream.indirect.gather [hbm4b:s4+s21], $0x40, s10, s21, $0xb8;
	[tilespmem:$0x19000] =	vst v63  }
0x6e: {  	_ =	swait.ge [sflag:s30], $0x2000  }
0x6f: {  	[sflag:s30] =	ssyncset.done $0x0  }
0x70: {  	s10 =	sadd.s32 $0x2880, s26;
	[sflag:s30] =	ssyncadd.s32 $0xFFFFE000  }
0x71: {  	[spmem:s2] =	stream.indirect.scatter.add.f32 [tilespmem:s23], [sflag:$0x6], $0x40, s10, s21, $0xb8;
	[tilespmem:$0x19000] =	vst v63  }
0x72: {  	_ =	swait.ge [sflag:s19], $0x2000  }
0x73: {  	[sflag:s19] =	ssyncset.done $0x0  }
0x74: {  	s10 =	sadd.s32 $0x280, s26;
	[sflag:s19] =	ssyncadd.s32 $0xFFFFE000  }
0x75: {  	[tilespmem:s23], [sflag:$0x2] =	stream.indirect.gather [hbm4b:s4+s21], $0x40, s10, s21, $0xb8;
	[tilespmem:$0x19000] =	vst v63  }
0x76: {  	_ =	swait.ge [sflag:s31], $0x2000  }
0x77: {  	[sflag:s31] =	ssyncset.done $0x0  }
0x78: {  	s10 =	sadd.s32 $0x2900, s26;
	[sflag:s31] =	ssyncadd.s32 $0xFFFFE000  }
0x79: {  	[spmem:s2] =	stream.indirect.scatter.add.f32 [tilespmem:s25], [sflag:$0x6], $0x40, s10, s21, $0xb8;
	[tilespmem:$0x19000] =	vst v63  }
0x7a: {  	_ =	swait.ge [sflag:s19], $0x2000  }
0x7b: {  	[sflag:s19] =	ssyncset.done $0x0  }
0x7c: {  	s10 =	sadd.s32 $0x300, s26;
	[sflag:s19] =	ssyncadd.s32 $0xFFFFE000  }
0x7d: {  	[tilespmem:s25], [sflag:$0x3] =	stream.indirect.gather [hbm4b:s4+s21], $0x40, s10, s21, $0xb8;
	[tilespmem:$0x19000] =	vst v63  }
0x7e: {  	_ =	swait.ge [sflag:s0], $0x2000  }
0x7f: {  	[sflag:s0] =	ssyncset.done $0x0  }
.Ltmp1:
0x80: {  	s10 =	sadd.s32 $0x2980, s26;
	[sflag:s0] =	ssyncadd.s32 $0xFFFFE000;
	(pc) =	sbr.rel @p0 .LBB2_4-.Ltmp1, $4  }
0x81: {  	[spmem:s2] =	stream.indirect.scatter.add.f32 [tilespmem:s28], [sflag:$0x6], $0x40, s10, s21, $0xb8;
	[tilespmem:$0x19000] =	vst v63  }
0x82: {  	_ =	swait.ge [sflag:s19], $0x2000  }
0x83: {  	[sflag:s19] =	ssyncset.done $0x0  }
0x84: {  	s26 =	sadd.s32 $0x380, s26;
	[sflag:s19] =	ssyncadd.s32 $0xFFFFE000  }
0x85: {  	[tilespmem:s28], [sflag:$0x4] =	stream.indirect.gather [hbm4b:s4+s21], $0x40, s26, s21, $0xb8;
	[tilespmem:$0x19000] =	vst v63  }
0x86: {  	_ =	swait.ge [sflag:s29], $0x2000  }
0x87: {  	[sflag:s29] =	ssyncset.done $0x0  }
0x88: {  	s10 =	simm.s32 $0x4E00;
	[sflag:s29] =	ssyncadd.s32 $0xFFFFE000  }
0x89: {  	[spmem:s2] =	stream.indirect.scatter.add.f32 [tilespmem:s22], [sflag:$0x6], $0x40, s10, s21, $0xb8;
	[tilespmem:$0x19000] =	vst v63  }
0x8a: {  	_ =	swait.ge [sflag:s19], $0x2000  }
0x8b: {  	[sflag:s19] =	ssyncset.done $0x0  }
0x8c: {  	[sflag:s19] =	ssyncadd.s32 $0xFFFFE000  }
0x8d: {  	_ =	swait.ge [sflag:s30], $0x2000  }
0x8e: {  	[sflag:s30] =	ssyncset.done $0x0  }
0x8f: {  	s26 =	simm.s32 $0x4E80;
	[sflag:s30] =	ssyncadd.s32 $0xFFFFE000  }
0x90: {  	[spmem:s2] =	stream.indirect.scatter.add.f32 [tilespmem:s23], [sflag:$0x6], $0x40, s26, s21, $0xb8;
	[tilespmem:$0x19000] =	vst v63  }
0x91: {  	_ =	swait.ge [sflag:s19], $0x2000  }
0x92: {  	[sflag:s19] =	ssyncset.done $0x0  }
0x93: {  	[sflag:s19] =	ssyncadd.s32 $0xFFFFE000  }
0x94: {  	_ =	swait.ge [sflag:s31], $0x2000  }
0x95: {  	[sflag:s31] =	ssyncset.done $0x0  }
0x96: {  	s24 =	simm.s32 $0x4F00;
	[sflag:s31] =	ssyncadd.s32 $0xFFFFE000  }
0x97: {  	[spmem:s2] =	stream.indirect.scatter.add.f32 [tilespmem:s25], [sflag:$0x6], $0x40, s24, s21, $0xb8;
	[tilespmem:$0x19000] =	vst v63  }
0x98: {  	_ =	swait.ge [sflag:s19], $0x2000  }
0x99: {  	[sflag:s19] =	ssyncset.done $0x0  }
0x9a: {  	[sflag:s19] =	ssyncadd.s32 $0xFFFFE000  }
0x9b: {  	_ =	swait.ge [sflag:s0], $0x2000  }
0x9c: {  	[sflag:s0] =	ssyncset.done $0x0  }
0x9d: {  	s26 =	simm.s32 $0x4F80;
	[sflag:s0] =	ssyncadd.s32 $0xFFFFE000  }
0x9e: {  	[spmem:s2] =	stream.indirect.scatter.add.f32 [tilespmem:s28], [sflag:$0x6], $0x40, s26, s21, $0xb8;
	[tilespmem:$0x19000] =	vst v63  }
0x9f: {  	_ =	swait.ge [sflag:s19], $0x2000  }
0xa0: {  	[sflag:s19] =	ssyncset.done $0x0  }
0xa1: {  	[sflag:s19] =	ssyncadd.s32 $0xFFFFE000  }
0xa2: {  	[bflag:$0x0] =	sbarrier.arrive $0xFFFF  }
0xa3: {  	[tilespmem:s22], [sflag:$0x6] =	stream.linear.gather [spmem:s5], $0x2000, $0x38;
	[tilespmem:$0x19000] =	vst v63  }
0xa4: {  	_ =	swait.ge [sflag:s19], $0x2000  }
0xa5: {  	[sflag:s19] =	ssyncset.done $0x0  }
0xa6: {  	[sflag:s19] =	ssyncadd.s32 $0xFFFFE000  }
0xa7: {  	[hbm4b:s12+s3] =	stream.linear.scatter [tilespmem:s22], [sflag:$0x5], $0x2000, $0x38;
	[tilespmem:$0x19000] =	vst v63  }
0xa8: {  	_ = 	snop  }
0xa9: {  	[tilespmem:s23], [sflag:$0x6] =	stream.linear.gather [spmem:s6], $0x2000, $0x38;
	[tilespmem:$0x19000] =	vst v63  }
0xaa: {  	_ =	swait.ge [sflag:s19], $0x2000  }
0xab: {  	[sflag:s19] =	ssyncset.done $0x0  }
0xac: {  	[sflag:s19] =	ssyncadd.s32 $0xFFFFE000  }
0xad: {  	[hbm4b:s13+s3] =	stream.linear.scatter [tilespmem:s23], [sflag:$0x5], $0x2000, $0x38;
	[tilespmem:$0x19000] =	vst v63  }
0xae: {  	_ =	swait.ge [sflag:s1], $0x2000  }
0xaf: {  	[sflag:s1] =	ssyncset.done $0x0  }
0xb0: {  	[sflag:s1] =	ssyncadd.s32 $0xFFFFE000  }
0xb1: {  	[tilespmem:s22], [sflag:$0x6] =	stream.linear.gather [spmem:s7], $0x2000, $0x38;
	[tilespmem:$0x19000] =	vst v63  }
0xb2: {  	_ =	swait.ge [sflag:s19], $0x2000  }
0xb3: {  	[sflag:s19] =	ssyncset.done $0x0  }
0xb4: {  	[sflag:s19] =	ssyncadd.s32 $0xFFFFE000  }
0xb5: {  	[hbm4b:s14+s3] =	stream.linear.scatter [tilespmem:s22], [sflag:$0x5], $0x2000, $0x38;
	[tilespmem:$0x19000] =	vst v63  }
0xb6: {  	_ =	swait.ge [sflag:s1], $0x2000  }
0xb7: {  	[sflag:s1] =	ssyncset.done $0x0  }
0xb8: {  	[sflag:s1] =	ssyncadd.s32 $0xFFFFE000  }
0xb9: {  	[tilespmem:s23], [sflag:$0x6] =	stream.linear.gather [spmem:s8], $0x2000, $0x38;
	[tilespmem:$0x19000] =	vst v63  }
0xba: {  	_ =	swait.ge [sflag:s19], $0x2000  }
0xbb: {  	[sflag:s19] =	ssyncset.done $0x0  }
0xbc: {  	[sflag:s19] =	ssyncadd.s32 $0xFFFFE000  }
0xbd: {  	[hbm4b:s15+s3] =	stream.linear.scatter [tilespmem:s23], [sflag:$0x5], $0x2000, $0x38;
	[tilespmem:$0x19000] =	vst v63  }
0xbe: {  	_ =	swait.ge [sflag:s1], $0x2000  }
0xbf: {  	[sflag:s1] =	ssyncset.done $0x0  }
0xc0: {  	[sflag:s1] =	ssyncadd.s32 $0xFFFFE000  }
0xc1: {  	[tilespmem:s22], [sflag:$0x6] =	stream.linear.gather [spmem:s9], $0x2000, $0x38;
	[tilespmem:$0x19000] =	vst v63  }
0xc2: {  	_ =	swait.ge [sflag:s19], $0x2000  }
0xc3: {  	[sflag:s19] =	ssyncset.done $0x0  }
0xc4: {  	s20 =	sadd.s32 $0x1, s20;
	[sflag:s19] =	ssyncadd.s32 $0xFFFFE000  }
0xc5: {  	[hbm4b:s16+s3] =	stream.linear.scatter [tilespmem:s22], [sflag:$0x5], $0x2000, $0x38;
	[tilespmem:$0x19000] =	vst v63  }
0xc6: {  	p0 =	sne.s32 s20, s17;
	_ =	swait.ge [sflag:s1], $0x2000  }
.Ltmp2:
0xc7: {  	[sflag:s1] =	ssyncset.done $0x0;
	(pc) =	sbr.rel @p0 .LBB2_1-.Ltmp2, $4  }
0xc8: {  	[sflag:s1] =	ssyncadd.s32 $0xFFFFE000  }
0xc9: {  	_ =	swait.ge [sflag:s1], $0x2000  }
0xca: {  	[sflag:s1] =	ssyncset.done $0x0  }
0xcb: {  	[sflag:s1] =	ssyncadd.s32 $0xFFFFE000  }
0xcc: {  	_ =	sfence.sel $0x180000  }
0xcd: {  	[bflag:$0x0] =	sbarrier.arrive $0xFFFF  }
0xce: {  	_ =	strace $0x9000004D  }
0xcf: {  	s0 =	stileid.u32;
	[bflag:$0x2] =	sbarrier.arrive $0xFFFF  }
0xd0: {  	p0 =	sne.s32 s0, $0x0;
	s0 =	rddreg [dreg:$0x2]  }
0xd1: {  	s0 =	sadd.s32 @!p0 $0x100000, s0  }
0xd2: {  	[sflag:s0] =	ssyncadd.tile.s32 @!p0 $0x1;
	_ =	shalt  }
.Lfunc_end2:
_tile_overlayer_lowered:
.L_overlay_start_2:
0xd3: {  	(tag) =	ssettag $0x2  }
0xd4: {  	s0 =	rddreg [dreg:$0x0];
	s2 =	stileid.u32  }
0xd5: {  	s1 =	rddreg [dreg:$0x1];
	p0 =	sne.s32 s2, $0x0  }
0xd6: {  	s3 =	rddreg [dreg:$0x2];
	[bflag:$0x3] =	sbarrier.arrive $0xFFFF;
	s2 =	simm.s32 @!p0 $0x1C06  }
0xd7: {  	[timem:s3], [sflag:s2] =	dma.local @!p0 [hbm:s0], s1  }
0xd8: {  	s0 =	simm.s32 @!p0 $0x6  }
0xd9: {  	_ =	swait.ge @!p0 [sflag:s0], s1  }
0xda: {  	s1 =	ssub.s32 @!p0 $0x0, s1;
	[sflag:s0] =	ssyncset.done @!p0 $0x0  }
0xdb: {  	[sflag:s0] =	ssyncadd.s32 @!p0 s1  }
0xdc: {  	[bflag:$0x3] =	sbarrier.arrive $0xFFFF  }
0xdd: {  	_ =	shalt  }

// kernel: kernel.20.cloned.1.call-start
scs
__scs_entry_jumppad:
0x0: {  	(pc) =	sbr.rel $0x88, $3  }
0x1: {  	(tag) =	ssettag $0x0;
	lr =	simm.s32 $0x1  }
0x2: {  	[smem:$0x3F8C] =	sst lr;
	_ =	strace $0xD0000000  }
0x3: {  	_ = 	snop  }
0x4: {  	_ = 	snop  }
0x5: {  	_ = 	snop  }
0x6: {  	_ = 	snop  }
0x7: {  	_ = 	snop  }
__scs_overlays_trampoline_lowered:
0x8: {  	[smem:$0x3F9B] =	sst s0  }
0x9: {  	[smem:$0x3F9C] =	sst s1  }
0xa: {  	[smem:$0x3F9D] =	sst s2  }
0xb: {  	[smem:$0x3F9E] =	sst s3  }
0xc: {  	[smem:$0x3F9F] =	sst s4  }
0xd: {  	[smem:$0x3FA0] =	sst s5  }
0xe: {  	[smem:$0x3FA1] =	sst s6  }
0xf: {  	[smem:$0x3FA2] =	sst s7  }
0x10: {  	[smem:$0x3FA3] =	sst s8  }
0x11: {  	[smem:$0x3FA4] =	sst s9;
	s0 =	simm.s32 @!p0 $0x0  }
0x12: {  	s1 =	sld [smem:$0x3F8A];
	s0 =	simm.s32 @p0 $0x1  }
0x13: {  	[smem:$0x3FA5] =	sst s0;
	s0 =	simm.s32 @!p1 $0x0  }
0x14: {  	s2 =	sld [smem:$0x3F89];
	s0 =	simm.s32 @p1 $0x1  }
0x15: {  	[smem:$0x3FA6] =	sst s0;
	s0 =	simm.s32 @!p2 $0x0  }
0x16: {  	s3 =	sld [smem:$0x3FDB];
	s0 =	simm.s32 @p2 $0x1  }
0x17: {  	s4 =	simm.s32 $0x1BF5;
	[smem:$0x3FA8] =	sst s0  }
0x18: {  	s0 =	sld [smem:$0x3F8B];
	_ =	swait.ge [sflag:s4], $0x0  }
0x19: {  	s7 =	sld [smem:$0x3F8C]  }
0x1a: {  	s8 =	sadd.s32 $0xFFFFE003, lr  }
0x1b: {  	s9 =	sadd.s32 $0xFFFFFEF7, lr;
	s5 =	simm.s32 $0xFFFFFFFF;
	p2 =	slt.u32 s8, $0xFFFFF086  }
0x1c: {  	p1 =	slt.u32 s9, $0xF7A;
	s5 =	simm.s32 @!p2 $0x0  }
0x1d: {  	s5 =	simm.s32 @p1 $0x1;
	p0 =	seq.s32 s7, s2  }
0x1e: {  	s7 =	smul.u32 @!p0 $0xF7A, s2;
	p2 =	seq.s32 @!p0 s5, $0x0  }
0x1f: {  	s9 =	smul.u32 $0xF7A, s1;
	s8 =	simm.s32 @!p0 $0x1BF5;
	p2 =	por !p2, p0  }
0x20: {  	[sflag:s8] =	ssyncset.s32 @!p0 $0xFFFFF086;
	s6 =	sadd.s32 @!p0 s3, s7;
	s7 =	simm.s32 @!p0 $0x108  }
0x21: {  	s3 =	sadd.s32 s3, s9;
	s6 =	sadd.s32 @!p0 $0x88, s6;
	s7 =	simm.s32 @p2 $0x1082  }
0x22: {  	[simem:s7], [sflag:s8] =	dma.local @!p0 [hbm:s6], $0xF7A  }
0x23: {  	s9 =	sor.u32 $0xD0000000, s2;
	s6 =	simm.s32 $0x108;
	_ =	swait.ge @!p0 [sflag:s8], $0x0  }
0x24: {  	s3 =	sadd.s32 $0x88, s3;
	s6 =	simm.s32 @!p1 $0x1082;
	[sflag:s4] =	ssyncset.s32 $0xFFFFF086  }
0x25: {  	[simem:s6], [sflag:s4] =	dma.local [hbm:s3], $0xF7A  }
0x26: {  	[smem:$0x3F8C] =	sst s1;
	(tag) =	ssettag s2;
	_ =	strace s9  }
0x27: {  	s1 =	sld [smem:$0x3F9C]  }
0x28: {  	s2 =	sld [smem:$0x3F9D]  }
0x29: {  	s4 =	sld [smem:$0x3F9F]  }
0x2a: {  	p0 =	seq.s32 s5, $0x0;
	s5 =	sld [smem:$0x3FA0]  }
0x2b: {  	s6 =	sld [smem:$0x3FA1]  }
0x2c: {  	s7 =	sld [smem:$0x3FA2]  }
0x2d: {  	s3 =	simm.s32 $0x108;
	s8 =	sld [smem:$0x3FA3]  }
0x2e: {  	s3 =	simm.s32 @!p0 $0x1082;
	s9 =	sld [smem:$0x3FA4]  }
0x2f: {  	lr =	sadd.s32 s0, s3;
	s0 =	sld [smem:$0x3F9B]  }
0x30: {  	s3 =	sld [smem:$0x3F9E]  }
0x31: {  	[smem:$0x3FA7] =	sst s10  }
0x32: {  	s10 =	sld [smem:$0x3FA5];
	_ =	sdelay $0x3  }
0x33: {  	p0 =	seq.s32 s10, $0x1;
	s10 =	sld [smem:$0x3FA7];
	_ =	sdelay $0x3  }
0x34: {  	[smem:$0x3FA7] =	sst s10  }
0x35: {  	s10 =	sld [smem:$0x3FA6];
	_ =	sdelay $0x3  }
0x36: {  	p1 =	seq.s32 s10, $0x1;
	s10 =	sld [smem:$0x3FA7];
	_ =	sdelay $0x3  }
0x37: {  	[smem:$0x3FA7] =	sst s10  }
0x38: {  	s10 =	sld [smem:$0x3FA8]  }
0x39: {  	_ = 	snop;
	(pc) =	sbr.ind lr, $3  }
0x3a: {  	_ = 	snop  }
0x3b: {  	_ = 	snop  }
0x3c: {  	p2 =	seq.s32 s10, $0x1;
	s10 =	sld [smem:$0x3FA7]  }
0x3d: {  	_ =	shalt  }
0x3e: {  	_ =	shalt  }
0x3f: {  	_ =	shalt  }
0x40: {  	_ =	shalt  }
0x41: {  	_ =	shalt  }
0x42: {  	_ =	shalt  }
0x43: {  	_ =	shalt  }
0x44: {  	_ =	shalt  }
0x45: {  	_ =	shalt  }
0x46: {  	_ =	shalt  }
0x47: {  	_ =	shalt  }
0x48: {  	_ =	shalt  }
0x49: {  	_ =	shalt  }
0x4a: {  	_ =	shalt  }
0x4b: {  	_ =	shalt  }
0x4c: {  	_ =	shalt  }
0x4d: {  	_ =	shalt  }
0x4e: {  	_ =	shalt  }
0x4f: {  	_ =	shalt  }
0x50: {  	_ =	shalt  }
0x51: {  	_ =	shalt  }
0x52: {  	_ =	shalt  }
0x53: {  	_ =	shalt  }
0x54: {  	_ =	shalt  }
0x55: {  	_ =	shalt  }
0x56: {  	_ =	shalt  }
0x57: {  	_ =	shalt  }
0x58: {  	_ =	shalt  }
0x59: {  	_ =	shalt  }
0x5a: {  	_ =	shalt  }
0x5b: {  	_ =	shalt  }
0x5c: {  	_ =	shalt  }
0x5d: {  	_ =	shalt  }
0x5e: {  	_ =	shalt  }
0x5f: {  	_ =	shalt  }
0x60: {  	_ =	shalt  }
0x61: {  	_ =	shalt  }
0x62: {  	_ =	shalt  }
0x63: {  	_ =	shalt  }
0x64: {  	_ =	shalt  }
0x65: {  	_ =	shalt  }
0x66: {  	_ =	shalt  }
0x67: {  	_ =	shalt  }
0x68: {  	_ =	shalt  }
0x69: {  	_ =	shalt  }
0x6a: {  	_ =	shalt  }
0x6b: {  	_ =	shalt  }
0x6c: {  	_ =	shalt  }
0x6d: {  	_ =	shalt  }
0x6e: {  	_ =	shalt  }
0x6f: {  	_ =	shalt  }
0x70: {  	_ =	shalt  }
0x71: {  	_ =	shalt  }
0x72: {  	_ =	shalt  }
0x73: {  	_ =	shalt  }
0x74: {  	_ =	shalt  }
0x75: {  	_ =	shalt  }
0x76: {  	_ =	shalt  }
0x77: {  	_ =	shalt  }
0x78: {  	_ =	shalt  }
0x79: {  	_ =	shalt  }
0x7a: {  	_ =	shalt  }
0x7b: {  	_ =	shalt  }
0x7c: {  	_ =	shalt  }
0x7d: {  	_ =	shalt  }
0x7e: {  	_ =	shalt  }
0x7f: {  	_ =	shalt  }
0x80: {  	_ =	shalt  }
0x81: {  	_ =	shalt  }
0x82: {  	_ =	shalt  }
0x83: {  	_ =	shalt  }
0x84: {  	_ =	shalt  }
0x85: {  	_ =	shalt  }
0x86: {  	_ =	shalt  }
0x87: {  	_ =	shalt  }
.Lfunc_end0:
.L_simem_size_0:
called_computation.3_lowered:
.L_overlay_start_0:
0x88: {  	s2 =	sld [smem:$0x3FD9]  }
0x89: {  	s3 =	sld [smem:$0x3FFE];
	_ =	sdelay $0x1  }
0x8a: {  	s1 =	srdreg.scid  }
0x8b: {  	s0 =	sand.u32 $0x1, s1  }
0x8c: {  	s16 =	sshll.u32 s0, $0xA;
	s2 =	sadd.s32 s3, s2  }
0x8d: {  	s2 =	sadd.s32 s2, s16  }
0x8e: {  	[smem:$0x3FB3] =	sst s2  }
0x8f: {  	_ = 	snop  }
0x90: {  	(tm) =	ssettm $0x1  }
0x91: {  	s17 =	sld [smem:$0x3FFB];
	_ =	sdelay $0x3  }
0x92: {  	_ =	strace s17  }
0x93: {  	s2 =	sld [smem:$0x3FFC];
	_ =	sdelay $0x3  }
0x94: {  	_ =	strace s2  }
0x95: {  	s2 =	sld [smem:$0x3FFD];
	_ =	sdelay $0x3  }
0x96: {  	_ =	strace s2  }
0x97: {  	_ =	strace $0x8FFFFFFF  }
0x98: {  	s18 =	sld [smem:$0x3FDB];
	_ =	sdelay $0x1  }
0x99: {  	s19 =	simm.s32 $_scs_section_size  }
0x9a: {  	s4 =	simm.s32 $_size__tile_overlayer_lowered;
	s5 =	simm.s32 $_tile_overlayer_lowered  }
0x9b: {  	s22 =	simm.s32 $0x1BFF;
	s21 =	sshll.u32 s5, $0x1;
	s2 =	sadd.s32 s19, s18  }
0x9c: {  	s6 =	simm.s32 $0x0;
	s20 =	sshll.u32 s4, $0x1;
	s4 =	sadd.s32 s21, s2  }
0x9d: {  	[timem:s6], [sflag:s22] =	dma.local [hbm:s4], s20  }
0x9e: {  	_ =	swait.ge [sflag:s22], s20  }
0x9f: {  	s3 =	ssub.s32 $0x0, s20;
	[sflag:s22] =	ssyncset.done $0x0  }
0xa0: {  	[sflag:s22] =	ssyncadd.s32 s3;
	_ =	sdelay $0x1  }
0xa1: {  	s23 =	simm.s32 $0x1B8B  }
0xa2: {  	_ =	swait.ge [sflag:s23], $0x1  }
0xa3: {  	[sflag:s23] =	ssyncset.done $0x0  }
0xa4: {  	s25 =	simm.s32 $0x1B8E;
	s24 =	sld [smem:$0x3FFE];
	[sflag:s23] =	ssyncadd.s32 $0xFFFFFFFF  }
0xa5: {  	s26 =	simm.s32 $execute0_lowered;
	[smem:$0x3FD2] =	sst s25  }
0xa6: {  	s4 =	sshll.u32 s26, $0x1;
	_ =	strace $0x8000004F;
	[dreg:$0x1] =	wrdreg $0xFFFFFFFF  }
0xa7: {  	s28 =	simm.s32 $_size_execute0_lowered;
	s2 =	sadd.s32 s2, s4;
	[dreg:$0x0] =	wrdreg $0x0  }
0xa8: {  	s4 =	sshll.u32 s28, $0x1;
	[dreg:$0x2] =	wrdreg s2  }
0xa9: {  	[dreg:$0x3] =	wrdreg s4  }
0xaa: {  	[dreg:$0x4] =	wrdreg $0xC0  }
0xab: {  	_ =	task [dreg:s6], $0x5FFFF  }
0xac: {  	[dreg:$0x1] =	wrdreg $0xFFFFFFFF  }
0xad: {  	[dreg:$0x0] =	wrdreg $0x60  }
0xae: {  	[dreg:$0x2] =	wrdreg s24  }
0xaf: {  	[dreg:$0x3] =	wrdreg $0xF0000  }
0xb0: {  	[dreg:$0x4] =	wrdreg $0x9  }
0xb1: {  	_ =	task.clear_ibuf [dreg:s6], $0x5FFFF;
	_ =	strace $0x9000004F  }
0xb2: {  	s29 =	simm.s32 $0x9;
	_ =	strace $0x80000051  }
0xb3: {  	_ =	swait.ge [sflag:s29], $0x1  }
0xb4: {  	[sflag:s29] =	ssyncadd.s32 $0xFFFFFFFF  }
0xb5: {  	_ =	strace $0x90000051  }
0xb6: {  	_ =	sfence  }
0xb7: {  	s30 =	sld [smem:$0x0];
	_ =	sdelay $0x2  }
0xb8: {  	s31 =	sshll.u32 s1, $0xD;
	s1 =	sshrl.u32 s1, $0x2  }
0xb9: {  	s3 =	sand.u32 $0x4000, s31;
	s1 =	sadd.s32 s1, s30  }
0xba: {  	s0 =	sor.u32 s3, s0;
	s1 =	sshll.u32 s1, $0x11  }
0xbb: {  	s0 =	sor.u32 s1, s0  }
0xbc: {  	s0 =	sadd.s32 $0x8F2B, s0  }
0xbd: {  	[sflag:s0] =	ssyncadd.remote.s32 $0x1  }
0xbe: {  	_ =	sfence.sel $0xFFFF  }
0xbf: {  	[dreg:$0x0] =	wrdreg $0xFFFFFFFF;
	(pc) =	sbr.abs _section_cstart, $3  }
0xc0: {  	[dreg:$0x1] =	wrdreg $0xFFFFFFFF  }
0xc1: {  	_ =	task.clear_ibuf [dreg:s6], $0x2FFFF;
	_ =	strace $0x9FFFFFFF  }
0xc2: {  	(tm) =	ssettm $0x7FFFFFFF  }
0xc3: {  	_ =	shalt  }
tec
execute0_lowered:
.L_overlay_start_1:
0x0: {  	(tag) =	ssettag $0x1  }
0x1: {  	s1 =	rddreg [dreg:$0x0]  }
0x2: {  	s0 =	srdreg.scid;
	s2 =	rddreg [dreg:$0x1]  }
0x3: {  	s5 =	stileid.u32;
	s3 =	simm.s32 $0x0;
	s19 =	simm.s32 $0x6  }
0x4: {  	s21 =	simm.s32 $0x80;
	s22 =	simm.s32 $0x5000;
	s23 =	simm.s32 $0x7000  }
0x5: {  	s28 =	simm.s32 $0xB000;
	s29 =	simm.s32 $0x1;
	s30 =	simm.s32 $0x2  }
0x6: {  	s31 =	simm.s32 $0x3;
	s20 =	simm.s32 $0x0;
	s0 =	sand.u32 $0x1, s0  }
0x7: {  	[smem:$0x7FF] =	sst s3;
	s10 =	smul.u32 $0xA000, s5;
	s4 =	sshll.u32 s0, $0x4  }
0x8: {  	_ =	strace $0x80000050;
	s25 =	ssub.s32 $0x2, s0;
	s0 =	smul.u32 $0xA0000, s0  }
0x9: {  	s4 =	sor.u32 s5, s4;
	s6 =	sshrl.u32 s25, $0x1;
	s12 =	sadd.s32 $0x2000, s10  }
0xa: {  	s5 =	sadd.s32 s10, s2;
	s14 =	sadd.s32 $0x4000, s10;
	s15 =	sadd.s32 $0x6000, s10  }
0xb: {  	s16 =	sadd.s32 $0x8000, s10;
	s4 =	smul.u32 $0x500, s4;
	s17 =	ssub.s32 s25, s6  }
0xc: {  	s6 =	sadd.s32 s12, s2;
	s7 =	sadd.s32 s14, s2;
	s8 =	sadd.s32 s15, s2  }
0xd: {  	s9 =	sadd.s32 s16, s2;
	s13 =	sadd.s32 s10, s0;
	s12 =	sadd.s32 s0, s12  }
0xe: {  	s14 =	sadd.s32 s0, s14;
	s15 =	sadd.s32 s0, s15;
	s0 =	sadd.s32 s0, s16  }
0xf: {  	s25 =	simm.s32 $0x9000;
	s13 =	sshrl.u32 s13, $0x3;
	s18 =	sshrl.u32 s12, $0x3  }
0x10: {  	s14 =	sshrl.u32 s14, $0x3;
	s15 =	sshrl.u32 s15, $0x3;
	s0 =	sshrl.u32 s0, $0x3  }
0x11: {  	s17 =	smax.u32 s17, $0x1;
	s11 =	sadd.s32 s4, s1;
	s4 =	sadd.s32 $0xF800, s1  }
0x12: {  	s1 =	sadd.s32 $0x41800, s1;
	s26 =	sadd.s32 $0x37800, s11;
	s11 =	sadd.s32 $0x5800, s11  }
0x13: {  	s12 =	sadd.s32 s1, s13;
	s13 =	sadd.s32 s1, s18;
	s14 =	sadd.s32 s1, s14  }
0x14: {  	s15 =	sadd.s32 s1, s15;
	s16 =	sadd.s32 s1, s0;
	s18 =	simm.s32 $0xD000  }
0x15: {  	v0 =	vimm.f32 $0.0e+00;
	s0 =	simm.s32 $0x4;
	s1 =	simm.s32 $0x5;
	[dreg:$0x3] =	wrdreg s26  }
.LBB2_1:
0x16: {  	s26 =	simm.s32 $0x100;
	s24 =	simm.s32 $0x0  }
.LBB2_2:
0x17: {  	p0 =	sne.s32 s26, $0x7F00;
	[tilespmem:s24+$0xD030] =	vst v0;
	s10 =	smov.u32 s26;
	s26 =	sadd.s32 $0x100, s26  }
.Ltmp0:
0x18: {  	[tilespmem:s24+$0xD020] =	vst v0;
	(pc) =	sbr.rel @p0 .LBB2_2-.Ltmp0, $3  }
0x19: {  	[tilespmem:s24+$0xD000] =	vst v0  }
0x1a: {  	[tilespmem:s24+$0xD010] =	vst v0;
	_ =	sdelay $0x1  }
0x1b: {  	s24 =	sshra.s32 s10, $0x2  }
0x1c: {  	[tilespmem:s24+$0xD030] =	vst v0  }
0x1d: {  	[tilespmem:s24+$0xD020] =	vst v0  }
0x1e: {  	[tilespmem:s24+$0xD000] =	vst v0  }
0x1f: {  	[tilespmem:s24+$0xD010] =	vst v0  }
0x20: {  	[spmem:s5] =	stream.linear.scatter [tilespmem:s18], [sflag:$0x6], $0x2000, $0x38;
	[tilespmem:$0x19000] =	vst v63  }
0x21: {  	_ =	swait.ge [sflag:s19], $0x2000  }
0x22: {  	[sflag:s19] =	ssyncset.done $0x0  }
0x23: {  	[sflag:s19] =	ssyncadd.s32 $0xFFFFE000  }
0x24: {  	[spmem:s6] =	stream.linear.scatter [tilespmem:s18], [sflag:$0x6], $0x2000, $0x38;
	[tilespmem:$0x19000] =	vst v63  }
0x25: {  	_ =	swait.ge [sflag:s19], $0x2000  }
0x26: {  	[sflag:s19] =	ssyncset.done $0x0  }
0x27: {  	[sflag:s19] =	ssyncadd.s32 $0xFFFFE000  }
0x28: {  	[spmem:s7] =	stream.linear.scatter [tilespmem:s18], [sflag:$0x6], $0x2000, $0x38;
	[tilespmem:$0x19000] =	vst v63  }
0x29: {  	_ =	swait.ge [sflag:s19], $0x2000  }
0x2a: {  	[sflag:s19] =	ssyncset.done $0x0  }
0x2b: {  	[sflag:s19] =	ssyncadd.s32 $0xFFFFE000  }
0x2c: {  	[spmem:s8] =	stream.linear.scatter [tilespmem:s18], [sflag:$0x6], $0x2000, $0x38;
	[tilespmem:$0x19000] =	vst v63  }
0x2d: {  	_ =	swait.ge [sflag:s19], $0x2000  }
0x2e: {  	[sflag:s19] =	ssyncset.done $0x0  }
0x2f: {  	[sflag:s19] =	ssyncadd.s32 $0xFFFFE000  }
0x30: {  	[spmem:s9] =	stream.linear.scatter [tilespmem:s18], [sflag:$0x6], $0x2000, $0x38;
	[tilespmem:$0x19000] =	vst v63  }
0x31: {  	_ =	swait.ge [sflag:s19], $0x2000  }
0x32: {  	[sflag:s19] =	ssyncset.done $0x0  }
0x33: {  	[sflag:s19] =	ssyncadd.s32 $0xFFFFE000  }
0x34: {  	[bflag:$0x0] =	sbarrier.arrive $0xFFFF  }
0x35: {  	s10 =	simm.s32 $0x0;
	s26 =	rddreg [dreg:$0x3]  }
0x36: {  	[tilespmem:s10], [sflag:$0x6] =	stream.linear.gather [hbm4b:s26+s10], $0x2800, $0x38;
	[tilespmem:$0x19000] =	vst v63  }
0x37: {  	_ =	swait.ge [sflag:s19], $0x2800  }
0x38: {  	[sflag:s19] =	ssyncset.done $0x0  }
0x39: {  	s26 =	simm.s32 $0x2800;
	[sflag:s19] =	ssyncadd.s32 $0xFFFFD800  }
0x3a: {  	[tilespmem:s26], [sflag:$0x6] =	stream.linear.gather [hbm4b:s11+s10], $0x2800, $0x38;
	[tilespmem:$0x19000] =	vst v63  }
0x3b: {  	_ =	swait.ge [sflag:s19], $0x2800  }
0x3c: {  	[sflag:s19] =	ssyncset.done $0x0  }
0x3d: {  	[sflag:s19] =	ssyncadd.s32 $0xFFFFD800  }
0x3e: {  	[tilespmem:s22], [sflag:$0x1] =	stream.indirect.gather [hbm4b:s4+s21], $0x40, s10, s21, $0xb8;
	[tilespmem:$0x19000] =	vst v63  }
0x3f: {  	_ = 	snop  }
0x40: {  	[tilespmem:s23], [sflag:$0x2] =	stream.indirect.gather [hbm4b:s4+s21], $0x40, s21, s21, $0xb8;
	[tilespmem:$0x19000] =	vst v63  }
0x41: {  	s26 =	simm.s32 $0x100  }
0x42: {  	[tilespmem:s25], [sflag:$0x3] =	stream.indirect.gather [hbm4b:s4+s21], $0x40, s26, s21, $0xb8;
	[tilespmem:$0x19000] =	vst v63  }
0x43: {  	s24 =	simm.s32 $0x180  }
0x44: {  	[tilespmem:s28], [sflag:$0x4] =	stream.indirect.gather [hbm4b:s4+s21], $0x40, s24, s21, $0xb8;
	[tilespmem:$0x19000] =	vst v63  }
0x45: {  	_ =	swait.ge [sflag:s29], $0x2000  }
0x46: {  	[sflag:s29] =	ssyncset.done $0x0  }
0x47: {  	s26 =	simm.s32 $0x2800;
	[sflag:s29] =	ssyncadd.s32 $0xFFFFE000  }
0x48: {  	[spmem:s2] =	stream.indirect.scatter.add.f32 [tilespmem:s22], [sflag:$0x6], $0x40, s26, s21, $0xb8;
	[tilespmem:$0x19000] =	vst v63  }
0x49: {  	_ =	swait.ge [sflag:s19], $0x2000  }
0x4a: {  	[sflag:s19] =	ssyncset.done $0x0  }
0x4b: {  	s24 =	simm.s32 $0x200;
	[sflag:s19] =	ssyncadd.s32 $0xFFFFE000  }
0x4c: {  	[tilespmem:s22], [sflag:$0x1] =	stream.indirect.gather [hbm4b:s4+s21], $0x40, s24, s21, $0xb8;
	[tilespmem:$0x19000] =	vst v63  }
0x4d: {  	_ =	swait.ge [sflag:s30], $0x2000  }
0x4e: {  	[sflag:s30] =	ssyncset.done $0x0  }
0x4f: {  	s26 =	simm.s32 $0x2880;
	[sflag:s30] =	ssyncadd.s32 $0xFFFFE000  }
0x50: {  	[spmem:s2] =	stream.indirect.scatter.add.f32 [tilespmem:s23], [sflag:$0x6], $0x40, s26, s21, $0xb8;
	[tilespmem:$0x19000] =	vst v63  }
0x51: {  	_ =	swait.ge [sflag:s19], $0x2000  }
0x52: {  	[sflag:s19] =	ssyncset.done $0x0  }
0x53: {  	s24 =	simm.s32 $0x280;
	[sflag:s19] =	ssyncadd.s32 $0xFFFFE000  }
0x54: {  	[tilespmem:s23], [sflag:$0x2] =	stream.indirect.gather [hbm4b:s4+s21], $0x40, s24, s21, $0xb8;
	[tilespmem:$0x19000] =	vst v63  }
0x55: {  	_ =	swait.ge [sflag:s31], $0x2000  }
0x56: {  	[sflag:s31] =	ssyncset.done $0x0  }
0x57: {  	s26 =	simm.s32 $0x2900;
	[sflag:s31] =	ssyncadd.s32 $0xFFFFE000  }
0x58: {  	[spmem:s2] =	stream.indirect.scatter.add.f32 [tilespmem:s25], [sflag:$0x6], $0x40, s26, s21, $0xb8;
	[tilespmem:$0x19000] =	vst v63  }
0x59: {  	_ =	swait.ge [sflag:s19], $0x2000  }
0x5a: {  	[sflag:s19] =	ssyncset.done $0x0  }
0x5b: {  	s24 =	simm.s32 $0x300;
	[sflag:s19] =	ssyncadd.s32 $0xFFFFE000  }
0x5c: {  	[tilespmem:s25], [sflag:$0x3] =	stream.indirect.gather [hbm4b:s4+s21], $0x40, s24, s21, $0xb8;
	[tilespmem:$0x19000] =	vst v63  }
0x5d: {  	_ =	swait.ge [sflag:s0], $0x2000  }
0x5e: {  	[sflag:s0] =	ssyncset.done $0x0  }
0x5f: {  	s26 =	simm.s32 $0x2980;
	[sflag:s0] =	ssyncadd.s32 $0xFFFFE000  }
0x60: {  	[spmem:s2] =	stream.indirect.scatter.add.f32 [tilespmem:s28], [sflag:$0x6], $0x40, s26, s21, $0xb8;
	[tilespmem:$0x19000] =	vst v63  }
0x61: {  	_ =	swait.ge [sflag:s19], $0x2000  }
0x62: {  	[sflag:s19] =	ssyncset.done $0x0  }
0x63: {  	s24 =	simm.s32 $0x800;
	s26 =	simm.s32 $0x380;
	[sflag:s19] =	ssyncadd.s32 $0xFFFFE000  }
.LBB2_4:
0x64: {  	[tilespmem:s28], [sflag:$0x4] =	stream.indirect.gather [hbm4b:s4+s21], $0x40, s26, s21, $0xb8;
	[tilespmem:$0x19000] =	vst v63  }
0x65: {  	s10 =	smov.u32 s24  }
0x66: {  	p0 =	sne.s32 s24, $0x9000;
	s24 =	sadd.s32 $0x800, s24;
	_ =	swait.ge [sflag:s29], $0x2000  }
0x67: {  	s26 =	sshra.s32 s10, $0x2;
	[sflag:s29] =	ssyncset.done $0x0  }
0x68: {  	s10 =	sadd.s32 $0x2800, s26;
	[sflag:s29] =	ssyncadd.s32 $0xFFFFE000  }
0x69: {  	[spmem:s2] =	stream.indirect.scatter.add.f32 [tilespmem:s22], [sflag:$0x6], $0x40, s10, s21, $0xb8;
	[tilespmem:$0x19000] =	vst v63  }
0x6a: {  	_ =	swait.ge [sflag:s19], $0x2000  }
0x6b: {  	[sflag:s19] =	ssyncset.done $0x0  }
0x6c: {  	s10 =	sadd.s32 $0x200, s26;
	[sflag:s19] =	ssyncadd.s32 $0xFFFFE000  }
0x6d: {  	[tilespmem:s22], [sflag:$0x1] =	stream.indirect.gather [hbm4b:s4+s21], $0x40, s10, s21, $0xb8;
	[tilespmem:$0x19000] =	vst v63  }
0x6e: {  	_ =	swait.ge [sflag:s30], $0x2000  }
0x6f: {  	[sflag:s30] =	ssyncset.done $0x0  }
0x70: {  	s10 =	sadd.s32 $0x2880, s26;
	[sflag:s30] =	ssyncadd.s32 $0xFFFFE000  }
0x71: {  	[spmem:s2] =	stream.indirect.scatter.add.f32 [tilespmem:s23], [sflag:$0x6], $0x40, s10, s21, $0xb8;
	[tilespmem:$0x19000] =	vst v63  }
0x72: {  	_ =	swait.ge [sflag:s19], $0x2000  }
0x73: {  	[sflag:s19] =	ssyncset.done $0x0  }
0x74: {  	s10 =	sadd.s32 $0x280, s26;
	[sflag:s19] =	ssyncadd.s32 $0xFFFFE000  }
0x75: {  	[tilespmem:s23], [sflag:$0x2] =	stream.indirect.gather [hbm4b:s4+s21], $0x40, s10, s21, $0xb8;
	[tilespmem:$0x19000] =	vst v63  }
0x76: {  	_ =	swait.ge [sflag:s31], $0x2000  }
0x77: {  	[sflag:s31] =	ssyncset.done $0x0  }
0x78: {  	s10 =	sadd.s32 $0x2900, s26;
	[sflag:s31] =	ssyncadd.s32 $0xFFFFE000  }
0x79: {  	[spmem:s2] =	stream.indirect.scatter.add.f32 [tilespmem:s25], [sflag:$0x6], $0x40, s10, s21, $0xb8;
	[tilespmem:$0x19000] =	vst v63  }
0x7a: {  	_ =	swait.ge [sflag:s19], $0x2000  }
0x7b: {  	[sflag:s19] =	ssyncset.done $0x0  }
0x7c: {  	s10 =	sadd.s32 $0x300, s26;
	[sflag:s19] =	ssyncadd.s32 $0xFFFFE000  }
0x7d: {  	[tilespmem:s25], [sflag:$0x3] =	stream.indirect.gather [hbm4b:s4+s21], $0x40, s10, s21, $0xb8;
	[tilespmem:$0x19000] =	vst v63  }
0x7e: {  	_ =	swait.ge [sflag:s0], $0x2000  }
0x7f: {  	[sflag:s0] =	ssyncset.done $0x0  }
.Ltmp1:
0x80: {  	s10 =	sadd.s32 $0x2980, s26;
	[sflag:s0] =	ssyncadd.s32 $0xFFFFE000;
	(pc) =	sbr.rel @p0 .LBB2_4-.Ltmp1, $4  }
0x81: {  	[spmem:s2] =	stream.indirect.scatter.add.f32 [tilespmem:s28], [sflag:$0x6], $0x40, s10, s21, $0xb8;
	[tilespmem:$0x19000] =	vst v63  }
0x82: {  	_ =	swait.ge [sflag:s19], $0x2000  }
0x83: {  	[sflag:s19] =	ssyncset.done $0x0  }
0x84: {  	s26 =	sadd.s32 $0x380, s26;
	[sflag:s19] =	ssyncadd.s32 $0xFFFFE000  }
0x85: {  	[tilespmem:s28], [sflag:$0x4] =	stream.indirect.gather [hbm4b:s4+s21], $0x40, s26, s21, $0xb8;
	[tilespmem:$0x19000] =	vst v63  }
0x86: {  	_ =	swait.ge [sflag:s29], $0x2000  }
0x87: {  	[sflag:s29] =	ssyncset.done $0x0  }
0x88: {  	s10 =	simm.s32 $0x4E00;
	[sflag:s29] =	ssyncadd.s32 $0xFFFFE000  }
0x89: {  	[spmem:s2] =	stream.indirect.scatter.add.f32 [tilespmem:s22], [sflag:$0x6], $0x40, s10, s21, $0xb8;
	[tilespmem:$0x19000] =	vst v63  }
0x8a: {  	_ =	swait.ge [sflag:s19], $0x2000  }
0x8b: {  	[sflag:s19] =	ssyncset.done $0x0  }
0x8c: {  	[sflag:s19] =	ssyncadd.s32 $0xFFFFE000  }
0x8d: {  	_ =	swait.ge [sflag:s30], $0x2000  }
0x8e: {  	[sflag:s30] =	ssyncset.done $0x0  }
0x8f: {  	s26 =	simm.s32 $0x4E80;
	[sflag:s30] =	ssyncadd.s32 $0xFFFFE000  }
0x90: {  	[spmem:s2] =	stream.indirect.scatter.add.f32 [tilespmem:s23], [sflag:$0x6], $0x40, s26, s21, $0xb8;
	[tilespmem:$0x19000] =	vst v63  }
0x91: {  	_ =	swait.ge [sflag:s19], $0x2000  }
0x92: {  	[sflag:s19] =	ssyncset.done $0x0  }
0x93: {  	[sflag:s19] =	ssyncadd.s32 $0xFFFFE000  }
0x94: {  	_ =	swait.ge [sflag:s31], $0x2000  }
0x95: {  	[sflag:s31] =	ssyncset.done $0x0  }
0x96: {  	s24 =	simm.s32 $0x4F00;
	[sflag:s31] =	ssyncadd.s32 $0xFFFFE000  }
0x97: {  	[spmem:s2] =	stream.indirect.scatter.add.f32 [tilespmem:s25], [sflag:$0x6], $0x40, s24, s21, $0xb8;
	[tilespmem:$0x19000] =	vst v63  }
0x98: {  	_ =	swait.ge [sflag:s19], $0x2000  }
0x99: {  	[sflag:s19] =	ssyncset.done $0x0  }
0x9a: {  	[sflag:s19] =	ssyncadd.s32 $0xFFFFE000  }
0x9b: {  	_ =	swait.ge [sflag:s0], $0x2000  }
0x9c: {  	[sflag:s0] =	ssyncset.done $0x0  }
0x9d: {  	s26 =	simm.s32 $0x4F80;
	[sflag:s0] =	ssyncadd.s32 $0xFFFFE000  }
0x9e: {  	[spmem:s2] =	stream.indirect.scatter.add.f32 [tilespmem:s28], [sflag:$0x6], $0x40, s26, s21, $0xb8;
	[tilespmem:$0x19000] =	vst v63  }
0x9f: {  	_ =	swait.ge [sflag:s19], $0x2000  }
0xa0: {  	[sflag:s19] =	ssyncset.done $0x0  }
0xa1: {  	[sflag:s19] =	ssyncadd.s32 $0xFFFFE000  }
0xa2: {  	[bflag:$0x0] =	sbarrier.arrive $0xFFFF  }
0xa3: {  	[tilespmem:s22], [sflag:$0x6] =	stream.linear.gather [spmem:s5], $0x2000, $0x38;
	[tilespmem:$0x19000] =	vst v63  }
0xa4: {  	_ =	swait.ge [sflag:s19], $0x2000  }
0xa5: {  	[sflag:s19] =	ssyncset.done $0x0  }
0xa6: {  	[sflag:s19] =	ssyncadd.s32 $0xFFFFE000  }
0xa7: {  	[hbm4b:s12+s3] =	stream.linear.scatter [tilespmem:s22], [sflag:$0x5], $0x2000, $0x38;
	[tilespmem:$0x19000] =	vst v63  }
0xa8: {  	_ = 	snop  }
0xa9: {  	[tilespmem:s23], [sflag:$0x6] =	stream.linear.gather [spmem:s6], $0x2000, $0x38;
	[tilespmem:$0x19000] =	vst v63  }
0xaa: {  	_ =	swait.ge [sflag:s19], $0x2000  }
0xab: {  	[sflag:s19] =	ssyncset.done $0x0  }
0xac: {  	[sflag:s19] =	ssyncadd.s32 $0xFFFFE000  }
0xad: {  	[hbm4b:s13+s3] =	stream.linear.scatter [tilespmem:s23], [sflag:$0x5], $0x2000, $0x38;
	[tilespmem:$0x19000] =	vst v63  }
0xae: {  	_ =	swait.ge [sflag:s1], $0x2000  }
0xaf: {  	[sflag:s1] =	ssyncset.done $0x0  }
0xb0: {  	[sflag:s1] =	ssyncadd.s32 $0xFFFFE000  }
0xb1: {  	[tilespmem:s22], [sflag:$0x6] =	stream.linear.gather [spmem:s7], $0x2000, $0x38;
	[tilespmem:$0x19000] =	vst v63  }
0xb2: {  	_ =	swait.ge [sflag:s19], $0x2000  }
0xb3: {  	[sflag:s19] =	ssyncset.done $0x0  }
0xb4: {  	[sflag:s19] =	ssyncadd.s32 $0xFFFFE000  }
0xb5: {  	[hbm4b:s14+s3] =	stream.linear.scatter [tilespmem:s22], [sflag:$0x5], $0x2000, $0x38;
	[tilespmem:$0x19000] =	vst v63  }
0xb6: {  	_ =	swait.ge [sflag:s1], $0x2000  }
0xb7: {  	[sflag:s1] =	ssyncset.done $0x0  }
0xb8: {  	[sflag:s1] =	ssyncadd.s32 $0xFFFFE000  }
0xb9: {  	[tilespmem:s23], [sflag:$0x6] =	stream.linear.gather [spmem:s8], $0x2000, $0x38;
	[tilespmem:$0x19000] =	vst v63  }
0xba: {  	_ =	swait.ge [sflag:s19], $0x2000  }
0xbb: {  	[sflag:s19] =	ssyncset.done $0x0  }
0xbc: {  	[sflag:s19] =	ssyncadd.s32 $0xFFFFE000  }
0xbd: {  	[hbm4b:s15+s3] =	stream.linear.scatter [tilespmem:s23], [sflag:$0x5], $0x2000, $0x38;
	[tilespmem:$0x19000] =	vst v63  }
0xbe: {  	_ =	swait.ge [sflag:s1], $0x2000  }
0xbf: {  	[sflag:s1] =	ssyncset.done $0x0  }
0xc0: {  	[sflag:s1] =	ssyncadd.s32 $0xFFFFE000  }
0xc1: {  	[tilespmem:s22], [sflag:$0x6] =	stream.linear.gather [spmem:s9], $0x2000, $0x38;
	[tilespmem:$0x19000] =	vst v63  }
0xc2: {  	_ =	swait.ge [sflag:s19], $0x2000  }
0xc3: {  	[sflag:s19] =	ssyncset.done $0x0  }
0xc4: {  	s20 =	sadd.s32 $0x1, s20;
	[sflag:s19] =	ssyncadd.s32 $0xFFFFE000  }
0xc5: {  	[hbm4b:s16+s3] =	stream.linear.scatter [tilespmem:s22], [sflag:$0x5], $0x2000, $0x38;
	[tilespmem:$0x19000] =	vst v63  }
0xc6: {  	p0 =	sne.s32 s20, s17;
	_ =	swait.ge [sflag:s1], $0x2000  }
.Ltmp2:
0xc7: {  	[sflag:s1] =	ssyncset.done $0x0;
	(pc) =	sbr.rel @p0 .LBB2_1-.Ltmp2, $4  }
0xc8: {  	[sflag:s1] =	ssyncadd.s32 $0xFFFFE000  }
0xc9: {  	_ =	swait.ge [sflag:s1], $0x2000  }
0xca: {  	[sflag:s1] =	ssyncset.done $0x0  }
0xcb: {  	[sflag:s1] =	ssyncadd.s32 $0xFFFFE000  }
0xcc: {  	_ =	sfence.sel $0x180000  }
0xcd: {  	[bflag:$0x0] =	sbarrier.arrive $0xFFFF  }
0xce: {  	_ =	strace $0x90000050  }
0xcf: {  	s0 =	stileid.u32;
	[bflag:$0x2] =	sbarrier.arrive $0xFFFF  }
0xd0: {  	p0 =	sne.s32 s0, $0x0;
	s0 =	rddreg [dreg:$0x2]  }
0xd1: {  	s0 =	sadd.s32 @!p0 $0x100000, s0  }
0xd2: {  	[sflag:s0] =	ssyncadd.tile.s32 @!p0 $0x1;
	_ =	shalt  }
.Lfunc_end2:
_tile_overlayer_lowered:
.L_overlay_start_2:
0xd3: {  	(tag) =	ssettag $0x2  }
0xd4: {  	s0 =	rddreg [dreg:$0x0];
	s2 =	stileid.u32  }
0xd5: {  	s1 =	rddreg [dreg:$0x1];
	p0 =	sne.s32 s2, $0x0  }
0xd6: {  	s3 =	rddreg [dreg:$0x2];
	[bflag:$0x3] =	sbarrier.arrive $0xFFFF;
	s2 =	simm.s32 @!p0 $0x1C06  }
0xd7: {  	[timem:s3], [sflag:s2] =	dma.local @!p0 [hbm:s0], s1  }
0xd8: {  	s0 =	simm.s32 @!p0 $0x6  }
0xd9: {  	_ =	swait.ge @!p0 [sflag:s0], s1  }
0xda: {  	s1 =	ssub.s32 @!p0 $0x0, s1;
	[sflag:s0] =	ssyncset.done @!p0 $0x0  }
0xdb: {  	[sflag:s0] =	ssyncadd.s32 @!p0 s1  }
0xdc: {  	[bflag:$0x3] =	sbarrier.arrive $0xFFFF  }
0xdd: {  	_ =	shalt  }

</sc_bundles>
